<compile_context>
chip_gen: v7x
topology: tpu7x:2x2x1
jax: 0.10.2.dev20260603
libtpu: 0.0.44.dev20260713+nightly
codegen_flags: <defaults>
</compile_context>

<pallas_src>
import functools

import jax
import jax.numpy as jnp
from jax import lax
from jax.experimental import pallas as pl
from jax.experimental.pallas import tpu as pltpu
from jax.experimental.pallas import tpu_sc as plsc

N = 10000
E = 160000
D = 256
DH = D // 2
NC = 2
NS = 16
EPT = E // NS
K = 80
NB = EPT // K
NSETS = 4
STRIPE = 624
TAIL = N - NS * STRIPE

BN = 1000
NBLK = N // BN


def _edge_phase(xh, sd, ea):
    mesh = plsc.VectorSubcoreMesh(core_axis_name="c", subcore_axis_name="s")

    @functools.partial(
        pl.kernel,
        mesh=mesh,
        out_type=jax.ShapeDtypeStruct((NC, N, DH), jnp.float32),
        scratch_types=[
            [pltpu.VMEM((2, K), jnp.int32)] * NSETS,
            [pltpu.VMEM((K, DH), jnp.float32)] * NSETS,
            pltpu.VMEM_SHARED((N, DH), jnp.float32),
            [pltpu.SemaphoreType.DMA] * NSETS,
            [pltpu.SemaphoreType.DMA] * NSETS,
            [pltpu.SemaphoreType.DMA] * NSETS,
            [pltpu.SemaphoreType.DMA] * NSETS,
        ],
    )
    def sc_kernel(xh_hbm, sd_hbm, ea_hbm, hh_hbm,
                  sd_v, buf, agg_sh, isem, esem, gsem, ssem):
        c = lax.axis_index("c")
        s = lax.axis_index("s")

        r0 = s * STRIPE
        pltpu.sync_copy(xh_hbm.at[c, pl.ds(r0, STRIPE)],
                        agg_sh.at[pl.ds(r0, STRIPE)])

        @pl.when(s == NS - 1)
        def _():
            pltpu.sync_copy(xh_hbm.at[c, pl.ds(NS * STRIPE, TAIL)],
                            agg_sh.at[pl.ds(NS * STRIPE, TAIL)])

        plsc.subcore_barrier()

        def start_idx(b, p):
            pltpu.async_copy(sd_hbm.at[s, b], sd_v[p], isem[p])

        def wait_idx(b, p):
            pltpu.make_async_copy(sd_hbm.at[s, b], sd_v[p], isem[p]).wait()

        def start_ea(b, p):
            pltpu.async_copy(
                ea_hbm.at[pl.ds(s * EPT + b * K, K), pl.ds(c * DH, DH)], buf[p], esem[p])

        def wait_ea(b, p):
            pltpu.make_async_copy(
                ea_hbm.at[pl.ds(s * EPT + b * K, K), pl.ds(c * DH, DH)], buf[p],
                esem[p]).wait()

        def start_gather_add(p):
            pltpu.async_copy(xh_hbm.at[c].at[sd_v[p].at[0]], buf[p],
                             gsem[p], add=True)

        def wait_gather(p):
            pltpu.make_async_copy(xh_hbm.at[c].at[sd_v[p].at[0]], buf[p],
                                  gsem[p]).wait()

        def start_scat(p):
            pltpu.async_copy(buf[p], agg_sh.at[sd_v[p].at[1]], ssem[p],
                             add=True)

        def wait_scat(p):
            pltpu.make_async_copy(buf[p], agg_sh.at[sd_v[p].at[1]],
                                  ssem[p]).wait()

        def relu(p):
            @plsc.parallel_loop(0, K, step=2, unroll=4)
            def _(r):
                for rr in range(2):
                    for j in range(DH // 16):
                        sl = pl.ds(j * 16, 16)
                        buf[p][r + rr, sl] = jnp.maximum(buf[p][r + rr, sl],
                                                         0.0)

        start_idx(0, 0)
        start_ea(0, 0)
        start_idx(1, 1)
        start_ea(1, 1)
        wait_idx(0, 0)
        wait_ea(0, 0)
        start_gather_add(0)

        def quad_body(b4, carry):
            b0 = b4 * NSETS
            for i in range(NSETS):
                b = b0 + i
                p = i
                q1 = (i + 1) % NSETS
                q2 = (i + 2) % NSETS

                def far(bq2):
                    @pl.when(bq2 >= NSETS)
                    def _():
                        wait_scat(q2)
                    start_idx(bq2, q2)
                    start_ea(bq2, q2)

                if i < NSETS - 2:
                    far(b + 2)
                else:
                    @pl.when(b + 2 < NB)
                    def _(bq2=b + 2):
                        far(bq2)

                def near(bq1):
                    wait_idx(bq1, q1)
                    wait_ea(bq1, q1)
                    start_gather_add(q1)

                if i < NSETS - 1:
                    near(b + 1)
                else:
                    @pl.when(b + 1 < NB)
                    def _(bq1=b + 1):
                        near(bq1)

                wait_gather(p)
                relu(p)
                start_scat(p)
            return carry

        lax.fori_loop(0, NB // NSETS, quad_body, 0, unroll=False)

        for tb in range(NB - NB % NSETS, NB):
            tp = tb % NSETS
            wait_gather(tp)
            relu(tp)
            start_scat(tp)

        for i in range(NSETS):
            wait_scat((NB - NSETS + i) % NSETS)

        plsc.subcore_barrier()

        pltpu.sync_copy(agg_sh.at[pl.ds(r0, STRIPE)],
                        hh_hbm.at[c, pl.ds(r0, STRIPE)])

        @pl.when(s == NS - 1)
        def _():
            pltpu.sync_copy(agg_sh.at[pl.ds(NS * STRIPE, TAIL)],
                            hh_hbm.at[c, pl.ds(NS * STRIPE, TAIL)])

    return sc_kernel(xh, sd, ea)


def _split_kernel(x_ref, xh_ref):
    xh_ref[0] = x_ref[:, :DH]
    xh_ref[1] = x_ref[:, DH:]


def _fused_mlp_ln_kernel(hh_ref, x_ref, w1_ref, b1_ref, w2_ref, b2_ref,
                         lnw_ref, lnb_ref, out_ref, h2_scr, sums_smem):
    ph = pl.program_id(0)
    i = pl.program_id(1)

    @pl.when(ph == 0)
    def _():
        h = jnp.concatenate([hh_ref[0], hh_ref[1]], axis=1)
        t = lax.dot_general(h, w1_ref[...], (((1,), (1,)), ((), ())),
                            preferred_element_type=jnp.float32)
        t = jnp.maximum(t + b1_ref[...], 0.0)
        h2 = lax.dot_general(t, w2_ref[...], (((1,), (1,)), ((), ())),
                             preferred_element_type=jnp.float32)
        h2 = h2 + b2_ref[...]
        h2_scr[pl.ds(i * BN, BN), :] = h2

        @pl.when(i == 0)
        def _():
            sums_smem[0] = 0.0
            sums_smem[1] = 0.0

        sums_smem[0] += jnp.sum(h2)
        sums_smem[1] += jnp.sum(h2 * h2)

    @pl.when(ph == 1)
    def _():
        cnt = jnp.float32(N * D)
        mu = sums_smem[0] / cnt
        var = sums_smem[1] / cnt - mu * mu
        denom = jnp.sqrt(var) + jnp.float32(1e-5)
        h2 = h2_scr[pl.ds(i * BN, BN), :]
        out = (h2 - mu) / denom * lnw_ref[...] + lnb_ref[...]
        out_ref[...] = jnp.maximum(out, 0.0) + x_ref[...]


def kernel(x, edge_index, edge_attr, W1, b1, W2, b2, ln_w, ln_b):
    sd = edge_index.astype(jnp.int32).reshape(2, NS, NB, K).transpose(
        1, 2, 0, 3)
    xh = pl.pallas_call(
        _split_kernel,
        grid=(NBLK,),
        in_specs=[pl.BlockSpec((BN, D), lambda i: (i, 0))],
        out_specs=pl.BlockSpec((NC, BN, DH), lambda i: (0, i, 0)),
        out_shape=jax.ShapeDtypeStruct((NC, N, DH), jnp.float32),
    )(x)
    hh = _edge_phase(xh, sd, edge_attr)

    out = pl.pallas_call(
        _fused_mlp_ln_kernel,
        grid=(2, NBLK),
        in_specs=[
            pl.BlockSpec((NC, BN, DH),
                         lambda ph, i: (0, jnp.where(ph == 0, i, NBLK - 1), 0)),
            pl.BlockSpec((BN, D), lambda ph, i: (jnp.where(ph == 0, 0, i), 0)),
            pl.BlockSpec((D, D), lambda ph, i: (0, 0)),
            pl.BlockSpec((1, D), lambda ph, i: (0, 0)),
            pl.BlockSpec((D, D), lambda ph, i: (0, 0)),
            pl.BlockSpec((1, D), lambda ph, i: (0, 0)),
            pl.BlockSpec((1, D), lambda ph, i: (0, 0)),
            pl.BlockSpec((1, D), lambda ph, i: (0, 0)),
        ],
        out_specs=pl.BlockSpec((BN, D), lambda ph, i: (jnp.where(ph == 0, 0, i), 0)),
        out_shape=jax.ShapeDtypeStruct((N, D), jnp.float32),
        scratch_shapes=[
            pltpu.VMEM((N, D), jnp.float32),
            pltpu.SMEM((2,), jnp.float32),
        ],
    )(hh, x, W1, b1.reshape(1, D), W2, b2.reshape(1, D),
      ln_w.reshape(1, D), ln_b.reshape(1, D))

    return out

# --- scband reference (transcript-rebuilt; emitter-appended) ---
"""Pipeline reference for scband-gineblock-56195352100898 (READ-ONLY COPY).

The authoritative reference and input builder live on the scoring server;
editing this copy changes nothing except your own understanding.
"""

import jax, jax.numpy as jnp
import numpy as np

N = 10000
E = 160000
D = 256


def setup_inputs(seed: int = 0) -> dict:
    key = jax.random.key(seed)
    ks = jax.random.split(key, 10)
    x = jax.random.normal(ks[0], (N, D), dtype=jnp.float32)
    edge_index = jax.random.randint(ks[1], (2, E), 0, N, dtype=jnp.int64)
    edge_attr = jax.random.normal(ks[2], (E, D), dtype=jnp.float32)
    s = 1.0 / np.sqrt(D)
    W1 = jax.random.uniform(ks[3], (D, D), dtype=jnp.float32, minval=-s, maxval=s)
    b1 = jax.random.uniform(ks[4], (D,), dtype=jnp.float32, minval=-s, maxval=s)
    W2 = jax.random.uniform(ks[5], (D, D), dtype=jnp.float32, minval=-s, maxval=s)
    b2 = jax.random.uniform(ks[6], (D,), dtype=jnp.float32, minval=-s, maxval=s)
    ln_w = jnp.ones((D,), dtype=jnp.float32)
    ln_b = jnp.zeros((D,), dtype=jnp.float32)
    return {"x": x, "edge_index": edge_index, "edge_attr": edge_attr,
            "W1": W1, "b1": b1, "W2": W2, "b2": b2, "ln_w": ln_w, "ln_b": ln_b}


def reference(x, edge_index, edge_attr, W1, b1, W2, b2, ln_w, ln_b):
    # GINEConv: out_i = nn((1+eps)*x_i + sum_{j->i} relu(x_j + e_ji)), eps=0
    src = edge_index[0]
    dst = edge_index[1]
    msg = jax.nn.relu(jnp.take(x, src, axis=0) + edge_attr)
    agg = jnp.zeros_like(x).at[dst].add(msg)
    h = x + agg  # (1 + eps) * x with eps = 0
    # MLP: Linear -> ReLU -> Linear
    h = jax.nn.relu(h @ W1.T + b1)
    h = h @ W2.T + b2
    # PyG LayerNorm (default mode='graph', single graph: normalize over all nodes & channels)
    mu = h.mean()
    hc = h - mu
    std = jnp.sqrt(hc.var())
    out = hc / (std + 1e-5)
    out = out * ln_w + ln_b
    out = jax.nn.relu(out)
    # dropout is identity in eval mode
    out = out + x  # residual
    return out

if __name__ == "__main__":
    import jax
    _d = setup_inputs()
    print(jax.jit(kernel)(*tuple(_d.values())))

</pallas_src>

<mosaic_0001>
#map = affine_map<(d0, d1) -> (0, 0, 0)>
#map1 = affine_map<(d0, d1) -> (0, 0, 0, 0)>
#map2 = affine_map<(d0, d1) -> (0, 0)>
module attributes {stable_mosaic.version = 14 : i64} {
  func.func @sc_kernel(%arg0: i32, %arg1: i32, %arg2: memref<2x10000x128xf32, #tpu.memory_space<hbm>>, %arg3: memref<16x125x2x80xi32, #tpu.memory_space<hbm>>, %arg4: memref<160000x256xf32, #tpu.memory_space<hbm>>, %arg5: memref<2x10000x128xf32, #tpu.memory_space<hbm>>, %arg6: memref<2x80xi32, #tpu.memory_space<vmem>>, %arg7: memref<2x80xi32, #tpu.memory_space<vmem>>, %arg8: memref<2x80xi32, #tpu.memory_space<vmem>>, %arg9: memref<2x80xi32, #tpu.memory_space<vmem>>, %arg10: memref<80x128xf32, #tpu.memory_space<vmem>>, %arg11: memref<80x128xf32, #tpu.memory_space<vmem>>, %arg12: memref<80x128xf32, #tpu.memory_space<vmem>>, %arg13: memref<80x128xf32, #tpu.memory_space<vmem>>, %arg14: memref<10000x128xf32, #tpu.memory_space<vmem_shared>>, %arg15: memref<!tpu.dma_semaphore, #tpu.memory_space<semaphore_mem>>, %arg16: memref<!tpu.dma_semaphore, #tpu.memory_space<semaphore_mem>>, %arg17: memref<!tpu.dma_semaphore, #tpu.memory_space<semaphore_mem>>, %arg18: memref<!tpu.dma_semaphore, #tpu.memory_space<semaphore_mem>>, %arg19: memref<!tpu.dma_semaphore, #tpu.memory_space<semaphore_mem>>, %arg20: memref<!tpu.dma_semaphore, #tpu.memory_space<semaphore_mem>>, %arg21: memref<!tpu.dma_semaphore, #tpu.memory_space<semaphore_mem>>, %arg22: memref<!tpu.dma_semaphore, #tpu.memory_space<semaphore_mem>>, %arg23: memref<!tpu.dma_semaphore, #tpu.memory_space<semaphore_mem>>, %arg24: memref<!tpu.dma_semaphore, #tpu.memory_space<semaphore_mem>>, %arg25: memref<!tpu.dma_semaphore, #tpu.memory_space<semaphore_mem>>, %arg26: memref<!tpu.dma_semaphore, #tpu.memory_space<semaphore_mem>>, %arg27: memref<!tpu.dma_semaphore, #tpu.memory_space<semaphore_mem>>, %arg28: memref<!tpu.dma_semaphore, #tpu.memory_space<semaphore_mem>>, %arg29: memref<!tpu.dma_semaphore, #tpu.memory_space<semaphore_mem>>, %arg30: memref<!tpu.dma_semaphore, #tpu.memory_space<semaphore_mem>>) attributes {dimension_semantics = [#tpu.dimension_semantics<core_parallel>, #tpu.dimension_semantics<subcore_parallel>], iteration_bounds = array<i64: 2, 16>, scalar_prefetch = 0 : i64, scratch_operands = 25 : i64, tpu.core_type = #tpu.core_type<sc_vector_subcore>, window_params = [{transform_indices = #map}, {transform_indices = #map1}, {transform_indices = #map2}, {transform_indices = #map}]} {
    %mul3A = arith.constant 624 : i32
    %mul3A_0 = arith.muli %arg1, %mul3A : i32
    "tpu.region"() ({
      %run_scoped3A = tpu.sem_alloc : memref<!tpu.dma_semaphore, #tpu.memory_space<semaphore_mem>>
      %dma_start3A_121 = arith.constant 0 : i32
      %dma_start3A_122 = tpu.memref_slice %arg14[%mul3A_0, %dma_start3A_121] : memref<10000x128xf32, #tpu.memory_space<vmem_shared>> -> memref<624x128xf32, #tpu.memory_space<vmem_shared>>
      %dma_start3A_123 = arith.constant 0 : i32
      %dma_start3A_124 = tpu.memref_slice %arg2[%arg0, %mul3A_0, %dma_start3A_123] : memref<2x10000x128xf32, #tpu.memory_space<hbm>> -> memref<1x624x128xf32, #tpu.memory_space<hbm>>
      %dma_start3A_125 = tpu.memref_squeeze %dma_start3A_124 : memref<1x624x128xf32, #tpu.memory_space<hbm>> -> memref<624x128xf32, #tpu.memory_space<hbm>>
      tpu.enqueue_dma source(%dma_start3A_125 : memref<624x128xf32, #tpu.memory_space<hbm>>) target(%dma_start3A_122 : memref<624x128xf32, #tpu.memory_space<vmem_shared>>) target_semaphore(%run_scoped3A : memref<!tpu.dma_semaphore, #tpu.memory_space<semaphore_mem>>)
      %dma_wait3A_126 = arith.constant 0 : i32
      %dma_wait3A_127 = tpu.memref_slice %arg14[%mul3A_0, %dma_wait3A_126] : memref<10000x128xf32, #tpu.memory_space<vmem_shared>> -> memref<624x128xf32, #tpu.memory_space<vmem_shared>>
      %dma_wait3A_128 = arith.constant 0 : i32
      %dma_wait3A_129 = tpu.memref_slice %arg2[%arg0, %mul3A_0, %dma_wait3A_128] : memref<2x10000x128xf32, #tpu.memory_space<hbm>> -> memref<1x624x128xf32, #tpu.memory_space<hbm>>
      %dma_wait3A_130 = tpu.memref_squeeze %dma_wait3A_129 : memref<1x624x128xf32, #tpu.memory_space<hbm>> -> memref<624x128xf32, #tpu.memory_space<hbm>>
      tpu.wait_dma2 semaphore(%run_scoped3A : memref<!tpu.dma_semaphore, #tpu.memory_space<semaphore_mem>>) src(%dma_wait3A_130 : memref<624x128xf32, #tpu.memory_space<hbm>>) dst(%dma_wait3A_127 : memref<624x128xf32, #tpu.memory_space<vmem_shared>>)
      tpu.yield
    }) : () -> ()
    %eq3A = arith.constant 15 : i32
    %eq3A_1 = arith.cmpi eq, %arg1, %eq3A : i32
    %convert_element_type3A = arith.extui %eq3A_1 : i1 to i32
    %cond3A = arith.constant 0 : i32
    %cond3A_2 = arith.cmpi ne, %convert_element_type3A, %cond3A : i32
    scf.if %cond3A_2 {
      "tpu.region"() ({
        %run_scoped3A = tpu.sem_alloc : memref<!tpu.dma_semaphore, #tpu.memory_space<semaphore_mem>>
        %dma_start3A_121 = arith.constant 9984 : i32
        %dma_start3A_122 = arith.constant 0 : i32
        %dma_start3A_123 = tpu.memref_slice %arg14[%dma_start3A_121, %dma_start3A_122] : memref<10000x128xf32, #tpu.memory_space<vmem_shared>> -> memref<16x128xf32, #tpu.memory_space<vmem_shared>>
        %dma_start3A_124 = arith.constant 9984 : i32
        %dma_start3A_125 = arith.constant 0 : i32
        %dma_start3A_126 = tpu.memref_slice %arg2[%arg0, %dma_start3A_124, %dma_start3A_125] : memref<2x10000x128xf32, #tpu.memory_space<hbm>> -> memref<1x16x128xf32, #tpu.memory_space<hbm>>
        %dma_start3A_127 = tpu.memref_squeeze %dma_start3A_126 : memref<1x16x128xf32, #tpu.memory_space<hbm>> -> memref<16x128xf32, #tpu.memory_space<hbm>>
        tpu.enqueue_dma source(%dma_start3A_127 : memref<16x128xf32, #tpu.memory_space<hbm>>) target(%dma_start3A_123 : memref<16x128xf32, #tpu.memory_space<vmem_shared>>) target_semaphore(%run_scoped3A : memref<!tpu.dma_semaphore, #tpu.memory_space<semaphore_mem>>)
        %dma_wait3A_128 = arith.constant 9984 : i32
        %dma_wait3A_129 = arith.constant 0 : i32
        %dma_wait3A_130 = tpu.memref_slice %arg14[%dma_wait3A_128, %dma_wait3A_129] : memref<10000x128xf32, #tpu.memory_space<vmem_shared>> -> memref<16x128xf32, #tpu.memory_space<vmem_shared>>
        %dma_wait3A_131 = arith.constant 9984 : i32
        %dma_wait3A_132 = arith.constant 0 : i32
        %dma_wait3A_133 = tpu.memref_slice %arg2[%arg0, %dma_wait3A_131, %dma_wait3A_132] : memref<2x10000x128xf32, #tpu.memory_space<hbm>> -> memref<1x16x128xf32, #tpu.memory_space<hbm>>
        %dma_wait3A_134 = tpu.memref_squeeze %dma_wait3A_133 : memref<1x16x128xf32, #tpu.memory_space<hbm>> -> memref<16x128xf32, #tpu.memory_space<hbm>>
        tpu.wait_dma2 semaphore(%run_scoped3A : memref<!tpu.dma_semaphore, #tpu.memory_space<semaphore_mem>>) src(%dma_wait3A_134 : memref<16x128xf32, #tpu.memory_space<hbm>>) dst(%dma_wait3A_130 : memref<16x128xf32, #tpu.memory_space<vmem_shared>>)
        tpu.yield
      }) : () -> ()
    } else {
    }
    %barrier3A = arith.constant 0 : index
    tpu.barrier barrier_id(%barrier3A)
    %dma_start3A = arith.constant 0 : i32
    %dma_start3A_3 = arith.constant 0 : i32
    %dma_start3A_4 = arith.constant 0 : i32
    %dma_start3A_5 = tpu.memref_slice %arg3[%arg1, %dma_start3A, %dma_start3A_3, %dma_start3A_4] : memref<16x125x2x80xi32, #tpu.memory_space<hbm>> -> memref<1x1x2x80xi32, #tpu.memory_space<hbm>>
    %dma_start3A_6 = tpu.memref_squeeze %dma_start3A_5 : memref<1x1x2x80xi32, #tpu.memory_space<hbm>> -> memref<2x80xi32, #tpu.memory_space<hbm>>
    %dma_start3A_7 = arith.constant 0 : i32
    %dma_start3A_8 = arith.constant 0 : i32
    %dma_start3A_9 = tpu.memref_slice %arg3[%arg1, %dma_start3A, %dma_start3A_7, %dma_start3A_8] : memref<16x125x2x80xi32, #tpu.memory_space<hbm>> -> memref<1x1x2x80xi32, #tpu.memory_space<hbm>>
    %dma_start3A_10 = tpu.memref_squeeze %dma_start3A_9 : memref<1x1x2x80xi32, #tpu.memory_space<hbm>> -> memref<2x80xi32, #tpu.memory_space<hbm>>
    tpu.enqueue_dma source(%dma_start3A_10 : memref<2x80xi32, #tpu.memory_space<hbm>>) target(%arg6 : memref<2x80xi32, #tpu.memory_space<vmem>>) target_semaphore(%arg15 : memref<!tpu.dma_semaphore, #tpu.memory_space<semaphore_mem>>)
    %mul3A_11 = arith.constant 10000 : i32
    %mul3A_12 = arith.muli %arg1, %mul3A_11 : i32
    %add3A = arith.constant 0 : i32
    %add3A_13 = arith.addi %mul3A_12, %add3A : i32
    %mul3A_14 = arith.constant 128 : i32
    %mul3A_15 = arith.muli %arg0, %mul3A_14 : i32
    %dma_start3A_16 = tpu.memref_slice %arg4[%add3A_13, %mul3A_15] : memref<160000x256xf32, #tpu.memory_space<hbm>> -> memref<80x128xf32, #tpu.memory_space<hbm>>
    %dma_start3A_17 = tpu.memref_slice %arg4[%add3A_13, %mul3A_15] : memref<160000x256xf32, #tpu.memory_space<hbm>> -> memref<80x128xf32, #tpu.memory_space<hbm>>
    tpu.enqueue_dma source(%dma_start3A_17 : memref<80x128xf32, #tpu.memory_space<hbm>>) target(%arg10 : memref<80x128xf32, #tpu.memory_space<vmem>>) target_semaphore(%arg19 : memref<!tpu.dma_semaphore, #tpu.memory_space<semaphore_mem>>)
    %dma_start3A_18 = arith.constant 1 : i32
    %dma_start3A_19 = arith.constant 0 : i32
    %dma_start3A_20 = arith.constant 0 : i32
    %dma_start3A_21 = tpu.memref_slice %arg3[%arg1, %dma_start3A_18, %dma_start3A_19, %dma_start3A_20] : memref<16x125x2x80xi32, #tpu.memory_space<hbm>> -> memref<1x1x2x80xi32, #tpu.memory_space<hbm>>
    %dma_start3A_22 = tpu.memref_squeeze %dma_start3A_21 : memref<1x1x2x80xi32, #tpu.memory_space<hbm>> -> memref<2x80xi32, #tpu.memory_space<hbm>>
    %dma_start3A_23 = arith.constant 0 : i32
    %dma_start3A_24 = arith.constant 0 : i32
    %dma_start3A_25 = tpu.memref_slice %arg3[%arg1, %dma_start3A_18, %dma_start3A_23, %dma_start3A_24] : memref<16x125x2x80xi32, #tpu.memory_space<hbm>> -> memref<1x1x2x80xi32, #tpu.memory_space<hbm>>
    %dma_start3A_26 = tpu.memref_squeeze %dma_start3A_25 : memref<1x1x2x80xi32, #tpu.memory_space<hbm>> -> memref<2x80xi32, #tpu.memory_space<hbm>>
    tpu.enqueue_dma source(%dma_start3A_26 : memref<2x80xi32, #tpu.memory_space<hbm>>) target(%arg7 : memref<2x80xi32, #tpu.memory_space<vmem>>) target_semaphore(%arg16 : memref<!tpu.dma_semaphore, #tpu.memory_space<semaphore_mem>>)
    %mul3A_27 = arith.constant 10000 : i32
    %mul3A_28 = arith.muli %arg1, %mul3A_27 : i32
    %add3A_29 = arith.constant 80 : i32
    %add3A_30 = arith.addi %mul3A_28, %add3A_29 : i32
    %mul3A_31 = arith.constant 128 : i32
    %mul3A_32 = arith.muli %arg0, %mul3A_31 : i32
    %dma_start3A_33 = tpu.memref_slice %arg4[%add3A_30, %mul3A_32] : memref<160000x256xf32, #tpu.memory_space<hbm>> -> memref<80x128xf32, #tpu.memory_space<hbm>>
    %dma_start3A_34 = tpu.memref_slice %arg4[%add3A_30, %mul3A_32] : memref<160000x256xf32, #tpu.memory_space<hbm>> -> memref<80x128xf32, #tpu.memory_space<hbm>>
    tpu.enqueue_dma source(%dma_start3A_34 : memref<80x128xf32, #tpu.memory_space<hbm>>) target(%arg11 : memref<80x128xf32, #tpu.memory_space<vmem>>) target_semaphore(%arg20 : memref<!tpu.dma_semaphore, #tpu.memory_space<semaphore_mem>>)
    %dma_wait3A = arith.constant 0 : i32
    %dma_wait3A_35 = arith.constant 0 : i32
    %dma_wait3A_36 = arith.constant 0 : i32
    %dma_wait3A_37 = tpu.memref_slice %arg3[%arg1, %dma_wait3A, %dma_wait3A_35, %dma_wait3A_36] : memref<16x125x2x80xi32, #tpu.memory_space<hbm>> -> memref<1x1x2x80xi32, #tpu.memory_space<hbm>>
    %dma_wait3A_38 = tpu.memref_squeeze %dma_wait3A_37 : memref<1x1x2x80xi32, #tpu.memory_space<hbm>> -> memref<2x80xi32, #tpu.memory_space<hbm>>
    %dma_wait3A_39 = arith.constant 0 : i32
    %dma_wait3A_40 = arith.constant 0 : i32
    %dma_wait3A_41 = tpu.memref_slice %arg3[%arg1, %dma_wait3A, %dma_wait3A_39, %dma_wait3A_40] : memref<16x125x2x80xi32, #tpu.memory_space<hbm>> -> memref<1x1x2x80xi32, #tpu.memory_space<hbm>>
    %dma_wait3A_42 = tpu.memref_squeeze %dma_wait3A_41 : memref<1x1x2x80xi32, #tpu.memory_space<hbm>> -> memref<2x80xi32, #tpu.memory_space<hbm>>
    tpu.wait_dma2 semaphore(%arg15 : memref<!tpu.dma_semaphore, #tpu.memory_space<semaphore_mem>>) src(%dma_wait3A_42 : memref<2x80xi32, #tpu.memory_space<hbm>>) dst(%arg6 : memref<2x80xi32, #tpu.memory_space<vmem>>)
    %mul3A_43 = arith.constant 10000 : i32
    %mul3A_44 = arith.muli %arg1, %mul3A_43 : i32
    %add3A_45 = arith.constant 0 : i32
    %add3A_46 = arith.addi %mul3A_44, %add3A_45 : i32
    %mul3A_47 = arith.constant 128 : i32
    %mul3A_48 = arith.muli %arg0, %mul3A_47 : i32
    %dma_wait3A_49 = tpu.memref_slice %arg4[%add3A_46, %mul3A_48] : memref<160000x256xf32, #tpu.memory_space<hbm>> -> memref<80x128xf32, #tpu.memory_space<hbm>>
    %dma_wait3A_50 = tpu.memref_slice %arg4[%add3A_46, %mul3A_48] : memref<160000x256xf32, #tpu.memory_space<hbm>> -> memref<80x128xf32, #tpu.memory_space<hbm>>
    tpu.wait_dma2 semaphore(%arg19 : memref<!tpu.dma_semaphore, #tpu.memory_space<semaphore_mem>>) src(%dma_wait3A_50 : memref<80x128xf32, #tpu.memory_space<hbm>>) dst(%arg10 : memref<80x128xf32, #tpu.memory_space<vmem>>)
    %dma_start3A_51 = arith.constant 0 : i32
    %dma_start3A_52 = arith.constant 0 : i32
    %dma_start3A_53 = tpu.memref_slice %arg6[%dma_start3A_51, %dma_start3A_52] : memref<2x80xi32, #tpu.memory_space<vmem>> -> memref<1x80xi32, #tpu.memory_space<vmem>>
    %dma_start3A_54 = tpu.memref_squeeze %dma_start3A_53 : memref<1x80xi32, #tpu.memory_space<vmem>> -> memref<80xi32, #tpu.memory_space<vmem>>
    %dma_start3A_55 = arith.constant 0 : i32
    %dma_start3A_56 = arith.constant 0 : i32
    %dma_start3A_57 = tpu.memref_slice %arg2[%arg0, %dma_start3A_55, %dma_start3A_56] : memref<2x10000x128xf32, #tpu.memory_space<hbm>> -> memref<1x10000x128xf32, #tpu.memory_space<hbm>>
    %dma_start3A_58 = tpu.memref_squeeze %dma_start3A_57 : memref<1x10000x128xf32, #tpu.memory_space<hbm>> -> memref<10000x128xf32, #tpu.memory_space<hbm>>
    %dma_start3A_59 = arith.constant 0 : i32
    %dma_start3A_60 = arith.constant 0 : i32
    %dma_start3A_61 = tpu.memref_slice %dma_start3A_58[%dma_start3A_59, %dma_start3A_60] : memref<10000x128xf32, #tpu.memory_space<hbm>> -> memref<10000x128xf32, #tpu.memory_space<hbm>>
    tpu.enqueue_indirect_dma source(%dma_start3A_61 : memref<10000x128xf32, #tpu.memory_space<hbm>>) target(%arg10 : memref<80x128xf32, #tpu.memory_space<vmem>>) offsets(%dma_start3A_54 : memref<80xi32, #tpu.memory_space<vmem>>) semaphore(%arg23 : memref<!tpu.dma_semaphore, #tpu.memory_space<semaphore_mem>>) {add = true}
    %scan3A = arith.constant 0 : i32
    %scan3A_62 = arith.constant 0 : i32
    %scan3A_63 = arith.constant 31 : i32
    %scan3A_64 = arith.addi %scan3A_62, %scan3A_63 : i32
    %scan3A_65 = arith.constant 1 : i32
    scf.for %scan3A_121 = %scan3A_62 to %scan3A_64 step %scan3A_65  : i32 {
      %mul3A_122 = arith.constant 4 : i32
      %mul3A_123 = arith.muli %scan3A_121, %mul3A_122 : i32
      %add3A_124 = arith.constant 0 : i32
      %add3A_125 = arith.addi %mul3A_123, %add3A_124 : i32
      %add3A_126 = arith.constant 2 : i32
      %add3A_127 = arith.addi %add3A_125, %add3A_126 : i32
      %ge3A = arith.constant 4 : i32
      %ge3A_128 = arith.cmpi sge, %add3A_127, %ge3A : i32
      %convert_element_type3A_129 = arith.extui %ge3A_128 : i1 to i32
      %cond3A_130 = arith.constant 0 : i32
      %cond3A_131 = arith.cmpi ne, %convert_element_type3A_129, %cond3A_130 : i32
      scf.if %cond3A_131 {
        %dma_wait3A_379 = arith.constant 1 : i32
        %dma_wait3A_380 = arith.constant 0 : i32
        %dma_wait3A_381 = tpu.memref_slice %arg8[%dma_wait3A_379, %dma_wait3A_380] : memref<2x80xi32, #tpu.memory_space<vmem>> -> memref<1x80xi32, #tpu.memory_space<vmem>>
        %dma_wait3A_382 = tpu.memref_squeeze %dma_wait3A_381 : memref<1x80xi32, #tpu.memory_space<vmem>> -> memref<80xi32, #tpu.memory_space<vmem>>
        %dma_wait3A_383 = arith.constant 0 : i32
        %dma_wait3A_384 = arith.constant 0 : i32
        %dma_wait3A_385 = tpu.memref_slice %arg14[%dma_wait3A_383, %dma_wait3A_384] : memref<10000x128xf32, #tpu.memory_space<vmem_shared>> -> memref<10000x128xf32, #tpu.memory_space<vmem_shared>>
        tpu.wait_indirect_dma semaphore(%arg29 : memref<!tpu.dma_semaphore, #tpu.memory_space<semaphore_mem>>) src(%arg12 : memref<80x128xf32, #tpu.memory_space<vmem>>) dst(%dma_wait3A_385 : memref<10000x128xf32, #tpu.memory_space<vmem_shared>>)
      } else {
      }
      %dma_start3A_132 = arith.constant 0 : i32
      %dma_start3A_133 = arith.constant 0 : i32
      %dma_start3A_134 = tpu.memref_slice %arg3[%arg1, %add3A_127, %dma_start3A_132, %dma_start3A_133] : memref<16x125x2x80xi32, #tpu.memory_space<hbm>> -> memref<1x1x2x80xi32, #tpu.memory_space<hbm>>
      %dma_start3A_135 = tpu.memref_squeeze %dma_start3A_134 : memref<1x1x2x80xi32, #tpu.memory_space<hbm>> -> memref<2x80xi32, #tpu.memory_space<hbm>>
      %dma_start3A_136 = arith.constant 0 : i32
      %dma_start3A_137 = arith.constant 0 : i32
      %dma_start3A_138 = tpu.memref_slice %arg3[%arg1, %add3A_127, %dma_start3A_136, %dma_start3A_137] : memref<16x125x2x80xi32, #tpu.memory_space<hbm>> -> memref<1x1x2x80xi32, #tpu.memory_space<hbm>>
      %dma_start3A_139 = tpu.memref_squeeze %dma_start3A_138 : memref<1x1x2x80xi32, #tpu.memory_space<hbm>> -> memref<2x80xi32, #tpu.memory_space<hbm>>
      tpu.enqueue_dma source(%dma_start3A_139 : memref<2x80xi32, #tpu.memory_space<hbm>>) target(%arg8 : memref<2x80xi32, #tpu.memory_space<vmem>>) target_semaphore(%arg17 : memref<!tpu.dma_semaphore, #tpu.memory_space<semaphore_mem>>)
      %mul3A_140 = arith.constant 10000 : i32
      %mul3A_141 = arith.muli %arg1, %mul3A_140 : i32
      %mul3A_142 = arith.constant 80 : i32
      %mul3A_143 = arith.muli %add3A_127, %mul3A_142 : i32
      %add3A_144 = arith.addi %mul3A_141, %mul3A_143 : i32
      %mul3A_145 = arith.constant 128 : i32
      %mul3A_146 = arith.muli %arg0, %mul3A_145 : i32
      %dma_start3A_147 = tpu.memref_slice %arg4[%add3A_144, %mul3A_146] : memref<160000x256xf32, #tpu.memory_space<hbm>> -> memref<80x128xf32, #tpu.memory_space<hbm>>
      %dma_start3A_148 = tpu.memref_slice %arg4[%add3A_144, %mul3A_146] : memref<160000x256xf32, #tpu.memory_space<hbm>> -> memref<80x128xf32, #tpu.memory_space<hbm>>
      tpu.enqueue_dma source(%dma_start3A_148 : memref<80x128xf32, #tpu.memory_space<hbm>>) target(%arg12 : memref<80x128xf32, #tpu.memory_space<vmem>>) target_semaphore(%arg21 : memref<!tpu.dma_semaphore, #tpu.memory_space<semaphore_mem>>)
      %add3A_149 = arith.constant 1 : i32
      %add3A_150 = arith.addi %add3A_125, %add3A_149 : i32
      %dma_wait3A_151 = arith.constant 0 : i32
      %dma_wait3A_152 = arith.constant 0 : i32
      %dma_wait3A_153 = tpu.memref_slice %arg3[%arg1, %add3A_150, %dma_wait3A_151, %dma_wait3A_152] : memref<16x125x2x80xi32, #tpu.memory_space<hbm>> -> memref<1x1x2x80xi32, #tpu.memory_space<hbm>>
      %dma_wait3A_154 = tpu.memref_squeeze %dma_wait3A_153 : memref<1x1x2x80xi32, #tpu.memory_space<hbm>> -> memref<2x80xi32, #tpu.memory_space<hbm>>
      %dma_wait3A_155 = arith.constant 0 : i32
      %dma_wait3A_156 = arith.constant 0 : i32
      %dma_wait3A_157 = tpu.memref_slice %arg3[%arg1, %add3A_150, %dma_wait3A_155, %dma_wait3A_156] : memref<16x125x2x80xi32, #tpu.memory_space<hbm>> -> memref<1x1x2x80xi32, #tpu.memory_space<hbm>>
      %dma_wait3A_158 = tpu.memref_squeeze %dma_wait3A_157 : memref<1x1x2x80xi32, #tpu.memory_space<hbm>> -> memref<2x80xi32, #tpu.memory_space<hbm>>
      tpu.wait_dma2 semaphore(%arg16 : memref<!tpu.dma_semaphore, #tpu.memory_space<semaphore_mem>>) src(%dma_wait3A_158 : memref<2x80xi32, #tpu.memory_space<hbm>>) dst(%arg7 : memref<2x80xi32, #tpu.memory_space<vmem>>)
      %mul3A_159 = arith.constant 10000 : i32
      %mul3A_160 = arith.muli %arg1, %mul3A_159 : i32
      %mul3A_161 = arith.constant 80 : i32
      %mul3A_162 = arith.muli %add3A_150, %mul3A_161 : i32
      %add3A_163 = arith.addi %mul3A_160, %mul3A_162 : i32
      %mul3A_164 = arith.constant 128 : i32
      %mul3A_165 = arith.muli %arg0, %mul3A_164 : i32
      %dma_wait3A_166 = tpu.memref_slice %arg4[%add3A_163, %mul3A_165] : memref<160000x256xf32, #tpu.memory_space<hbm>> -> memref<80x128xf32, #tpu.memory_space<hbm>>
      %dma_wait3A_167 = tpu.memref_slice %arg4[%add3A_163, %mul3A_165] : memref<160000x256xf32, #tpu.memory_space<hbm>> -> memref<80x128xf32, #tpu.memory_space<hbm>>
      tpu.wait_dma2 semaphore(%arg20 : memref<!tpu.dma_semaphore, #tpu.memory_space<semaphore_mem>>) src(%dma_wait3A_167 : memref<80x128xf32, #tpu.memory_space<hbm>>) dst(%arg11 : memref<80x128xf32, #tpu.memory_space<vmem>>)
      %dma_start3A_168 = arith.constant 0 : i32
      %dma_start3A_169 = arith.constant 0 : i32
      %dma_start3A_170 = tpu.memref_slice %arg7[%dma_start3A_168, %dma_start3A_169] : memref<2x80xi32, #tpu.memory_space<vmem>> -> memref<1x80xi32, #tpu.memory_space<vmem>>
      %dma_start3A_171 = tpu.memref_squeeze %dma_start3A_170 : memref<1x80xi32, #tpu.memory_space<vmem>> -> memref<80xi32, #tpu.memory_space<vmem>>
      %dma_start3A_172 = arith.constant 0 : i32
      %dma_start3A_173 = arith.constant 0 : i32
      %dma_start3A_174 = tpu.memref_slice %arg2[%arg0, %dma_start3A_172, %dma_start3A_173] : memref<2x10000x128xf32, #tpu.memory_space<hbm>> -> memref<1x10000x128xf32, #tpu.memory_space<hbm>>
      %dma_start3A_175 = tpu.memref_squeeze %dma_start3A_174 : memref<1x10000x128xf32, #tpu.memory_space<hbm>> -> memref<10000x128xf32, #tpu.memory_space<hbm>>
      %dma_start3A_176 = arith.constant 0 : i32
      %dma_start3A_177 = arith.constant 0 : i32
      %dma_start3A_178 = tpu.memref_slice %dma_start3A_175[%dma_start3A_176, %dma_start3A_177] : memref<10000x128xf32, #tpu.memory_space<hbm>> -> memref<10000x128xf32, #tpu.memory_space<hbm>>
      tpu.enqueue_indirect_dma source(%dma_start3A_178 : memref<10000x128xf32, #tpu.memory_space<hbm>>) target(%arg11 : memref<80x128xf32, #tpu.memory_space<vmem>>) offsets(%dma_start3A_171 : memref<80xi32, #tpu.memory_space<vmem>>) semaphore(%arg24 : memref<!tpu.dma_semaphore, #tpu.memory_space<semaphore_mem>>) {add = true}
      %dma_wait3A_179 = arith.constant 0 : i32
      %dma_wait3A_180 = arith.constant 0 : i32
      %dma_wait3A_181 = tpu.memref_slice %arg6[%dma_wait3A_179, %dma_wait3A_180] : memref<2x80xi32, #tpu.memory_space<vmem>> -> memref<1x80xi32, #tpu.memory_space<vmem>>
      %dma_wait3A_182 = tpu.memref_squeeze %dma_wait3A_181 : memref<1x80xi32, #tpu.memory_space<vmem>> -> memref<80xi32, #tpu.memory_space<vmem>>
      %dma_wait3A_183 = arith.constant 0 : i32
      %dma_wait3A_184 = arith.constant 0 : i32
      %dma_wait3A_185 = tpu.memref_slice %arg2[%arg0, %dma_wait3A_183, %dma_wait3A_184] : memref<2x10000x128xf32, #tpu.memory_space<hbm>> -> memref<1x10000x128xf32, #tpu.memory_space<hbm>>
      %dma_wait3A_186 = tpu.memref_squeeze %dma_wait3A_185 : memref<1x10000x128xf32, #tpu.memory_space<hbm>> -> memref<10000x128xf32, #tpu.memory_space<hbm>>
      %dma_wait3A_187 = arith.constant 0 : i32
      %dma_wait3A_188 = arith.constant 0 : i32
      %dma_wait3A_189 = tpu.memref_slice %dma_wait3A_186[%dma_wait3A_187, %dma_wait3A_188] : memref<10000x128xf32, #tpu.memory_space<hbm>> -> memref<10000x128xf32, #tpu.memory_space<hbm>>
      tpu.wait_indirect_dma semaphore(%arg23 : memref<!tpu.dma_semaphore, #tpu.memory_space<semaphore_mem>>) src(%dma_wait3A_189 : memref<10000x128xf32, #tpu.memory_space<hbm>>) dst(%arg10 : memref<80x128xf32, #tpu.memory_space<vmem>>)
      %parallel_loop3A_190 = arith.constant 0 : i32
      %parallel_loop3A_191 = arith.constant 80 : i32
      %parallel_loop3A_192 = arith.constant 2 : i32
      scf.for %parallel_loop3A_379 = %parallel_loop3A_190 to %parallel_loop3A_191 step %parallel_loop3A_192  : i32 {
        %parallel_loop3A_380 = arith.constant 0 : i32
        %parallel_loop3A_381 = arith.addi %parallel_loop3A_379, %parallel_loop3A_380 : i32
        %parallel_loop3A_382 = arith.index_cast %parallel_loop3A_381 : i32 to index
        %parallel_loop3A_383 = arith.constant 0 : index
        %parallel_loop3A_384 = tpu.vector_load %arg10[%parallel_loop3A_382, %parallel_loop3A_383] {strides = array<i32>} : memref<80x128xf32, #tpu.memory_space<vmem>>, vector<1x16xf32>,
        %parallel_loop3A_385 = vector.shape_cast %parallel_loop3A_384 : vector<1x16xf32> to vector<16xf32>
        %parallel_loop3A_386 = arith.constant 0.000000e+00 : f32
        %parallel_loop3A_387 = vector.broadcast %parallel_loop3A_386 : f32 to vector<16xf32>
        %parallel_loop3A_388 = arith.maximumf %parallel_loop3A_385, %parallel_loop3A_387 : vector<16xf32>
        %parallel_loop3A_389 = arith.constant 0 : i32
        %parallel_loop3A_390 = arith.addi %parallel_loop3A_379, %parallel_loop3A_389 : i32
        %parallel_loop3A_391 = arith.index_cast %parallel_loop3A_390 : i32 to index
        %parallel_loop3A_392 = arith.constant 0 : index
        %parallel_loop3A_393 = tpu.vector_load %arg10[%parallel_loop3A_391, %parallel_loop3A_392] {strides = array<i32>} : memref<80x128xf32, #tpu.memory_space<vmem>>, vector<1x16xf32>,
        %parallel_loop3A_394 = vector.shape_cast %parallel_loop3A_393 : vector<1x16xf32> to vector<16xf32>
        %parallel_loop3A_395 = vector.shape_cast %parallel_loop3A_388 : vector<16xf32> to vector<1x16xf32>
        tpu.vector_store %arg10[%parallel_loop3A_391, %parallel_loop3A_392], %parallel_loop3A_395 {strides = array<i32>} : memref<80x128xf32, #tpu.memory_space<vmem>>, vector<1x16xf32>,
        %parallel_loop3A_396 = arith.constant 0 : i32
        %parallel_loop3A_397 = arith.addi %parallel_loop3A_379, %parallel_loop3A_396 : i32
        %parallel_loop3A_398 = arith.index_cast %parallel_loop3A_397 : i32 to index
        %parallel_loop3A_399 = arith.constant 16 : index
        %parallel_loop3A_400 = tpu.vector_load %arg10[%parallel_loop3A_398, %parallel_loop3A_399] {strides = array<i32>} : memref<80x128xf32, #tpu.memory_space<vmem>>, vector<1x16xf32>,
        %parallel_loop3A_401 = vector.shape_cast %parallel_loop3A_400 : vector<1x16xf32> to vector<16xf32>
        %parallel_loop3A_402 = arith.constant 0.000000e+00 : f32
        %parallel_loop3A_403 = vector.broadcast %parallel_loop3A_402 : f32 to vector<16xf32>
        %parallel_loop3A_404 = arith.maximumf %parallel_loop3A_401, %parallel_loop3A_403 : vector<16xf32>
        %parallel_loop3A_405 = arith.constant 0 : i32
        %parallel_loop3A_406 = arith.addi %parallel_loop3A_379, %parallel_loop3A_405 : i32
        %parallel_loop3A_407 = arith.index_cast %parallel_loop3A_406 : i32 to index
        %parallel_loop3A_408 = arith.constant 16 : index
        %parallel_loop3A_409 = tpu.vector_load %arg10[%parallel_loop3A_407, %parallel_loop3A_408] {strides = array<i32>} : memref<80x128xf32, #tpu.memory_space<vmem>>, vector<1x16xf32>,
        %parallel_loop3A_410 = vector.shape_cast %parallel_loop3A_409 : vector<1x16xf32> to vector<16xf32>
        %parallel_loop3A_411 = vector.shape_cast %parallel_loop3A_404 : vector<16xf32> to vector<1x16xf32>
        tpu.vector_store %arg10[%parallel_loop3A_407, %parallel_loop3A_408], %parallel_loop3A_411 {strides = array<i32>} : memref<80x128xf32, #tpu.memory_space<vmem>>, vector<1x16xf32>,
        %parallel_loop3A_412 = arith.constant 0 : i32
        %parallel_loop3A_413 = arith.addi %parallel_loop3A_379, %parallel_loop3A_412 : i32
        %parallel_loop3A_414 = arith.index_cast %parallel_loop3A_413 : i32 to index
        %parallel_loop3A_415 = arith.constant 32 : index
        %parallel_loop3A_416 = tpu.vector_load %arg10[%parallel_loop3A_414, %parallel_loop3A_415] {strides = array<i32>} : memref<80x128xf32, #tpu.memory_space<vmem>>, vector<1x16xf32>,
        %parallel_loop3A_417 = vector.shape_cast %parallel_loop3A_416 : vector<1x16xf32> to vector<16xf32>
        %parallel_loop3A_418 = arith.constant 0.000000e+00 : f32
        %parallel_loop3A_419 = vector.broadcast %parallel_loop3A_418 : f32 to vector<16xf32>
        %parallel_loop3A_420 = arith.maximumf %parallel_loop3A_417, %parallel_loop3A_419 : vector<16xf32>
        %parallel_loop3A_421 = arith.constant 0 : i32
        %parallel_loop3A_422 = arith.addi %parallel_loop3A_379, %parallel_loop3A_421 : i32
        %parallel_loop3A_423 = arith.index_cast %parallel_loop3A_422 : i32 to index
        %parallel_loop3A_424 = arith.constant 32 : index
        %parallel_loop3A_425 = tpu.vector_load %arg10[%parallel_loop3A_423, %parallel_loop3A_424] {strides = array<i32>} : memref<80x128xf32, #tpu.memory_space<vmem>>, vector<1x16xf32>,
        %parallel_loop3A_426 = vector.shape_cast %parallel_loop3A_425 : vector<1x16xf32> to vector<16xf32>
        %parallel_loop3A_427 = vector.shape_cast %parallel_loop3A_420 : vector<16xf32> to vector<1x16xf32>
        tpu.vector_store %arg10[%parallel_loop3A_423, %parallel_loop3A_424], %parallel_loop3A_427 {strides = array<i32>} : memref<80x128xf32, #tpu.memory_space<vmem>>, vector<1x16xf32>,
        %parallel_loop3A_428 = arith.constant 0 : i32
        %parallel_loop3A_429 = arith.addi %parallel_loop3A_379, %parallel_loop3A_428 : i32
        %parallel_loop3A_430 = arith.index_cast %parallel_loop3A_429 : i32 to index
        %parallel_loop3A_431 = arith.constant 48 : index
        %parallel_loop3A_432 = tpu.vector_load %arg10[%parallel_loop3A_430, %parallel_loop3A_431] {strides = array<i32>} : memref<80x128xf32, #tpu.memory_space<vmem>>, vector<1x16xf32>,
        %parallel_loop3A_433 = vector.shape_cast %parallel_loop3A_432 : vector<1x16xf32> to vector<16xf32>
        %parallel_loop3A_434 = arith.constant 0.000000e+00 : f32
        %parallel_loop3A_435 = vector.broadcast %parallel_loop3A_434 : f32 to vector<16xf32>
        %parallel_loop3A_436 = arith.maximumf %parallel_loop3A_433, %parallel_loop3A_435 : vector<16xf32>
        %parallel_loop3A_437 = arith.constant 0 : i32
        %parallel_loop3A_438 = arith.addi %parallel_loop3A_379, %parallel_loop3A_437 : i32
        %parallel_loop3A_439 = arith.index_cast %parallel_loop3A_438 : i32 to index
        %parallel_loop3A_440 = arith.constant 48 : index
        %parallel_loop3A_441 = tpu.vector_load %arg10[%parallel_loop3A_439, %parallel_loop3A_440] {strides = array<i32>} : memref<80x128xf32, #tpu.memory_space<vmem>>, vector<1x16xf32>,
        %parallel_loop3A_442 = vector.shape_cast %parallel_loop3A_441 : vector<1x16xf32> to vector<16xf32>
        %parallel_loop3A_443 = vector.shape_cast %parallel_loop3A_436 : vector<16xf32> to vector<1x16xf32>
        tpu.vector_store %arg10[%parallel_loop3A_439, %parallel_loop3A_440], %parallel_loop3A_443 {strides = array<i32>} : memref<80x128xf32, #tpu.memory_space<vmem>>, vector<1x16xf32>,
        %parallel_loop3A_444 = arith.constant 0 : i32
        %parallel_loop3A_445 = arith.addi %parallel_loop3A_379, %parallel_loop3A_444 : i32
        %parallel_loop3A_446 = arith.index_cast %parallel_loop3A_445 : i32 to index
        %parallel_loop3A_447 = arith.constant 64 : index
        %parallel_loop3A_448 = tpu.vector_load %arg10[%parallel_loop3A_446, %parallel_loop3A_447] {strides = array<i32>} : memref<80x128xf32, #tpu.memory_space<vmem>>, vector<1x16xf32>,
        %parallel_loop3A_449 = vector.shape_cast %parallel_loop3A_448 : vector<1x16xf32> to vector<16xf32>
        %parallel_loop3A_450 = arith.constant 0.000000e+00 : f32
        %parallel_loop3A_451 = vector.broadcast %parallel_loop3A_450 : f32 to vector<16xf32>
        %parallel_loop3A_452 = arith.maximumf %parallel_loop3A_449, %parallel_loop3A_451 : vector<16xf32>
        %parallel_loop3A_453 = arith.constant 0 : i32
        %parallel_loop3A_454 = arith.addi %parallel_loop3A_379, %parallel_loop3A_453 : i32
        %parallel_loop3A_455 = arith.index_cast %parallel_loop3A_454 : i32 to index
        %parallel_loop3A_456 = arith.constant 64 : index
        %parallel_loop3A_457 = tpu.vector_load %arg10[%parallel_loop3A_455, %parallel_loop3A_456] {strides = array<i32>} : memref<80x128xf32, #tpu.memory_space<vmem>>, vector<1x16xf32>,
        %parallel_loop3A_458 = vector.shape_cast %parallel_loop3A_457 : vector<1x16xf32> to vector<16xf32>
        %parallel_loop3A_459 = vector.shape_cast %parallel_loop3A_452 : vector<16xf32> to vector<1x16xf32>
        tpu.vector_store %arg10[%parallel_loop3A_455, %parallel_loop3A_456], %parallel_loop3A_459 {strides = array<i32>} : memref<80x128xf32, #tpu.memory_space<vmem>>, vector<1x16xf32>,
        %parallel_loop3A_460 = arith.constant 0 : i32
        %parallel_loop3A_461 = arith.addi %parallel_loop3A_379, %parallel_loop3A_460 : i32
        %parallel_loop3A_462 = arith.index_cast %parallel_loop3A_461 : i32 to index
        %parallel_loop3A_463 = arith.constant 80 : index
        %parallel_loop3A_464 = tpu.vector_load %arg10[%parallel_loop3A_462, %parallel_loop3A_463] {strides = array<i32>} : memref<80x128xf32, #tpu.memory_space<vmem>>, vector<1x16xf32>,
        %parallel_loop3A_465 = vector.shape_cast %parallel_loop3A_464 : vector<1x16xf32> to vector<16xf32>
        %parallel_loop3A_466 = arith.constant 0.000000e+00 : f32
        %parallel_loop3A_467 = vector.broadcast %parallel_loop3A_466 : f32 to vector<16xf32>
        %parallel_loop3A_468 = arith.maximumf %parallel_loop3A_465, %parallel_loop3A_467 : vector<16xf32>
        %parallel_loop3A_469 = arith.constant 0 : i32
        %parallel_loop3A_470 = arith.addi %parallel_loop3A_379, %parallel_loop3A_469 : i32
        %parallel_loop3A_471 = arith.index_cast %parallel_loop3A_470 : i32 to index
        %parallel_loop3A_472 = arith.constant 80 : index
        %parallel_loop3A_473 = tpu.vector_load %arg10[%parallel_loop3A_471, %parallel_loop3A_472] {strides = array<i32>} : memref<80x128xf32, #tpu.memory_space<vmem>>, vector<1x16xf32>,
        %parallel_loop3A_474 = vector.shape_cast %parallel_loop3A_473 : vector<1x16xf32> to vector<16xf32>
        %parallel_loop3A_475 = vector.shape_cast %parallel_loop3A_468 : vector<16xf32> to vector<1x16xf32>
        tpu.vector_store %arg10[%parallel_loop3A_471, %parallel_loop3A_472], %parallel_loop3A_475 {strides = array<i32>} : memref<80x128xf32, #tpu.memory_space<vmem>>, vector<1x16xf32>,
        %parallel_loop3A_476 = arith.constant 0 : i32
        %parallel_loop3A_477 = arith.addi %parallel_loop3A_379, %parallel_loop3A_476 : i32
        %parallel_loop3A_478 = arith.index_cast %parallel_loop3A_477 : i32 to index
        %parallel_loop3A_479 = arith.constant 96 : index
        %parallel_loop3A_480 = tpu.vector_load %arg10[%parallel_loop3A_478, %parallel_loop3A_479] {strides = array<i32>} : memref<80x128xf32, #tpu.memory_space<vmem>>, vector<1x16xf32>,
        %parallel_loop3A_481 = vector.shape_cast %parallel_loop3A_480 : vector<1x16xf32> to vector<16xf32>
        %parallel_loop3A_482 = arith.constant 0.000000e+00 : f32
        %parallel_loop3A_483 = vector.broadcast %parallel_loop3A_482 : f32 to vector<16xf32>
        %parallel_loop3A_484 = arith.maximumf %parallel_loop3A_481, %parallel_loop3A_483 : vector<16xf32>
        %parallel_loop3A_485 = arith.constant 0 : i32
        %parallel_loop3A_486 = arith.addi %parallel_loop3A_379, %parallel_loop3A_485 : i32
        %parallel_loop3A_487 = arith.index_cast %parallel_loop3A_486 : i32 to index
        %parallel_loop3A_488 = arith.constant 96 : index
        %parallel_loop3A_489 = tpu.vector_load %arg10[%parallel_loop3A_487, %parallel_loop3A_488] {strides = array<i32>} : memref<80x128xf32, #tpu.memory_space<vmem>>, vector<1x16xf32>,
        %parallel_loop3A_490 = vector.shape_cast %parallel_loop3A_489 : vector<1x16xf32> to vector<16xf32>
        %parallel_loop3A_491 = vector.shape_cast %parallel_loop3A_484 : vector<16xf32> to vector<1x16xf32>
        tpu.vector_store %arg10[%parallel_loop3A_487, %parallel_loop3A_488], %parallel_loop3A_491 {strides = array<i32>} : memref<80x128xf32, #tpu.memory_space<vmem>>, vector<1x16xf32>,
        %parallel_loop3A_492 = arith.constant 0 : i32
        %parallel_loop3A_493 = arith.addi %parallel_loop3A_379, %parallel_loop3A_492 : i32
        %parallel_loop3A_494 = arith.index_cast %parallel_loop3A_493 : i32 to index
        %parallel_loop3A_495 = arith.constant 112 : index
        %parallel_loop3A_496 = tpu.vector_load %arg10[%parallel_loop3A_494, %parallel_loop3A_495] {strides = array<i32>} : memref<80x128xf32, #tpu.memory_space<vmem>>, vector<1x16xf32>,
        %parallel_loop3A_497 = vector.shape_cast %parallel_loop3A_496 : vector<1x16xf32> to vector<16xf32>
        %parallel_loop3A_498 = arith.constant 0.000000e+00 : f32
        %parallel_loop3A_499 = vector.broadcast %parallel_loop3A_498 : f32 to vector<16xf32>
        %parallel_loop3A_500 = arith.maximumf %parallel_loop3A_497, %parallel_loop3A_499 : vector<16xf32>
        %parallel_loop3A_501 = arith.constant 0 : i32
        %parallel_loop3A_502 = arith.addi %parallel_loop3A_379, %parallel_loop3A_501 : i32
        %parallel_loop3A_503 = arith.index_cast %parallel_loop3A_502 : i32 to index
        %parallel_loop3A_504 = arith.constant 112 : index
        %parallel_loop3A_505 = tpu.vector_load %arg10[%parallel_loop3A_503, %parallel_loop3A_504] {strides = array<i32>} : memref<80x128xf32, #tpu.memory_space<vmem>>, vector<1x16xf32>,
        %parallel_loop3A_506 = vector.shape_cast %parallel_loop3A_505 : vector<1x16xf32> to vector<16xf32>
        %parallel_loop3A_507 = vector.shape_cast %parallel_loop3A_500 : vector<16xf32> to vector<1x16xf32>
        tpu.vector_store %arg10[%parallel_loop3A_503, %parallel_loop3A_504], %parallel_loop3A_507 {strides = array<i32>} : memref<80x128xf32, #tpu.memory_space<vmem>>, vector<1x16xf32>,
        %parallel_loop3A_508 = arith.constant 1 : i32
        %parallel_loop3A_509 = arith.addi %parallel_loop3A_379, %parallel_loop3A_508 : i32
        %parallel_loop3A_510 = arith.index_cast %parallel_loop3A_509 : i32 to index
        %parallel_loop3A_511 = arith.constant 0 : index
        %parallel_loop3A_512 = tpu.vector_load %arg10[%parallel_loop3A_510, %parallel_loop3A_511] {strides = array<i32>} : memref<80x128xf32, #tpu.memory_space<vmem>>, vector<1x16xf32>,
        %parallel_loop3A_513 = vector.shape_cast %parallel_loop3A_512 : vector<1x16xf32> to vector<16xf32>
        %parallel_loop3A_514 = arith.constant 0.000000e+00 : f32
        %parallel_loop3A_515 = vector.broadcast %parallel_loop3A_514 : f32 to vector<16xf32>
        %parallel_loop3A_516 = arith.maximumf %parallel_loop3A_513, %parallel_loop3A_515 : vector<16xf32>
        %parallel_loop3A_517 = arith.constant 1 : i32
        %parallel_loop3A_518 = arith.addi %parallel_loop3A_379, %parallel_loop3A_517 : i32
        %parallel_loop3A_519 = arith.index_cast %parallel_loop3A_518 : i32 to index
        %parallel_loop3A_520 = arith.constant 0 : index
        %parallel_loop3A_521 = tpu.vector_load %arg10[%parallel_loop3A_519, %parallel_loop3A_520] {strides = array<i32>} : memref<80x128xf32, #tpu.memory_space<vmem>>, vector<1x16xf32>,
        %parallel_loop3A_522 = vector.shape_cast %parallel_loop3A_521 : vector<1x16xf32> to vector<16xf32>
        %parallel_loop3A_523 = vector.shape_cast %parallel_loop3A_516 : vector<16xf32> to vector<1x16xf32>
        tpu.vector_store %arg10[%parallel_loop3A_519, %parallel_loop3A_520], %parallel_loop3A_523 {strides = array<i32>} : memref<80x128xf32, #tpu.memory_space<vmem>>, vector<1x16xf32>,
        %parallel_loop3A_524 = arith.constant 1 : i32
        %parallel_loop3A_525 = arith.addi %parallel_loop3A_379, %parallel_loop3A_524 : i32
        %parallel_loop3A_526 = arith.index_cast %parallel_loop3A_525 : i32 to index
        %parallel_loop3A_527 = arith.constant 16 : index
        %parallel_loop3A_528 = tpu.vector_load %arg10[%parallel_loop3A_526, %parallel_loop3A_527] {strides = array<i32>} : memref<80x128xf32, #tpu.memory_space<vmem>>, vector<1x16xf32>,
        %parallel_loop3A_529 = vector.shape_cast %parallel_loop3A_528 : vector<1x16xf32> to vector<16xf32>
        %parallel_loop3A_530 = arith.constant 0.000000e+00 : f32
        %parallel_loop3A_531 = vector.broadcast %parallel_loop3A_530 : f32 to vector<16xf32>
        %parallel_loop3A_532 = arith.maximumf %parallel_loop3A_529, %parallel_loop3A_531 : vector<16xf32>
        %parallel_loop3A_533 = arith.constant 1 : i32
        %parallel_loop3A_534 = arith.addi %parallel_loop3A_379, %parallel_loop3A_533 : i32
        %parallel_loop3A_535 = arith.index_cast %parallel_loop3A_534 : i32 to index
        %parallel_loop3A_536 = arith.constant 16 : index
        %parallel_loop3A_537 = tpu.vector_load %arg10[%parallel_loop3A_535, %parallel_loop3A_536] {strides = array<i32>} : memref<80x128xf32, #tpu.memory_space<vmem>>, vector<1x16xf32>,
        %parallel_loop3A_538 = vector.shape_cast %parallel_loop3A_537 : vector<1x16xf32> to vector<16xf32>
        %parallel_loop3A_539 = vector.shape_cast %parallel_loop3A_532 : vector<16xf32> to vector<1x16xf32>
        tpu.vector_store %arg10[%parallel_loop3A_535, %parallel_loop3A_536], %parallel_loop3A_539 {strides = array<i32>} : memref<80x128xf32, #tpu.memory_space<vmem>>, vector<1x16xf32>,
        %parallel_loop3A_540 = arith.constant 1 : i32
        %parallel_loop3A_541 = arith.addi %parallel_loop3A_379, %parallel_loop3A_540 : i32
        %parallel_loop3A_542 = arith.index_cast %parallel_loop3A_541 : i32 to index
        %parallel_loop3A_543 = arith.constant 32 : index
        %parallel_loop3A_544 = tpu.vector_load %arg10[%parallel_loop3A_542, %parallel_loop3A_543] {strides = array<i32>} : memref<80x128xf32, #tpu.memory_space<vmem>>, vector<1x16xf32>,
        %parallel_loop3A_545 = vector.shape_cast %parallel_loop3A_544 : vector<1x16xf32> to vector<16xf32>
        %parallel_loop3A_546 = arith.constant 0.000000e+00 : f32
        %parallel_loop3A_547 = vector.broadcast %parallel_loop3A_546 : f32 to vector<16xf32>
        %parallel_loop3A_548 = arith.maximumf %parallel_loop3A_545, %parallel_loop3A_547 : vector<16xf32>
        %parallel_loop3A_549 = arith.constant 1 : i32
        %parallel_loop3A_550 = arith.addi %parallel_loop3A_379, %parallel_loop3A_549 : i32
        %parallel_loop3A_551 = arith.index_cast %parallel_loop3A_550 : i32 to index
        %parallel_loop3A_552 = arith.constant 32 : index
        %parallel_loop3A_553 = tpu.vector_load %arg10[%parallel_loop3A_551, %parallel_loop3A_552] {strides = array<i32>} : memref<80x128xf32, #tpu.memory_space<vmem>>, vector<1x16xf32>,
        %parallel_loop3A_554 = vector.shape_cast %parallel_loop3A_553 : vector<1x16xf32> to vector<16xf32>
        %parallel_loop3A_555 = vector.shape_cast %parallel_loop3A_548 : vector<16xf32> to vector<1x16xf32>
        tpu.vector_store %arg10[%parallel_loop3A_551, %parallel_loop3A_552], %parallel_loop3A_555 {strides = array<i32>} : memref<80x128xf32, #tpu.memory_space<vmem>>, vector<1x16xf32>,
        %parallel_loop3A_556 = arith.constant 1 : i32
        %parallel_loop3A_557 = arith.addi %parallel_loop3A_379, %parallel_loop3A_556 : i32
        %parallel_loop3A_558 = arith.index_cast %parallel_loop3A_557 : i32 to index
        %parallel_loop3A_559 = arith.constant 48 : index
        %parallel_loop3A_560 = tpu.vector_load %arg10[%parallel_loop3A_558, %parallel_loop3A_559] {strides = array<i32>} : memref<80x128xf32, #tpu.memory_space<vmem>>, vector<1x16xf32>,
        %parallel_loop3A_561 = vector.shape_cast %parallel_loop3A_560 : vector<1x16xf32> to vector<16xf32>
        %parallel_loop3A_562 = arith.constant 0.000000e+00 : f32
        %parallel_loop3A_563 = vector.broadcast %parallel_loop3A_562 : f32 to vector<16xf32>
        %parallel_loop3A_564 = arith.maximumf %parallel_loop3A_561, %parallel_loop3A_563 : vector<16xf32>
        %parallel_loop3A_565 = arith.constant 1 : i32
        %parallel_loop3A_566 = arith.addi %parallel_loop3A_379, %parallel_loop3A_565 : i32
        %parallel_loop3A_567 = arith.index_cast %parallel_loop3A_566 : i32 to index
        %parallel_loop3A_568 = arith.constant 48 : index
        %parallel_loop3A_569 = tpu.vector_load %arg10[%parallel_loop3A_567, %parallel_loop3A_568] {strides = array<i32>} : memref<80x128xf32, #tpu.memory_space<vmem>>, vector<1x16xf32>,
        %parallel_loop3A_570 = vector.shape_cast %parallel_loop3A_569 : vector<1x16xf32> to vector<16xf32>
        %parallel_loop3A_571 = vector.shape_cast %parallel_loop3A_564 : vector<16xf32> to vector<1x16xf32>
        tpu.vector_store %arg10[%parallel_loop3A_567, %parallel_loop3A_568], %parallel_loop3A_571 {strides = array<i32>} : memref<80x128xf32, #tpu.memory_space<vmem>>, vector<1x16xf32>,
        %parallel_loop3A_572 = arith.constant 1 : i32
        %parallel_loop3A_573 = arith.addi %parallel_loop3A_379, %parallel_loop3A_572 : i32
        %parallel_loop3A_574 = arith.index_cast %parallel_loop3A_573 : i32 to index
        %parallel_loop3A_575 = arith.constant 64 : index
        %parallel_loop3A_576 = tpu.vector_load %arg10[%parallel_loop3A_574, %parallel_loop3A_575] {strides = array<i32>} : memref<80x128xf32, #tpu.memory_space<vmem>>, vector<1x16xf32>,
        %parallel_loop3A_577 = vector.shape_cast %parallel_loop3A_576 : vector<1x16xf32> to vector<16xf32>
        %parallel_loop3A_578 = arith.constant 0.000000e+00 : f32
        %parallel_loop3A_579 = vector.broadcast %parallel_loop3A_578 : f32 to vector<16xf32>
        %parallel_loop3A_580 = arith.maximumf %parallel_loop3A_577, %parallel_loop3A_579 : vector<16xf32>
        %parallel_loop3A_581 = arith.constant 1 : i32
        %parallel_loop3A_582 = arith.addi %parallel_loop3A_379, %parallel_loop3A_581 : i32
        %parallel_loop3A_583 = arith.index_cast %parallel_loop3A_582 : i32 to index
        %parallel_loop3A_584 = arith.constant 64 : index
        %parallel_loop3A_585 = tpu.vector_load %arg10[%parallel_loop3A_583, %parallel_loop3A_584] {strides = array<i32>} : memref<80x128xf32, #tpu.memory_space<vmem>>, vector<1x16xf32>,
        %parallel_loop3A_586 = vector.shape_cast %parallel_loop3A_585 : vector<1x16xf32> to vector<16xf32>
        %parallel_loop3A_587 = vector.shape_cast %parallel_loop3A_580 : vector<16xf32> to vector<1x16xf32>
        tpu.vector_store %arg10[%parallel_loop3A_583, %parallel_loop3A_584], %parallel_loop3A_587 {strides = array<i32>} : memref<80x128xf32, #tpu.memory_space<vmem>>, vector<1x16xf32>,
        %parallel_loop3A_588 = arith.constant 1 : i32
        %parallel_loop3A_589 = arith.addi %parallel_loop3A_379, %parallel_loop3A_588 : i32
        %parallel_loop3A_590 = arith.index_cast %parallel_loop3A_589 : i32 to index
        %parallel_loop3A_591 = arith.constant 80 : index
        %parallel_loop3A_592 = tpu.vector_load %arg10[%parallel_loop3A_590, %parallel_loop3A_591] {strides = array<i32>} : memref<80x128xf32, #tpu.memory_space<vmem>>, vector<1x16xf32>,
        %parallel_loop3A_593 = vector.shape_cast %parallel_loop3A_592 : vector<1x16xf32> to vector<16xf32>
        %parallel_loop3A_594 = arith.constant 0.000000e+00 : f32
        %parallel_loop3A_595 = vector.broadcast %parallel_loop3A_594 : f32 to vector<16xf32>
        %parallel_loop3A_596 = arith.maximumf %parallel_loop3A_593, %parallel_loop3A_595 : vector<16xf32>
        %parallel_loop3A_597 = arith.constant 1 : i32
        %parallel_loop3A_598 = arith.addi %parallel_loop3A_379, %parallel_loop3A_597 : i32
        %parallel_loop3A_599 = arith.index_cast %parallel_loop3A_598 : i32 to index
        %parallel_loop3A_600 = arith.constant 80 : index
        %parallel_loop3A_601 = tpu.vector_load %arg10[%parallel_loop3A_599, %parallel_loop3A_600] {strides = array<i32>} : memref<80x128xf32, #tpu.memory_space<vmem>>, vector<1x16xf32>,
        %parallel_loop3A_602 = vector.shape_cast %parallel_loop3A_601 : vector<1x16xf32> to vector<16xf32>
        %parallel_loop3A_603 = vector.shape_cast %parallel_loop3A_596 : vector<16xf32> to vector<1x16xf32>
        tpu.vector_store %arg10[%parallel_loop3A_599, %parallel_loop3A_600], %parallel_loop3A_603 {strides = array<i32>} : memref<80x128xf32, #tpu.memory_space<vmem>>, vector<1x16xf32>,
        %parallel_loop3A_604 = arith.constant 1 : i32
        %parallel_loop3A_605 = arith.addi %parallel_loop3A_379, %parallel_loop3A_604 : i32
        %parallel_loop3A_606 = arith.index_cast %parallel_loop3A_605 : i32 to index
        %parallel_loop3A_607 = arith.constant 96 : index
        %parallel_loop3A_608 = tpu.vector_load %arg10[%parallel_loop3A_606, %parallel_loop3A_607] {strides = array<i32>} : memref<80x128xf32, #tpu.memory_space<vmem>>, vector<1x16xf32>,
        %parallel_loop3A_609 = vector.shape_cast %parallel_loop3A_608 : vector<1x16xf32> to vector<16xf32>
        %parallel_loop3A_610 = arith.constant 0.000000e+00 : f32
        %parallel_loop3A_611 = vector.broadcast %parallel_loop3A_610 : f32 to vector<16xf32>
        %parallel_loop3A_612 = arith.maximumf %parallel_loop3A_609, %parallel_loop3A_611 : vector<16xf32>
        %parallel_loop3A_613 = arith.constant 1 : i32
        %parallel_loop3A_614 = arith.addi %parallel_loop3A_379, %parallel_loop3A_613 : i32
        %parallel_loop3A_615 = arith.index_cast %parallel_loop3A_614 : i32 to index
        %parallel_loop3A_616 = arith.constant 96 : index
        %parallel_loop3A_617 = tpu.vector_load %arg10[%parallel_loop3A_615, %parallel_loop3A_616] {strides = array<i32>} : memref<80x128xf32, #tpu.memory_space<vmem>>, vector<1x16xf32>,
        %parallel_loop3A_618 = vector.shape_cast %parallel_loop3A_617 : vector<1x16xf32> to vector<16xf32>
        %parallel_loop3A_619 = vector.shape_cast %parallel_loop3A_612 : vector<16xf32> to vector<1x16xf32>
        tpu.vector_store %arg10[%parallel_loop3A_615, %parallel_loop3A_616], %parallel_loop3A_619 {strides = array<i32>} : memref<80x128xf32, #tpu.memory_space<vmem>>, vector<1x16xf32>,
        %parallel_loop3A_620 = arith.constant 1 : i32
        %parallel_loop3A_621 = arith.addi %parallel_loop3A_379, %parallel_loop3A_620 : i32
        %parallel_loop3A_622 = arith.index_cast %parallel_loop3A_621 : i32 to index
        %parallel_loop3A_623 = arith.constant 112 : index
        %parallel_loop3A_624 = tpu.vector_load %arg10[%parallel_loop3A_622, %parallel_loop3A_623] {strides = array<i32>} : memref<80x128xf32, #tpu.memory_space<vmem>>, vector<1x16xf32>,
        %parallel_loop3A_625 = vector.shape_cast %parallel_loop3A_624 : vector<1x16xf32> to vector<16xf32>
        %parallel_loop3A_626 = arith.constant 0.000000e+00 : f32
        %parallel_loop3A_627 = vector.broadcast %parallel_loop3A_626 : f32 to vector<16xf32>
        %parallel_loop3A_628 = arith.maximumf %parallel_loop3A_625, %parallel_loop3A_627 : vector<16xf32>
        %parallel_loop3A_629 = arith.constant 1 : i32
        %parallel_loop3A_630 = arith.addi %parallel_loop3A_379, %parallel_loop3A_629 : i32
        %parallel_loop3A_631 = arith.index_cast %parallel_loop3A_630 : i32 to index
        %parallel_loop3A_632 = arith.constant 112 : index
        %parallel_loop3A_633 = tpu.vector_load %arg10[%parallel_loop3A_631, %parallel_loop3A_632] {strides = array<i32>} : memref<80x128xf32, #tpu.memory_space<vmem>>, vector<1x16xf32>,
        %parallel_loop3A_634 = vector.shape_cast %parallel_loop3A_633 : vector<1x16xf32> to vector<16xf32>
        %parallel_loop3A_635 = vector.shape_cast %parallel_loop3A_628 : vector<16xf32> to vector<1x16xf32>
        tpu.vector_store %arg10[%parallel_loop3A_631, %parallel_loop3A_632], %parallel_loop3A_635 {strides = array<i32>} : memref<80x128xf32, #tpu.memory_space<vmem>>, vector<1x16xf32>,
      } {sc.loop_unroll_factor = 4 : i64, sc.parallel_access}
      %dma_start3A_193 = arith.constant 1 : i32
      %dma_start3A_194 = arith.constant 0 : i32
      %dma_start3A_195 = tpu.memref_slice %arg6[%dma_start3A_193, %dma_start3A_194] : memref<2x80xi32, #tpu.memory_space<vmem>> -> memref<1x80xi32, #tpu.memory_space<vmem>>
      %dma_start3A_196 = tpu.memref_squeeze %dma_start3A_195 : memref<1x80xi32, #tpu.memory_space<vmem>> -> memref<80xi32, #tpu.memory_space<vmem>>
      %dma_start3A_197 = arith.constant 0 : i32
      %dma_start3A_198 = arith.constant 0 : i32
      %dma_start3A_199 = tpu.memref_slice %arg14[%dma_start3A_197, %dma_start3A_198] : memref<10000x128xf32, #tpu.memory_space<vmem_shared>> -> memref<10000x128xf32, #tpu.memory_space<vmem_shared>>
      tpu.enqueue_indirect_dma source(%arg10 : memref<80x128xf32, #tpu.memory_space<vmem>>) target(%dma_start3A_199 : memref<10000x128xf32, #tpu.memory_space<vmem_shared>>) offsets(%dma_start3A_196 : memref<80xi32, #tpu.memory_space<vmem>>) semaphore(%arg27 : memref<!tpu.dma_semaphore, #tpu.memory_space<semaphore_mem>>) {add = true}
      %add3A_200 = arith.constant 1 : i32
      %add3A_201 = arith.addi %mul3A_123, %add3A_200 : i32
      %add3A_202 = arith.constant 2 : i32
      %add3A_203 = arith.addi %add3A_201, %add3A_202 : i32
      %ge3A_204 = arith.constant 4 : i32
      %ge3A_205 = arith.cmpi sge, %add3A_203, %ge3A_204 : i32
      %convert_element_type3A_206 = arith.extui %ge3A_205 : i1 to i32
      %cond3A_207 = arith.constant 0 : i32
      %cond3A_208 = arith.cmpi ne, %convert_element_type3A_206, %cond3A_207 : i32
      scf.if %cond3A_208 {
        %dma_wait3A_379 = arith.constant 1 : i32
        %dma_wait3A_380 = arith.constant 0 : i32
        %dma_wait3A_381 = tpu.memref_slice %arg9[%dma_wait3A_379, %dma_wait3A_380] : memref<2x80xi32, #tpu.memory_space<vmem>> -> memref<1x80xi32, #tpu.memory_space<vmem>>
        %dma_wait3A_382 = tpu.memref_squeeze %dma_wait3A_381 : memref<1x80xi32, #tpu.memory_space<vmem>> -> memref<80xi32, #tpu.memory_space<vmem>>
        %dma_wait3A_383 = arith.constant 0 : i32
        %dma_wait3A_384 = arith.constant 0 : i32
        %dma_wait3A_385 = tpu.memref_slice %arg14[%dma_wait3A_383, %dma_wait3A_384] : memref<10000x128xf32, #tpu.memory_space<vmem_shared>> -> memref<10000x128xf32, #tpu.memory_space<vmem_shared>>
        tpu.wait_indirect_dma semaphore(%arg30 : memref<!tpu.dma_semaphore, #tpu.memory_space<semaphore_mem>>) src(%arg13 : memref<80x128xf32, #tpu.memory_space<vmem>>) dst(%dma_wait3A_385 : memref<10000x128xf32, #tpu.memory_space<vmem_shared>>)
      } else {
      }
      %dma_start3A_209 = arith.constant 0 : i32
      %dma_start3A_210 = arith.constant 0 : i32
      %dma_start3A_211 = tpu.memref_slice %arg3[%arg1, %add3A_203, %dma_start3A_209, %dma_start3A_210] : memref<16x125x2x80xi32, #tpu.memory_space<hbm>> -> memref<1x1x2x80xi32, #tpu.memory_space<hbm>>
      %dma_start3A_212 = tpu.memref_squeeze %dma_start3A_211 : memref<1x1x2x80xi32, #tpu.memory_space<hbm>> -> memref<2x80xi32, #tpu.memory_space<hbm>>
      %dma_start3A_213 = arith.constant 0 : i32
      %dma_start3A_214 = arith.constant 0 : i32
      %dma_start3A_215 = tpu.memref_slice %arg3[%arg1, %add3A_203, %dma_start3A_213, %dma_start3A_214] : memref<16x125x2x80xi32, #tpu.memory_space<hbm>> -> memref<1x1x2x80xi32, #tpu.memory_space<hbm>>
      %dma_start3A_216 = tpu.memref_squeeze %dma_start3A_215 : memref<1x1x2x80xi32, #tpu.memory_space<hbm>> -> memref<2x80xi32, #tpu.memory_space<hbm>>
      tpu.enqueue_dma source(%dma_start3A_216 : memref<2x80xi32, #tpu.memory_space<hbm>>) target(%arg9 : memref<2x80xi32, #tpu.memory_space<vmem>>) target_semaphore(%arg18 : memref<!tpu.dma_semaphore, #tpu.memory_space<semaphore_mem>>)
      %mul3A_217 = arith.constant 10000 : i32
      %mul3A_218 = arith.muli %arg1, %mul3A_217 : i32
      %mul3A_219 = arith.constant 80 : i32
      %mul3A_220 = arith.muli %add3A_203, %mul3A_219 : i32
      %add3A_221 = arith.addi %mul3A_218, %mul3A_220 : i32
      %mul3A_222 = arith.constant 128 : i32
      %mul3A_223 = arith.muli %arg0, %mul3A_222 : i32
      %dma_start3A_224 = tpu.memref_slice %arg4[%add3A_221, %mul3A_223] : memref<160000x256xf32, #tpu.memory_space<hbm>> -> memref<80x128xf32, #tpu.memory_space<hbm>>
      %dma_start3A_225 = tpu.memref_slice %arg4[%add3A_221, %mul3A_223] : memref<160000x256xf32, #tpu.memory_space<hbm>> -> memref<80x128xf32, #tpu.memory_space<hbm>>
      tpu.enqueue_dma source(%dma_start3A_225 : memref<80x128xf32, #tpu.memory_space<hbm>>) target(%arg13 : memref<80x128xf32, #tpu.memory_space<vmem>>) target_semaphore(%arg22 : memref<!tpu.dma_semaphore, #tpu.memory_space<semaphore_mem>>)
      %add3A_226 = arith.constant 1 : i32
      %add3A_227 = arith.addi %add3A_201, %add3A_226 : i32
      %dma_wait3A_228 = arith.constant 0 : i32
      %dma_wait3A_229 = arith.constant 0 : i32
      %dma_wait3A_230 = tpu.memref_slice %arg3[%arg1, %add3A_227, %dma_wait3A_228, %dma_wait3A_229] : memref<16x125x2x80xi32, #tpu.memory_space<hbm>> -> memref<1x1x2x80xi32, #tpu.memory_space<hbm>>
      %dma_wait3A_231 = tpu.memref_squeeze %dma_wait3A_230 : memref<1x1x2x80xi32, #tpu.memory_space<hbm>> -> memref<2x80xi32, #tpu.memory_space<hbm>>
      %dma_wait3A_232 = arith.constant 0 : i32
      %dma_wait3A_233 = arith.constant 0 : i32
      %dma_wait3A_234 = tpu.memref_slice %arg3[%arg1, %add3A_227, %dma_wait3A_232, %dma_wait3A_233] : memref<16x125x2x80xi32, #tpu.memory_space<hbm>> -> memref<1x1x2x80xi32, #tpu.memory_space<hbm>>
      %dma_wait3A_235 = tpu.memref_squeeze %dma_wait3A_234 : memref<1x1x2x80xi32, #tpu.memory_space<hbm>> -> memref<2x80xi32, #tpu.memory_space<hbm>>
      tpu.wait_dma2 semaphore(%arg17 : memref<!tpu.dma_semaphore, #tpu.memory_space<semaphore_mem>>) src(%dma_wait3A_235 : memref<2x80xi32, #tpu.memory_space<hbm>>) dst(%arg8 : memref<2x80xi32, #tpu.memory_space<vmem>>)
      %mul3A_236 = arith.constant 10000 : i32
      %mul3A_237 = arith.muli %arg1, %mul3A_236 : i32
      %mul3A_238 = arith.constant 80 : i32
      %mul3A_239 = arith.muli %add3A_227, %mul3A_238 : i32
      %add3A_240 = arith.addi %mul3A_237, %mul3A_239 : i32
      %mul3A_241 = arith.constant 128 : i32
      %mul3A_242 = arith.muli %arg0, %mul3A_241 : i32
      %dma_wait3A_243 = tpu.memref_slice %arg4[%add3A_240, %mul3A_242] : memref<160000x256xf32, #tpu.memory_space<hbm>> -> memref<80x128xf32, #tpu.memory_space<hbm>>
      %dma_wait3A_244 = tpu.memref_slice %arg4[%add3A_240, %mul3A_242] : memref<160000x256xf32, #tpu.memory_space<hbm>> -> memref<80x128xf32, #tpu.memory_space<hbm>>
      tpu.wait_dma2 semaphore(%arg21 : memref<!tpu.dma_semaphore, #tpu.memory_space<semaphore_mem>>) src(%dma_wait3A_244 : memref<80x128xf32, #tpu.memory_space<hbm>>) dst(%arg12 : memref<80x128xf32, #tpu.memory_space<vmem>>)
      %dma_start3A_245 = arith.constant 0 : i32
      %dma_start3A_246 = arith.constant 0 : i32
      %dma_start3A_247 = tpu.memref_slice %arg8[%dma_start3A_245, %dma_start3A_246] : memref<2x80xi32, #tpu.memory_space<vmem>> -> memref<1x80xi32, #tpu.memory_space<vmem>>
      %dma_start3A_248 = tpu.memref_squeeze %dma_start3A_247 : memref<1x80xi32, #tpu.memory_space<vmem>> -> memref<80xi32, #tpu.memory_space<vmem>>
      %dma_start3A_249 = arith.constant 0 : i32
      %dma_start3A_250 = arith.constant 0 : i32
      %dma_start3A_251 = tpu.memref_slice %arg2[%arg0, %dma_start3A_249, %dma_start3A_250] : memref<2x10000x128xf32, #tpu.memory_space<hbm>> -> memref<1x10000x128xf32, #tpu.memory_space<hbm>>
      %dma_start3A_252 = tpu.memref_squeeze %dma_start3A_251 : memref<1x10000x128xf32, #tpu.memory_space<hbm>> -> memref<10000x128xf32, #tpu.memory_space<hbm>>
      %dma_start3A_253 = arith.constant 0 : i32
      %dma_start3A_254 = arith.constant 0 : i32
      %dma_start3A_255 = tpu.memref_slice %dma_start3A_252[%dma_start3A_253, %dma_start3A_254] : memref<10000x128xf32, #tpu.memory_space<hbm>> -> memref<10000x128xf32, #tpu.memory_space<hbm>>
      tpu.enqueue_indirect_dma source(%dma_start3A_255 : memref<10000x128xf32, #tpu.memory_space<hbm>>) target(%arg12 : memref<80x128xf32, #tpu.memory_space<vmem>>) offsets(%dma_start3A_248 : memref<80xi32, #tpu.memory_space<vmem>>) semaphore(%arg25 : memref<!tpu.dma_semaphore, #tpu.memory_space<semaphore_mem>>) {add = true}
      %dma_wait3A_256 = arith.constant 0 : i32
      %dma_wait3A_257 = arith.constant 0 : i32
      %dma_wait3A_258 = tpu.memref_slice %arg7[%dma_wait3A_256, %dma_wait3A_257] : memref<2x80xi32, #tpu.memory_space<vmem>> -> memref<1x80xi32, #tpu.memory_space<vmem>>
      %dma_wait3A_259 = tpu.memref_squeeze %dma_wait3A_258 : memref<1x80xi32, #tpu.memory_space<vmem>> -> memref<80xi32, #tpu.memory_space<vmem>>
      %dma_wait3A_260 = arith.constant 0 : i32
      %dma_wait3A_261 = arith.constant 0 : i32
      %dma_wait3A_262 = tpu.memref_slice %arg2[%arg0, %dma_wait3A_260, %dma_wait3A_261] : memref<2x10000x128xf32, #tpu.memory_space<hbm>> -> memref<1x10000x128xf32, #tpu.memory_space<hbm>>
      %dma_wait3A_263 = tpu.memref_squeeze %dma_wait3A_262 : memref<1x10000x128xf32, #tpu.memory_space<hbm>> -> memref<10000x128xf32, #tpu.memory_space<hbm>>
      %dma_wait3A_264 = arith.constant 0 : i32
      %dma_wait3A_265 = arith.constant 0 : i32
      %dma_wait3A_266 = tpu.memref_slice %dma_wait3A_263[%dma_wait3A_264, %dma_wait3A_265] : memref<10000x128xf32, #tpu.memory_space<hbm>> -> memref<10000x128xf32, #tpu.memory_space<hbm>>
      tpu.wait_indirect_dma semaphore(%arg24 : memref<!tpu.dma_semaphore, #tpu.memory_space<semaphore_mem>>) src(%dma_wait3A_266 : memref<10000x128xf32, #tpu.memory_space<hbm>>) dst(%arg11 : memref<80x128xf32, #tpu.memory_space<vmem>>)
      %parallel_loop3A_267 = arith.constant 0 : i32
      %parallel_loop3A_268 = arith.constant 80 : i32
      %parallel_loop3A_269 = arith.constant 2 : i32
      scf.for %parallel_loop3A_379 = %parallel_loop3A_267 to %parallel_loop3A_268 step %parallel_loop3A_269  : i32 {
        %parallel_loop3A_380 = arith.constant 0 : i32
        %parallel_loop3A_381 = arith.addi %parallel_loop3A_379, %parallel_loop3A_380 : i32
        %parallel_loop3A_382 = arith.index_cast %parallel_loop3A_381 : i32 to index
        %parallel_loop3A_383 = arith.constant 0 : index
        %parallel_loop3A_384 = tpu.vector_load %arg11[%parallel_loop3A_382, %parallel_loop3A_383] {strides = array<i32>} : memref<80x128xf32, #tpu.memory_space<vmem>>, vector<1x16xf32>,
        %parallel_loop3A_385 = vector.shape_cast %parallel_loop3A_384 : vector<1x16xf32> to vector<16xf32>
        %parallel_loop3A_386 = arith.constant 0.000000e+00 : f32
        %parallel_loop3A_387 = vector.broadcast %parallel_loop3A_386 : f32 to vector<16xf32>
        %parallel_loop3A_388 = arith.maximumf %parallel_loop3A_385, %parallel_loop3A_387 : vector<16xf32>
        %parallel_loop3A_389 = arith.constant 0 : i32
        %parallel_loop3A_390 = arith.addi %parallel_loop3A_379, %parallel_loop3A_389 : i32
        %parallel_loop3A_391 = arith.index_cast %parallel_loop3A_390 : i32 to index
        %parallel_loop3A_392 = arith.constant 0 : index
        %parallel_loop3A_393 = tpu.vector_load %arg11[%parallel_loop3A_391, %parallel_loop3A_392] {strides = array<i32>} : memref<80x128xf32, #tpu.memory_space<vmem>>, vector<1x16xf32>,
        %parallel_loop3A_394 = vector.shape_cast %parallel_loop3A_393 : vector<1x16xf32> to vector<16xf32>
        %parallel_loop3A_395 = vector.shape_cast %parallel_loop3A_388 : vector<16xf32> to vector<1x16xf32>
        tpu.vector_store %arg11[%parallel_loop3A_391, %parallel_loop3A_392], %parallel_loop3A_395 {strides = array<i32>} : memref<80x128xf32, #tpu.memory_space<vmem>>, vector<1x16xf32>,
        %parallel_loop3A_396 = arith.constant 0 : i32
        %parallel_loop3A_397 = arith.addi %parallel_loop3A_379, %parallel_loop3A_396 : i32
        %parallel_loop3A_398 = arith.index_cast %parallel_loop3A_397 : i32 to index
        %parallel_loop3A_399 = arith.constant 16 : index
        %parallel_loop3A_400 = tpu.vector_load %arg11[%parallel_loop3A_398, %parallel_loop3A_399] {strides = array<i32>} : memref<80x128xf32, #tpu.memory_space<vmem>>, vector<1x16xf32>,
        %parallel_loop3A_401 = vector.shape_cast %parallel_loop3A_400 : vector<1x16xf32> to vector<16xf32>
        %parallel_loop3A_402 = arith.constant 0.000000e+00 : f32
        %parallel_loop3A_403 = vector.broadcast %parallel_loop3A_402 : f32 to vector<16xf32>
        %parallel_loop3A_404 = arith.maximumf %parallel_loop3A_401, %parallel_loop3A_403 : vector<16xf32>
        %parallel_loop3A_405 = arith.constant 0 : i32
        %parallel_loop3A_406 = arith.addi %parallel_loop3A_379, %parallel_loop3A_405 : i32
        %parallel_loop3A_407 = arith.index_cast %parallel_loop3A_406 : i32 to index
        %parallel_loop3A_408 = arith.constant 16 : index
        %parallel_loop3A_409 = tpu.vector_load %arg11[%parallel_loop3A_407, %parallel_loop3A_408] {strides = array<i32>} : memref<80x128xf32, #tpu.memory_space<vmem>>, vector<1x16xf32>,
        %parallel_loop3A_410 = vector.shape_cast %parallel_loop3A_409 : vector<1x16xf32> to vector<16xf32>
        %parallel_loop3A_411 = vector.shape_cast %parallel_loop3A_404 : vector<16xf32> to vector<1x16xf32>
        tpu.vector_store %arg11[%parallel_loop3A_407, %parallel_loop3A_408], %parallel_loop3A_411 {strides = array<i32>} : memref<80x128xf32, #tpu.memory_space<vmem>>, vector<1x16xf32>,
        %parallel_loop3A_412 = arith.constant 0 : i32
        %parallel_loop3A_413 = arith.addi %parallel_loop3A_379, %parallel_loop3A_412 : i32
        %parallel_loop3A_414 = arith.index_cast %parallel_loop3A_413 : i32 to index
        %parallel_loop3A_415 = arith.constant 32 : index
        %parallel_loop3A_416 = tpu.vector_load %arg11[%parallel_loop3A_414, %parallel_loop3A_415] {strides = array<i32>} : memref<80x128xf32, #tpu.memory_space<vmem>>, vector<1x16xf32>,
        %parallel_loop3A_417 = vector.shape_cast %parallel_loop3A_416 : vector<1x16xf32> to vector<16xf32>
        %parallel_loop3A_418 = arith.constant 0.000000e+00 : f32
        %parallel_loop3A_419 = vector.broadcast %parallel_loop3A_418 : f32 to vector<16xf32>
        %parallel_loop3A_420 = arith.maximumf %parallel_loop3A_417, %parallel_loop3A_419 : vector<16xf32>
        %parallel_loop3A_421 = arith.constant 0 : i32
        %parallel_loop3A_422 = arith.addi %parallel_loop3A_379, %parallel_loop3A_421 : i32
        %parallel_loop3A_423 = arith.index_cast %parallel_loop3A_422 : i32 to index
        %parallel_loop3A_424 = arith.constant 32 : index
        %parallel_loop3A_425 = tpu.vector_load %arg11[%parallel_loop3A_423, %parallel_loop3A_424] {strides = array<i32>} : memref<80x128xf32, #tpu.memory_space<vmem>>, vector<1x16xf32>,
        %parallel_loop3A_426 = vector.shape_cast %parallel_loop3A_425 : vector<1x16xf32> to vector<16xf32>
        %parallel_loop3A_427 = vector.shape_cast %parallel_loop3A_420 : vector<16xf32> to vector<1x16xf32>
        tpu.vector_store %arg11[%parallel_loop3A_423, %parallel_loop3A_424], %parallel_loop3A_427 {strides = array<i32>} : memref<80x128xf32, #tpu.memory_space<vmem>>, vector<1x16xf32>,
        %parallel_loop3A_428 = arith.constant 0 : i32
        %parallel_loop3A_429 = arith.addi %parallel_loop3A_379, %parallel_loop3A_428 : i32
        %parallel_loop3A_430 = arith.index_cast %parallel_loop3A_429 : i32 to index
        %parallel_loop3A_431 = arith.constant 48 : index
        %parallel_loop3A_432 = tpu.vector_load %arg11[%parallel_loop3A_430, %parallel_loop3A_431] {strides = array<i32>} : memref<80x128xf32, #tpu.memory_space<vmem>>, vector<1x16xf32>,
        %parallel_loop3A_433 = vector.shape_cast %parallel_loop3A_432 : vector<1x16xf32> to vector<16xf32>
        %parallel_loop3A_434 = arith.constant 0.000000e+00 : f32
        %parallel_loop3A_435 = vector.broadcast %parallel_loop3A_434 : f32 to vector<16xf32>
        %parallel_loop3A_436 = arith.maximumf %parallel_loop3A_433, %parallel_loop3A_435 : vector<16xf32>
        %parallel_loop3A_437 = arith.constant 0 : i32
        %parallel_loop3A_438 = arith.addi %parallel_loop3A_379, %parallel_loop3A_437 : i32
        %parallel_loop3A_439 = arith.index_cast %parallel_loop3A_438 : i32 to index
        %parallel_loop3A_440 = arith.constant 48 : index
        %parallel_loop3A_441 = tpu.vector_load %arg11[%parallel_loop3A_439, %parallel_loop3A_440] {strides = array<i32>} : memref<80x128xf32, #tpu.memory_space<vmem>>, vector<1x16xf32>,
        %parallel_loop3A_442 = vector.shape_cast %parallel_loop3A_441 : vector<1x16xf32> to vector<16xf32>
        %parallel_loop3A_443 = vector.shape_cast %parallel_loop3A_436 : vector<16xf32> to vector<1x16xf32>
        tpu.vector_store %arg11[%parallel_loop3A_439, %parallel_loop3A_440], %parallel_loop3A_443 {strides = array<i32>} : memref<80x128xf32, #tpu.memory_space<vmem>>, vector<1x16xf32>,
        %parallel_loop3A_444 = arith.constant 0 : i32
        %parallel_loop3A_445 = arith.addi %parallel_loop3A_379, %parallel_loop3A_444 : i32
        %parallel_loop3A_446 = arith.index_cast %parallel_loop3A_445 : i32 to index
        %parallel_loop3A_447 = arith.constant 64 : index
        %parallel_loop3A_448 = tpu.vector_load %arg11[%parallel_loop3A_446, %parallel_loop3A_447] {strides = array<i32>} : memref<80x128xf32, #tpu.memory_space<vmem>>, vector<1x16xf32>,
        %parallel_loop3A_449 = vector.shape_cast %parallel_loop3A_448 : vector<1x16xf32> to vector<16xf32>
        %parallel_loop3A_450 = arith.constant 0.000000e+00 : f32
        %parallel_loop3A_451 = vector.broadcast %parallel_loop3A_450 : f32 to vector<16xf32>
        %parallel_loop3A_452 = arith.maximumf %parallel_loop3A_449, %parallel_loop3A_451 : vector<16xf32>
        %parallel_loop3A_453 = arith.constant 0 : i32
        %parallel_loop3A_454 = arith.addi %parallel_loop3A_379, %parallel_loop3A_453 : i32
        %parallel_loop3A_455 = arith.index_cast %parallel_loop3A_454 : i32 to index
        %parallel_loop3A_456 = arith.constant 64 : index
        %parallel_loop3A_457 = tpu.vector_load %arg11[%parallel_loop3A_455, %parallel_loop3A_456] {strides = array<i32>} : memref<80x128xf32, #tpu.memory_space<vmem>>, vector<1x16xf32>,
        %parallel_loop3A_458 = vector.shape_cast %parallel_loop3A_457 : vector<1x16xf32> to vector<16xf32>
        %parallel_loop3A_459 = vector.shape_cast %parallel_loop3A_452 : vector<16xf32> to vector<1x16xf32>
        tpu.vector_store %arg11[%parallel_loop3A_455, %parallel_loop3A_456], %parallel_loop3A_459 {strides = array<i32>} : memref<80x128xf32, #tpu.memory_space<vmem>>, vector<1x16xf32>,
        %parallel_loop3A_460 = arith.constant 0 : i32
        %parallel_loop3A_461 = arith.addi %parallel_loop3A_379, %parallel_loop3A_460 : i32
        %parallel_loop3A_462 = arith.index_cast %parallel_loop3A_461 : i32 to index
        %parallel_loop3A_463 = arith.constant 80 : index
        %parallel_loop3A_464 = tpu.vector_load %arg11[%parallel_loop3A_462, %parallel_loop3A_463] {strides = array<i32>} : memref<80x128xf32, #tpu.memory_space<vmem>>, vector<1x16xf32>,
        %parallel_loop3A_465 = vector.shape_cast %parallel_loop3A_464 : vector<1x16xf32> to vector<16xf32>
        %parallel_loop3A_466 = arith.constant 0.000000e+00 : f32
        %parallel_loop3A_467 = vector.broadcast %parallel_loop3A_466 : f32 to vector<16xf32>
        %parallel_loop3A_468 = arith.maximumf %parallel_loop3A_465, %parallel_loop3A_467 : vector<16xf32>
        %parallel_loop3A_469 = arith.constant 0 : i32
        %parallel_loop3A_470 = arith.addi %parallel_loop3A_379, %parallel_loop3A_469 : i32
        %parallel_loop3A_471 = arith.index_cast %parallel_loop3A_470 : i32 to index
        %parallel_loop3A_472 = arith.constant 80 : index
        %parallel_loop3A_473 = tpu.vector_load %arg11[%parallel_loop3A_471, %parallel_loop3A_472] {strides = array<i32>} : memref<80x128xf32, #tpu.memory_space<vmem>>, vector<1x16xf32>,
        %parallel_loop3A_474 = vector.shape_cast %parallel_loop3A_473 : vector<1x16xf32> to vector<16xf32>
        %parallel_loop3A_475 = vector.shape_cast %parallel_loop3A_468 : vector<16xf32> to vector<1x16xf32>
        tpu.vector_store %arg11[%parallel_loop3A_471, %parallel_loop3A_472], %parallel_loop3A_475 {strides = array<i32>} : memref<80x128xf32, #tpu.memory_space<vmem>>, vector<1x16xf32>,
        %parallel_loop3A_476 = arith.constant 0 : i32
        %parallel_loop3A_477 = arith.addi %parallel_loop3A_379, %parallel_loop3A_476 : i32
        %parallel_loop3A_478 = arith.index_cast %parallel_loop3A_477 : i32 to index
        %parallel_loop3A_479 = arith.constant 96 : index
        %parallel_loop3A_480 = tpu.vector_load %arg11[%parallel_loop3A_478, %parallel_loop3A_479] {strides = array<i32>} : memref<80x128xf32, #tpu.memory_space<vmem>>, vector<1x16xf32>,
        %parallel_loop3A_481 = vector.shape_cast %parallel_loop3A_480 : vector<1x16xf32> to vector<16xf32>
        %parallel_loop3A_482 = arith.constant 0.000000e+00 : f32
        %parallel_loop3A_483 = vector.broadcast %parallel_loop3A_482 : f32 to vector<16xf32>
        %parallel_loop3A_484 = arith.maximumf %parallel_loop3A_481, %parallel_loop3A_483 : vector<16xf32>
        %parallel_loop3A_485 = arith.constant 0 : i32
        %parallel_loop3A_486 = arith.addi %parallel_loop3A_379, %parallel_loop3A_485 : i32
        %parallel_loop3A_487 = arith.index_cast %parallel_loop3A_486 : i32 to index
        %parallel_loop3A_488 = arith.constant 96 : index
        %parallel_loop3A_489 = tpu.vector_load %arg11[%parallel_loop3A_487, %parallel_loop3A_488] {strides = array<i32>} : memref<80x128xf32, #tpu.memory_space<vmem>>, vector<1x16xf32>,
        %parallel_loop3A_490 = vector.shape_cast %parallel_loop3A_489 : vector<1x16xf32> to vector<16xf32>
        %parallel_loop3A_491 = vector.shape_cast %parallel_loop3A_484 : vector<16xf32> to vector<1x16xf32>
        tpu.vector_store %arg11[%parallel_loop3A_487, %parallel_loop3A_488], %parallel_loop3A_491 {strides = array<i32>} : memref<80x128xf32, #tpu.memory_space<vmem>>, vector<1x16xf32>,
        %parallel_loop3A_492 = arith.constant 0 : i32
        %parallel_loop3A_493 = arith.addi %parallel_loop3A_379, %parallel_loop3A_492 : i32
        %parallel_loop3A_494 = arith.index_cast %parallel_loop3A_493 : i32 to index
        %parallel_loop3A_495 = arith.constant 112 : index
        %parallel_loop3A_496 = tpu.vector_load %arg11[%parallel_loop3A_494, %parallel_loop3A_495] {strides = array<i32>} : memref<80x128xf32, #tpu.memory_space<vmem>>, vector<1x16xf32>,
        %parallel_loop3A_497 = vector.shape_cast %parallel_loop3A_496 : vector<1x16xf32> to vector<16xf32>
        %parallel_loop3A_498 = arith.constant 0.000000e+00 : f32
        %parallel_loop3A_499 = vector.broadcast %parallel_loop3A_498 : f32 to vector<16xf32>
        %parallel_loop3A_500 = arith.maximumf %parallel_loop3A_497, %parallel_loop3A_499 : vector<16xf32>
        %parallel_loop3A_501 = arith.constant 0 : i32
        %parallel_loop3A_502 = arith.addi %parallel_loop3A_379, %parallel_loop3A_501 : i32
        %parallel_loop3A_503 = arith.index_cast %parallel_loop3A_502 : i32 to index
        %parallel_loop3A_504 = arith.constant 112 : index
        %parallel_loop3A_505 = tpu.vector_load %arg11[%parallel_loop3A_503, %parallel_loop3A_504] {strides = array<i32>} : memref<80x128xf32, #tpu.memory_space<vmem>>, vector<1x16xf32>,
        %parallel_loop3A_506 = vector.shape_cast %parallel_loop3A_505 : vector<1x16xf32> to vector<16xf32>
        %parallel_loop3A_507 = vector.shape_cast %parallel_loop3A_500 : vector<16xf32> to vector<1x16xf32>
        tpu.vector_store %arg11[%parallel_loop3A_503, %parallel_loop3A_504], %parallel_loop3A_507 {strides = array<i32>} : memref<80x128xf32, #tpu.memory_space<vmem>>, vector<1x16xf32>,
        %parallel_loop3A_508 = arith.constant 1 : i32
        %parallel_loop3A_509 = arith.addi %parallel_loop3A_379, %parallel_loop3A_508 : i32
        %parallel_loop3A_510 = arith.index_cast %parallel_loop3A_509 : i32 to index
        %parallel_loop3A_511 = arith.constant 0 : index
        %parallel_loop3A_512 = tpu.vector_load %arg11[%parallel_loop3A_510, %parallel_loop3A_511] {strides = array<i32>} : memref<80x128xf32, #tpu.memory_space<vmem>>, vector<1x16xf32>,
        %parallel_loop3A_513 = vector.shape_cast %parallel_loop3A_512 : vector<1x16xf32> to vector<16xf32>
        %parallel_loop3A_514 = arith.constant 0.000000e+00 : f32
        %parallel_loop3A_515 = vector.broadcast %parallel_loop3A_514 : f32 to vector<16xf32>
        %parallel_loop3A_516 = arith.maximumf %parallel_loop3A_513, %parallel_loop3A_515 : vector<16xf32>
        %parallel_loop3A_517 = arith.constant 1 : i32
        %parallel_loop3A_518 = arith.addi %parallel_loop3A_379, %parallel_loop3A_517 : i32
        %parallel_loop3A_519 = arith.index_cast %parallel_loop3A_518 : i32 to index
        %parallel_loop3A_520 = arith.constant 0 : index
        %parallel_loop3A_521 = tpu.vector_load %arg11[%parallel_loop3A_519, %parallel_loop3A_520] {strides = array<i32>} : memref<80x128xf32, #tpu.memory_space<vmem>>, vector<1x16xf32>,
        %parallel_loop3A_522 = vector.shape_cast %parallel_loop3A_521 : vector<1x16xf32> to vector<16xf32>
        %parallel_loop3A_523 = vector.shape_cast %parallel_loop3A_516 : vector<16xf32> to vector<1x16xf32>
        tpu.vector_store %arg11[%parallel_loop3A_519, %parallel_loop3A_520], %parallel_loop3A_523 {strides = array<i32>} : memref<80x128xf32, #tpu.memory_space<vmem>>, vector<1x16xf32>,
        %parallel_loop3A_524 = arith.constant 1 : i32
        %parallel_loop3A_525 = arith.addi %parallel_loop3A_379, %parallel_loop3A_524 : i32
        %parallel_loop3A_526 = arith.index_cast %parallel_loop3A_525 : i32 to index
        %parallel_loop3A_527 = arith.constant 16 : index
        %parallel_loop3A_528 = tpu.vector_load %arg11[%parallel_loop3A_526, %parallel_loop3A_527] {strides = array<i32>} : memref<80x128xf32, #tpu.memory_space<vmem>>, vector<1x16xf32>,
        %parallel_loop3A_529 = vector.shape_cast %parallel_loop3A_528 : vector<1x16xf32> to vector<16xf32>
        %parallel_loop3A_530 = arith.constant 0.000000e+00 : f32
        %parallel_loop3A_531 = vector.broadcast %parallel_loop3A_530 : f32 to vector<16xf32>
        %parallel_loop3A_532 = arith.maximumf %parallel_loop3A_529, %parallel_loop3A_531 : vector<16xf32>
        %parallel_loop3A_533 = arith.constant 1 : i32
        %parallel_loop3A_534 = arith.addi %parallel_loop3A_379, %parallel_loop3A_533 : i32
        %parallel_loop3A_535 = arith.index_cast %parallel_loop3A_534 : i32 to index
        %parallel_loop3A_536 = arith.constant 16 : index
        %parallel_loop3A_537 = tpu.vector_load %arg11[%parallel_loop3A_535, %parallel_loop3A_536] {strides = array<i32>} : memref<80x128xf32, #tpu.memory_space<vmem>>, vector<1x16xf32>,
        %parallel_loop3A_538 = vector.shape_cast %parallel_loop3A_537 : vector<1x16xf32> to vector<16xf32>
        %parallel_loop3A_539 = vector.shape_cast %parallel_loop3A_532 : vector<16xf32> to vector<1x16xf32>
        tpu.vector_store %arg11[%parallel_loop3A_535, %parallel_loop3A_536], %parallel_loop3A_539 {strides = array<i32>} : memref<80x128xf32, #tpu.memory_space<vmem>>, vector<1x16xf32>,
        %parallel_loop3A_540 = arith.constant 1 : i32
        %parallel_loop3A_541 = arith.addi %parallel_loop3A_379, %parallel_loop3A_540 : i32
        %parallel_loop3A_542 = arith.index_cast %parallel_loop3A_541 : i32 to index
        %parallel_loop3A_543 = arith.constant 32 : index
        %parallel_loop3A_544 = tpu.vector_load %arg11[%parallel_loop3A_542, %parallel_loop3A_543] {strides = array<i32>} : memref<80x128xf32, #tpu.memory_space<vmem>>, vector<1x16xf32>,
        %parallel_loop3A_545 = vector.shape_cast %parallel_loop3A_544 : vector<1x16xf32> to vector<16xf32>
        %parallel_loop3A_546 = arith.constant 0.000000e+00 : f32
        %parallel_loop3A_547 = vector.broadcast %parallel_loop3A_546 : f32 to vector<16xf32>
        %parallel_loop3A_548 = arith.maximumf %parallel_loop3A_545, %parallel_loop3A_547 : vector<16xf32>
        %parallel_loop3A_549 = arith.constant 1 : i32
        %parallel_loop3A_550 = arith.addi %parallel_loop3A_379, %parallel_loop3A_549 : i32
        %parallel_loop3A_551 = arith.index_cast %parallel_loop3A_550 : i32 to index
        %parallel_loop3A_552 = arith.constant 32 : index
        %parallel_loop3A_553 = tpu.vector_load %arg11[%parallel_loop3A_551, %parallel_loop3A_552] {strides = array<i32>} : memref<80x128xf32, #tpu.memory_space<vmem>>, vector<1x16xf32>,
        %parallel_loop3A_554 = vector.shape_cast %parallel_loop3A_553 : vector<1x16xf32> to vector<16xf32>
        %parallel_loop3A_555 = vector.shape_cast %parallel_loop3A_548 : vector<16xf32> to vector<1x16xf32>
        tpu.vector_store %arg11[%parallel_loop3A_551, %parallel_loop3A_552], %parallel_loop3A_555 {strides = array<i32>} : memref<80x128xf32, #tpu.memory_space<vmem>>, vector<1x16xf32>,
        %parallel_loop3A_556 = arith.constant 1 : i32
        %parallel_loop3A_557 = arith.addi %parallel_loop3A_379, %parallel_loop3A_556 : i32
        %parallel_loop3A_558 = arith.index_cast %parallel_loop3A_557 : i32 to index
        %parallel_loop3A_559 = arith.constant 48 : index
        %parallel_loop3A_560 = tpu.vector_load %arg11[%parallel_loop3A_558, %parallel_loop3A_559] {strides = array<i32>} : memref<80x128xf32, #tpu.memory_space<vmem>>, vector<1x16xf32>,
        %parallel_loop3A_561 = vector.shape_cast %parallel_loop3A_560 : vector<1x16xf32> to vector<16xf32>
        %parallel_loop3A_562 = arith.constant 0.000000e+00 : f32
        %parallel_loop3A_563 = vector.broadcast %parallel_loop3A_562 : f32 to vector<16xf32>
        %parallel_loop3A_564 = arith.maximumf %parallel_loop3A_561, %parallel_loop3A_563 : vector<16xf32>
        %parallel_loop3A_565 = arith.constant 1 : i32
        %parallel_loop3A_566 = arith.addi %parallel_loop3A_379, %parallel_loop3A_565 : i32
        %parallel_loop3A_567 = arith.index_cast %parallel_loop3A_566 : i32 to index
        %parallel_loop3A_568 = arith.constant 48 : index
        %parallel_loop3A_569 = tpu.vector_load %arg11[%parallel_loop3A_567, %parallel_loop3A_568] {strides = array<i32>} : memref<80x128xf32, #tpu.memory_space<vmem>>, vector<1x16xf32>,
        %parallel_loop3A_570 = vector.shape_cast %parallel_loop3A_569 : vector<1x16xf32> to vector<16xf32>
        %parallel_loop3A_571 = vector.shape_cast %parallel_loop3A_564 : vector<16xf32> to vector<1x16xf32>
        tpu.vector_store %arg11[%parallel_loop3A_567, %parallel_loop3A_568], %parallel_loop3A_571 {strides = array<i32>} : memref<80x128xf32, #tpu.memory_space<vmem>>, vector<1x16xf32>,
        %parallel_loop3A_572 = arith.constant 1 : i32
        %parallel_loop3A_573 = arith.addi %parallel_loop3A_379, %parallel_loop3A_572 : i32
        %parallel_loop3A_574 = arith.index_cast %parallel_loop3A_573 : i32 to index
        %parallel_loop3A_575 = arith.constant 64 : index
        %parallel_loop3A_576 = tpu.vector_load %arg11[%parallel_loop3A_574, %parallel_loop3A_575] {strides = array<i32>} : memref<80x128xf32, #tpu.memory_space<vmem>>, vector<1x16xf32>,
        %parallel_loop3A_577 = vector.shape_cast %parallel_loop3A_576 : vector<1x16xf32> to vector<16xf32>
        %parallel_loop3A_578 = arith.constant 0.000000e+00 : f32
        %parallel_loop3A_579 = vector.broadcast %parallel_loop3A_578 : f32 to vector<16xf32>
        %parallel_loop3A_580 = arith.maximumf %parallel_loop3A_577, %parallel_loop3A_579 : vector<16xf32>
        %parallel_loop3A_581 = arith.constant 1 : i32
        %parallel_loop3A_582 = arith.addi %parallel_loop3A_379, %parallel_loop3A_581 : i32
        %parallel_loop3A_583 = arith.index_cast %parallel_loop3A_582 : i32 to index
        %parallel_loop3A_584 = arith.constant 64 : index
        %parallel_loop3A_585 = tpu.vector_load %arg11[%parallel_loop3A_583, %parallel_loop3A_584] {strides = array<i32>} : memref<80x128xf32, #tpu.memory_space<vmem>>, vector<1x16xf32>,
        %parallel_loop3A_586 = vector.shape_cast %parallel_loop3A_585 : vector<1x16xf32> to vector<16xf32>
        %parallel_loop3A_587 = vector.shape_cast %parallel_loop3A_580 : vector<16xf32> to vector<1x16xf32>
        tpu.vector_store %arg11[%parallel_loop3A_583, %parallel_loop3A_584], %parallel_loop3A_587 {strides = array<i32>} : memref<80x128xf32, #tpu.memory_space<vmem>>, vector<1x16xf32>,
        %parallel_loop3A_588 = arith.constant 1 : i32
        %parallel_loop3A_589 = arith.addi %parallel_loop3A_379, %parallel_loop3A_588 : i32
        %parallel_loop3A_590 = arith.index_cast %parallel_loop3A_589 : i32 to index
        %parallel_loop3A_591 = arith.constant 80 : index
        %parallel_loop3A_592 = tpu.vector_load %arg11[%parallel_loop3A_590, %parallel_loop3A_591] {strides = array<i32>} : memref<80x128xf32, #tpu.memory_space<vmem>>, vector<1x16xf32>,
        %parallel_loop3A_593 = vector.shape_cast %parallel_loop3A_592 : vector<1x16xf32> to vector<16xf32>
        %parallel_loop3A_594 = arith.constant 0.000000e+00 : f32
        %parallel_loop3A_595 = vector.broadcast %parallel_loop3A_594 : f32 to vector<16xf32>
        %parallel_loop3A_596 = arith.maximumf %parallel_loop3A_593, %parallel_loop3A_595 : vector<16xf32>
        %parallel_loop3A_597 = arith.constant 1 : i32
        %parallel_loop3A_598 = arith.addi %parallel_loop3A_379, %parallel_loop3A_597 : i32
        %parallel_loop3A_599 = arith.index_cast %parallel_loop3A_598 : i32 to index
        %parallel_loop3A_600 = arith.constant 80 : index
        %parallel_loop3A_601 = tpu.vector_load %arg11[%parallel_loop3A_599, %parallel_loop3A_600] {strides = array<i32>} : memref<80x128xf32, #tpu.memory_space<vmem>>, vector<1x16xf32>,
        %parallel_loop3A_602 = vector.shape_cast %parallel_loop3A_601 : vector<1x16xf32> to vector<16xf32>
        %parallel_loop3A_603 = vector.shape_cast %parallel_loop3A_596 : vector<16xf32> to vector<1x16xf32>
        tpu.vector_store %arg11[%parallel_loop3A_599, %parallel_loop3A_600], %parallel_loop3A_603 {strides = array<i32>} : memref<80x128xf32, #tpu.memory_space<vmem>>, vector<1x16xf32>,
        %parallel_loop3A_604 = arith.constant 1 : i32
        %parallel_loop3A_605 = arith.addi %parallel_loop3A_379, %parallel_loop3A_604 : i32
        %parallel_loop3A_606 = arith.index_cast %parallel_loop3A_605 : i32 to index
        %parallel_loop3A_607 = arith.constant 96 : index
        %parallel_loop3A_608 = tpu.vector_load %arg11[%parallel_loop3A_606, %parallel_loop3A_607] {strides = array<i32>} : memref<80x128xf32, #tpu.memory_space<vmem>>, vector<1x16xf32>,
        %parallel_loop3A_609 = vector.shape_cast %parallel_loop3A_608 : vector<1x16xf32> to vector<16xf32>
        %parallel_loop3A_610 = arith.constant 0.000000e+00 : f32
        %parallel_loop3A_611 = vector.broadcast %parallel_loop3A_610 : f32 to vector<16xf32>
        %parallel_loop3A_612 = arith.maximumf %parallel_loop3A_609, %parallel_loop3A_611 : vector<16xf32>
        %parallel_loop3A_613 = arith.constant 1 : i32
        %parallel_loop3A_614 = arith.addi %parallel_loop3A_379, %parallel_loop3A_613 : i32
        %parallel_loop3A_615 = arith.index_cast %parallel_loop3A_614 : i32 to index
        %parallel_loop3A_616 = arith.constant 96 : index
        %parallel_loop3A_617 = tpu.vector_load %arg11[%parallel_loop3A_615, %parallel_loop3A_616] {strides = array<i32>} : memref<80x128xf32, #tpu.memory_space<vmem>>, vector<1x16xf32>,
        %parallel_loop3A_618 = vector.shape_cast %parallel_loop3A_617 : vector<1x16xf32> to vector<16xf32>
        %parallel_loop3A_619 = vector.shape_cast %parallel_loop3A_612 : vector<16xf32> to vector<1x16xf32>
        tpu.vector_store %arg11[%parallel_loop3A_615, %parallel_loop3A_616], %parallel_loop3A_619 {strides = array<i32>} : memref<80x128xf32, #tpu.memory_space<vmem>>, vector<1x16xf32>,
        %parallel_loop3A_620 = arith.constant 1 : i32
        %parallel_loop3A_621 = arith.addi %parallel_loop3A_379, %parallel_loop3A_620 : i32
        %parallel_loop3A_622 = arith.index_cast %parallel_loop3A_621 : i32 to index
        %parallel_loop3A_623 = arith.constant 112 : index
        %parallel_loop3A_624 = tpu.vector_load %arg11[%parallel_loop3A_622, %parallel_loop3A_623] {strides = array<i32>} : memref<80x128xf32, #tpu.memory_space<vmem>>, vector<1x16xf32>,
        %parallel_loop3A_625 = vector.shape_cast %parallel_loop3A_624 : vector<1x16xf32> to vector<16xf32>
        %parallel_loop3A_626 = arith.constant 0.000000e+00 : f32
        %parallel_loop3A_627 = vector.broadcast %parallel_loop3A_626 : f32 to vector<16xf32>
        %parallel_loop3A_628 = arith.maximumf %parallel_loop3A_625, %parallel_loop3A_627 : vector<16xf32>
        %parallel_loop3A_629 = arith.constant 1 : i32
        %parallel_loop3A_630 = arith.addi %parallel_loop3A_379, %parallel_loop3A_629 : i32
        %parallel_loop3A_631 = arith.index_cast %parallel_loop3A_630 : i32 to index
        %parallel_loop3A_632 = arith.constant 112 : index
        %parallel_loop3A_633 = tpu.vector_load %arg11[%parallel_loop3A_631, %parallel_loop3A_632] {strides = array<i32>} : memref<80x128xf32, #tpu.memory_space<vmem>>, vector<1x16xf32>,
        %parallel_loop3A_634 = vector.shape_cast %parallel_loop3A_633 : vector<1x16xf32> to vector<16xf32>
        %parallel_loop3A_635 = vector.shape_cast %parallel_loop3A_628 : vector<16xf32> to vector<1x16xf32>
        tpu.vector_store %arg11[%parallel_loop3A_631, %parallel_loop3A_632], %parallel_loop3A_635 {strides = array<i32>} : memref<80x128xf32, #tpu.memory_space<vmem>>, vector<1x16xf32>,
      } {sc.loop_unroll_factor = 4 : i64, sc.parallel_access}
      %dma_start3A_270 = arith.constant 1 : i32
      %dma_start3A_271 = arith.constant 0 : i32
      %dma_start3A_272 = tpu.memref_slice %arg7[%dma_start3A_270, %dma_start3A_271] : memref<2x80xi32, #tpu.memory_space<vmem>> -> memref<1x80xi32, #tpu.memory_space<vmem>>
      %dma_start3A_273 = tpu.memref_squeeze %dma_start3A_272 : memref<1x80xi32, #tpu.memory_space<vmem>> -> memref<80xi32, #tpu.memory_space<vmem>>
      %dma_start3A_274 = arith.constant 0 : i32
      %dma_start3A_275 = arith.constant 0 : i32
      %dma_start3A_276 = tpu.memref_slice %arg14[%dma_start3A_274, %dma_start3A_275] : memref<10000x128xf32, #tpu.memory_space<vmem_shared>> -> memref<10000x128xf32, #tpu.memory_space<vmem_shared>>
      tpu.enqueue_indirect_dma source(%arg11 : memref<80x128xf32, #tpu.memory_space<vmem>>) target(%dma_start3A_276 : memref<10000x128xf32, #tpu.memory_space<vmem_shared>>) offsets(%dma_start3A_273 : memref<80xi32, #tpu.memory_space<vmem>>) semaphore(%arg28 : memref<!tpu.dma_semaphore, #tpu.memory_space<semaphore_mem>>) {add = true}
      %add3A_277 = arith.constant 2 : i32
      %add3A_278 = arith.addi %mul3A_123, %add3A_277 : i32
      %add3A_279 = arith.constant 2 : i32
      %add3A_280 = arith.addi %add3A_278, %add3A_279 : i32
      %lt3A = arith.constant 125 : i32
      %lt3A_281 = arith.cmpi slt, %add3A_280, %lt3A : i32
      %add3A_282 = arith.constant 2 : i32
      %add3A_283 = arith.addi %add3A_278, %add3A_282 : i32
      %convert_element_type3A_284 = arith.extui %lt3A_281 : i1 to i32
      %cond3A_285 = arith.constant 0 : i32
      %cond3A_286 = arith.cmpi ne, %convert_element_type3A_284, %cond3A_285 : i32
      scf.if %cond3A_286 {
        %ge3A_379 = arith.constant 4 : i32
        %ge3A_380 = arith.cmpi sge, %add3A_283, %ge3A_379 : i32
        %convert_element_type3A_381 = arith.extui %ge3A_380 : i1 to i32
        %cond3A_382 = arith.constant 0 : i32
        %cond3A_383 = arith.cmpi ne, %convert_element_type3A_381, %cond3A_382 : i32
        scf.if %cond3A_383 {
          %dma_wait3A_401 = arith.constant 1 : i32
          %dma_wait3A_402 = arith.constant 0 : i32
          %dma_wait3A_403 = tpu.memref_slice %arg6[%dma_wait3A_401, %dma_wait3A_402] : memref<2x80xi32, #tpu.memory_space<vmem>> -> memref<1x80xi32, #tpu.memory_space<vmem>>
          %dma_wait3A_404 = tpu.memref_squeeze %dma_wait3A_403 : memref<1x80xi32, #tpu.memory_space<vmem>> -> memref<80xi32, #tpu.memory_space<vmem>>
          %dma_wait3A_405 = arith.constant 0 : i32
          %dma_wait3A_406 = arith.constant 0 : i32
          %dma_wait3A_407 = tpu.memref_slice %arg14[%dma_wait3A_405, %dma_wait3A_406] : memref<10000x128xf32, #tpu.memory_space<vmem_shared>> -> memref<10000x128xf32, #tpu.memory_space<vmem_shared>>
          tpu.wait_indirect_dma semaphore(%arg27 : memref<!tpu.dma_semaphore, #tpu.memory_space<semaphore_mem>>) src(%arg10 : memref<80x128xf32, #tpu.memory_space<vmem>>) dst(%dma_wait3A_407 : memref<10000x128xf32, #tpu.memory_space<vmem_shared>>)
        } else {
        }
        %dma_start3A_384 = arith.constant 0 : i32
        %dma_start3A_385 = arith.constant 0 : i32
        %dma_start3A_386 = tpu.memref_slice %arg3[%arg1, %add3A_283, %dma_start3A_384, %dma_start3A_385] : memref<16x125x2x80xi32, #tpu.memory_space<hbm>> -> memref<1x1x2x80xi32, #tpu.memory_space<hbm>>
        %dma_start3A_387 = tpu.memref_squeeze %dma_start3A_386 : memref<1x1x2x80xi32, #tpu.memory_space<hbm>> -> memref<2x80xi32, #tpu.memory_space<hbm>>
        %dma_start3A_388 = arith.constant 0 : i32
        %dma_start3A_389 = arith.constant 0 : i32
        %dma_start3A_390 = tpu.memref_slice %arg3[%arg1, %add3A_283, %dma_start3A_388, %dma_start3A_389] : memref<16x125x2x80xi32, #tpu.memory_space<hbm>> -> memref<1x1x2x80xi32, #tpu.memory_space<hbm>>
        %dma_start3A_391 = tpu.memref_squeeze %dma_start3A_390 : memref<1x1x2x80xi32, #tpu.memory_space<hbm>> -> memref<2x80xi32, #tpu.memory_space<hbm>>
        tpu.enqueue_dma source(%dma_start3A_391 : memref<2x80xi32, #tpu.memory_space<hbm>>) target(%arg6 : memref<2x80xi32, #tpu.memory_space<vmem>>) target_semaphore(%arg15 : memref<!tpu.dma_semaphore, #tpu.memory_space<semaphore_mem>>)
        %mul3A_392 = arith.constant 10000 : i32
        %mul3A_393 = arith.muli %arg1, %mul3A_392 : i32
        %mul3A_394 = arith.constant 80 : i32
        %mul3A_395 = arith.muli %add3A_283, %mul3A_394 : i32
        %add3A_396 = arith.addi %mul3A_393, %mul3A_395 : i32
        %mul3A_397 = arith.constant 128 : i32
        %mul3A_398 = arith.muli %arg0, %mul3A_397 : i32
        %dma_start3A_399 = tpu.memref_slice %arg4[%add3A_396, %mul3A_398] : memref<160000x256xf32, #tpu.memory_space<hbm>> -> memref<80x128xf32, #tpu.memory_space<hbm>>
        %dma_start3A_400 = tpu.memref_slice %arg4[%add3A_396, %mul3A_398] : memref<160000x256xf32, #tpu.memory_space<hbm>> -> memref<80x128xf32, #tpu.memory_space<hbm>>
        tpu.enqueue_dma source(%dma_start3A_400 : memref<80x128xf32, #tpu.memory_space<hbm>>) target(%arg10 : memref<80x128xf32, #tpu.memory_space<vmem>>) target_semaphore(%arg19 : memref<!tpu.dma_semaphore, #tpu.memory_space<semaphore_mem>>)
      } else {
      }
      %add3A_287 = arith.constant 1 : i32
      %add3A_288 = arith.addi %add3A_278, %add3A_287 : i32
      %dma_wait3A_289 = arith.constant 0 : i32
      %dma_wait3A_290 = arith.constant 0 : i32
      %dma_wait3A_291 = tpu.memref_slice %arg3[%arg1, %add3A_288, %dma_wait3A_289, %dma_wait3A_290] : memref<16x125x2x80xi32, #tpu.memory_space<hbm>> -> memref<1x1x2x80xi32, #tpu.memory_space<hbm>>
      %dma_wait3A_292 = tpu.memref_squeeze %dma_wait3A_291 : memref<1x1x2x80xi32, #tpu.memory_space<hbm>> -> memref<2x80xi32, #tpu.memory_space<hbm>>
      %dma_wait3A_293 = arith.constant 0 : i32
      %dma_wait3A_294 = arith.constant 0 : i32
      %dma_wait3A_295 = tpu.memref_slice %arg3[%arg1, %add3A_288, %dma_wait3A_293, %dma_wait3A_294] : memref<16x125x2x80xi32, #tpu.memory_space<hbm>> -> memref<1x1x2x80xi32, #tpu.memory_space<hbm>>
      %dma_wait3A_296 = tpu.memref_squeeze %dma_wait3A_295 : memref<1x1x2x80xi32, #tpu.memory_space<hbm>> -> memref<2x80xi32, #tpu.memory_space<hbm>>
      tpu.wait_dma2 semaphore(%arg18 : memref<!tpu.dma_semaphore, #tpu.memory_space<semaphore_mem>>) src(%dma_wait3A_296 : memref<2x80xi32, #tpu.memory_space<hbm>>) dst(%arg9 : memref<2x80xi32, #tpu.memory_space<vmem>>)
      %mul3A_297 = arith.constant 10000 : i32
      %mul3A_298 = arith.muli %arg1, %mul3A_297 : i32
      %mul3A_299 = arith.constant 80 : i32
      %mul3A_300 = arith.muli %add3A_288, %mul3A_299 : i32
      %add3A_301 = arith.addi %mul3A_298, %mul3A_300 : i32
      %mul3A_302 = arith.constant 128 : i32
      %mul3A_303 = arith.muli %arg0, %mul3A_302 : i32
      %dma_wait3A_304 = tpu.memref_slice %arg4[%add3A_301, %mul3A_303] : memref<160000x256xf32, #tpu.memory_space<hbm>> -> memref<80x128xf32, #tpu.memory_space<hbm>>
      %dma_wait3A_305 = tpu.memref_slice %arg4[%add3A_301, %mul3A_303] : memref<160000x256xf32, #tpu.memory_space<hbm>> -> memref<80x128xf32, #tpu.memory_space<hbm>>
      tpu.wait_dma2 semaphore(%arg22 : memref<!tpu.dma_semaphore, #tpu.memory_space<semaphore_mem>>) src(%dma_wait3A_305 : memref<80x128xf32, #tpu.memory_space<hbm>>) dst(%arg13 : memref<80x128xf32, #tpu.memory_space<vmem>>)
      %dma_start3A_306 = arith.constant 0 : i32
      %dma_start3A_307 = arith.constant 0 : i32
      %dma_start3A_308 = tpu.memref_slice %arg9[%dma_start3A_306, %dma_start3A_307] : memref<2x80xi32, #tpu.memory_space<vmem>> -> memref<1x80xi32, #tpu.memory_space<vmem>>
      %dma_start3A_309 = tpu.memref_squeeze %dma_start3A_308 : memref<1x80xi32, #tpu.memory_space<vmem>> -> memref<80xi32, #tpu.memory_space<vmem>>
      %dma_start3A_310 = arith.constant 0 : i32
      %dma_start3A_311 = arith.constant 0 : i32
      %dma_start3A_312 = tpu.memref_slice %arg2[%arg0, %dma_start3A_310, %dma_start3A_311] : memref<2x10000x128xf32, #tpu.memory_space<hbm>> -> memref<1x10000x128xf32, #tpu.memory_space<hbm>>
      %dma_start3A_313 = tpu.memref_squeeze %dma_start3A_312 : memref<1x10000x128xf32, #tpu.memory_space<hbm>> -> memref<10000x128xf32, #tpu.memory_space<hbm>>
      %dma_start3A_314 = arith.constant 0 : i32
      %dma_start3A_315 = arith.constant 0 : i32
      %dma_start3A_316 = tpu.memref_slice %dma_start3A_313[%dma_start3A_314, %dma_start3A_315] : memref<10000x128xf32, #tpu.memory_space<hbm>> -> memref<10000x128xf32, #tpu.memory_space<hbm>>
      tpu.enqueue_indirect_dma source(%dma_start3A_316 : memref<10000x128xf32, #tpu.memory_space<hbm>>) target(%arg13 : memref<80x128xf32, #tpu.memory_space<vmem>>) offsets(%dma_start3A_309 : memref<80xi32, #tpu.memory_space<vmem>>) semaphore(%arg26 : memref<!tpu.dma_semaphore, #tpu.memory_space<semaphore_mem>>) {add = true}
      %dma_wait3A_317 = arith.constant 0 : i32
      %dma_wait3A_318 = arith.constant 0 : i32
      %dma_wait3A_319 = tpu.memref_slice %arg8[%dma_wait3A_317, %dma_wait3A_318] : memref<2x80xi32, #tpu.memory_space<vmem>> -> memref<1x80xi32, #tpu.memory_space<vmem>>
      %dma_wait3A_320 = tpu.memref_squeeze %dma_wait3A_319 : memref<1x80xi32, #tpu.memory_space<vmem>> -> memref<80xi32, #tpu.memory_space<vmem>>
      %dma_wait3A_321 = arith.constant 0 : i32
      %dma_wait3A_322 = arith.constant 0 : i32
      %dma_wait3A_323 = tpu.memref_slice %arg2[%arg0, %dma_wait3A_321, %dma_wait3A_322] : memref<2x10000x128xf32, #tpu.memory_space<hbm>> -> memref<1x10000x128xf32, #tpu.memory_space<hbm>>
      %dma_wait3A_324 = tpu.memref_squeeze %dma_wait3A_323 : memref<1x10000x128xf32, #tpu.memory_space<hbm>> -> memref<10000x128xf32, #tpu.memory_space<hbm>>
      %dma_wait3A_325 = arith.constant 0 : i32
      %dma_wait3A_326 = arith.constant 0 : i32
      %dma_wait3A_327 = tpu.memref_slice %dma_wait3A_324[%dma_wait3A_325, %dma_wait3A_326] : memref<10000x128xf32, #tpu.memory_space<hbm>> -> memref<10000x128xf32, #tpu.memory_space<hbm>>
      tpu.wait_indirect_dma semaphore(%arg25 : memref<!tpu.dma_semaphore, #tpu.memory_space<semaphore_mem>>) src(%dma_wait3A_327 : memref<10000x128xf32, #tpu.memory_space<hbm>>) dst(%arg12 : memref<80x128xf32, #tpu.memory_space<vmem>>)
      %parallel_loop3A_328 = arith.constant 0 : i32
      %parallel_loop3A_329 = arith.constant 80 : i32
      %parallel_loop3A_330 = arith.constant 2 : i32
      scf.for %parallel_loop3A_379 = %parallel_loop3A_328 to %parallel_loop3A_329 step %parallel_loop3A_330  : i32 {
        %parallel_loop3A_380 = arith.constant 0 : i32
        %parallel_loop3A_381 = arith.addi %parallel_loop3A_379, %parallel_loop3A_380 : i32
        %parallel_loop3A_382 = arith.index_cast %parallel_loop3A_381 : i32 to index
        %parallel_loop3A_383 = arith.constant 0 : index
        %parallel_loop3A_384 = tpu.vector_load %arg12[%parallel_loop3A_382, %parallel_loop3A_383] {strides = array<i32>} : memref<80x128xf32, #tpu.memory_space<vmem>>, vector<1x16xf32>,
        %parallel_loop3A_385 = vector.shape_cast %parallel_loop3A_384 : vector<1x16xf32> to vector<16xf32>
        %parallel_loop3A_386 = arith.constant 0.000000e+00 : f32
        %parallel_loop3A_387 = vector.broadcast %parallel_loop3A_386 : f32 to vector<16xf32>
        %parallel_loop3A_388 = arith.maximumf %parallel_loop3A_385, %parallel_loop3A_387 : vector<16xf32>
        %parallel_loop3A_389 = arith.constant 0 : i32
        %parallel_loop3A_390 = arith.addi %parallel_loop3A_379, %parallel_loop3A_389 : i32
        %parallel_loop3A_391 = arith.index_cast %parallel_loop3A_390 : i32 to index
        %parallel_loop3A_392 = arith.constant 0 : index
        %parallel_loop3A_393 = tpu.vector_load %arg12[%parallel_loop3A_391, %parallel_loop3A_392] {strides = array<i32>} : memref<80x128xf32, #tpu.memory_space<vmem>>, vector<1x16xf32>,
        %parallel_loop3A_394 = vector.shape_cast %parallel_loop3A_393 : vector<1x16xf32> to vector<16xf32>
        %parallel_loop3A_395 = vector.shape_cast %parallel_loop3A_388 : vector<16xf32> to vector<1x16xf32>
        tpu.vector_store %arg12[%parallel_loop3A_391, %parallel_loop3A_392], %parallel_loop3A_395 {strides = array<i32>} : memref<80x128xf32, #tpu.memory_space<vmem>>, vector<1x16xf32>,
        %parallel_loop3A_396 = arith.constant 0 : i32
        %parallel_loop3A_397 = arith.addi %parallel_loop3A_379, %parallel_loop3A_396 : i32
        %parallel_loop3A_398 = arith.index_cast %parallel_loop3A_397 : i32 to index
        %parallel_loop3A_399 = arith.constant 16 : index
        %parallel_loop3A_400 = tpu.vector_load %arg12[%parallel_loop3A_398, %parallel_loop3A_399] {strides = array<i32>} : memref<80x128xf32, #tpu.memory_space<vmem>>, vector<1x16xf32>,
        %parallel_loop3A_401 = vector.shape_cast %parallel_loop3A_400 : vector<1x16xf32> to vector<16xf32>
        %parallel_loop3A_402 = arith.constant 0.000000e+00 : f32
        %parallel_loop3A_403 = vector.broadcast %parallel_loop3A_402 : f32 to vector<16xf32>
        %parallel_loop3A_404 = arith.maximumf %parallel_loop3A_401, %parallel_loop3A_403 : vector<16xf32>
        %parallel_loop3A_405 = arith.constant 0 : i32
        %parallel_loop3A_406 = arith.addi %parallel_loop3A_379, %parallel_loop3A_405 : i32
        %parallel_loop3A_407 = arith.index_cast %parallel_loop3A_406 : i32 to index
        %parallel_loop3A_408 = arith.constant 16 : index
        %parallel_loop3A_409 = tpu.vector_load %arg12[%parallel_loop3A_407, %parallel_loop3A_408] {strides = array<i32>} : memref<80x128xf32, #tpu.memory_space<vmem>>, vector<1x16xf32>,
        %parallel_loop3A_410 = vector.shape_cast %parallel_loop3A_409 : vector<1x16xf32> to vector<16xf32>
        %parallel_loop3A_411 = vector.shape_cast %parallel_loop3A_404 : vector<16xf32> to vector<1x16xf32>
        tpu.vector_store %arg12[%parallel_loop3A_407, %parallel_loop3A_408], %parallel_loop3A_411 {strides = array<i32>} : memref<80x128xf32, #tpu.memory_space<vmem>>, vector<1x16xf32>,
        %parallel_loop3A_412 = arith.constant 0 : i32
        %parallel_loop3A_413 = arith.addi %parallel_loop3A_379, %parallel_loop3A_412 : i32
        %parallel_loop3A_414 = arith.index_cast %parallel_loop3A_413 : i32 to index
        %parallel_loop3A_415 = arith.constant 32 : index
        %parallel_loop3A_416 = tpu.vector_load %arg12[%parallel_loop3A_414, %parallel_loop3A_415] {strides = array<i32>} : memref<80x128xf32, #tpu.memory_space<vmem>>, vector<1x16xf32>,
        %parallel_loop3A_417 = vector.shape_cast %parallel_loop3A_416 : vector<1x16xf32> to vector<16xf32>
        %parallel_loop3A_418 = arith.constant 0.000000e+00 : f32
        %parallel_loop3A_419 = vector.broadcast %parallel_loop3A_418 : f32 to vector<16xf32>
        %parallel_loop3A_420 = arith.maximumf %parallel_loop3A_417, %parallel_loop3A_419 : vector<16xf32>
        %parallel_loop3A_421 = arith.constant 0 : i32
        %parallel_loop3A_422 = arith.addi %parallel_loop3A_379, %parallel_loop3A_421 : i32
        %parallel_loop3A_423 = arith.index_cast %parallel_loop3A_422 : i32 to index
        %parallel_loop3A_424 = arith.constant 32 : index
        %parallel_loop3A_425 = tpu.vector_load %arg12[%parallel_loop3A_423, %parallel_loop3A_424] {strides = array<i32>} : memref<80x128xf32, #tpu.memory_space<vmem>>, vector<1x16xf32>,
        %parallel_loop3A_426 = vector.shape_cast %parallel_loop3A_425 : vector<1x16xf32> to vector<16xf32>
        %parallel_loop3A_427 = vector.shape_cast %parallel_loop3A_420 : vector<16xf32> to vector<1x16xf32>
        tpu.vector_store %arg12[%parallel_loop3A_423, %parallel_loop3A_424], %parallel_loop3A_427 {strides = array<i32>} : memref<80x128xf32, #tpu.memory_space<vmem>>, vector<1x16xf32>,
        %parallel_loop3A_428 = arith.constant 0 : i32
        %parallel_loop3A_429 = arith.addi %parallel_loop3A_379, %parallel_loop3A_428 : i32
        %parallel_loop3A_430 = arith.index_cast %parallel_loop3A_429 : i32 to index
        %parallel_loop3A_431 = arith.constant 48 : index
        %parallel_loop3A_432 = tpu.vector_load %arg12[%parallel_loop3A_430, %parallel_loop3A_431] {strides = array<i32>} : memref<80x128xf32, #tpu.memory_space<vmem>>, vector<1x16xf32>,
        %parallel_loop3A_433 = vector.shape_cast %parallel_loop3A_432 : vector<1x16xf32> to vector<16xf32>
        %parallel_loop3A_434 = arith.constant 0.000000e+00 : f32
        %parallel_loop3A_435 = vector.broadcast %parallel_loop3A_434 : f32 to vector<16xf32>
        %parallel_loop3A_436 = arith.maximumf %parallel_loop3A_433, %parallel_loop3A_435 : vector<16xf32>
        %parallel_loop3A_437 = arith.constant 0 : i32
        %parallel_loop3A_438 = arith.addi %parallel_loop3A_379, %parallel_loop3A_437 : i32
        %parallel_loop3A_439 = arith.index_cast %parallel_loop3A_438 : i32 to index
        %parallel_loop3A_440 = arith.constant 48 : index
        %parallel_loop3A_441 = tpu.vector_load %arg12[%parallel_loop3A_439, %parallel_loop3A_440] {strides = array<i32>} : memref<80x128xf32, #tpu.memory_space<vmem>>, vector<1x16xf32>,
        %parallel_loop3A_442 = vector.shape_cast %parallel_loop3A_441 : vector<1x16xf32> to vector<16xf32>
        %parallel_loop3A_443 = vector.shape_cast %parallel_loop3A_436 : vector<16xf32> to vector<1x16xf32>
        tpu.vector_store %arg12[%parallel_loop3A_439, %parallel_loop3A_440], %parallel_loop3A_443 {strides = array<i32>} : memref<80x128xf32, #tpu.memory_space<vmem>>, vector<1x16xf32>,
        %parallel_loop3A_444 = arith.constant 0 : i32
        %parallel_loop3A_445 = arith.addi %parallel_loop3A_379, %parallel_loop3A_444 : i32
        %parallel_loop3A_446 = arith.index_cast %parallel_loop3A_445 : i32 to index
        %parallel_loop3A_447 = arith.constant 64 : index
        %parallel_loop3A_448 = tpu.vector_load %arg12[%parallel_loop3A_446, %parallel_loop3A_447] {strides = array<i32>} : memref<80x128xf32, #tpu.memory_space<vmem>>, vector<1x16xf32>,
        %parallel_loop3A_449 = vector.shape_cast %parallel_loop3A_448 : vector<1x16xf32> to vector<16xf32>
        %parallel_loop3A_450 = arith.constant 0.000000e+00 : f32
        %parallel_loop3A_451 = vector.broadcast %parallel_loop3A_450 : f32 to vector<16xf32>
        %parallel_loop3A_452 = arith.maximumf %parallel_loop3A_449, %parallel_loop3A_451 : vector<16xf32>
        %parallel_loop3A_453 = arith.constant 0 : i32
        %parallel_loop3A_454 = arith.addi %parallel_loop3A_379, %parallel_loop3A_453 : i32
        %parallel_loop3A_455 = arith.index_cast %parallel_loop3A_454 : i32 to index
        %parallel_loop3A_456 = arith.constant 64 : index
        %parallel_loop3A_457 = tpu.vector_load %arg12[%parallel_loop3A_455, %parallel_loop3A_456] {strides = array<i32>} : memref<80x128xf32, #tpu.memory_space<vmem>>, vector<1x16xf32>,
        %parallel_loop3A_458 = vector.shape_cast %parallel_loop3A_457 : vector<1x16xf32> to vector<16xf32>
        %parallel_loop3A_459 = vector.shape_cast %parallel_loop3A_452 : vector<16xf32> to vector<1x16xf32>
        tpu.vector_store %arg12[%parallel_loop3A_455, %parallel_loop3A_456], %parallel_loop3A_459 {strides = array<i32>} : memref<80x128xf32, #tpu.memory_space<vmem>>, vector<1x16xf32>,
        %parallel_loop3A_460 = arith.constant 0 : i32
        %parallel_loop3A_461 = arith.addi %parallel_loop3A_379, %parallel_loop3A_460 : i32
        %parallel_loop3A_462 = arith.index_cast %parallel_loop3A_461 : i32 to index
        %parallel_loop3A_463 = arith.constant 80 : index
        %parallel_loop3A_464 = tpu.vector_load %arg12[%parallel_loop3A_462, %parallel_loop3A_463] {strides = array<i32>} : memref<80x128xf32, #tpu.memory_space<vmem>>, vector<1x16xf32>,
        %parallel_loop3A_465 = vector.shape_cast %parallel_loop3A_464 : vector<1x16xf32> to vector<16xf32>
        %parallel_loop3A_466 = arith.constant 0.000000e+00 : f32
        %parallel_loop3A_467 = vector.broadcast %parallel_loop3A_466 : f32 to vector<16xf32>
        %parallel_loop3A_468 = arith.maximumf %parallel_loop3A_465, %parallel_loop3A_467 : vector<16xf32>
        %parallel_loop3A_469 = arith.constant 0 : i32
        %parallel_loop3A_470 = arith.addi %parallel_loop3A_379, %parallel_loop3A_469 : i32
        %parallel_loop3A_471 = arith.index_cast %parallel_loop3A_470 : i32 to index
        %parallel_loop3A_472 = arith.constant 80 : index
        %parallel_loop3A_473 = tpu.vector_load %arg12[%parallel_loop3A_471, %parallel_loop3A_472] {strides = array<i32>} : memref<80x128xf32, #tpu.memory_space<vmem>>, vector<1x16xf32>,
        %parallel_loop3A_474 = vector.shape_cast %parallel_loop3A_473 : vector<1x16xf32> to vector<16xf32>
        %parallel_loop3A_475 = vector.shape_cast %parallel_loop3A_468 : vector<16xf32> to vector<1x16xf32>
        tpu.vector_store %arg12[%parallel_loop3A_471, %parallel_loop3A_472], %parallel_loop3A_475 {strides = array<i32>} : memref<80x128xf32, #tpu.memory_space<vmem>>, vector<1x16xf32>,
        %parallel_loop3A_476 = arith.constant 0 : i32
        %parallel_loop3A_477 = arith.addi %parallel_loop3A_379, %parallel_loop3A_476 : i32
        %parallel_loop3A_478 = arith.index_cast %parallel_loop3A_477 : i32 to index
        %parallel_loop3A_479 = arith.constant 96 : index
        %parallel_loop3A_480 = tpu.vector_load %arg12[%parallel_loop3A_478, %parallel_loop3A_479] {strides = array<i32>} : memref<80x128xf32, #tpu.memory_space<vmem>>, vector<1x16xf32>,
        %parallel_loop3A_481 = vector.shape_cast %parallel_loop3A_480 : vector<1x16xf32> to vector<16xf32>
        %parallel_loop3A_482 = arith.constant 0.000000e+00 : f32
        %parallel_loop3A_483 = vector.broadcast %parallel_loop3A_482 : f32 to vector<16xf32>
        %parallel_loop3A_484 = arith.maximumf %parallel_loop3A_481, %parallel_loop3A_483 : vector<16xf32>
        %parallel_loop3A_485 = arith.constant 0 : i32
        %parallel_loop3A_486 = arith.addi %parallel_loop3A_379, %parallel_loop3A_485 : i32
        %parallel_loop3A_487 = arith.index_cast %parallel_loop3A_486 : i32 to index
        %parallel_loop3A_488 = arith.constant 96 : index
        %parallel_loop3A_489 = tpu.vector_load %arg12[%parallel_loop3A_487, %parallel_loop3A_488] {strides = array<i32>} : memref<80x128xf32, #tpu.memory_space<vmem>>, vector<1x16xf32>,
        %parallel_loop3A_490 = vector.shape_cast %parallel_loop3A_489 : vector<1x16xf32> to vector<16xf32>
        %parallel_loop3A_491 = vector.shape_cast %parallel_loop3A_484 : vector<16xf32> to vector<1x16xf32>
        tpu.vector_store %arg12[%parallel_loop3A_487, %parallel_loop3A_488], %parallel_loop3A_491 {strides = array<i32>} : memref<80x128xf32, #tpu.memory_space<vmem>>, vector<1x16xf32>,
        %parallel_loop3A_492 = arith.constant 0 : i32
        %parallel_loop3A_493 = arith.addi %parallel_loop3A_379, %parallel_loop3A_492 : i32
        %parallel_loop3A_494 = arith.index_cast %parallel_loop3A_493 : i32 to index
        %parallel_loop3A_495 = arith.constant 112 : index
        %parallel_loop3A_496 = tpu.vector_load %arg12[%parallel_loop3A_494, %parallel_loop3A_495] {strides = array<i32>} : memref<80x128xf32, #tpu.memory_space<vmem>>, vector<1x16xf32>,
        %parallel_loop3A_497 = vector.shape_cast %parallel_loop3A_496 : vector<1x16xf32> to vector<16xf32>
        %parallel_loop3A_498 = arith.constant 0.000000e+00 : f32
        %parallel_loop3A_499 = vector.broadcast %parallel_loop3A_498 : f32 to vector<16xf32>
        %parallel_loop3A_500 = arith.maximumf %parallel_loop3A_497, %parallel_loop3A_499 : vector<16xf32>
        %parallel_loop3A_501 = arith.constant 0 : i32
        %parallel_loop3A_502 = arith.addi %parallel_loop3A_379, %parallel_loop3A_501 : i32
        %parallel_loop3A_503 = arith.index_cast %parallel_loop3A_502 : i32 to index
        %parallel_loop3A_504 = arith.constant 112 : index
        %parallel_loop3A_505 = tpu.vector_load %arg12[%parallel_loop3A_503, %parallel_loop3A_504] {strides = array<i32>} : memref<80x128xf32, #tpu.memory_space<vmem>>, vector<1x16xf32>,
        %parallel_loop3A_506 = vector.shape_cast %parallel_loop3A_505 : vector<1x16xf32> to vector<16xf32>
        %parallel_loop3A_507 = vector.shape_cast %parallel_loop3A_500 : vector<16xf32> to vector<1x16xf32>
        tpu.vector_store %arg12[%parallel_loop3A_503, %parallel_loop3A_504], %parallel_loop3A_507 {strides = array<i32>} : memref<80x128xf32, #tpu.memory_space<vmem>>, vector<1x16xf32>,
        %parallel_loop3A_508 = arith.constant 1 : i32
        %parallel_loop3A_509 = arith.addi %parallel_loop3A_379, %parallel_loop3A_508 : i32
        %parallel_loop3A_510 = arith.index_cast %parallel_loop3A_509 : i32 to index
        %parallel_loop3A_511 = arith.constant 0 : index
        %parallel_loop3A_512 = tpu.vector_load %arg12[%parallel_loop3A_510, %parallel_loop3A_511] {strides = array<i32>} : memref<80x128xf32, #tpu.memory_space<vmem>>, vector<1x16xf32>,
        %parallel_loop3A_513 = vector.shape_cast %parallel_loop3A_512 : vector<1x16xf32> to vector<16xf32>
        %parallel_loop3A_514 = arith.constant 0.000000e+00 : f32
        %parallel_loop3A_515 = vector.broadcast %parallel_loop3A_514 : f32 to vector<16xf32>
        %parallel_loop3A_516 = arith.maximumf %parallel_loop3A_513, %parallel_loop3A_515 : vector<16xf32>
        %parallel_loop3A_517 = arith.constant 1 : i32
        %parallel_loop3A_518 = arith.addi %parallel_loop3A_379, %parallel_loop3A_517 : i32
        %parallel_loop3A_519 = arith.index_cast %parallel_loop3A_518 : i32 to index
        %parallel_loop3A_520 = arith.constant 0 : index
        %parallel_loop3A_521 = tpu.vector_load %arg12[%parallel_loop3A_519, %parallel_loop3A_520] {strides = array<i32>} : memref<80x128xf32, #tpu.memory_space<vmem>>, vector<1x16xf32>,
        %parallel_loop3A_522 = vector.shape_cast %parallel_loop3A_521 : vector<1x16xf32> to vector<16xf32>
        %parallel_loop3A_523 = vector.shape_cast %parallel_loop3A_516 : vector<16xf32> to vector<1x16xf32>
        tpu.vector_store %arg12[%parallel_loop3A_519, %parallel_loop3A_520], %parallel_loop3A_523 {strides = array<i32>} : memref<80x128xf32, #tpu.memory_space<vmem>>, vector<1x16xf32>,
        %parallel_loop3A_524 = arith.constant 1 : i32
        %parallel_loop3A_525 = arith.addi %parallel_loop3A_379, %parallel_loop3A_524 : i32
        %parallel_loop3A_526 = arith.index_cast %parallel_loop3A_525 : i32 to index
        %parallel_loop3A_527 = arith.constant 16 : index
        %parallel_loop3A_528 = tpu.vector_load %arg12[%parallel_loop3A_526, %parallel_loop3A_527] {strides = array<i32>} : memref<80x128xf32, #tpu.memory_space<vmem>>, vector<1x16xf32>,
        %parallel_loop3A_529 = vector.shape_cast %parallel_loop3A_528 : vector<1x16xf32> to vector<16xf32>
        %parallel_loop3A_530 = arith.constant 0.000000e+00 : f32
        %parallel_loop3A_531 = vector.broadcast %parallel_loop3A_530 : f32 to vector<16xf32>
        %parallel_loop3A_532 = arith.maximumf %parallel_loop3A_529, %parallel_loop3A_531 : vector<16xf32>
        %parallel_loop3A_533 = arith.constant 1 : i32
        %parallel_loop3A_534 = arith.addi %parallel_loop3A_379, %parallel_loop3A_533 : i32
        %parallel_loop3A_535 = arith.index_cast %parallel_loop3A_534 : i32 to index
        %parallel_loop3A_536 = arith.constant 16 : index
        %parallel_loop3A_537 = tpu.vector_load %arg12[%parallel_loop3A_535, %parallel_loop3A_536] {strides = array<i32>} : memref<80x128xf32, #tpu.memory_space<vmem>>, vector<1x16xf32>,
        %parallel_loop3A_538 = vector.shape_cast %parallel_loop3A_537 : vector<1x16xf32> to vector<16xf32>
        %parallel_loop3A_539 = vector.shape_cast %parallel_loop3A_532 : vector<16xf32> to vector<1x16xf32>
        tpu.vector_store %arg12[%parallel_loop3A_535, %parallel_loop3A_536], %parallel_loop3A_539 {strides = array<i32>} : memref<80x128xf32, #tpu.memory_space<vmem>>, vector<1x16xf32>,
        %parallel_loop3A_540 = arith.constant 1 : i32
        %parallel_loop3A_541 = arith.addi %parallel_loop3A_379, %parallel_loop3A_540 : i32
        %parallel_loop3A_542 = arith.index_cast %parallel_loop3A_541 : i32 to index
        %parallel_loop3A_543 = arith.constant 32 : index
        %parallel_loop3A_544 = tpu.vector_load %arg12[%parallel_loop3A_542, %parallel_loop3A_543] {strides = array<i32>} : memref<80x128xf32, #tpu.memory_space<vmem>>, vector<1x16xf32>,
        %parallel_loop3A_545 = vector.shape_cast %parallel_loop3A_544 : vector<1x16xf32> to vector<16xf32>
        %parallel_loop3A_546 = arith.constant 0.000000e+00 : f32
        %parallel_loop3A_547 = vector.broadcast %parallel_loop3A_546 : f32 to vector<16xf32>
        %parallel_loop3A_548 = arith.maximumf %parallel_loop3A_545, %parallel_loop3A_547 : vector<16xf32>
        %parallel_loop3A_549 = arith.constant 1 : i32
        %parallel_loop3A_550 = arith.addi %parallel_loop3A_379, %parallel_loop3A_549 : i32
        %parallel_loop3A_551 = arith.index_cast %parallel_loop3A_550 : i32 to index
        %parallel_loop3A_552 = arith.constant 32 : index
        %parallel_loop3A_553 = tpu.vector_load %arg12[%parallel_loop3A_551, %parallel_loop3A_552] {strides = array<i32>} : memref<80x128xf32, #tpu.memory_space<vmem>>, vector<1x16xf32>,
        %parallel_loop3A_554 = vector.shape_cast %parallel_loop3A_553 : vector<1x16xf32> to vector<16xf32>
        %parallel_loop3A_555 = vector.shape_cast %parallel_loop3A_548 : vector<16xf32> to vector<1x16xf32>
        tpu.vector_store %arg12[%parallel_loop3A_551, %parallel_loop3A_552], %parallel_loop3A_555 {strides = array<i32>} : memref<80x128xf32, #tpu.memory_space<vmem>>, vector<1x16xf32>,
        %parallel_loop3A_556 = arith.constant 1 : i32
        %parallel_loop3A_557 = arith.addi %parallel_loop3A_379, %parallel_loop3A_556 : i32
        %parallel_loop3A_558 = arith.index_cast %parallel_loop3A_557 : i32 to index
        %parallel_loop3A_559 = arith.constant 48 : index
        %parallel_loop3A_560 = tpu.vector_load %arg12[%parallel_loop3A_558, %parallel_loop3A_559] {strides = array<i32>} : memref<80x128xf32, #tpu.memory_space<vmem>>, vector<1x16xf32>,
        %parallel_loop3A_561 = vector.shape_cast %parallel_loop3A_560 : vector<1x16xf32> to vector<16xf32>
        %parallel_loop3A_562 = arith.constant 0.000000e+00 : f32
        %parallel_loop3A_563 = vector.broadcast %parallel_loop3A_562 : f32 to vector<16xf32>
        %parallel_loop3A_564 = arith.maximumf %parallel_loop3A_561, %parallel_loop3A_563 : vector<16xf32>
        %parallel_loop3A_565 = arith.constant 1 : i32
        %parallel_loop3A_566 = arith.addi %parallel_loop3A_379, %parallel_loop3A_565 : i32
        %parallel_loop3A_567 = arith.index_cast %parallel_loop3A_566 : i32 to index
        %parallel_loop3A_568 = arith.constant 48 : index
        %parallel_loop3A_569 = tpu.vector_load %arg12[%parallel_loop3A_567, %parallel_loop3A_568] {strides = array<i32>} : memref<80x128xf32, #tpu.memory_space<vmem>>, vector<1x16xf32>,
        %parallel_loop3A_570 = vector.shape_cast %parallel_loop3A_569 : vector<1x16xf32> to vector<16xf32>
        %parallel_loop3A_571 = vector.shape_cast %parallel_loop3A_564 : vector<16xf32> to vector<1x16xf32>
        tpu.vector_store %arg12[%parallel_loop3A_567, %parallel_loop3A_568], %parallel_loop3A_571 {strides = array<i32>} : memref<80x128xf32, #tpu.memory_space<vmem>>, vector<1x16xf32>,
        %parallel_loop3A_572 = arith.constant 1 : i32
        %parallel_loop3A_573 = arith.addi %parallel_loop3A_379, %parallel_loop3A_572 : i32
        %parallel_loop3A_574 = arith.index_cast %parallel_loop3A_573 : i32 to index
        %parallel_loop3A_575 = arith.constant 64 : index
        %parallel_loop3A_576 = tpu.vector_load %arg12[%parallel_loop3A_574, %parallel_loop3A_575] {strides = array<i32>} : memref<80x128xf32, #tpu.memory_space<vmem>>, vector<1x16xf32>,
        %parallel_loop3A_577 = vector.shape_cast %parallel_loop3A_576 : vector<1x16xf32> to vector<16xf32>
        %parallel_loop3A_578 = arith.constant 0.000000e+00 : f32
        %parallel_loop3A_579 = vector.broadcast %parallel_loop3A_578 : f32 to vector<16xf32>
        %parallel_loop3A_580 = arith.maximumf %parallel_loop3A_577, %parallel_loop3A_579 : vector<16xf32>
        %parallel_loop3A_581 = arith.constant 1 : i32
        %parallel_loop3A_582 = arith.addi %parallel_loop3A_379, %parallel_loop3A_581 : i32
        %parallel_loop3A_583 = arith.index_cast %parallel_loop3A_582 : i32 to index
        %parallel_loop3A_584 = arith.constant 64 : index
        %parallel_loop3A_585 = tpu.vector_load %arg12[%parallel_loop3A_583, %parallel_loop3A_584] {strides = array<i32>} : memref<80x128xf32, #tpu.memory_space<vmem>>, vector<1x16xf32>,
        %parallel_loop3A_586 = vector.shape_cast %parallel_loop3A_585 : vector<1x16xf32> to vector<16xf32>
        %parallel_loop3A_587 = vector.shape_cast %parallel_loop3A_580 : vector<16xf32> to vector<1x16xf32>
        tpu.vector_store %arg12[%parallel_loop3A_583, %parallel_loop3A_584], %parallel_loop3A_587 {strides = array<i32>} : memref<80x128xf32, #tpu.memory_space<vmem>>, vector<1x16xf32>,
        %parallel_loop3A_588 = arith.constant 1 : i32
        %parallel_loop3A_589 = arith.addi %parallel_loop3A_379, %parallel_loop3A_588 : i32
        %parallel_loop3A_590 = arith.index_cast %parallel_loop3A_589 : i32 to index
        %parallel_loop3A_591 = arith.constant 80 : index
        %parallel_loop3A_592 = tpu.vector_load %arg12[%parallel_loop3A_590, %parallel_loop3A_591] {strides = array<i32>} : memref<80x128xf32, #tpu.memory_space<vmem>>, vector<1x16xf32>,
        %parallel_loop3A_593 = vector.shape_cast %parallel_loop3A_592 : vector<1x16xf32> to vector<16xf32>
        %parallel_loop3A_594 = arith.constant 0.000000e+00 : f32
        %parallel_loop3A_595 = vector.broadcast %parallel_loop3A_594 : f32 to vector<16xf32>
        %parallel_loop3A_596 = arith.maximumf %parallel_loop3A_593, %parallel_loop3A_595 : vector<16xf32>
        %parallel_loop3A_597 = arith.constant 1 : i32
        %parallel_loop3A_598 = arith.addi %parallel_loop3A_379, %parallel_loop3A_597 : i32
        %parallel_loop3A_599 = arith.index_cast %parallel_loop3A_598 : i32 to index
        %parallel_loop3A_600 = arith.constant 80 : index
        %parallel_loop3A_601 = tpu.vector_load %arg12[%parallel_loop3A_599, %parallel_loop3A_600] {strides = array<i32>} : memref<80x128xf32, #tpu.memory_space<vmem>>, vector<1x16xf32>,
        %parallel_loop3A_602 = vector.shape_cast %parallel_loop3A_601 : vector<1x16xf32> to vector<16xf32>
        %parallel_loop3A_603 = vector.shape_cast %parallel_loop3A_596 : vector<16xf32> to vector<1x16xf32>
        tpu.vector_store %arg12[%parallel_loop3A_599, %parallel_loop3A_600], %parallel_loop3A_603 {strides = array<i32>} : memref<80x128xf32, #tpu.memory_space<vmem>>, vector<1x16xf32>,
        %parallel_loop3A_604 = arith.constant 1 : i32
        %parallel_loop3A_605 = arith.addi %parallel_loop3A_379, %parallel_loop3A_604 : i32
        %parallel_loop3A_606 = arith.index_cast %parallel_loop3A_605 : i32 to index
        %parallel_loop3A_607 = arith.constant 96 : index
        %parallel_loop3A_608 = tpu.vector_load %arg12[%parallel_loop3A_606, %parallel_loop3A_607] {strides = array<i32>} : memref<80x128xf32, #tpu.memory_space<vmem>>, vector<1x16xf32>,
        %parallel_loop3A_609 = vector.shape_cast %parallel_loop3A_608 : vector<1x16xf32> to vector<16xf32>
        %parallel_loop3A_610 = arith.constant 0.000000e+00 : f32
        %parallel_loop3A_611 = vector.broadcast %parallel_loop3A_610 : f32 to vector<16xf32>
        %parallel_loop3A_612 = arith.maximumf %parallel_loop3A_609, %parallel_loop3A_611 : vector<16xf32>
        %parallel_loop3A_613 = arith.constant 1 : i32
        %parallel_loop3A_614 = arith.addi %parallel_loop3A_379, %parallel_loop3A_613 : i32
        %parallel_loop3A_615 = arith.index_cast %parallel_loop3A_614 : i32 to index
        %parallel_loop3A_616 = arith.constant 96 : index
        %parallel_loop3A_617 = tpu.vector_load %arg12[%parallel_loop3A_615, %parallel_loop3A_616] {strides = array<i32>} : memref<80x128xf32, #tpu.memory_space<vmem>>, vector<1x16xf32>,
        %parallel_loop3A_618 = vector.shape_cast %parallel_loop3A_617 : vector<1x16xf32> to vector<16xf32>
        %parallel_loop3A_619 = vector.shape_cast %parallel_loop3A_612 : vector<16xf32> to vector<1x16xf32>
        tpu.vector_store %arg12[%parallel_loop3A_615, %parallel_loop3A_616], %parallel_loop3A_619 {strides = array<i32>} : memref<80x128xf32, #tpu.memory_space<vmem>>, vector<1x16xf32>,
        %parallel_loop3A_620 = arith.constant 1 : i32
        %parallel_loop3A_621 = arith.addi %parallel_loop3A_379, %parallel_loop3A_620 : i32
        %parallel_loop3A_622 = arith.index_cast %parallel_loop3A_621 : i32 to index
        %parallel_loop3A_623 = arith.constant 112 : index
        %parallel_loop3A_624 = tpu.vector_load %arg12[%parallel_loop3A_622, %parallel_loop3A_623] {strides = array<i32>} : memref<80x128xf32, #tpu.memory_space<vmem>>, vector<1x16xf32>,
        %parallel_loop3A_625 = vector.shape_cast %parallel_loop3A_624 : vector<1x16xf32> to vector<16xf32>
        %parallel_loop3A_626 = arith.constant 0.000000e+00 : f32
        %parallel_loop3A_627 = vector.broadcast %parallel_loop3A_626 : f32 to vector<16xf32>
        %parallel_loop3A_628 = arith.maximumf %parallel_loop3A_625, %parallel_loop3A_627 : vector<16xf32>
        %parallel_loop3A_629 = arith.constant 1 : i32
        %parallel_loop3A_630 = arith.addi %parallel_loop3A_379, %parallel_loop3A_629 : i32
        %parallel_loop3A_631 = arith.index_cast %parallel_loop3A_630 : i32 to index
        %parallel_loop3A_632 = arith.constant 112 : index
        %parallel_loop3A_633 = tpu.vector_load %arg12[%parallel_loop3A_631, %parallel_loop3A_632] {strides = array<i32>} : memref<80x128xf32, #tpu.memory_space<vmem>>, vector<1x16xf32>,
        %parallel_loop3A_634 = vector.shape_cast %parallel_loop3A_633 : vector<1x16xf32> to vector<16xf32>
        %parallel_loop3A_635 = vector.shape_cast %parallel_loop3A_628 : vector<16xf32> to vector<1x16xf32>
        tpu.vector_store %arg12[%parallel_loop3A_631, %parallel_loop3A_632], %parallel_loop3A_635 {strides = array<i32>} : memref<80x128xf32, #tpu.memory_space<vmem>>, vector<1x16xf32>,
      } {sc.loop_unroll_factor = 4 : i64, sc.parallel_access}
      %dma_start3A_331 = arith.constant 1 : i32
      %dma_start3A_332 = arith.constant 0 : i32
      %dma_start3A_333 = tpu.memref_slice %arg8[%dma_start3A_331, %dma_start3A_332] : memref<2x80xi32, #tpu.memory_space<vmem>> -> memref<1x80xi32, #tpu.memory_space<vmem>>
      %dma_start3A_334 = tpu.memref_squeeze %dma_start3A_333 : memref<1x80xi32, #tpu.memory_space<vmem>> -> memref<80xi32, #tpu.memory_space<vmem>>
      %dma_start3A_335 = arith.constant 0 : i32
      %dma_start3A_336 = arith.constant 0 : i32
      %dma_start3A_337 = tpu.memref_slice %arg14[%dma_start3A_335, %dma_start3A_336] : memref<10000x128xf32, #tpu.memory_space<vmem_shared>> -> memref<10000x128xf32, #tpu.memory_space<vmem_shared>>
      tpu.enqueue_indirect_dma source(%arg12 : memref<80x128xf32, #tpu.memory_space<vmem>>) target(%dma_start3A_337 : memref<10000x128xf32, #tpu.memory_space<vmem_shared>>) offsets(%dma_start3A_334 : memref<80xi32, #tpu.memory_space<vmem>>) semaphore(%arg29 : memref<!tpu.dma_semaphore, #tpu.memory_space<semaphore_mem>>) {add = true}
      %add3A_338 = arith.constant 3 : i32
      %add3A_339 = arith.addi %mul3A_123, %add3A_338 : i32
      %add3A_340 = arith.constant 2 : i32
      %add3A_341 = arith.addi %add3A_339, %add3A_340 : i32
      %lt3A_342 = arith.constant 125 : i32
      %lt3A_343 = arith.cmpi slt, %add3A_341, %lt3A_342 : i32
      %add3A_344 = arith.constant 2 : i32
      %add3A_345 = arith.addi %add3A_339, %add3A_344 : i32
      %convert_element_type3A_346 = arith.extui %lt3A_343 : i1 to i32
      %cond3A_347 = arith.constant 0 : i32
      %cond3A_348 = arith.cmpi ne, %convert_element_type3A_346, %cond3A_347 : i32
      scf.if %cond3A_348 {
        %ge3A_379 = arith.constant 4 : i32
        %ge3A_380 = arith.cmpi sge, %add3A_345, %ge3A_379 : i32
        %convert_element_type3A_381 = arith.extui %ge3A_380 : i1 to i32
        %cond3A_382 = arith.constant 0 : i32
        %cond3A_383 = arith.cmpi ne, %convert_element_type3A_381, %cond3A_382 : i32
        scf.if %cond3A_383 {
          %dma_wait3A_401 = arith.constant 1 : i32
          %dma_wait3A_402 = arith.constant 0 : i32
          %dma_wait3A_403 = tpu.memref_slice %arg7[%dma_wait3A_401, %dma_wait3A_402] : memref<2x80xi32, #tpu.memory_space<vmem>> -> memref<1x80xi32, #tpu.memory_space<vmem>>
          %dma_wait3A_404 = tpu.memref_squeeze %dma_wait3A_403 : memref<1x80xi32, #tpu.memory_space<vmem>> -> memref<80xi32, #tpu.memory_space<vmem>>
          %dma_wait3A_405 = arith.constant 0 : i32
          %dma_wait3A_406 = arith.constant 0 : i32
          %dma_wait3A_407 = tpu.memref_slice %arg14[%dma_wait3A_405, %dma_wait3A_406] : memref<10000x128xf32, #tpu.memory_space<vmem_shared>> -> memref<10000x128xf32, #tpu.memory_space<vmem_shared>>
          tpu.wait_indirect_dma semaphore(%arg28 : memref<!tpu.dma_semaphore, #tpu.memory_space<semaphore_mem>>) src(%arg11 : memref<80x128xf32, #tpu.memory_space<vmem>>) dst(%dma_wait3A_407 : memref<10000x128xf32, #tpu.memory_space<vmem_shared>>)
        } else {
        }
        %dma_start3A_384 = arith.constant 0 : i32
        %dma_start3A_385 = arith.constant 0 : i32
        %dma_start3A_386 = tpu.memref_slice %arg3[%arg1, %add3A_345, %dma_start3A_384, %dma_start3A_385] : memref<16x125x2x80xi32, #tpu.memory_space<hbm>> -> memref<1x1x2x80xi32, #tpu.memory_space<hbm>>
        %dma_start3A_387 = tpu.memref_squeeze %dma_start3A_386 : memref<1x1x2x80xi32, #tpu.memory_space<hbm>> -> memref<2x80xi32, #tpu.memory_space<hbm>>
        %dma_start3A_388 = arith.constant 0 : i32
        %dma_start3A_389 = arith.constant 0 : i32
        %dma_start3A_390 = tpu.memref_slice %arg3[%arg1, %add3A_345, %dma_start3A_388, %dma_start3A_389] : memref<16x125x2x80xi32, #tpu.memory_space<hbm>> -> memref<1x1x2x80xi32, #tpu.memory_space<hbm>>
        %dma_start3A_391 = tpu.memref_squeeze %dma_start3A_390 : memref<1x1x2x80xi32, #tpu.memory_space<hbm>> -> memref<2x80xi32, #tpu.memory_space<hbm>>
        tpu.enqueue_dma source(%dma_start3A_391 : memref<2x80xi32, #tpu.memory_space<hbm>>) target(%arg7 : memref<2x80xi32, #tpu.memory_space<vmem>>) target_semaphore(%arg16 : memref<!tpu.dma_semaphore, #tpu.memory_space<semaphore_mem>>)
        %mul3A_392 = arith.constant 10000 : i32
        %mul3A_393 = arith.muli %arg1, %mul3A_392 : i32
        %mul3A_394 = arith.constant 80 : i32
        %mul3A_395 = arith.muli %add3A_345, %mul3A_394 : i32
        %add3A_396 = arith.addi %mul3A_393, %mul3A_395 : i32
        %mul3A_397 = arith.constant 128 : i32
        %mul3A_398 = arith.muli %arg0, %mul3A_397 : i32
        %dma_start3A_399 = tpu.memref_slice %arg4[%add3A_396, %mul3A_398] : memref<160000x256xf32, #tpu.memory_space<hbm>> -> memref<80x128xf32, #tpu.memory_space<hbm>>
        %dma_start3A_400 = tpu.memref_slice %arg4[%add3A_396, %mul3A_398] : memref<160000x256xf32, #tpu.memory_space<hbm>> -> memref<80x128xf32, #tpu.memory_space<hbm>>
        tpu.enqueue_dma source(%dma_start3A_400 : memref<80x128xf32, #tpu.memory_space<hbm>>) target(%arg11 : memref<80x128xf32, #tpu.memory_space<vmem>>) target_semaphore(%arg20 : memref<!tpu.dma_semaphore, #tpu.memory_space<semaphore_mem>>)
      } else {
      }
      %add3A_349 = arith.constant 1 : i32
      %add3A_350 = arith.addi %add3A_339, %add3A_349 : i32
      %lt3A_351 = arith.constant 125 : i32
      %lt3A_352 = arith.cmpi slt, %add3A_350, %lt3A_351 : i32
      %add3A_353 = arith.constant 1 : i32
      %add3A_354 = arith.addi %add3A_339, %add3A_353 : i32
      %convert_element_type3A_355 = arith.extui %lt3A_352 : i1 to i32
      %cond3A_356 = arith.constant 0 : i32
      %cond3A_357 = arith.cmpi ne, %convert_element_type3A_355, %cond3A_356 : i32
      scf.if %cond3A_357 {
        %dma_wait3A_379 = arith.constant 0 : i32
        %dma_wait3A_380 = arith.constant 0 : i32
        %dma_wait3A_381 = tpu.memref_slice %arg3[%arg1, %add3A_354, %dma_wait3A_379, %dma_wait3A_380] : memref<16x125x2x80xi32, #tpu.memory_space<hbm>> -> memref<1x1x2x80xi32, #tpu.memory_space<hbm>>
        %dma_wait3A_382 = tpu.memref_squeeze %dma_wait3A_381 : memref<1x1x2x80xi32, #tpu.memory_space<hbm>> -> memref<2x80xi32, #tpu.memory_space<hbm>>
        %dma_wait3A_383 = arith.constant 0 : i32
        %dma_wait3A_384 = arith.constant 0 : i32
        %dma_wait3A_385 = tpu.memref_slice %arg3[%arg1, %add3A_354, %dma_wait3A_383, %dma_wait3A_384] : memref<16x125x2x80xi32, #tpu.memory_space<hbm>> -> memref<1x1x2x80xi32, #tpu.memory_space<hbm>>
        %dma_wait3A_386 = tpu.memref_squeeze %dma_wait3A_385 : memref<1x1x2x80xi32, #tpu.memory_space<hbm>> -> memref<2x80xi32, #tpu.memory_space<hbm>>
        tpu.wait_dma2 semaphore(%arg15 : memref<!tpu.dma_semaphore, #tpu.memory_space<semaphore_mem>>) src(%dma_wait3A_386 : memref<2x80xi32, #tpu.memory_space<hbm>>) dst(%arg6 : memref<2x80xi32, #tpu.memory_space<vmem>>)
        %mul3A_387 = arith.constant 10000 : i32
        %mul3A_388 = arith.muli %arg1, %mul3A_387 : i32
        %mul3A_389 = arith.constant 80 : i32
        %mul3A_390 = arith.muli %add3A_354, %mul3A_389 : i32
        %add3A_391 = arith.addi %mul3A_388, %mul3A_390 : i32
        %mul3A_392 = arith.constant 128 : i32
        %mul3A_393 = arith.muli %arg0, %mul3A_392 : i32
        %dma_wait3A_394 = tpu.memref_slice %arg4[%add3A_391, %mul3A_393] : memref<160000x256xf32, #tpu.memory_space<hbm>> -> memref<80x128xf32, #tpu.memory_space<hbm>>
        %dma_wait3A_395 = tpu.memref_slice %arg4[%add3A_391, %mul3A_393] : memref<160000x256xf32, #tpu.memory_space<hbm>> -> memref<80x128xf32, #tpu.memory_space<hbm>>
        tpu.wait_dma2 semaphore(%arg19 : memref<!tpu.dma_semaphore, #tpu.memory_space<semaphore_mem>>) src(%dma_wait3A_395 : memref<80x128xf32, #tpu.memory_space<hbm>>) dst(%arg10 : memref<80x128xf32, #tpu.memory_space<vmem>>)
        %dma_start3A_396 = arith.constant 0 : i32
        %dma_start3A_397 = arith.constant 0 : i32
        %dma_start3A_398 = tpu.memref_slice %arg6[%dma_start3A_396, %dma_start3A_397] : memref<2x80xi32, #tpu.memory_space<vmem>> -> memref<1x80xi32, #tpu.memory_space<vmem>>
        %dma_start3A_399 = tpu.memref_squeeze %dma_start3A_398 : memref<1x80xi32, #tpu.memory_space<vmem>> -> memref<80xi32, #tpu.memory_space<vmem>>
        %dma_start3A_400 = arith.constant 0 : i32
        %dma_start3A_401 = arith.constant 0 : i32
        %dma_start3A_402 = tpu.memref_slice %arg2[%arg0, %dma_start3A_400, %dma_start3A_401] : memref<2x10000x128xf32, #tpu.memory_space<hbm>> -> memref<1x10000x128xf32, #tpu.memory_space<hbm>>
        %dma_start3A_403 = tpu.memref_squeeze %dma_start3A_402 : memref<1x10000x128xf32, #tpu.memory_space<hbm>> -> memref<10000x128xf32, #tpu.memory_space<hbm>>
        %dma_start3A_404 = arith.constant 0 : i32
        %dma_start3A_405 = arith.constant 0 : i32
        %dma_start3A_406 = tpu.memref_slice %dma_start3A_403[%dma_start3A_404, %dma_start3A_405] : memref<10000x128xf32, #tpu.memory_space<hbm>> -> memref<10000x128xf32, #tpu.memory_space<hbm>>
        tpu.enqueue_indirect_dma source(%dma_start3A_406 : memref<10000x128xf32, #tpu.memory_space<hbm>>) target(%arg10 : memref<80x128xf32, #tpu.memory_space<vmem>>) offsets(%dma_start3A_399 : memref<80xi32, #tpu.memory_space<vmem>>) semaphore(%arg23 : memref<!tpu.dma_semaphore, #tpu.memory_space<semaphore_mem>>) {add = true}
      } else {
      }
      %dma_wait3A_358 = arith.constant 0 : i32
      %dma_wait3A_359 = arith.constant 0 : i32
      %dma_wait3A_360 = tpu.memref_slice %arg9[%dma_wait3A_358, %dma_wait3A_359] : memref<2x80xi32, #tpu.memory_space<vmem>> -> memref<1x80xi32, #tpu.memory_space<vmem>>
      %dma_wait3A_361 = tpu.memref_squeeze %dma_wait3A_360 : memref<1x80xi32, #tpu.memory_space<vmem>> -> memref<80xi32, #tpu.memory_space<vmem>>
      %dma_wait3A_362 = arith.constant 0 : i32
      %dma_wait3A_363 = arith.constant 0 : i32
      %dma_wait3A_364 = tpu.memref_slice %arg2[%arg0, %dma_wait3A_362, %dma_wait3A_363] : memref<2x10000x128xf32, #tpu.memory_space<hbm>> -> memref<1x10000x128xf32, #tpu.memory_space<hbm>>
      %dma_wait3A_365 = tpu.memref_squeeze %dma_wait3A_364 : memref<1x10000x128xf32, #tpu.memory_space<hbm>> -> memref<10000x128xf32, #tpu.memory_space<hbm>>
      %dma_wait3A_366 = arith.constant 0 : i32
      %dma_wait3A_367 = arith.constant 0 : i32
      %dma_wait3A_368 = tpu.memref_slice %dma_wait3A_365[%dma_wait3A_366, %dma_wait3A_367] : memref<10000x128xf32, #tpu.memory_space<hbm>> -> memref<10000x128xf32, #tpu.memory_space<hbm>>
      tpu.wait_indirect_dma semaphore(%arg26 : memref<!tpu.dma_semaphore, #tpu.memory_space<semaphore_mem>>) src(%dma_wait3A_368 : memref<10000x128xf32, #tpu.memory_space<hbm>>) dst(%arg13 : memref<80x128xf32, #tpu.memory_space<vmem>>)
      %parallel_loop3A_369 = arith.constant 0 : i32
      %parallel_loop3A_370 = arith.constant 80 : i32
      %parallel_loop3A_371 = arith.constant 2 : i32
      scf.for %parallel_loop3A_379 = %parallel_loop3A_369 to %parallel_loop3A_370 step %parallel_loop3A_371  : i32 {
        %parallel_loop3A_380 = arith.constant 0 : i32
        %parallel_loop3A_381 = arith.addi %parallel_loop3A_379, %parallel_loop3A_380 : i32
        %parallel_loop3A_382 = arith.index_cast %parallel_loop3A_381 : i32 to index
        %parallel_loop3A_383 = arith.constant 0 : index
        %parallel_loop3A_384 = tpu.vector_load %arg13[%parallel_loop3A_382, %parallel_loop3A_383] {strides = array<i32>} : memref<80x128xf32, #tpu.memory_space<vmem>>, vector<1x16xf32>,
        %parallel_loop3A_385 = vector.shape_cast %parallel_loop3A_384 : vector<1x16xf32> to vector<16xf32>
        %parallel_loop3A_386 = arith.constant 0.000000e+00 : f32
        %parallel_loop3A_387 = vector.broadcast %parallel_loop3A_386 : f32 to vector<16xf32>
        %parallel_loop3A_388 = arith.maximumf %parallel_loop3A_385, %parallel_loop3A_387 : vector<16xf32>
        %parallel_loop3A_389 = arith.constant 0 : i32
        %parallel_loop3A_390 = arith.addi %parallel_loop3A_379, %parallel_loop3A_389 : i32
        %parallel_loop3A_391 = arith.index_cast %parallel_loop3A_390 : i32 to index
        %parallel_loop3A_392 = arith.constant 0 : index
        %parallel_loop3A_393 = tpu.vector_load %arg13[%parallel_loop3A_391, %parallel_loop3A_392] {strides = array<i32>} : memref<80x128xf32, #tpu.memory_space<vmem>>, vector<1x16xf32>,
        %parallel_loop3A_394 = vector.shape_cast %parallel_loop3A_393 : vector<1x16xf32> to vector<16xf32>
        %parallel_loop3A_395 = vector.shape_cast %parallel_loop3A_388 : vector<16xf32> to vector<1x16xf32>
        tpu.vector_store %arg13[%parallel_loop3A_391, %parallel_loop3A_392], %parallel_loop3A_395 {strides = array<i32>} : memref<80x128xf32, #tpu.memory_space<vmem>>, vector<1x16xf32>,
        %parallel_loop3A_396 = arith.constant 0 : i32
        %parallel_loop3A_397 = arith.addi %parallel_loop3A_379, %parallel_loop3A_396 : i32
        %parallel_loop3A_398 = arith.index_cast %parallel_loop3A_397 : i32 to index
        %parallel_loop3A_399 = arith.constant 16 : index
        %parallel_loop3A_400 = tpu.vector_load %arg13[%parallel_loop3A_398, %parallel_loop3A_399] {strides = array<i32>} : memref<80x128xf32, #tpu.memory_space<vmem>>, vector<1x16xf32>,
        %parallel_loop3A_401 = vector.shape_cast %parallel_loop3A_400 : vector<1x16xf32> to vector<16xf32>
        %parallel_loop3A_402 = arith.constant 0.000000e+00 : f32
        %parallel_loop3A_403 = vector.broadcast %parallel_loop3A_402 : f32 to vector<16xf32>
        %parallel_loop3A_404 = arith.maximumf %parallel_loop3A_401, %parallel_loop3A_403 : vector<16xf32>
        %parallel_loop3A_405 = arith.constant 0 : i32
        %parallel_loop3A_406 = arith.addi %parallel_loop3A_379, %parallel_loop3A_405 : i32
        %parallel_loop3A_407 = arith.index_cast %parallel_loop3A_406 : i32 to index
        %parallel_loop3A_408 = arith.constant 16 : index
        %parallel_loop3A_409 = tpu.vector_load %arg13[%parallel_loop3A_407, %parallel_loop3A_408] {strides = array<i32>} : memref<80x128xf32, #tpu.memory_space<vmem>>, vector<1x16xf32>,
        %parallel_loop3A_410 = vector.shape_cast %parallel_loop3A_409 : vector<1x16xf32> to vector<16xf32>
        %parallel_loop3A_411 = vector.shape_cast %parallel_loop3A_404 : vector<16xf32> to vector<1x16xf32>
        tpu.vector_store %arg13[%parallel_loop3A_407, %parallel_loop3A_408], %parallel_loop3A_411 {strides = array<i32>} : memref<80x128xf32, #tpu.memory_space<vmem>>, vector<1x16xf32>,
        %parallel_loop3A_412 = arith.constant 0 : i32
        %parallel_loop3A_413 = arith.addi %parallel_loop3A_379, %parallel_loop3A_412 : i32
        %parallel_loop3A_414 = arith.index_cast %parallel_loop3A_413 : i32 to index
        %parallel_loop3A_415 = arith.constant 32 : index
        %parallel_loop3A_416 = tpu.vector_load %arg13[%parallel_loop3A_414, %parallel_loop3A_415] {strides = array<i32>} : memref<80x128xf32, #tpu.memory_space<vmem>>, vector<1x16xf32>,
        %parallel_loop3A_417 = vector.shape_cast %parallel_loop3A_416 : vector<1x16xf32> to vector<16xf32>
        %parallel_loop3A_418 = arith.constant 0.000000e+00 : f32
        %parallel_loop3A_419 = vector.broadcast %parallel_loop3A_418 : f32 to vector<16xf32>
        %parallel_loop3A_420 = arith.maximumf %parallel_loop3A_417, %parallel_loop3A_419 : vector<16xf32>
        %parallel_loop3A_421 = arith.constant 0 : i32
        %parallel_loop3A_422 = arith.addi %parallel_loop3A_379, %parallel_loop3A_421 : i32
        %parallel_loop3A_423 = arith.index_cast %parallel_loop3A_422 : i32 to index
        %parallel_loop3A_424 = arith.constant 32 : index
        %parallel_loop3A_425 = tpu.vector_load %arg13[%parallel_loop3A_423, %parallel_loop3A_424] {strides = array<i32>} : memref<80x128xf32, #tpu.memory_space<vmem>>, vector<1x16xf32>,
        %parallel_loop3A_426 = vector.shape_cast %parallel_loop3A_425 : vector<1x16xf32> to vector<16xf32>
        %parallel_loop3A_427 = vector.shape_cast %parallel_loop3A_420 : vector<16xf32> to vector<1x16xf32>
        tpu.vector_store %arg13[%parallel_loop3A_423, %parallel_loop3A_424], %parallel_loop3A_427 {strides = array<i32>} : memref<80x128xf32, #tpu.memory_space<vmem>>, vector<1x16xf32>,
        %parallel_loop3A_428 = arith.constant 0 : i32
        %parallel_loop3A_429 = arith.addi %parallel_loop3A_379, %parallel_loop3A_428 : i32
        %parallel_loop3A_430 = arith.index_cast %parallel_loop3A_429 : i32 to index
        %parallel_loop3A_431 = arith.constant 48 : index
        %parallel_loop3A_432 = tpu.vector_load %arg13[%parallel_loop3A_430, %parallel_loop3A_431] {strides = array<i32>} : memref<80x128xf32, #tpu.memory_space<vmem>>, vector<1x16xf32>,
        %parallel_loop3A_433 = vector.shape_cast %parallel_loop3A_432 : vector<1x16xf32> to vector<16xf32>
        %parallel_loop3A_434 = arith.constant 0.000000e+00 : f32
        %parallel_loop3A_435 = vector.broadcast %parallel_loop3A_434 : f32 to vector<16xf32>
        %parallel_loop3A_436 = arith.maximumf %parallel_loop3A_433, %parallel_loop3A_435 : vector<16xf32>
        %parallel_loop3A_437 = arith.constant 0 : i32
        %parallel_loop3A_438 = arith.addi %parallel_loop3A_379, %parallel_loop3A_437 : i32
        %parallel_loop3A_439 = arith.index_cast %parallel_loop3A_438 : i32 to index
        %parallel_loop3A_440 = arith.constant 48 : index
        %parallel_loop3A_441 = tpu.vector_load %arg13[%parallel_loop3A_439, %parallel_loop3A_440] {strides = array<i32>} : memref<80x128xf32, #tpu.memory_space<vmem>>, vector<1x16xf32>,
        %parallel_loop3A_442 = vector.shape_cast %parallel_loop3A_441 : vector<1x16xf32> to vector<16xf32>
        %parallel_loop3A_443 = vector.shape_cast %parallel_loop3A_436 : vector<16xf32> to vector<1x16xf32>
        tpu.vector_store %arg13[%parallel_loop3A_439, %parallel_loop3A_440], %parallel_loop3A_443 {strides = array<i32>} : memref<80x128xf32, #tpu.memory_space<vmem>>, vector<1x16xf32>,
        %parallel_loop3A_444 = arith.constant 0 : i32
        %parallel_loop3A_445 = arith.addi %parallel_loop3A_379, %parallel_loop3A_444 : i32
        %parallel_loop3A_446 = arith.index_cast %parallel_loop3A_445 : i32 to index
        %parallel_loop3A_447 = arith.constant 64 : index
        %parallel_loop3A_448 = tpu.vector_load %arg13[%parallel_loop3A_446, %parallel_loop3A_447] {strides = array<i32>} : memref<80x128xf32, #tpu.memory_space<vmem>>, vector<1x16xf32>,
        %parallel_loop3A_449 = vector.shape_cast %parallel_loop3A_448 : vector<1x16xf32> to vector<16xf32>
        %parallel_loop3A_450 = arith.constant 0.000000e+00 : f32
        %parallel_loop3A_451 = vector.broadcast %parallel_loop3A_450 : f32 to vector<16xf32>
        %parallel_loop3A_452 = arith.maximumf %parallel_loop3A_449, %parallel_loop3A_451 : vector<16xf32>
        %parallel_loop3A_453 = arith.constant 0 : i32
        %parallel_loop3A_454 = arith.addi %parallel_loop3A_379, %parallel_loop3A_453 : i32
        %parallel_loop3A_455 = arith.index_cast %parallel_loop3A_454 : i32 to index
        %parallel_loop3A_456 = arith.constant 64 : index
        %parallel_loop3A_457 = tpu.vector_load %arg13[%parallel_loop3A_455, %parallel_loop3A_456] {strides = array<i32>} : memref<80x128xf32, #tpu.memory_space<vmem>>, vector<1x16xf32>,
        %parallel_loop3A_458 = vector.shape_cast %parallel_loop3A_457 : vector<1x16xf32> to vector<16xf32>
        %parallel_loop3A_459 = vector.shape_cast %parallel_loop3A_452 : vector<16xf32> to vector<1x16xf32>
        tpu.vector_store %arg13[%parallel_loop3A_455, %parallel_loop3A_456], %parallel_loop3A_459 {strides = array<i32>} : memref<80x128xf32, #tpu.memory_space<vmem>>, vector<1x16xf32>,
        %parallel_loop3A_460 = arith.constant 0 : i32
        %parallel_loop3A_461 = arith.addi %parallel_loop3A_379, %parallel_loop3A_460 : i32
        %parallel_loop3A_462 = arith.index_cast %parallel_loop3A_461 : i32 to index
        %parallel_loop3A_463 = arith.constant 80 : index
        %parallel_loop3A_464 = tpu.vector_load %arg13[%parallel_loop3A_462, %parallel_loop3A_463] {strides = array<i32>} : memref<80x128xf32, #tpu.memory_space<vmem>>, vector<1x16xf32>,
        %parallel_loop3A_465 = vector.shape_cast %parallel_loop3A_464 : vector<1x16xf32> to vector<16xf32>
        %parallel_loop3A_466 = arith.constant 0.000000e+00 : f32
        %parallel_loop3A_467 = vector.broadcast %parallel_loop3A_466 : f32 to vector<16xf32>
        %parallel_loop3A_468 = arith.maximumf %parallel_loop3A_465, %parallel_loop3A_467 : vector<16xf32>
        %parallel_loop3A_469 = arith.constant 0 : i32
        %parallel_loop3A_470 = arith.addi %parallel_loop3A_379, %parallel_loop3A_469 : i32
        %parallel_loop3A_471 = arith.index_cast %parallel_loop3A_470 : i32 to index
        %parallel_loop3A_472 = arith.constant 80 : index
        %parallel_loop3A_473 = tpu.vector_load %arg13[%parallel_loop3A_471, %parallel_loop3A_472] {strides = array<i32>} : memref<80x128xf32, #tpu.memory_space<vmem>>, vector<1x16xf32>,
        %parallel_loop3A_474 = vector.shape_cast %parallel_loop3A_473 : vector<1x16xf32> to vector<16xf32>
        %parallel_loop3A_475 = vector.shape_cast %parallel_loop3A_468 : vector<16xf32> to vector<1x16xf32>
        tpu.vector_store %arg13[%parallel_loop3A_471, %parallel_loop3A_472], %parallel_loop3A_475 {strides = array<i32>} : memref<80x128xf32, #tpu.memory_space<vmem>>, vector<1x16xf32>,
        %parallel_loop3A_476 = arith.constant 0 : i32
        %parallel_loop3A_477 = arith.addi %parallel_loop3A_379, %parallel_loop3A_476 : i32
        %parallel_loop3A_478 = arith.index_cast %parallel_loop3A_477 : i32 to index
        %parallel_loop3A_479 = arith.constant 96 : index
        %parallel_loop3A_480 = tpu.vector_load %arg13[%parallel_loop3A_478, %parallel_loop3A_479] {strides = array<i32>} : memref<80x128xf32, #tpu.memory_space<vmem>>, vector<1x16xf32>,
        %parallel_loop3A_481 = vector.shape_cast %parallel_loop3A_480 : vector<1x16xf32> to vector<16xf32>
        %parallel_loop3A_482 = arith.constant 0.000000e+00 : f32
        %parallel_loop3A_483 = vector.broadcast %parallel_loop3A_482 : f32 to vector<16xf32>
        %parallel_loop3A_484 = arith.maximumf %parallel_loop3A_481, %parallel_loop3A_483 : vector<16xf32>
        %parallel_loop3A_485 = arith.constant 0 : i32
        %parallel_loop3A_486 = arith.addi %parallel_loop3A_379, %parallel_loop3A_485 : i32
        %parallel_loop3A_487 = arith.index_cast %parallel_loop3A_486 : i32 to index
        %parallel_loop3A_488 = arith.constant 96 : index
        %parallel_loop3A_489 = tpu.vector_load %arg13[%parallel_loop3A_487, %parallel_loop3A_488] {strides = array<i32>} : memref<80x128xf32, #tpu.memory_space<vmem>>, vector<1x16xf32>,
        %parallel_loop3A_490 = vector.shape_cast %parallel_loop3A_489 : vector<1x16xf32> to vector<16xf32>
        %parallel_loop3A_491 = vector.shape_cast %parallel_loop3A_484 : vector<16xf32> to vector<1x16xf32>
        tpu.vector_store %arg13[%parallel_loop3A_487, %parallel_loop3A_488], %parallel_loop3A_491 {strides = array<i32>} : memref<80x128xf32, #tpu.memory_space<vmem>>, vector<1x16xf32>,
        %parallel_loop3A_492 = arith.constant 0 : i32
        %parallel_loop3A_493 = arith.addi %parallel_loop3A_379, %parallel_loop3A_492 : i32
        %parallel_loop3A_494 = arith.index_cast %parallel_loop3A_493 : i32 to index
        %parallel_loop3A_495 = arith.constant 112 : index
        %parallel_loop3A_496 = tpu.vector_load %arg13[%parallel_loop3A_494, %parallel_loop3A_495] {strides = array<i32>} : memref<80x128xf32, #tpu.memory_space<vmem>>, vector<1x16xf32>,
        %parallel_loop3A_497 = vector.shape_cast %parallel_loop3A_496 : vector<1x16xf32> to vector<16xf32>
        %parallel_loop3A_498 = arith.constant 0.000000e+00 : f32
        %parallel_loop3A_499 = vector.broadcast %parallel_loop3A_498 : f32 to vector<16xf32>
        %parallel_loop3A_500 = arith.maximumf %parallel_loop3A_497, %parallel_loop3A_499 : vector<16xf32>
        %parallel_loop3A_501 = arith.constant 0 : i32
        %parallel_loop3A_502 = arith.addi %parallel_loop3A_379, %parallel_loop3A_501 : i32
        %parallel_loop3A_503 = arith.index_cast %parallel_loop3A_502 : i32 to index
        %parallel_loop3A_504 = arith.constant 112 : index
        %parallel_loop3A_505 = tpu.vector_load %arg13[%parallel_loop3A_503, %parallel_loop3A_504] {strides = array<i32>} : memref<80x128xf32, #tpu.memory_space<vmem>>, vector<1x16xf32>,
        %parallel_loop3A_506 = vector.shape_cast %parallel_loop3A_505 : vector<1x16xf32> to vector<16xf32>
        %parallel_loop3A_507 = vector.shape_cast %parallel_loop3A_500 : vector<16xf32> to vector<1x16xf32>
        tpu.vector_store %arg13[%parallel_loop3A_503, %parallel_loop3A_504], %parallel_loop3A_507 {strides = array<i32>} : memref<80x128xf32, #tpu.memory_space<vmem>>, vector<1x16xf32>,
        %parallel_loop3A_508 = arith.constant 1 : i32
        %parallel_loop3A_509 = arith.addi %parallel_loop3A_379, %parallel_loop3A_508 : i32
        %parallel_loop3A_510 = arith.index_cast %parallel_loop3A_509 : i32 to index
        %parallel_loop3A_511 = arith.constant 0 : index
        %parallel_loop3A_512 = tpu.vector_load %arg13[%parallel_loop3A_510, %parallel_loop3A_511] {strides = array<i32>} : memref<80x128xf32, #tpu.memory_space<vmem>>, vector<1x16xf32>,
        %parallel_loop3A_513 = vector.shape_cast %parallel_loop3A_512 : vector<1x16xf32> to vector<16xf32>
        %parallel_loop3A_514 = arith.constant 0.000000e+00 : f32
        %parallel_loop3A_515 = vector.broadcast %parallel_loop3A_514 : f32 to vector<16xf32>
        %parallel_loop3A_516 = arith.maximumf %parallel_loop3A_513, %parallel_loop3A_515 : vector<16xf32>
        %parallel_loop3A_517 = arith.constant 1 : i32
        %parallel_loop3A_518 = arith.addi %parallel_loop3A_379, %parallel_loop3A_517 : i32
        %parallel_loop3A_519 = arith.index_cast %parallel_loop3A_518 : i32 to index
        %parallel_loop3A_520 = arith.constant 0 : index
        %parallel_loop3A_521 = tpu.vector_load %arg13[%parallel_loop3A_519, %parallel_loop3A_520] {strides = array<i32>} : memref<80x128xf32, #tpu.memory_space<vmem>>, vector<1x16xf32>,
        %parallel_loop3A_522 = vector.shape_cast %parallel_loop3A_521 : vector<1x16xf32> to vector<16xf32>
        %parallel_loop3A_523 = vector.shape_cast %parallel_loop3A_516 : vector<16xf32> to vector<1x16xf32>
        tpu.vector_store %arg13[%parallel_loop3A_519, %parallel_loop3A_520], %parallel_loop3A_523 {strides = array<i32>} : memref<80x128xf32, #tpu.memory_space<vmem>>, vector<1x16xf32>,
        %parallel_loop3A_524 = arith.constant 1 : i32
        %parallel_loop3A_525 = arith.addi %parallel_loop3A_379, %parallel_loop3A_524 : i32
        %parallel_loop3A_526 = arith.index_cast %parallel_loop3A_525 : i32 to index
        %parallel_loop3A_527 = arith.constant 16 : index
        %parallel_loop3A_528 = tpu.vector_load %arg13[%parallel_loop3A_526, %parallel_loop3A_527] {strides = array<i32>} : memref<80x128xf32, #tpu.memory_space<vmem>>, vector<1x16xf32>,
        %parallel_loop3A_529 = vector.shape_cast %parallel_loop3A_528 : vector<1x16xf32> to vector<16xf32>
        %parallel_loop3A_530 = arith.constant 0.000000e+00 : f32
        %parallel_loop3A_531 = vector.broadcast %parallel_loop3A_530 : f32 to vector<16xf32>
        %parallel_loop3A_532 = arith.maximumf %parallel_loop3A_529, %parallel_loop3A_531 : vector<16xf32>
        %parallel_loop3A_533 = arith.constant 1 : i32
        %parallel_loop3A_534 = arith.addi %parallel_loop3A_379, %parallel_loop3A_533 : i32
        %parallel_loop3A_535 = arith.index_cast %parallel_loop3A_534 : i32 to index
        %parallel_loop3A_536 = arith.constant 16 : index
        %parallel_loop3A_537 = tpu.vector_load %arg13[%parallel_loop3A_535, %parallel_loop3A_536] {strides = array<i32>} : memref<80x128xf32, #tpu.memory_space<vmem>>, vector<1x16xf32>,
        %parallel_loop3A_538 = vector.shape_cast %parallel_loop3A_537 : vector<1x16xf32> to vector<16xf32>
        %parallel_loop3A_539 = vector.shape_cast %parallel_loop3A_532 : vector<16xf32> to vector<1x16xf32>
        tpu.vector_store %arg13[%parallel_loop3A_535, %parallel_loop3A_536], %parallel_loop3A_539 {strides = array<i32>} : memref<80x128xf32, #tpu.memory_space<vmem>>, vector<1x16xf32>,
        %parallel_loop3A_540 = arith.constant 1 : i32
        %parallel_loop3A_541 = arith.addi %parallel_loop3A_379, %parallel_loop3A_540 : i32
        %parallel_loop3A_542 = arith.index_cast %parallel_loop3A_541 : i32 to index
        %parallel_loop3A_543 = arith.constant 32 : index
        %parallel_loop3A_544 = tpu.vector_load %arg13[%parallel_loop3A_542, %parallel_loop3A_543] {strides = array<i32>} : memref<80x128xf32, #tpu.memory_space<vmem>>, vector<1x16xf32>,
        %parallel_loop3A_545 = vector.shape_cast %parallel_loop3A_544 : vector<1x16xf32> to vector<16xf32>
        %parallel_loop3A_546 = arith.constant 0.000000e+00 : f32
        %parallel_loop3A_547 = vector.broadcast %parallel_loop3A_546 : f32 to vector<16xf32>
        %parallel_loop3A_548 = arith.maximumf %parallel_loop3A_545, %parallel_loop3A_547 : vector<16xf32>
        %parallel_loop3A_549 = arith.constant 1 : i32
        %parallel_loop3A_550 = arith.addi %parallel_loop3A_379, %parallel_loop3A_549 : i32
        %parallel_loop3A_551 = arith.index_cast %parallel_loop3A_550 : i32 to index
        %parallel_loop3A_552 = arith.constant 32 : index
        %parallel_loop3A_553 = tpu.vector_load %arg13[%parallel_loop3A_551, %parallel_loop3A_552] {strides = array<i32>} : memref<80x128xf32, #tpu.memory_space<vmem>>, vector<1x16xf32>,
        %parallel_loop3A_554 = vector.shape_cast %parallel_loop3A_553 : vector<1x16xf32> to vector<16xf32>
        %parallel_loop3A_555 = vector.shape_cast %parallel_loop3A_548 : vector<16xf32> to vector<1x16xf32>
        tpu.vector_store %arg13[%parallel_loop3A_551, %parallel_loop3A_552], %parallel_loop3A_555 {strides = array<i32>} : memref<80x128xf32, #tpu.memory_space<vmem>>, vector<1x16xf32>,
        %parallel_loop3A_556 = arith.constant 1 : i32
        %parallel_loop3A_557 = arith.addi %parallel_loop3A_379, %parallel_loop3A_556 : i32
        %parallel_loop3A_558 = arith.index_cast %parallel_loop3A_557 : i32 to index
        %parallel_loop3A_559 = arith.constant 48 : index
        %parallel_loop3A_560 = tpu.vector_load %arg13[%parallel_loop3A_558, %parallel_loop3A_559] {strides = array<i32>} : memref<80x128xf32, #tpu.memory_space<vmem>>, vector<1x16xf32>,
        %parallel_loop3A_561 = vector.shape_cast %parallel_loop3A_560 : vector<1x16xf32> to vector<16xf32>
        %parallel_loop3A_562 = arith.constant 0.000000e+00 : f32
        %parallel_loop3A_563 = vector.broadcast %parallel_loop3A_562 : f32 to vector<16xf32>
        %parallel_loop3A_564 = arith.maximumf %parallel_loop3A_561, %parallel_loop3A_563 : vector<16xf32>
        %parallel_loop3A_565 = arith.constant 1 : i32
        %parallel_loop3A_566 = arith.addi %parallel_loop3A_379, %parallel_loop3A_565 : i32
        %parallel_loop3A_567 = arith.index_cast %parallel_loop3A_566 : i32 to index
        %parallel_loop3A_568 = arith.constant 48 : index
        %parallel_loop3A_569 = tpu.vector_load %arg13[%parallel_loop3A_567, %parallel_loop3A_568] {strides = array<i32>} : memref<80x128xf32, #tpu.memory_space<vmem>>, vector<1x16xf32>,
        %parallel_loop3A_570 = vector.shape_cast %parallel_loop3A_569 : vector<1x16xf32> to vector<16xf32>
        %parallel_loop3A_571 = vector.shape_cast %parallel_loop3A_564 : vector<16xf32> to vector<1x16xf32>
        tpu.vector_store %arg13[%parallel_loop3A_567, %parallel_loop3A_568], %parallel_loop3A_571 {strides = array<i32>} : memref<80x128xf32, #tpu.memory_space<vmem>>, vector<1x16xf32>,
        %parallel_loop3A_572 = arith.constant 1 : i32
        %parallel_loop3A_573 = arith.addi %parallel_loop3A_379, %parallel_loop3A_572 : i32
        %parallel_loop3A_574 = arith.index_cast %parallel_loop3A_573 : i32 to index
        %parallel_loop3A_575 = arith.constant 64 : index
        %parallel_loop3A_576 = tpu.vector_load %arg13[%parallel_loop3A_574, %parallel_loop3A_575] {strides = array<i32>} : memref<80x128xf32, #tpu.memory_space<vmem>>, vector<1x16xf32>,
        %parallel_loop3A_577 = vector.shape_cast %parallel_loop3A_576 : vector<1x16xf32> to vector<16xf32>
        %parallel_loop3A_578 = arith.constant 0.000000e+00 : f32
        %parallel_loop3A_579 = vector.broadcast %parallel_loop3A_578 : f32 to vector<16xf32>
        %parallel_loop3A_580 = arith.maximumf %parallel_loop3A_577, %parallel_loop3A_579 : vector<16xf32>
        %parallel_loop3A_581 = arith.constant 1 : i32
        %parallel_loop3A_582 = arith.addi %parallel_loop3A_379, %parallel_loop3A_581 : i32
        %parallel_loop3A_583 = arith.index_cast %parallel_loop3A_582 : i32 to index
        %parallel_loop3A_584 = arith.constant 64 : index
        %parallel_loop3A_585 = tpu.vector_load %arg13[%parallel_loop3A_583, %parallel_loop3A_584] {strides = array<i32>} : memref<80x128xf32, #tpu.memory_space<vmem>>, vector<1x16xf32>,
        %parallel_loop3A_586 = vector.shape_cast %parallel_loop3A_585 : vector<1x16xf32> to vector<16xf32>
        %parallel_loop3A_587 = vector.shape_cast %parallel_loop3A_580 : vector<16xf32> to vector<1x16xf32>
        tpu.vector_store %arg13[%parallel_loop3A_583, %parallel_loop3A_584], %parallel_loop3A_587 {strides = array<i32>} : memref<80x128xf32, #tpu.memory_space<vmem>>, vector<1x16xf32>,
        %parallel_loop3A_588 = arith.constant 1 : i32
        %parallel_loop3A_589 = arith.addi %parallel_loop3A_379, %parallel_loop3A_588 : i32
        %parallel_loop3A_590 = arith.index_cast %parallel_loop3A_589 : i32 to index
        %parallel_loop3A_591 = arith.constant 80 : index
        %parallel_loop3A_592 = tpu.vector_load %arg13[%parallel_loop3A_590, %parallel_loop3A_591] {strides = array<i32>} : memref<80x128xf32, #tpu.memory_space<vmem>>, vector<1x16xf32>,
        %parallel_loop3A_593 = vector.shape_cast %parallel_loop3A_592 : vector<1x16xf32> to vector<16xf32>
        %parallel_loop3A_594 = arith.constant 0.000000e+00 : f32
        %parallel_loop3A_595 = vector.broadcast %parallel_loop3A_594 : f32 to vector<16xf32>
        %parallel_loop3A_596 = arith.maximumf %parallel_loop3A_593, %parallel_loop3A_595 : vector<16xf32>
        %parallel_loop3A_597 = arith.constant 1 : i32
        %parallel_loop3A_598 = arith.addi %parallel_loop3A_379, %parallel_loop3A_597 : i32
        %parallel_loop3A_599 = arith.index_cast %parallel_loop3A_598 : i32 to index
        %parallel_loop3A_600 = arith.constant 80 : index
        %parallel_loop3A_601 = tpu.vector_load %arg13[%parallel_loop3A_599, %parallel_loop3A_600] {strides = array<i32>} : memref<80x128xf32, #tpu.memory_space<vmem>>, vector<1x16xf32>,
        %parallel_loop3A_602 = vector.shape_cast %parallel_loop3A_601 : vector<1x16xf32> to vector<16xf32>
        %parallel_loop3A_603 = vector.shape_cast %parallel_loop3A_596 : vector<16xf32> to vector<1x16xf32>
        tpu.vector_store %arg13[%parallel_loop3A_599, %parallel_loop3A_600], %parallel_loop3A_603 {strides = array<i32>} : memref<80x128xf32, #tpu.memory_space<vmem>>, vector<1x16xf32>,
        %parallel_loop3A_604 = arith.constant 1 : i32
        %parallel_loop3A_605 = arith.addi %parallel_loop3A_379, %parallel_loop3A_604 : i32
        %parallel_loop3A_606 = arith.index_cast %parallel_loop3A_605 : i32 to index
        %parallel_loop3A_607 = arith.constant 96 : index
        %parallel_loop3A_608 = tpu.vector_load %arg13[%parallel_loop3A_606, %parallel_loop3A_607] {strides = array<i32>} : memref<80x128xf32, #tpu.memory_space<vmem>>, vector<1x16xf32>,
        %parallel_loop3A_609 = vector.shape_cast %parallel_loop3A_608 : vector<1x16xf32> to vector<16xf32>
        %parallel_loop3A_610 = arith.constant 0.000000e+00 : f32
        %parallel_loop3A_611 = vector.broadcast %parallel_loop3A_610 : f32 to vector<16xf32>
        %parallel_loop3A_612 = arith.maximumf %parallel_loop3A_609, %parallel_loop3A_611 : vector<16xf32>
        %parallel_loop3A_613 = arith.constant 1 : i32
        %parallel_loop3A_614 = arith.addi %parallel_loop3A_379, %parallel_loop3A_613 : i32
        %parallel_loop3A_615 = arith.index_cast %parallel_loop3A_614 : i32 to index
        %parallel_loop3A_616 = arith.constant 96 : index
        %parallel_loop3A_617 = tpu.vector_load %arg13[%parallel_loop3A_615, %parallel_loop3A_616] {strides = array<i32>} : memref<80x128xf32, #tpu.memory_space<vmem>>, vector<1x16xf32>,
        %parallel_loop3A_618 = vector.shape_cast %parallel_loop3A_617 : vector<1x16xf32> to vector<16xf32>
        %parallel_loop3A_619 = vector.shape_cast %parallel_loop3A_612 : vector<16xf32> to vector<1x16xf32>
        tpu.vector_store %arg13[%parallel_loop3A_615, %parallel_loop3A_616], %parallel_loop3A_619 {strides = array<i32>} : memref<80x128xf32, #tpu.memory_space<vmem>>, vector<1x16xf32>,
        %parallel_loop3A_620 = arith.constant 1 : i32
        %parallel_loop3A_621 = arith.addi %parallel_loop3A_379, %parallel_loop3A_620 : i32
        %parallel_loop3A_622 = arith.index_cast %parallel_loop3A_621 : i32 to index
        %parallel_loop3A_623 = arith.constant 112 : index
        %parallel_loop3A_624 = tpu.vector_load %arg13[%parallel_loop3A_622, %parallel_loop3A_623] {strides = array<i32>} : memref<80x128xf32, #tpu.memory_space<vmem>>, vector<1x16xf32>,
        %parallel_loop3A_625 = vector.shape_cast %parallel_loop3A_624 : vector<1x16xf32> to vector<16xf32>
        %parallel_loop3A_626 = arith.constant 0.000000e+00 : f32
        %parallel_loop3A_627 = vector.broadcast %parallel_loop3A_626 : f32 to vector<16xf32>
        %parallel_loop3A_628 = arith.maximumf %parallel_loop3A_625, %parallel_loop3A_627 : vector<16xf32>
        %parallel_loop3A_629 = arith.constant 1 : i32
        %parallel_loop3A_630 = arith.addi %parallel_loop3A_379, %parallel_loop3A_629 : i32
        %parallel_loop3A_631 = arith.index_cast %parallel_loop3A_630 : i32 to index
        %parallel_loop3A_632 = arith.constant 112 : index
        %parallel_loop3A_633 = tpu.vector_load %arg13[%parallel_loop3A_631, %parallel_loop3A_632] {strides = array<i32>} : memref<80x128xf32, #tpu.memory_space<vmem>>, vector<1x16xf32>,
        %parallel_loop3A_634 = vector.shape_cast %parallel_loop3A_633 : vector<1x16xf32> to vector<16xf32>
        %parallel_loop3A_635 = vector.shape_cast %parallel_loop3A_628 : vector<16xf32> to vector<1x16xf32>
        tpu.vector_store %arg13[%parallel_loop3A_631, %parallel_loop3A_632], %parallel_loop3A_635 {strides = array<i32>} : memref<80x128xf32, #tpu.memory_space<vmem>>, vector<1x16xf32>,
      } {sc.loop_unroll_factor = 4 : i64, sc.parallel_access}
      %dma_start3A_372 = arith.constant 1 : i32
      %dma_start3A_373 = arith.constant 0 : i32
      %dma_start3A_374 = tpu.memref_slice %arg9[%dma_start3A_372, %dma_start3A_373] : memref<2x80xi32, #tpu.memory_space<vmem>> -> memref<1x80xi32, #tpu.memory_space<vmem>>
      %dma_start3A_375 = tpu.memref_squeeze %dma_start3A_374 : memref<1x80xi32, #tpu.memory_space<vmem>> -> memref<80xi32, #tpu.memory_space<vmem>>
      %dma_start3A_376 = arith.constant 0 : i32
      %dma_start3A_377 = arith.constant 0 : i32
      %dma_start3A_378 = tpu.memref_slice %arg14[%dma_start3A_376, %dma_start3A_377] : memref<10000x128xf32, #tpu.memory_space<vmem_shared>> -> memref<10000x128xf32, #tpu.memory_space<vmem_shared>>
      tpu.enqueue_indirect_dma source(%arg13 : memref<80x128xf32, #tpu.memory_space<vmem>>) target(%dma_start3A_378 : memref<10000x128xf32, #tpu.memory_space<vmem_shared>>) offsets(%dma_start3A_375 : memref<80xi32, #tpu.memory_space<vmem>>) semaphore(%arg30 : memref<!tpu.dma_semaphore, #tpu.memory_space<semaphore_mem>>) {add = true}
    }
    %scan3A_66 = arith.constant 31 : i32
    %dma_wait3A_67 = arith.constant 0 : i32
    %dma_wait3A_68 = arith.constant 0 : i32
    %dma_wait3A_69 = tpu.memref_slice %arg6[%dma_wait3A_67, %dma_wait3A_68] : memref<2x80xi32, #tpu.memory_space<vmem>> -> memref<1x80xi32, #tpu.memory_space<vmem>>
    %dma_wait3A_70 = tpu.memref_squeeze %dma_wait3A_69 : memref<1x80xi32, #tpu.memory_space<vmem>> -> memref<80xi32, #tpu.memory_space<vmem>>
    %dma_wait3A_71 = arith.constant 0 : i32
    %dma_wait3A_72 = arith.constant 0 : i32
    %dma_wait3A_73 = tpu.memref_slice %arg2[%arg0, %dma_wait3A_71, %dma_wait3A_72] : memref<2x10000x128xf32, #tpu.memory_space<hbm>> -> memref<1x10000x128xf32, #tpu.memory_space<hbm>>
    %dma_wait3A_74 = tpu.memref_squeeze %dma_wait3A_73 : memref<1x10000x128xf32, #tpu.memory_space<hbm>> -> memref<10000x128xf32, #tpu.memory_space<hbm>>
    %dma_wait3A_75 = arith.constant 0 : i32
    %dma_wait3A_76 = arith.constant 0 : i32
    %dma_wait3A_77 = tpu.memref_slice %dma_wait3A_74[%dma_wait3A_75, %dma_wait3A_76] : memref<10000x128xf32, #tpu.memory_space<hbm>> -> memref<10000x128xf32, #tpu.memory_space<hbm>>
    tpu.wait_indirect_dma semaphore(%arg23 : memref<!tpu.dma_semaphore, #tpu.memory_space<semaphore_mem>>) src(%dma_wait3A_77 : memref<10000x128xf32, #tpu.memory_space<hbm>>) dst(%arg10 : memref<80x128xf32, #tpu.memory_space<vmem>>)
    %parallel_loop3A = arith.constant 0 : i32
    %parallel_loop3A_78 = arith.constant 80 : i32
    %parallel_loop3A_79 = arith.constant 2 : i32
    scf.for %parallel_loop3A_121 = %parallel_loop3A to %parallel_loop3A_78 step %parallel_loop3A_79  : i32 {
      %parallel_loop3A_122 = arith.constant 0 : i32
      %parallel_loop3A_123 = arith.addi %parallel_loop3A_121, %parallel_loop3A_122 : i32
      %parallel_loop3A_124 = arith.index_cast %parallel_loop3A_123 : i32 to index
      %parallel_loop3A_125 = arith.constant 0 : index
      %parallel_loop3A_126 = tpu.vector_load %arg10[%parallel_loop3A_124, %parallel_loop3A_125] {strides = array<i32>} : memref<80x128xf32, #tpu.memory_space<vmem>>, vector<1x16xf32>,
      %parallel_loop3A_127 = vector.shape_cast %parallel_loop3A_126 : vector<1x16xf32> to vector<16xf32>
      %parallel_loop3A_128 = arith.constant 0.000000e+00 : f32
      %parallel_loop3A_129 = vector.broadcast %parallel_loop3A_128 : f32 to vector<16xf32>
      %parallel_loop3A_130 = arith.maximumf %parallel_loop3A_127, %parallel_loop3A_129 : vector<16xf32>
      %parallel_loop3A_131 = arith.constant 0 : i32
      %parallel_loop3A_132 = arith.addi %parallel_loop3A_121, %parallel_loop3A_131 : i32
      %parallel_loop3A_133 = arith.index_cast %parallel_loop3A_132 : i32 to index
      %parallel_loop3A_134 = arith.constant 0 : index
      %parallel_loop3A_135 = tpu.vector_load %arg10[%parallel_loop3A_133, %parallel_loop3A_134] {strides = array<i32>} : memref<80x128xf32, #tpu.memory_space<vmem>>, vector<1x16xf32>,
      %parallel_loop3A_136 = vector.shape_cast %parallel_loop3A_135 : vector<1x16xf32> to vector<16xf32>
      %parallel_loop3A_137 = vector.shape_cast %parallel_loop3A_130 : vector<16xf32> to vector<1x16xf32>
      tpu.vector_store %arg10[%parallel_loop3A_133, %parallel_loop3A_134], %parallel_loop3A_137 {strides = array<i32>} : memref<80x128xf32, #tpu.memory_space<vmem>>, vector<1x16xf32>,
      %parallel_loop3A_138 = arith.constant 0 : i32
      %parallel_loop3A_139 = arith.addi %parallel_loop3A_121, %parallel_loop3A_138 : i32
      %parallel_loop3A_140 = arith.index_cast %parallel_loop3A_139 : i32 to index
      %parallel_loop3A_141 = arith.constant 16 : index
      %parallel_loop3A_142 = tpu.vector_load %arg10[%parallel_loop3A_140, %parallel_loop3A_141] {strides = array<i32>} : memref<80x128xf32, #tpu.memory_space<vmem>>, vector<1x16xf32>,
      %parallel_loop3A_143 = vector.shape_cast %parallel_loop3A_142 : vector<1x16xf32> to vector<16xf32>
      %parallel_loop3A_144 = arith.constant 0.000000e+00 : f32
      %parallel_loop3A_145 = vector.broadcast %parallel_loop3A_144 : f32 to vector<16xf32>
      %parallel_loop3A_146 = arith.maximumf %parallel_loop3A_143, %parallel_loop3A_145 : vector<16xf32>
      %parallel_loop3A_147 = arith.constant 0 : i32
      %parallel_loop3A_148 = arith.addi %parallel_loop3A_121, %parallel_loop3A_147 : i32
      %parallel_loop3A_149 = arith.index_cast %parallel_loop3A_148 : i32 to index
      %parallel_loop3A_150 = arith.constant 16 : index
      %parallel_loop3A_151 = tpu.vector_load %arg10[%parallel_loop3A_149, %parallel_loop3A_150] {strides = array<i32>} : memref<80x128xf32, #tpu.memory_space<vmem>>, vector<1x16xf32>,
      %parallel_loop3A_152 = vector.shape_cast %parallel_loop3A_151 : vector<1x16xf32> to vector<16xf32>
      %parallel_loop3A_153 = vector.shape_cast %parallel_loop3A_146 : vector<16xf32> to vector<1x16xf32>
      tpu.vector_store %arg10[%parallel_loop3A_149, %parallel_loop3A_150], %parallel_loop3A_153 {strides = array<i32>} : memref<80x128xf32, #tpu.memory_space<vmem>>, vector<1x16xf32>,
      %parallel_loop3A_154 = arith.constant 0 : i32
      %parallel_loop3A_155 = arith.addi %parallel_loop3A_121, %parallel_loop3A_154 : i32
      %parallel_loop3A_156 = arith.index_cast %parallel_loop3A_155 : i32 to index
      %parallel_loop3A_157 = arith.constant 32 : index
      %parallel_loop3A_158 = tpu.vector_load %arg10[%parallel_loop3A_156, %parallel_loop3A_157] {strides = array<i32>} : memref<80x128xf32, #tpu.memory_space<vmem>>, vector<1x16xf32>,
      %parallel_loop3A_159 = vector.shape_cast %parallel_loop3A_158 : vector<1x16xf32> to vector<16xf32>
      %parallel_loop3A_160 = arith.constant 0.000000e+00 : f32
      %parallel_loop3A_161 = vector.broadcast %parallel_loop3A_160 : f32 to vector<16xf32>
      %parallel_loop3A_162 = arith.maximumf %parallel_loop3A_159, %parallel_loop3A_161 : vector<16xf32>
      %parallel_loop3A_163 = arith.constant 0 : i32
      %parallel_loop3A_164 = arith.addi %parallel_loop3A_121, %parallel_loop3A_163 : i32
      %parallel_loop3A_165 = arith.index_cast %parallel_loop3A_164 : i32 to index
      %parallel_loop3A_166 = arith.constant 32 : index
      %parallel_loop3A_167 = tpu.vector_load %arg10[%parallel_loop3A_165, %parallel_loop3A_166] {strides = array<i32>} : memref<80x128xf32, #tpu.memory_space<vmem>>, vector<1x16xf32>,
      %parallel_loop3A_168 = vector.shape_cast %parallel_loop3A_167 : vector<1x16xf32> to vector<16xf32>
      %parallel_loop3A_169 = vector.shape_cast %parallel_loop3A_162 : vector<16xf32> to vector<1x16xf32>
      tpu.vector_store %arg10[%parallel_loop3A_165, %parallel_loop3A_166], %parallel_loop3A_169 {strides = array<i32>} : memref<80x128xf32, #tpu.memory_space<vmem>>, vector<1x16xf32>,
      %parallel_loop3A_170 = arith.constant 0 : i32
      %parallel_loop3A_171 = arith.addi %parallel_loop3A_121, %parallel_loop3A_170 : i32
      %parallel_loop3A_172 = arith.index_cast %parallel_loop3A_171 : i32 to index
      %parallel_loop3A_173 = arith.constant 48 : index
      %parallel_loop3A_174 = tpu.vector_load %arg10[%parallel_loop3A_172, %parallel_loop3A_173] {strides = array<i32>} : memref<80x128xf32, #tpu.memory_space<vmem>>, vector<1x16xf32>,
      %parallel_loop3A_175 = vector.shape_cast %parallel_loop3A_174 : vector<1x16xf32> to vector<16xf32>
      %parallel_loop3A_176 = arith.constant 0.000000e+00 : f32
      %parallel_loop3A_177 = vector.broadcast %parallel_loop3A_176 : f32 to vector<16xf32>
      %parallel_loop3A_178 = arith.maximumf %parallel_loop3A_175, %parallel_loop3A_177 : vector<16xf32>
      %parallel_loop3A_179 = arith.constant 0 : i32
      %parallel_loop3A_180 = arith.addi %parallel_loop3A_121, %parallel_loop3A_179 : i32
      %parallel_loop3A_181 = arith.index_cast %parallel_loop3A_180 : i32 to index
      %parallel_loop3A_182 = arith.constant 48 : index
      %parallel_loop3A_183 = tpu.vector_load %arg10[%parallel_loop3A_181, %parallel_loop3A_182] {strides = array<i32>} : memref<80x128xf32, #tpu.memory_space<vmem>>, vector<1x16xf32>,
      %parallel_loop3A_184 = vector.shape_cast %parallel_loop3A_183 : vector<1x16xf32> to vector<16xf32>
      %parallel_loop3A_185 = vector.shape_cast %parallel_loop3A_178 : vector<16xf32> to vector<1x16xf32>
      tpu.vector_store %arg10[%parallel_loop3A_181, %parallel_loop3A_182], %parallel_loop3A_185 {strides = array<i32>} : memref<80x128xf32, #tpu.memory_space<vmem>>, vector<1x16xf32>,
      %parallel_loop3A_186 = arith.constant 0 : i32
      %parallel_loop3A_187 = arith.addi %parallel_loop3A_121, %parallel_loop3A_186 : i32
      %parallel_loop3A_188 = arith.index_cast %parallel_loop3A_187 : i32 to index
      %parallel_loop3A_189 = arith.constant 64 : index
      %parallel_loop3A_190 = tpu.vector_load %arg10[%parallel_loop3A_188, %parallel_loop3A_189] {strides = array<i32>} : memref<80x128xf32, #tpu.memory_space<vmem>>, vector<1x16xf32>,
      %parallel_loop3A_191 = vector.shape_cast %parallel_loop3A_190 : vector<1x16xf32> to vector<16xf32>
      %parallel_loop3A_192 = arith.constant 0.000000e+00 : f32
      %parallel_loop3A_193 = vector.broadcast %parallel_loop3A_192 : f32 to vector<16xf32>
      %parallel_loop3A_194 = arith.maximumf %parallel_loop3A_191, %parallel_loop3A_193 : vector<16xf32>
      %parallel_loop3A_195 = arith.constant 0 : i32
      %parallel_loop3A_196 = arith.addi %parallel_loop3A_121, %parallel_loop3A_195 : i32
      %parallel_loop3A_197 = arith.index_cast %parallel_loop3A_196 : i32 to index
      %parallel_loop3A_198 = arith.constant 64 : index
      %parallel_loop3A_199 = tpu.vector_load %arg10[%parallel_loop3A_197, %parallel_loop3A_198] {strides = array<i32>} : memref<80x128xf32, #tpu.memory_space<vmem>>, vector<1x16xf32>,
      %parallel_loop3A_200 = vector.shape_cast %parallel_loop3A_199 : vector<1x16xf32> to vector<16xf32>
      %parallel_loop3A_201 = vector.shape_cast %parallel_loop3A_194 : vector<16xf32> to vector<1x16xf32>
      tpu.vector_store %arg10[%parallel_loop3A_197, %parallel_loop3A_198], %parallel_loop3A_201 {strides = array<i32>} : memref<80x128xf32, #tpu.memory_space<vmem>>, vector<1x16xf32>,
      %parallel_loop3A_202 = arith.constant 0 : i32
      %parallel_loop3A_203 = arith.addi %parallel_loop3A_121, %parallel_loop3A_202 : i32
      %parallel_loop3A_204 = arith.index_cast %parallel_loop3A_203 : i32 to index
      %parallel_loop3A_205 = arith.constant 80 : index
      %parallel_loop3A_206 = tpu.vector_load %arg10[%parallel_loop3A_204, %parallel_loop3A_205] {strides = array<i32>} : memref<80x128xf32, #tpu.memory_space<vmem>>, vector<1x16xf32>,
      %parallel_loop3A_207 = vector.shape_cast %parallel_loop3A_206 : vector<1x16xf32> to vector<16xf32>
      %parallel_loop3A_208 = arith.constant 0.000000e+00 : f32
      %parallel_loop3A_209 = vector.broadcast %parallel_loop3A_208 : f32 to vector<16xf32>
      %parallel_loop3A_210 = arith.maximumf %parallel_loop3A_207, %parallel_loop3A_209 : vector<16xf32>
      %parallel_loop3A_211 = arith.constant 0 : i32
      %parallel_loop3A_212 = arith.addi %parallel_loop3A_121, %parallel_loop3A_211 : i32
      %parallel_loop3A_213 = arith.index_cast %parallel_loop3A_212 : i32 to index
      %parallel_loop3A_214 = arith.constant 80 : index
      %parallel_loop3A_215 = tpu.vector_load %arg10[%parallel_loop3A_213, %parallel_loop3A_214] {strides = array<i32>} : memref<80x128xf32, #tpu.memory_space<vmem>>, vector<1x16xf32>,
      %parallel_loop3A_216 = vector.shape_cast %parallel_loop3A_215 : vector<1x16xf32> to vector<16xf32>
      %parallel_loop3A_217 = vector.shape_cast %parallel_loop3A_210 : vector<16xf32> to vector<1x16xf32>
      tpu.vector_store %arg10[%parallel_loop3A_213, %parallel_loop3A_214], %parallel_loop3A_217 {strides = array<i32>} : memref<80x128xf32, #tpu.memory_space<vmem>>, vector<1x16xf32>,
      %parallel_loop3A_218 = arith.constant 0 : i32
      %parallel_loop3A_219 = arith.addi %parallel_loop3A_121, %parallel_loop3A_218 : i32
      %parallel_loop3A_220 = arith.index_cast %parallel_loop3A_219 : i32 to index
      %parallel_loop3A_221 = arith.constant 96 : index
      %parallel_loop3A_222 = tpu.vector_load %arg10[%parallel_loop3A_220, %parallel_loop3A_221] {strides = array<i32>} : memref<80x128xf32, #tpu.memory_space<vmem>>, vector<1x16xf32>,
      %parallel_loop3A_223 = vector.shape_cast %parallel_loop3A_222 : vector<1x16xf32> to vector<16xf32>
      %parallel_loop3A_224 = arith.constant 0.000000e+00 : f32
      %parallel_loop3A_225 = vector.broadcast %parallel_loop3A_224 : f32 to vector<16xf32>
      %parallel_loop3A_226 = arith.maximumf %parallel_loop3A_223, %parallel_loop3A_225 : vector<16xf32>
      %parallel_loop3A_227 = arith.constant 0 : i32
      %parallel_loop3A_228 = arith.addi %parallel_loop3A_121, %parallel_loop3A_227 : i32
      %parallel_loop3A_229 = arith.index_cast %parallel_loop3A_228 : i32 to index
      %parallel_loop3A_230 = arith.constant 96 : index
      %parallel_loop3A_231 = tpu.vector_load %arg10[%parallel_loop3A_229, %parallel_loop3A_230] {strides = array<i32>} : memref<80x128xf32, #tpu.memory_space<vmem>>, vector<1x16xf32>,
      %parallel_loop3A_232 = vector.shape_cast %parallel_loop3A_231 : vector<1x16xf32> to vector<16xf32>
      %parallel_loop3A_233 = vector.shape_cast %parallel_loop3A_226 : vector<16xf32> to vector<1x16xf32>
      tpu.vector_store %arg10[%parallel_loop3A_229, %parallel_loop3A_230], %parallel_loop3A_233 {strides = array<i32>} : memref<80x128xf32, #tpu.memory_space<vmem>>, vector<1x16xf32>,
      %parallel_loop3A_234 = arith.constant 0 : i32
      %parallel_loop3A_235 = arith.addi %parallel_loop3A_121, %parallel_loop3A_234 : i32
      %parallel_loop3A_236 = arith.index_cast %parallel_loop3A_235 : i32 to index
      %parallel_loop3A_237 = arith.constant 112 : index
      %parallel_loop3A_238 = tpu.vector_load %arg10[%parallel_loop3A_236, %parallel_loop3A_237] {strides = array<i32>} : memref<80x128xf32, #tpu.memory_space<vmem>>, vector<1x16xf32>,
      %parallel_loop3A_239 = vector.shape_cast %parallel_loop3A_238 : vector<1x16xf32> to vector<16xf32>
      %parallel_loop3A_240 = arith.constant 0.000000e+00 : f32
      %parallel_loop3A_241 = vector.broadcast %parallel_loop3A_240 : f32 to vector<16xf32>
      %parallel_loop3A_242 = arith.maximumf %parallel_loop3A_239, %parallel_loop3A_241 : vector<16xf32>
      %parallel_loop3A_243 = arith.constant 0 : i32
      %parallel_loop3A_244 = arith.addi %parallel_loop3A_121, %parallel_loop3A_243 : i32
      %parallel_loop3A_245 = arith.index_cast %parallel_loop3A_244 : i32 to index
      %parallel_loop3A_246 = arith.constant 112 : index
      %parallel_loop3A_247 = tpu.vector_load %arg10[%parallel_loop3A_245, %parallel_loop3A_246] {strides = array<i32>} : memref<80x128xf32, #tpu.memory_space<vmem>>, vector<1x16xf32>,
      %parallel_loop3A_248 = vector.shape_cast %parallel_loop3A_247 : vector<1x16xf32> to vector<16xf32>
      %parallel_loop3A_249 = vector.shape_cast %parallel_loop3A_242 : vector<16xf32> to vector<1x16xf32>
      tpu.vector_store %arg10[%parallel_loop3A_245, %parallel_loop3A_246], %parallel_loop3A_249 {strides = array<i32>} : memref<80x128xf32, #tpu.memory_space<vmem>>, vector<1x16xf32>,
      %parallel_loop3A_250 = arith.constant 1 : i32
      %parallel_loop3A_251 = arith.addi %parallel_loop3A_121, %parallel_loop3A_250 : i32
      %parallel_loop3A_252 = arith.index_cast %parallel_loop3A_251 : i32 to index
      %parallel_loop3A_253 = arith.constant 0 : index
      %parallel_loop3A_254 = tpu.vector_load %arg10[%parallel_loop3A_252, %parallel_loop3A_253] {strides = array<i32>} : memref<80x128xf32, #tpu.memory_space<vmem>>, vector<1x16xf32>,
      %parallel_loop3A_255 = vector.shape_cast %parallel_loop3A_254 : vector<1x16xf32> to vector<16xf32>
      %parallel_loop3A_256 = arith.constant 0.000000e+00 : f32
      %parallel_loop3A_257 = vector.broadcast %parallel_loop3A_256 : f32 to vector<16xf32>
      %parallel_loop3A_258 = arith.maximumf %parallel_loop3A_255, %parallel_loop3A_257 : vector<16xf32>
      %parallel_loop3A_259 = arith.constant 1 : i32
      %parallel_loop3A_260 = arith.addi %parallel_loop3A_121, %parallel_loop3A_259 : i32
      %parallel_loop3A_261 = arith.index_cast %parallel_loop3A_260 : i32 to index
      %parallel_loop3A_262 = arith.constant 0 : index
      %parallel_loop3A_263 = tpu.vector_load %arg10[%parallel_loop3A_261, %parallel_loop3A_262] {strides = array<i32>} : memref<80x128xf32, #tpu.memory_space<vmem>>, vector<1x16xf32>,
      %parallel_loop3A_264 = vector.shape_cast %parallel_loop3A_263 : vector<1x16xf32> to vector<16xf32>
      %parallel_loop3A_265 = vector.shape_cast %parallel_loop3A_258 : vector<16xf32> to vector<1x16xf32>
      tpu.vector_store %arg10[%parallel_loop3A_261, %parallel_loop3A_262], %parallel_loop3A_265 {strides = array<i32>} : memref<80x128xf32, #tpu.memory_space<vmem>>, vector<1x16xf32>,
      %parallel_loop3A_266 = arith.constant 1 : i32
      %parallel_loop3A_267 = arith.addi %parallel_loop3A_121, %parallel_loop3A_266 : i32
      %parallel_loop3A_268 = arith.index_cast %parallel_loop3A_267 : i32 to index
      %parallel_loop3A_269 = arith.constant 16 : index
      %parallel_loop3A_270 = tpu.vector_load %arg10[%parallel_loop3A_268, %parallel_loop3A_269] {strides = array<i32>} : memref<80x128xf32, #tpu.memory_space<vmem>>, vector<1x16xf32>,
      %parallel_loop3A_271 = vector.shape_cast %parallel_loop3A_270 : vector<1x16xf32> to vector<16xf32>
      %parallel_loop3A_272 = arith.constant 0.000000e+00 : f32
      %parallel_loop3A_273 = vector.broadcast %parallel_loop3A_272 : f32 to vector<16xf32>
      %parallel_loop3A_274 = arith.maximumf %parallel_loop3A_271, %parallel_loop3A_273 : vector<16xf32>
      %parallel_loop3A_275 = arith.constant 1 : i32
      %parallel_loop3A_276 = arith.addi %parallel_loop3A_121, %parallel_loop3A_275 : i32
      %parallel_loop3A_277 = arith.index_cast %parallel_loop3A_276 : i32 to index
      %parallel_loop3A_278 = arith.constant 16 : index
      %parallel_loop3A_279 = tpu.vector_load %arg10[%parallel_loop3A_277, %parallel_loop3A_278] {strides = array<i32>} : memref<80x128xf32, #tpu.memory_space<vmem>>, vector<1x16xf32>,
      %parallel_loop3A_280 = vector.shape_cast %parallel_loop3A_279 : vector<1x16xf32> to vector<16xf32>
      %parallel_loop3A_281 = vector.shape_cast %parallel_loop3A_274 : vector<16xf32> to vector<1x16xf32>
      tpu.vector_store %arg10[%parallel_loop3A_277, %parallel_loop3A_278], %parallel_loop3A_281 {strides = array<i32>} : memref<80x128xf32, #tpu.memory_space<vmem>>, vector<1x16xf32>,
      %parallel_loop3A_282 = arith.constant 1 : i32
      %parallel_loop3A_283 = arith.addi %parallel_loop3A_121, %parallel_loop3A_282 : i32
      %parallel_loop3A_284 = arith.index_cast %parallel_loop3A_283 : i32 to index
      %parallel_loop3A_285 = arith.constant 32 : index
      %parallel_loop3A_286 = tpu.vector_load %arg10[%parallel_loop3A_284, %parallel_loop3A_285] {strides = array<i32>} : memref<80x128xf32, #tpu.memory_space<vmem>>, vector<1x16xf32>,
      %parallel_loop3A_287 = vector.shape_cast %parallel_loop3A_286 : vector<1x16xf32> to vector<16xf32>
      %parallel_loop3A_288 = arith.constant 0.000000e+00 : f32
      %parallel_loop3A_289 = vector.broadcast %parallel_loop3A_288 : f32 to vector<16xf32>
      %parallel_loop3A_290 = arith.maximumf %parallel_loop3A_287, %parallel_loop3A_289 : vector<16xf32>
      %parallel_loop3A_291 = arith.constant 1 : i32
      %parallel_loop3A_292 = arith.addi %parallel_loop3A_121, %parallel_loop3A_291 : i32
      %parallel_loop3A_293 = arith.index_cast %parallel_loop3A_292 : i32 to index
      %parallel_loop3A_294 = arith.constant 32 : index
      %parallel_loop3A_295 = tpu.vector_load %arg10[%parallel_loop3A_293, %parallel_loop3A_294] {strides = array<i32>} : memref<80x128xf32, #tpu.memory_space<vmem>>, vector<1x16xf32>,
      %parallel_loop3A_296 = vector.shape_cast %parallel_loop3A_295 : vector<1x16xf32> to vector<16xf32>
      %parallel_loop3A_297 = vector.shape_cast %parallel_loop3A_290 : vector<16xf32> to vector<1x16xf32>
      tpu.vector_store %arg10[%parallel_loop3A_293, %parallel_loop3A_294], %parallel_loop3A_297 {strides = array<i32>} : memref<80x128xf32, #tpu.memory_space<vmem>>, vector<1x16xf32>,
      %parallel_loop3A_298 = arith.constant 1 : i32
      %parallel_loop3A_299 = arith.addi %parallel_loop3A_121, %parallel_loop3A_298 : i32
      %parallel_loop3A_300 = arith.index_cast %parallel_loop3A_299 : i32 to index
      %parallel_loop3A_301 = arith.constant 48 : index
      %parallel_loop3A_302 = tpu.vector_load %arg10[%parallel_loop3A_300, %parallel_loop3A_301] {strides = array<i32>} : memref<80x128xf32, #tpu.memory_space<vmem>>, vector<1x16xf32>,
      %parallel_loop3A_303 = vector.shape_cast %parallel_loop3A_302 : vector<1x16xf32> to vector<16xf32>
      %parallel_loop3A_304 = arith.constant 0.000000e+00 : f32
      %parallel_loop3A_305 = vector.broadcast %parallel_loop3A_304 : f32 to vector<16xf32>
      %parallel_loop3A_306 = arith.maximumf %parallel_loop3A_303, %parallel_loop3A_305 : vector<16xf32>
      %parallel_loop3A_307 = arith.constant 1 : i32
      %parallel_loop3A_308 = arith.addi %parallel_loop3A_121, %parallel_loop3A_307 : i32
      %parallel_loop3A_309 = arith.index_cast %parallel_loop3A_308 : i32 to index
      %parallel_loop3A_310 = arith.constant 48 : index
      %parallel_loop3A_311 = tpu.vector_load %arg10[%parallel_loop3A_309, %parallel_loop3A_310] {strides = array<i32>} : memref<80x128xf32, #tpu.memory_space<vmem>>, vector<1x16xf32>,
      %parallel_loop3A_312 = vector.shape_cast %parallel_loop3A_311 : vector<1x16xf32> to vector<16xf32>
      %parallel_loop3A_313 = vector.shape_cast %parallel_loop3A_306 : vector<16xf32> to vector<1x16xf32>
      tpu.vector_store %arg10[%parallel_loop3A_309, %parallel_loop3A_310], %parallel_loop3A_313 {strides = array<i32>} : memref<80x128xf32, #tpu.memory_space<vmem>>, vector<1x16xf32>,
      %parallel_loop3A_314 = arith.constant 1 : i32
      %parallel_loop3A_315 = arith.addi %parallel_loop3A_121, %parallel_loop3A_314 : i32
      %parallel_loop3A_316 = arith.index_cast %parallel_loop3A_315 : i32 to index
      %parallel_loop3A_317 = arith.constant 64 : index
      %parallel_loop3A_318 = tpu.vector_load %arg10[%parallel_loop3A_316, %parallel_loop3A_317] {strides = array<i32>} : memref<80x128xf32, #tpu.memory_space<vmem>>, vector<1x16xf32>,
      %parallel_loop3A_319 = vector.shape_cast %parallel_loop3A_318 : vector<1x16xf32> to vector<16xf32>
      %parallel_loop3A_320 = arith.constant 0.000000e+00 : f32
      %parallel_loop3A_321 = vector.broadcast %parallel_loop3A_320 : f32 to vector<16xf32>
      %parallel_loop3A_322 = arith.maximumf %parallel_loop3A_319, %parallel_loop3A_321 : vector<16xf32>
      %parallel_loop3A_323 = arith.constant 1 : i32
      %parallel_loop3A_324 = arith.addi %parallel_loop3A_121, %parallel_loop3A_323 : i32
      %parallel_loop3A_325 = arith.index_cast %parallel_loop3A_324 : i32 to index
      %parallel_loop3A_326 = arith.constant 64 : index
      %parallel_loop3A_327 = tpu.vector_load %arg10[%parallel_loop3A_325, %parallel_loop3A_326] {strides = array<i32>} : memref<80x128xf32, #tpu.memory_space<vmem>>, vector<1x16xf32>,
      %parallel_loop3A_328 = vector.shape_cast %parallel_loop3A_327 : vector<1x16xf32> to vector<16xf32>
      %parallel_loop3A_329 = vector.shape_cast %parallel_loop3A_322 : vector<16xf32> to vector<1x16xf32>
      tpu.vector_store %arg10[%parallel_loop3A_325, %parallel_loop3A_326], %parallel_loop3A_329 {strides = array<i32>} : memref<80x128xf32, #tpu.memory_space<vmem>>, vector<1x16xf32>,
      %parallel_loop3A_330 = arith.constant 1 : i32
      %parallel_loop3A_331 = arith.addi %parallel_loop3A_121, %parallel_loop3A_330 : i32
      %parallel_loop3A_332 = arith.index_cast %parallel_loop3A_331 : i32 to index
      %parallel_loop3A_333 = arith.constant 80 : index
      %parallel_loop3A_334 = tpu.vector_load %arg10[%parallel_loop3A_332, %parallel_loop3A_333] {strides = array<i32>} : memref<80x128xf32, #tpu.memory_space<vmem>>, vector<1x16xf32>,
      %parallel_loop3A_335 = vector.shape_cast %parallel_loop3A_334 : vector<1x16xf32> to vector<16xf32>
      %parallel_loop3A_336 = arith.constant 0.000000e+00 : f32
      %parallel_loop3A_337 = vector.broadcast %parallel_loop3A_336 : f32 to vector<16xf32>
      %parallel_loop3A_338 = arith.maximumf %parallel_loop3A_335, %parallel_loop3A_337 : vector<16xf32>
      %parallel_loop3A_339 = arith.constant 1 : i32
      %parallel_loop3A_340 = arith.addi %parallel_loop3A_121, %parallel_loop3A_339 : i32
      %parallel_loop3A_341 = arith.index_cast %parallel_loop3A_340 : i32 to index
      %parallel_loop3A_342 = arith.constant 80 : index
      %parallel_loop3A_343 = tpu.vector_load %arg10[%parallel_loop3A_341, %parallel_loop3A_342] {strides = array<i32>} : memref<80x128xf32, #tpu.memory_space<vmem>>, vector<1x16xf32>,
      %parallel_loop3A_344 = vector.shape_cast %parallel_loop3A_343 : vector<1x16xf32> to vector<16xf32>
      %parallel_loop3A_345 = vector.shape_cast %parallel_loop3A_338 : vector<16xf32> to vector<1x16xf32>
      tpu.vector_store %arg10[%parallel_loop3A_341, %parallel_loop3A_342], %parallel_loop3A_345 {strides = array<i32>} : memref<80x128xf32, #tpu.memory_space<vmem>>, vector<1x16xf32>,
      %parallel_loop3A_346 = arith.constant 1 : i32
      %parallel_loop3A_347 = arith.addi %parallel_loop3A_121, %parallel_loop3A_346 : i32
      %parallel_loop3A_348 = arith.index_cast %parallel_loop3A_347 : i32 to index
      %parallel_loop3A_349 = arith.constant 96 : index
      %parallel_loop3A_350 = tpu.vector_load %arg10[%parallel_loop3A_348, %parallel_loop3A_349] {strides = array<i32>} : memref<80x128xf32, #tpu.memory_space<vmem>>, vector<1x16xf32>,
      %parallel_loop3A_351 = vector.shape_cast %parallel_loop3A_350 : vector<1x16xf32> to vector<16xf32>
      %parallel_loop3A_352 = arith.constant 0.000000e+00 : f32
      %parallel_loop3A_353 = vector.broadcast %parallel_loop3A_352 : f32 to vector<16xf32>
      %parallel_loop3A_354 = arith.maximumf %parallel_loop3A_351, %parallel_loop3A_353 : vector<16xf32>
      %parallel_loop3A_355 = arith.constant 1 : i32
      %parallel_loop3A_356 = arith.addi %parallel_loop3A_121, %parallel_loop3A_355 : i32
      %parallel_loop3A_357 = arith.index_cast %parallel_loop3A_356 : i32 to index
      %parallel_loop3A_358 = arith.constant 96 : index
      %parallel_loop3A_359 = tpu.vector_load %arg10[%parallel_loop3A_357, %parallel_loop3A_358] {strides = array<i32>} : memref<80x128xf32, #tpu.memory_space<vmem>>, vector<1x16xf32>,
      %parallel_loop3A_360 = vector.shape_cast %parallel_loop3A_359 : vector<1x16xf32> to vector<16xf32>
      %parallel_loop3A_361 = vector.shape_cast %parallel_loop3A_354 : vector<16xf32> to vector<1x16xf32>
      tpu.vector_store %arg10[%parallel_loop3A_357, %parallel_loop3A_358], %parallel_loop3A_361 {strides = array<i32>} : memref<80x128xf32, #tpu.memory_space<vmem>>, vector<1x16xf32>,
      %parallel_loop3A_362 = arith.constant 1 : i32
      %parallel_loop3A_363 = arith.addi %parallel_loop3A_121, %parallel_loop3A_362 : i32
      %parallel_loop3A_364 = arith.index_cast %parallel_loop3A_363 : i32 to index
      %parallel_loop3A_365 = arith.constant 112 : index
      %parallel_loop3A_366 = tpu.vector_load %arg10[%parallel_loop3A_364, %parallel_loop3A_365] {strides = array<i32>} : memref<80x128xf32, #tpu.memory_space<vmem>>, vector<1x16xf32>,
      %parallel_loop3A_367 = vector.shape_cast %parallel_loop3A_366 : vector<1x16xf32> to vector<16xf32>
      %parallel_loop3A_368 = arith.constant 0.000000e+00 : f32
      %parallel_loop3A_369 = vector.broadcast %parallel_loop3A_368 : f32 to vector<16xf32>
      %parallel_loop3A_370 = arith.maximumf %parallel_loop3A_367, %parallel_loop3A_369 : vector<16xf32>
      %parallel_loop3A_371 = arith.constant 1 : i32
      %parallel_loop3A_372 = arith.addi %parallel_loop3A_121, %parallel_loop3A_371 : i32
      %parallel_loop3A_373 = arith.index_cast %parallel_loop3A_372 : i32 to index
      %parallel_loop3A_374 = arith.constant 112 : index
      %parallel_loop3A_375 = tpu.vector_load %arg10[%parallel_loop3A_373, %parallel_loop3A_374] {strides = array<i32>} : memref<80x128xf32, #tpu.memory_space<vmem>>, vector<1x16xf32>,
      %parallel_loop3A_376 = vector.shape_cast %parallel_loop3A_375 : vector<1x16xf32> to vector<16xf32>
      %parallel_loop3A_377 = vector.shape_cast %parallel_loop3A_370 : vector<16xf32> to vector<1x16xf32>
      tpu.vector_store %arg10[%parallel_loop3A_373, %parallel_loop3A_374], %parallel_loop3A_377 {strides = array<i32>} : memref<80x128xf32, #tpu.memory_space<vmem>>, vector<1x16xf32>,
    } {sc.loop_unroll_factor = 4 : i64, sc.parallel_access}
    %dma_start3A_80 = arith.constant 1 : i32
    %dma_start3A_81 = arith.constant 0 : i32
    %dma_start3A_82 = tpu.memref_slice %arg6[%dma_start3A_80, %dma_start3A_81] : memref<2x80xi32, #tpu.memory_space<vmem>> -> memref<1x80xi32, #tpu.memory_space<vmem>>
    %dma_start3A_83 = tpu.memref_squeeze %dma_start3A_82 : memref<1x80xi32, #tpu.memory_space<vmem>> -> memref<80xi32, #tpu.memory_space<vmem>>
    %dma_start3A_84 = arith.constant 0 : i32
    %dma_start3A_85 = arith.constant 0 : i32
    %dma_start3A_86 = tpu.memref_slice %arg14[%dma_start3A_84, %dma_start3A_85] : memref<10000x128xf32, #tpu.memory_space<vmem_shared>> -> memref<10000x128xf32, #tpu.memory_space<vmem_shared>>
    tpu.enqueue_indirect_dma source(%arg10 : memref<80x128xf32, #tpu.memory_space<vmem>>) target(%dma_start3A_86 : memref<10000x128xf32, #tpu.memory_space<vmem_shared>>) offsets(%dma_start3A_83 : memref<80xi32, #tpu.memory_space<vmem>>) semaphore(%arg27 : memref<!tpu.dma_semaphore, #tpu.memory_space<semaphore_mem>>) {add = true}
    %dma_wait3A_87 = arith.constant 1 : i32
    %dma_wait3A_88 = arith.constant 0 : i32
    %dma_wait3A_89 = tpu.memref_slice %arg7[%dma_wait3A_87, %dma_wait3A_88] : memref<2x80xi32, #tpu.memory_space<vmem>> -> memref<1x80xi32, #tpu.memory_space<vmem>>
    %dma_wait3A_90 = tpu.memref_squeeze %dma_wait3A_89 : memref<1x80xi32, #tpu.memory_space<vmem>> -> memref<80xi32, #tpu.memory_space<vmem>>
    %dma_wait3A_91 = arith.constant 0 : i32
    %dma_wait3A_92 = arith.constant 0 : i32
    %dma_wait3A_93 = tpu.memref_slice %arg14[%dma_wait3A_91, %dma_wait3A_92] : memref<10000x128xf32, #tpu.memory_space<vmem_shared>> -> memref<10000x128xf32, #tpu.memory_space<vmem_shared>>
    tpu.wait_indirect_dma semaphore(%arg28 : memref<!tpu.dma_semaphore, #tpu.memory_space<semaphore_mem>>) src(%arg11 : memref<80x128xf32, #tpu.memory_space<vmem>>) dst(%dma_wait3A_93 : memref<10000x128xf32, #tpu.memory_space<vmem_shared>>)
    %dma_wait3A_94 = arith.constant 1 : i32
    %dma_wait3A_95 = arith.constant 0 : i32
    %dma_wait3A_96 = tpu.memref_slice %arg8[%dma_wait3A_94, %dma_wait3A_95] : memref<2x80xi32, #tpu.memory_space<vmem>> -> memref<1x80xi32, #tpu.memory_space<vmem>>
    %dma_wait3A_97 = tpu.memref_squeeze %dma_wait3A_96 : memref<1x80xi32, #tpu.memory_space<vmem>> -> memref<80xi32, #tpu.memory_space<vmem>>
    %dma_wait3A_98 = arith.constant 0 : i32
    %dma_wait3A_99 = arith.constant 0 : i32
    %dma_wait3A_100 = tpu.memref_slice %arg14[%dma_wait3A_98, %dma_wait3A_99] : memref<10000x128xf32, #tpu.memory_space<vmem_shared>> -> memref<10000x128xf32, #tpu.memory_space<vmem_shared>>
    tpu.wait_indirect_dma semaphore(%arg29 : memref<!tpu.dma_semaphore, #tpu.memory_space<semaphore_mem>>) src(%arg12 : memref<80x128xf32, #tpu.memory_space<vmem>>) dst(%dma_wait3A_100 : memref<10000x128xf32, #tpu.memory_space<vmem_shared>>)
    %dma_wait3A_101 = arith.constant 1 : i32
    %dma_wait3A_102 = arith.constant 0 : i32
    %dma_wait3A_103 = tpu.memref_slice %arg9[%dma_wait3A_101, %dma_wait3A_102] : memref<2x80xi32, #tpu.memory_space<vmem>> -> memref<1x80xi32, #tpu.memory_space<vmem>>
    %dma_wait3A_104 = tpu.memref_squeeze %dma_wait3A_103 : memref<1x80xi32, #tpu.memory_space<vmem>> -> memref<80xi32, #tpu.memory_space<vmem>>
    %dma_wait3A_105 = arith.constant 0 : i32
    %dma_wait3A_106 = arith.constant 0 : i32
    %dma_wait3A_107 = tpu.memref_slice %arg14[%dma_wait3A_105, %dma_wait3A_106] : memref<10000x128xf32, #tpu.memory_space<vmem_shared>> -> memref<10000x128xf32, #tpu.memory_space<vmem_shared>>
    tpu.wait_indirect_dma semaphore(%arg30 : memref<!tpu.dma_semaphore, #tpu.memory_space<semaphore_mem>>) src(%arg13 : memref<80x128xf32, #tpu.memory_space<vmem>>) dst(%dma_wait3A_107 : memref<10000x128xf32, #tpu.memory_space<vmem_shared>>)
    %dma_wait3A_108 = arith.constant 1 : i32
    %dma_wait3A_109 = arith.constant 0 : i32
    %dma_wait3A_110 = tpu.memref_slice %arg6[%dma_wait3A_108, %dma_wait3A_109] : memref<2x80xi32, #tpu.memory_space<vmem>> -> memref<1x80xi32, #tpu.memory_space<vmem>>
    %dma_wait3A_111 = tpu.memref_squeeze %dma_wait3A_110 : memref<1x80xi32, #tpu.memory_space<vmem>> -> memref<80xi32, #tpu.memory_space<vmem>>
    %dma_wait3A_112 = arith.constant 0 : i32
    %dma_wait3A_113 = arith.constant 0 : i32
    %dma_wait3A_114 = tpu.memref_slice %arg14[%dma_wait3A_112, %dma_wait3A_113] : memref<10000x128xf32, #tpu.memory_space<vmem_shared>> -> memref<10000x128xf32, #tpu.memory_space<vmem_shared>>
    tpu.wait_indirect_dma semaphore(%arg27 : memref<!tpu.dma_semaphore, #tpu.memory_space<semaphore_mem>>) src(%arg10 : memref<80x128xf32, #tpu.memory_space<vmem>>) dst(%dma_wait3A_114 : memref<10000x128xf32, #tpu.memory_space<vmem_shared>>)
    %barrier3A_115 = arith.constant 0 : index
    tpu.barrier barrier_id(%barrier3A_115)
    "tpu.region"() ({
      %run_scoped3A = tpu.sem_alloc : memref<!tpu.dma_semaphore, #tpu.memory_space<semaphore_mem>>
      %dma_start3A_121 = arith.constant 0 : i32
      %dma_start3A_122 = tpu.memref_slice %arg5[%arg0, %mul3A_0, %dma_start3A_121] : memref<2x10000x128xf32, #tpu.memory_space<hbm>> -> memref<1x624x128xf32, #tpu.memory_space<hbm>>
      %dma_start3A_123 = tpu.memref_squeeze %dma_start3A_122 : memref<1x624x128xf32, #tpu.memory_space<hbm>> -> memref<624x128xf32, #tpu.memory_space<hbm>>
      %dma_start3A_124 = arith.constant 0 : i32
      %dma_start3A_125 = tpu.memref_slice %arg14[%mul3A_0, %dma_start3A_124] : memref<10000x128xf32, #tpu.memory_space<vmem_shared>> -> memref<624x128xf32, #tpu.memory_space<vmem_shared>>
      tpu.enqueue_dma source(%dma_start3A_125 : memref<624x128xf32, #tpu.memory_space<vmem_shared>>) target(%dma_start3A_123 : memref<624x128xf32, #tpu.memory_space<hbm>>) target_semaphore(%run_scoped3A : memref<!tpu.dma_semaphore, #tpu.memory_space<semaphore_mem>>)
      %dma_wait3A_126 = arith.constant 0 : i32
      %dma_wait3A_127 = tpu.memref_slice %arg5[%arg0, %mul3A_0, %dma_wait3A_126] : memref<2x10000x128xf32, #tpu.memory_space<hbm>> -> memref<1x624x128xf32, #tpu.memory_space<hbm>>
      %dma_wait3A_128 = tpu.memref_squeeze %dma_wait3A_127 : memref<1x624x128xf32, #tpu.memory_space<hbm>> -> memref<624x128xf32, #tpu.memory_space<hbm>>
      %dma_wait3A_129 = arith.constant 0 : i32
      %dma_wait3A_130 = tpu.memref_slice %arg14[%mul3A_0, %dma_wait3A_129] : memref<10000x128xf32, #tpu.memory_space<vmem_shared>> -> memref<624x128xf32, #tpu.memory_space<vmem_shared>>
      tpu.wait_dma2 semaphore(%run_scoped3A : memref<!tpu.dma_semaphore, #tpu.memory_space<semaphore_mem>>) src(%dma_wait3A_130 : memref<624x128xf32, #tpu.memory_space<vmem_shared>>) dst(%dma_wait3A_128 : memref<624x128xf32, #tpu.memory_space<hbm>>)
      tpu.yield
    }) : () -> ()
    %eq3A_116 = arith.constant 15 : i32
    %eq3A_117 = arith.cmpi eq, %arg1, %eq3A_116 : i32
    %convert_element_type3A_118 = arith.extui %eq3A_117 : i1 to i32
    %cond3A_119 = arith.constant 0 : i32
    %cond3A_120 = arith.cmpi ne, %convert_element_type3A_118, %cond3A_119 : i32
    scf.if %cond3A_120 {
      "tpu.region"() ({
        %run_scoped3A = tpu.sem_alloc : memref<!tpu.dma_semaphore, #tpu.memory_space<semaphore_mem>>
        %dma_start3A_121 = arith.constant 9984 : i32
        %dma_start3A_122 = arith.constant 0 : i32
        %dma_start3A_123 = tpu.memref_slice %arg5[%arg0, %dma_start3A_121, %dma_start3A_122] : memref<2x10000x128xf32, #tpu.memory_space<hbm>> -> memref<1x16x128xf32, #tpu.memory_space<hbm>>
        %dma_start3A_124 = tpu.memref_squeeze %dma_start3A_123 : memref<1x16x128xf32, #tpu.memory_space<hbm>> -> memref<16x128xf32, #tpu.memory_space<hbm>>
        %dma_start3A_125 = arith.constant 9984 : i32
        %dma_start3A_126 = arith.constant 0 : i32
        %dma_start3A_127 = tpu.memref_slice %arg14[%dma_start3A_125, %dma_start3A_126] : memref<10000x128xf32, #tpu.memory_space<vmem_shared>> -> memref<16x128xf32, #tpu.memory_space<vmem_shared>>
        tpu.enqueue_dma source(%dma_start3A_127 : memref<16x128xf32, #tpu.memory_space<vmem_shared>>) target(%dma_start3A_124 : memref<16x128xf32, #tpu.memory_space<hbm>>) target_semaphore(%run_scoped3A : memref<!tpu.dma_semaphore, #tpu.memory_space<semaphore_mem>>)
        %dma_wait3A_128 = arith.constant 9984 : i32
        %dma_wait3A_129 = arith.constant 0 : i32
        %dma_wait3A_130 = tpu.memref_slice %arg5[%arg0, %dma_wait3A_128, %dma_wait3A_129] : memref<2x10000x128xf32, #tpu.memory_space<hbm>> -> memref<1x16x128xf32, #tpu.memory_space<hbm>>
        %dma_wait3A_131 = tpu.memref_squeeze %dma_wait3A_130 : memref<1x16x128xf32, #tpu.memory_space<hbm>> -> memref<16x128xf32, #tpu.memory_space<hbm>>
        %dma_wait3A_132 = arith.constant 9984 : i32
        %dma_wait3A_133 = arith.constant 0 : i32
        %dma_wait3A_134 = tpu.memref_slice %arg14[%dma_wait3A_132, %dma_wait3A_133] : memref<10000x128xf32, #tpu.memory_space<vmem_shared>> -> memref<16x128xf32, #tpu.memory_space<vmem_shared>>
        tpu.wait_dma2 semaphore(%run_scoped3A : memref<!tpu.dma_semaphore, #tpu.memory_space<semaphore_mem>>) src(%dma_wait3A_134 : memref<16x128xf32, #tpu.memory_space<vmem_shared>>) dst(%dma_wait3A_131 : memref<16x128xf32, #tpu.memory_space<hbm>>)
        tpu.yield
      }) : () -> ()
    } else {
    }
    return
  }
}

module attributes {stable_mosaic.version = 14 : i64} {
  func.func @_fused_mlp_ln_kernel(%arg0: i32, %arg1: i32, %arg2: memref<2x1000x128xf32, #tpu.memory_space<vmem>>, %arg3: memref<1000x256xf32, #tpu.memory_space<vmem>>, %arg4: memref<256x256xf32, #tpu.memory_space<vmem>>, %arg5: memref<1x256xf32, #tpu.memory_space<vmem>>, %arg6: memref<256x256xf32, #tpu.memory_space<vmem>>, %arg7: memref<1x256xf32, #tpu.memory_space<vmem>>, %arg8: memref<1x256xf32, #tpu.memory_space<vmem>>, %arg9: memref<1x256xf32, #tpu.memory_space<vmem>>, %arg10: memref<1000x256xf32, #tpu.memory_space<vmem>>, %arg11: memref<10000x256xf32, #tpu.memory_space<vmem>>, %arg12: memref<2xf32, #tpu.memory_space<smem>>) attributes {dimension_semantics = [#tpu.dimension_semantics<arbitrary>, #tpu.dimension_semantics<arbitrary>], iteration_bounds = array<i64: 2, 10>, scalar_prefetch = 0 : i64, scratch_operands = 2 : i64, tpu.core_type = #tpu.core_type<tc>, window_params = [{transform_indices = @transform_0, window_bounds = array<i64: 2, 1000, 128>}, {transform_indices = @transform_1, window_bounds = array<i64: 1000, 256>}, {pipeline_mode = #tpu.pipeline_mode<synchronous>, transform_indices = @transform_2, window_bounds = array<i64: 256, 256>}, {pipeline_mode = #tpu.pipeline_mode<synchronous>, transform_indices = @transform_3, window_bounds = array<i64: 1, 256>}, {pipeline_mode = #tpu.pipeline_mode<synchronous>, transform_indices = @transform_4, window_bounds = array<i64: 256, 256>}, {pipeline_mode = #tpu.pipeline_mode<synchronous>, transform_indices = @transform_5, window_bounds = array<i64: 1, 256>}, {pipeline_mode = #tpu.pipeline_mode<synchronous>, transform_indices = @transform_6, window_bounds = array<i64: 1, 256>}, {pipeline_mode = #tpu.pipeline_mode<synchronous>, transform_indices = @transform_7, window_bounds = array<i64: 1, 256>}, {transform_indices = @transform_8, window_bounds = array<i64: 1000, 256>}]} {
    %eq3A = arith.constant 0 : i32
    %eq3A_0 = arith.cmpi eq, %arg0, %eq3A : i32
    %convert_element_type3A = arith.extui %eq3A_0 : i1 to i32
    %cond3A = arith.constant 0 : i32
    %cond3A_1 = arith.cmpi ne, %convert_element_type3A, %cond3A : i32
    scf.if %cond3A_1 {
      %get3A = arith.constant 0 : index
      %get3A_7 = arith.constant 0 : index
      %get3A_8 = arith.constant 0 : index
      %get3A_9 = vector.load %arg2[%get3A, %get3A_7, %get3A_8] : memref<2x1000x128xf32, #tpu.memory_space<vmem>>, vector<1x1000x128xf32>
      %get3A_10 = vector.shape_cast %get3A_9 : vector<1x1000x128xf32> to vector<1000x128xf32>
      %get3A_11 = arith.constant 1 : index
      %get3A_12 = arith.constant 0 : index
      %get3A_13 = arith.constant 0 : index
      %get3A_14 = vector.load %arg2[%get3A_11, %get3A_12, %get3A_13] : memref<2x1000x128xf32, #tpu.memory_space<vmem>>, vector<1x1000x128xf32>
      %get3A_15 = vector.shape_cast %get3A_14 : vector<1x1000x128xf32> to vector<1000x128xf32>
      %concatenate3A = tpu.concatenate %get3A_10, %get3A_15 in 1 : vector<1000x128xf32>, vector<1000x128xf32> -> vector<1000x256xf32>
      %get3A_16 = arith.constant 0 : index
      %get3A_17 = arith.constant 0 : index
      %get3A_18 = vector.load %arg4[%get3A_16, %get3A_17] : memref<256x256xf32, #tpu.memory_space<vmem>>, vector<256x256xf32>
      %dot_general3A = arith.constant dense<0.000000e+00> : vector<1000x256xf32>
      %dot_general3A_19 = tpu.matmul %concatenate3A, %get3A_18, %dot_general3A {dimension_numbers = #tpu.dot_dimension_numbers<[1], [1], [0], [0], [0, 0, 1, 0], [], []>, transpose_lhs_hint = false} : vector<1000x256xf32>, vector<256x256xf32>, vector<1000x256xf32> -> vector<1000x256xf32>
      %get3A_20 = arith.constant 0 : index
      %get3A_21 = arith.constant 0 : index
      %get3A_22 = vector.load %arg5[%get3A_20, %get3A_21] : memref<1x256xf32, #tpu.memory_space<vmem>>, vector<1x256xf32>
      %add3A = vector.broadcast %get3A_22 : vector<1x256xf32> to vector<1000x256xf32>
      %add3A_23 = arith.addf %dot_general3A_19, %add3A : vector<1000x256xf32>
      %max3A = arith.constant 0.000000e+00 : f32
      %max3A_24 = vector.broadcast %max3A : f32 to vector<1000x256xf32>
      %max3A_25 = arith.maximumf %add3A_23, %max3A_24 : vector<1000x256xf32>
      %get3A_26 = arith.constant 0 : index
      %get3A_27 = arith.constant 0 : index
      %get3A_28 = vector.load %arg6[%get3A_26, %get3A_27] : memref<256x256xf32, #tpu.memory_space<vmem>>, vector<256x256xf32>
      %dot_general3A_29 = arith.constant dense<0.000000e+00> : vector<1000x256xf32>
      %dot_general3A_30 = tpu.matmul %max3A_25, %get3A_28, %dot_general3A_29 {dimension_numbers = #tpu.dot_dimension_numbers<[1], [1], [0], [0], [0, 0, 1, 0], [], []>, transpose_lhs_hint = false} : vector<1000x256xf32>, vector<256x256xf32>, vector<1000x256xf32> -> vector<1000x256xf32>
      %get3A_31 = arith.constant 0 : index
      %get3A_32 = arith.constant 0 : index
      %get3A_33 = vector.load %arg7[%get3A_31, %get3A_32] : memref<1x256xf32, #tpu.memory_space<vmem>>, vector<1x256xf32>
      %add3A_34 = vector.broadcast %get3A_33 : vector<1x256xf32> to vector<1000x256xf32>
      %add3A_35 = arith.addf %dot_general3A_30, %add3A_34 : vector<1000x256xf32>
      %mul3A = arith.constant 1000 : i32
      %mul3A_36 = arith.muli %arg1, %mul3A : i32
      %swap3A = arith.index_cast %mul3A_36 : i32 to index
      %swap3A_37 = arith.constant 0 : index
      %swap3A_38 = vector.load %arg11[%swap3A, %swap3A_37] : memref<10000x256xf32, #tpu.memory_space<vmem>>, vector<1000x256xf32>
      tpu.vector_store %arg11[%swap3A, %swap3A_37], %add3A_35 {strides = array<i32>} : memref<10000x256xf32, #tpu.memory_space<vmem>>, vector<1000x256xf32>,
      %eq3A_39 = arith.constant 0 : i32
      %eq3A_40 = arith.cmpi eq, %arg1, %eq3A_39 : i32
      %convert_element_type3A_41 = arith.extui %eq3A_40 : i1 to i32
      %cond3A_42 = arith.constant 0 : i32
      %cond3A_43 = arith.cmpi ne, %convert_element_type3A_41, %cond3A_42 : i32
      scf.if %cond3A_43 {
        %swap3A_64 = arith.constant 0.000000e+00 : f32
        %swap3A_65 = arith.constant 0 : index
        %swap3A_66 = memref.load %arg12[%swap3A_65] : memref<2xf32, #tpu.memory_space<smem>>
        memref.store %swap3A_64, %arg12[%swap3A_65] : memref<2xf32, #tpu.memory_space<smem>>
        %swap3A_67 = arith.constant 0.000000e+00 : f32
        %swap3A_68 = arith.constant 1 : index
        %swap3A_69 = memref.load %arg12[%swap3A_68] : memref<2xf32, #tpu.memory_space<smem>>
        memref.store %swap3A_67, %arg12[%swap3A_68] : memref<2xf32, #tpu.memory_space<smem>>
      } else {
      }
      %get3A_44 = arith.constant 0 : index
      %get3A_45 = memref.load %arg12[%get3A_44] : memref<2xf32, #tpu.memory_space<smem>>
      %reduce_sum3A = vector.shape_cast %add3A_35 : vector<1000x256xf32> to vector<1x1000x256xf32>
      %reduce_sum3A_46 = arith.constant dense<0.000000e+00> : vector<1xf32>
      %reduce_sum3A_47 = vector.multi_reduction <add>, %reduce_sum3A, %reduce_sum3A_46 [1, 2] : vector<1x1000x256xf32> to vector<1xf32>
      %reduce_sum3A_48 = vector.shape_cast %reduce_sum3A_47 : vector<1xf32> to vector<1x1x1xf32>
      %reduce_sum3A_49 = vector.extract %reduce_sum3A_48[0, 0, 0] : f32 from vector<1x1x1xf32>
      %add3A_50 = arith.addf %get3A_45, %reduce_sum3A_49 : f32
      %swap3A_51 = arith.constant 0 : index
      %swap3A_52 = memref.load %arg12[%swap3A_51] : memref<2xf32, #tpu.memory_space<smem>>
      memref.store %add3A_50, %arg12[%swap3A_51] : memref<2xf32, #tpu.memory_space<smem>>
      %get3A_53 = arith.constant 1 : index
      %get3A_54 = memref.load %arg12[%get3A_53] : memref<2xf32, #tpu.memory_space<smem>>
      %mul3A_55 = arith.mulf %add3A_35, %add3A_35 : vector<1000x256xf32>
      %reduce_sum3A_56 = vector.shape_cast %mul3A_55 : vector<1000x256xf32> to vector<1x1000x256xf32>
      %reduce_sum3A_57 = arith.constant dense<0.000000e+00> : vector<1xf32>
      %reduce_sum3A_58 = vector.multi_reduction <add>, %reduce_sum3A_56, %reduce_sum3A_57 [1, 2] : vector<1x1000x256xf32> to vector<1xf32>
      %reduce_sum3A_59 = vector.shape_cast %reduce_sum3A_58 : vector<1xf32> to vector<1x1x1xf32>
      %reduce_sum3A_60 = vector.extract %reduce_sum3A_59[0, 0, 0] : f32 from vector<1x1x1xf32>
      %add3A_61 = arith.addf %get3A_54, %reduce_sum3A_60 : f32
      %swap3A_62 = arith.constant 1 : index
      %swap3A_63 = memref.load %arg12[%swap3A_62] : memref<2xf32, #tpu.memory_space<smem>>
      memref.store %add3A_61, %arg12[%swap3A_62] : memref<2xf32, #tpu.memory_space<smem>>
    } else {
    }
    %eq3A_2 = arith.constant 1 : i32
    %eq3A_3 = arith.cmpi eq, %arg0, %eq3A_2 : i32
    %convert_element_type3A_4 = arith.extui %eq3A_3 : i1 to i32
    %cond3A_5 = arith.constant 0 : i32
    %cond3A_6 = arith.cmpi ne, %convert_element_type3A_4, %cond3A_5 : i32
    scf.if %cond3A_6 {
      %get3A = arith.constant 0 : index
      %get3A_7 = memref.load %arg12[%get3A] : memref<2xf32, #tpu.memory_space<smem>>
      %div3A = arith.constant 2.560000e+06 : f32
      %div3A_8 = arith.divf %get3A_7, %div3A : f32
      %get3A_9 = arith.constant 1 : index
      %get3A_10 = memref.load %arg12[%get3A_9] : memref<2xf32, #tpu.memory_space<smem>>
      %div3A_11 = arith.constant 2.560000e+06 : f32
      %div3A_12 = arith.divf %get3A_10, %div3A_11 : f32
      %mul3A = arith.mulf %div3A_8, %div3A_8 : f32
      %sub3A = arith.subf %div3A_12, %mul3A : f32
      %sqrt3A = math.sqrt %sub3A : f32
      %add3A = arith.constant 9.99999974E-6 : f32
      %add3A_13 = arith.addf %sqrt3A, %add3A : f32
      %mul3A_14 = arith.constant 1000 : i32
      %mul3A_15 = arith.muli %arg1, %mul3A_14 : i32
      %get3A_16 = arith.index_cast %mul3A_15 : i32 to index
      %get3A_17 = arith.constant 0 : index
      %get3A_18 = vector.load %arg11[%get3A_16, %get3A_17] : memref<10000x256xf32, #tpu.memory_space<vmem>>, vector<1000x256xf32>
      %sub3A_19 = vector.broadcast %div3A_8 : f32 to vector<1000x256xf32>
      %sub3A_20 = arith.subf %get3A_18, %sub3A_19 : vector<1000x256xf32>
      %div3A_21 = vector.broadcast %add3A_13 : f32 to vector<1000x256xf32>
      %div3A_22 = arith.divf %sub3A_20, %div3A_21 : vector<1000x256xf32>
      %get3A_23 = arith.constant 0 : index
      %get3A_24 = arith.constant 0 : index
      %get3A_25 = vector.load %arg8[%get3A_23, %get3A_24] : memref<1x256xf32, #tpu.memory_space<vmem>>, vector<1x256xf32>
      %mul3A_26 = vector.broadcast %get3A_25 : vector<1x256xf32> to vector<1000x256xf32>
      %mul3A_27 = arith.mulf %div3A_22, %mul3A_26 : vector<1000x256xf32>
      %get3A_28 = arith.constant 0 : index
      %get3A_29 = arith.constant 0 : index
      %get3A_30 = vector.load %arg9[%get3A_28, %get3A_29] : memref<1x256xf32, #tpu.memory_space<vmem>>, vector<1x256xf32>
      %add3A_31 = vector.broadcast %get3A_30 : vector<1x256xf32> to vector<1000x256xf32>
      %add3A_32 = arith.addf %mul3A_27, %add3A_31 : vector<1000x256xf32>
      %max3A = arith.constant 0.000000e+00 : f32
      %max3A_33 = vector.broadcast %max3A : f32 to vector<1000x256xf32>
      %max3A_34 = arith.maximumf %add3A_32, %max3A_33 : vector<1000x256xf32>
      %get3A_35 = arith.constant 0 : index
      %get3A_36 = arith.constant 0 : index
      %get3A_37 = vector.load %arg3[%get3A_35, %get3A_36] : memref<1000x256xf32, #tpu.memory_space<vmem>>, vector<1000x256xf32>
      %add3A_38 = arith.addf %max3A_34, %get3A_37 : vector<1000x256xf32>
      %swap3A = arith.constant 0 : index
      %swap3A_39 = arith.constant 0 : index
      %swap3A_40 = vector.load %arg10[%swap3A, %swap3A_39] : memref<1000x256xf32, #tpu.memory_space<vmem>>, vector<1000x256xf32>
      tpu.vector_store %arg10[%swap3A, %swap3A_39], %add3A_38 {strides = array<i32>} : memref<1000x256xf32, #tpu.memory_space<vmem>>, vector<1000x256xf32>,
    } else {
    }
    return
  }
  func.func @transform_0(%arg0: i32, %arg1: i32) -> (i32, i32, i32) {
    %eq3A = arith.constant 0 : i32
    %eq3A_0 = arith.cmpi eq, %arg0, %eq3A : i32
    %jit3A = arith.constant 9 : i32
    %select_n3A = arith.select %eq3A_0, %arg1, %jit3A : i32
    %c0_i32 = arith.constant 0 : i32
    %c0_i32_1 = arith.constant 0 : i32
    %c0_i32_2 = arith.constant 0 : i32
    return %c0_i32, %select_n3A, %c0_i32_1 : i32, i32, i32
  }
  func.func @transform_1(%arg0: i32, %arg1: i32) -> (i32, i32) {
    %eq3A = arith.constant 0 : i32
    %eq3A_0 = arith.cmpi eq, %arg0, %eq3A : i32
    %jit3A = arith.constant 0 : i32
    %select_n3A = arith.select %eq3A_0, %jit3A, %arg1 : i32
    %c0_i32 = arith.constant 0 : i32
    %c0_i32_1 = arith.constant 0 : i32
    return %select_n3A, %c0_i32 : i32, i32
  }
  func.func @transform_2(%arg0: i32, %arg1: i32) -> (i32, i32) {
    %c0_i32 = arith.constant 0 : i32
    %c0_i32_0 = arith.constant 0 : i32
    %c0_i32_1 = arith.constant 0 : i32
    return %c0_i32, %c0_i32_0 : i32, i32
  }
  func.func @transform_3(%arg0: i32, %arg1: i32) -> (i32, i32) {
    %c0_i32 = arith.constant 0 : i32
    %c0_i32_0 = arith.constant 0 : i32
    %c0_i32_1 = arith.constant 0 : i32
    return %c0_i32, %c0_i32_0 : i32, i32
  }
  func.func @transform_4(%arg0: i32, %arg1: i32) -> (i32, i32) {
    %c0_i32 = arith.constant 0 : i32
    %c0_i32_0 = arith.constant 0 : i32
    %c0_i32_1 = arith.constant 0 : i32
    return %c0_i32, %c0_i32_0 : i32, i32
  }
  func.func @transform_5(%arg0: i32, %arg1: i32) -> (i32, i32) {
    %c0_i32 = arith.constant 0 : i32
    %c0_i32_0 = arith.constant 0 : i32
    %c0_i32_1 = arith.constant 0 : i32
    return %c0_i32, %c0_i32_0 : i32, i32
  }
  func.func @transform_6(%arg0: i32, %arg1: i32) -> (i32, i32) {
    %c0_i32 = arith.constant 0 : i32
    %c0_i32_0 = arith.constant 0 : i32
    %c0_i32_1 = arith.constant 0 : i32
    return %c0_i32, %c0_i32_0 : i32, i32
  }
  func.func @transform_7(%arg0: i32, %arg1: i32) -> (i32, i32) {
    %c0_i32 = arith.constant 0 : i32
    %c0_i32_0 = arith.constant 0 : i32
    %c0_i32_1 = arith.constant 0 : i32
    return %c0_i32, %c0_i32_0 : i32, i32
  }
  func.func @transform_8(%arg0: i32, %arg1: i32) -> (i32, i32) {
    %eq3A = arith.constant 0 : i32
    %eq3A_0 = arith.cmpi eq, %arg0, %eq3A : i32
    %jit3A = arith.constant 0 : i32
    %select_n3A = arith.select %eq3A_0, %jit3A, %arg1 : i32
    %c0_i32 = arith.constant 0 : i32
    %c0_i32_1 = arith.constant 0 : i32
    return %select_n3A, %c0_i32 : i32, i32
  }
}

module attributes {stable_mosaic.version = 14 : i64} {
  func.func @_split_kernel(%arg0: i32, %arg1: memref<1000x256xf32, #tpu.memory_space<vmem>>, %arg2: memref<2x1000x128xf32, #tpu.memory_space<vmem>>) attributes {dimension_semantics = [#tpu.dimension_semantics<arbitrary>], iteration_bounds = array<i64: 10>, scalar_prefetch = 0 : i64, scratch_operands = 0 : i64, tpu.core_type = #tpu.core_type<tc>, window_params = [{transform_indices = @transform_0, window_bounds = array<i64: 1000, 256>}, {transform_indices = @transform_1, window_bounds = array<i64: 2, 1000, 128>}]} {
    %get3A = arith.constant 0 : index
    %get3A_0 = arith.constant 0 : index
    %get3A_1 = vector.load %arg1[%get3A, %get3A_0] : memref<1000x256xf32, #tpu.memory_space<vmem>>, vector<1000x128xf32>
    %swap3A = arith.constant 0 : index
    %swap3A_2 = arith.constant 0 : index
    %swap3A_3 = arith.constant 0 : index
    %swap3A_4 = vector.load %arg2[%swap3A, %swap3A_2, %swap3A_3] : memref<2x1000x128xf32, #tpu.memory_space<vmem>>, vector<1x1000x128xf32>
    %swap3A_5 = vector.shape_cast %swap3A_4 : vector<1x1000x128xf32> to vector<1000x128xf32>
    %swap3A_6 = vector.shape_cast %get3A_1 : vector<1000x128xf32> to vector<1x1000x128xf32>
    tpu.vector_store %arg2[%swap3A, %swap3A_2, %swap3A_3], %swap3A_6 {strides = array<i32>} : memref<2x1000x128xf32, #tpu.memory_space<vmem>>, vector<1x1000x128xf32>,
    %get3A_7 = arith.constant 0 : index
    %get3A_8 = arith.constant 128 : index
    %get3A_9 = vector.load %arg1[%get3A_7, %get3A_8] : memref<1000x256xf32, #tpu.memory_space<vmem>>, vector<1000x128xf32>
    %swap3A_10 = arith.constant 1 : index
    %swap3A_11 = arith.constant 0 : index
    %swap3A_12 = arith.constant 0 : index
    %swap3A_13 = vector.load %arg2[%swap3A_10, %swap3A_11, %swap3A_12] : memref<2x1000x128xf32, #tpu.memory_space<vmem>>, vector<1x1000x128xf32>
    %swap3A_14 = vector.shape_cast %swap3A_13 : vector<1x1000x128xf32> to vector<1000x128xf32>
    %swap3A_15 = vector.shape_cast %get3A_9 : vector<1000x128xf32> to vector<1x1000x128xf32>
    tpu.vector_store %arg2[%swap3A_10, %swap3A_11, %swap3A_12], %swap3A_15 {strides = array<i32>} : memref<2x1000x128xf32, #tpu.memory_space<vmem>>, vector<1x1000x128xf32>,
    return
  }
  func.func @transform_0(%arg0: i32) -> (i32, i32) {
    %c0_i32 = arith.constant 0 : i32
    %c0_i32_0 = arith.constant 0 : i32
    return %arg0, %c0_i32 : i32, i32
  }
  func.func @transform_1(%arg0: i32) -> (i32, i32, i32) {
    %c0_i32 = arith.constant 0 : i32
    %c0_i32_0 = arith.constant 0 : i32
    %c0_i32_1 = arith.constant 0 : i32
    return %c0_i32, %arg0, %c0_i32_0 : i32, i32, i32
  }
}

</mosaic_0001>

<sc_bundles>
// kernel: kernel.5.cloned.1.call-start
scs
__scs_entry_jumppad:
0x0: {  	(pc) =	sbr.rel $0x88, $3  }
0x1: {  	(tag) =	ssettag $0x0;
	lr =	simm.s32 $0x1  }
0x2: {  	[smem:$0x3F98] =	sst lr;
	_ =	strace $0xD0000000  }
0x3: {  	_ = 	snop  }
0x4: {  	_ = 	snop  }
0x5: {  	_ = 	snop  }
0x6: {  	_ = 	snop  }
0x7: {  	_ = 	snop  }
__scs_overlays_trampoline_lowered:
0x8: {  	[smem:$0x3FA7] =	sst s0  }
0x9: {  	[smem:$0x3FA8] =	sst s1  }
0xa: {  	[smem:$0x3FA9] =	sst s2  }
0xb: {  	[smem:$0x3FAA] =	sst s3  }
0xc: {  	[smem:$0x3FAB] =	sst s4  }
0xd: {  	[smem:$0x3FAC] =	sst s5  }
0xe: {  	[smem:$0x3FAD] =	sst s6  }
0xf: {  	[smem:$0x3FAE] =	sst s7  }
0x10: {  	[smem:$0x3FAF] =	sst s8  }
0x11: {  	[smem:$0x3FB0] =	sst s9;
	s0 =	simm.s32 @!p0 $0x0  }
0x12: {  	s1 =	sld [smem:$0x3F96];
	s0 =	simm.s32 @p0 $0x1  }
0x13: {  	[smem:$0x3FB1] =	sst s0;
	s0 =	simm.s32 @!p1 $0x0  }
0x14: {  	s2 =	sld [smem:$0x3F95];
	s0 =	simm.s32 @p1 $0x1  }
0x15: {  	[smem:$0x3FB2] =	sst s0;
	s0 =	simm.s32 @!p2 $0x0  }
0x16: {  	s3 =	sld [smem:$0x3FDB];
	s0 =	simm.s32 @p2 $0x1  }
0x17: {  	s4 =	simm.s32 $0x1BF5;
	[smem:$0x3FB4] =	sst s0  }
0x18: {  	s0 =	sld [smem:$0x3F97];
	_ =	swait.ge [sflag:s4], $0x0  }
0x19: {  	s7 =	sld [smem:$0x3F98]  }
0x1a: {  	s8 =	sadd.s32 $0xFFFFE003, lr  }
0x1b: {  	s9 =	sadd.s32 $0xFFFFFEF7, lr;
	s5 =	simm.s32 $0xFFFFFFFF;
	p2 =	slt.u32 s8, $0xFFFFF086  }
0x1c: {  	p1 =	slt.u32 s9, $0xF7A;
	s5 =	simm.s32 @!p2 $0x0  }
0x1d: {  	s5 =	simm.s32 @p1 $0x1;
	p0 =	seq.s32 s7, s2  }
0x1e: {  	s7 =	smul.u32 @!p0 $0xF7A, s2;
	p2 =	seq.s32 @!p0 s5, $0x0  }
0x1f: {  	s9 =	smul.u32 $0xF7A, s1;
	s8 =	simm.s32 @!p0 $0x1BF5;
	p2 =	por !p2, p0  }
0x20: {  	[sflag:s8] =	ssyncset.s32 @!p0 $0xFFFFF086;
	s6 =	sadd.s32 @!p0 s3, s7;
	s7 =	simm.s32 @!p0 $0x108  }
0x21: {  	s3 =	sadd.s32 s3, s9;
	s6 =	sadd.s32 @!p0 $0x88, s6;
	s7 =	simm.s32 @p2 $0x1082  }
0x22: {  	[simem:s7], [sflag:s8] =	dma.local @!p0 [hbm:s6], $0xF7A  }
0x23: {  	s9 =	sor.u32 $0xD0000000, s2;
	s6 =	simm.s32 $0x108;
	_ =	swait.ge @!p0 [sflag:s8], $0x0  }
0x24: {  	s3 =	sadd.s32 $0x88, s3;
	s6 =	simm.s32 @!p1 $0x1082;
	[sflag:s4] =	ssyncset.s32 $0xFFFFF086  }
0x25: {  	[simem:s6], [sflag:s4] =	dma.local [hbm:s3], $0xF7A  }
0x26: {  	[smem:$0x3F98] =	sst s1;
	(tag) =	ssettag s2;
	_ =	strace s9  }
0x27: {  	s1 =	sld [smem:$0x3FA8]  }
0x28: {  	s2 =	sld [smem:$0x3FA9]  }
0x29: {  	s4 =	sld [smem:$0x3FAB]  }
0x2a: {  	p0 =	seq.s32 s5, $0x0;
	s5 =	sld [smem:$0x3FAC]  }
0x2b: {  	s6 =	sld [smem:$0x3FAD]  }
0x2c: {  	s7 =	sld [smem:$0x3FAE]  }
0x2d: {  	s3 =	simm.s32 $0x108;
	s8 =	sld [smem:$0x3FAF]  }
0x2e: {  	s3 =	simm.s32 @!p0 $0x1082;
	s9 =	sld [smem:$0x3FB0]  }
0x2f: {  	lr =	sadd.s32 s0, s3;
	s0 =	sld [smem:$0x3FA7]  }
0x30: {  	s3 =	sld [smem:$0x3FAA]  }
0x31: {  	[smem:$0x3FB3] =	sst s10  }
0x32: {  	s10 =	sld [smem:$0x3FB1];
	_ =	sdelay $0x3  }
0x33: {  	p0 =	seq.s32 s10, $0x1;
	s10 =	sld [smem:$0x3FB3];
	_ =	sdelay $0x3  }
0x34: {  	[smem:$0x3FB3] =	sst s10  }
0x35: {  	s10 =	sld [smem:$0x3FB2];
	_ =	sdelay $0x3  }
0x36: {  	p1 =	seq.s32 s10, $0x1;
	s10 =	sld [smem:$0x3FB3];
	_ =	sdelay $0x3  }
0x37: {  	[smem:$0x3FB3] =	sst s10  }
0x38: {  	s10 =	sld [smem:$0x3FB4]  }
0x39: {  	_ = 	snop;
	(pc) =	sbr.ind lr, $3  }
0x3a: {  	_ = 	snop  }
0x3b: {  	_ = 	snop  }
0x3c: {  	p2 =	seq.s32 s10, $0x1;
	s10 =	sld [smem:$0x3FB3]  }
0x3d: {  	_ =	shalt  }
0x3e: {  	_ =	shalt  }
0x3f: {  	_ =	shalt  }
0x40: {  	_ =	shalt  }
0x41: {  	_ =	shalt  }
0x42: {  	_ =	shalt  }
0x43: {  	_ =	shalt  }
0x44: {  	_ =	shalt  }
0x45: {  	_ =	shalt  }
0x46: {  	_ =	shalt  }
0x47: {  	_ =	shalt  }
0x48: {  	_ =	shalt  }
0x49: {  	_ =	shalt  }
0x4a: {  	_ =	shalt  }
0x4b: {  	_ =	shalt  }
0x4c: {  	_ =	shalt  }
0x4d: {  	_ =	shalt  }
0x4e: {  	_ =	shalt  }
0x4f: {  	_ =	shalt  }
0x50: {  	_ =	shalt  }
0x51: {  	_ =	shalt  }
0x52: {  	_ =	shalt  }
0x53: {  	_ =	shalt  }
0x54: {  	_ =	shalt  }
0x55: {  	_ =	shalt  }
0x56: {  	_ =	shalt  }
0x57: {  	_ =	shalt  }
0x58: {  	_ =	shalt  }
0x59: {  	_ =	shalt  }
0x5a: {  	_ =	shalt  }
0x5b: {  	_ =	shalt  }
0x5c: {  	_ =	shalt  }
0x5d: {  	_ =	shalt  }
0x5e: {  	_ =	shalt  }
0x5f: {  	_ =	shalt  }
0x60: {  	_ =	shalt  }
0x61: {  	_ =	shalt  }
0x62: {  	_ =	shalt  }
0x63: {  	_ =	shalt  }
0x64: {  	_ =	shalt  }
0x65: {  	_ =	shalt  }
0x66: {  	_ =	shalt  }
0x67: {  	_ =	shalt  }
0x68: {  	_ =	shalt  }
0x69: {  	_ =	shalt  }
0x6a: {  	_ =	shalt  }
0x6b: {  	_ =	shalt  }
0x6c: {  	_ =	shalt  }
0x6d: {  	_ =	shalt  }
0x6e: {  	_ =	shalt  }
0x6f: {  	_ =	shalt  }
0x70: {  	_ =	shalt  }
0x71: {  	_ =	shalt  }
0x72: {  	_ =	shalt  }
0x73: {  	_ =	shalt  }
0x74: {  	_ =	shalt  }
0x75: {  	_ =	shalt  }
0x76: {  	_ =	shalt  }
0x77: {  	_ =	shalt  }
0x78: {  	_ =	shalt  }
0x79: {  	_ =	shalt  }
0x7a: {  	_ =	shalt  }
0x7b: {  	_ =	shalt  }
0x7c: {  	_ =	shalt  }
0x7d: {  	_ =	shalt  }
0x7e: {  	_ =	shalt  }
0x7f: {  	_ =	shalt  }
0x80: {  	_ =	shalt  }
0x81: {  	_ =	shalt  }
0x82: {  	_ =	shalt  }
0x83: {  	_ =	shalt  }
0x84: {  	_ =	shalt  }
0x85: {  	_ =	shalt  }
0x86: {  	_ =	shalt  }
0x87: {  	_ =	shalt  }
.Lfunc_end0:
.L_simem_size_0:
called_computation_lowered:
.L_overlay_start_0:
0x88: {  	s2 =	sld [smem:$0x3FD9]  }
0x89: {  	s3 =	sld [smem:$0x3FFE];
	_ =	sdelay $0x1  }
0x8a: {  	s1 =	srdreg.scid  }
0x8b: {  	s0 =	sand.u32 $0x1, s1  }
0x8c: {  	s17 =	sshll.u32 s0, $0xA;
	s2 =	sadd.s32 s3, s2  }
0x8d: {  	s2 =	sadd.s32 s2, s17  }
0x8e: {  	[smem:$0x3FBF] =	sst s2  }
0x8f: {  	_ = 	snop  }
0x90: {  	s2 =	sld [smem:$0x3FC7]  }
0x91: {  	s18 =	sld [smem:$0x3FD0];
	(tm) =	ssettm $0x1  }
0x92: {  	s4 =	sld [smem:$0x3FFB];
	_ =	sdelay $0x3  }
0x93: {  	_ =	strace s4  }
0x94: {  	s4 =	sld [smem:$0x3FFC];
	_ =	sdelay $0x3  }
0x95: {  	_ =	strace s4  }
0x96: {  	s4 =	sld [smem:$0x3FFD];
	_ =	sdelay $0x3  }
0x97: {  	_ =	strace s4  }
0x98: {  	_ =	strace $0x8FFFFFFF  }
0x99: {  	s19 =	sld [smem:$0x3FDB];
	_ =	sdelay $0x1  }
0x9a: {  	s5 =	simm.s32 $_scs_section_size  }
0x9b: {  	s6 =	simm.s32 $_size__tile_overlayer_lowered;
	s7 =	simm.s32 $_tile_overlayer_lowered  }
0x9c: {  	s22 =	simm.s32 $0x1BFF;
	s21 =	sshll.u32 s7, $0x1;
	s4 =	sadd.s32 s5, s19  }
0x9d: {  	s8 =	simm.s32 $0x0;
	s20 =	sshll.u32 s6, $0x1;
	s6 =	sadd.s32 s21, s4  }
0x9e: {  	[timem:s8], [sflag:s22] =	dma.local [hbm:s6], s20  }
0x9f: {  	_ =	swait.ge [sflag:s22], s20  }
0xa0: {  	s5 =	ssub.s32 $0x0, s20;
	[sflag:s22] =	ssyncset.done $0x0  }
0xa1: {  	[sflag:s22] =	ssyncadd.s32 s5;
	_ =	sdelay $0x1  }
0xa2: {  	s23 =	simm.s32 $0x1B8B  }
0xa3: {  	_ =	swait.ge [sflag:s23], $0x1  }
0xa4: {  	[sflag:s23] =	ssyncset.done $0x0  }
0xa5: {  	s25 =	simm.s32 $0x1B8E;
	s24 =	sld [smem:$0x3FFE];
	[sflag:s23] =	ssyncadd.s32 $0xFFFFFFFF  }
0xa6: {  	s26 =	simm.s32 $execute0_lowered;
	[smem:$0x3FD2] =	sst s25  }
0xa7: {  	s6 =	sshll.u32 s26, $0x1;
	_ =	strace $0x80000046;
	[dreg:$0x1] =	wrdreg $0xFFFFFFFF  }
0xa8: {  	s28 =	simm.s32 $_size_execute0_lowered;
	s4 =	sadd.s32 s4, s6;
	[dreg:$0x0] =	wrdreg $0x0  }
0xa9: {  	s6 =	sshll.u32 s28, $0x1;
	[dreg:$0x2] =	wrdreg s4  }
0xaa: {  	[dreg:$0x3] =	wrdreg s6  }
0xab: {  	[dreg:$0x4] =	wrdreg $0xC0  }
0xac: {  	_ =	task [dreg:s8], $0x5FFFF  }
0xad: {  	[dreg:$0x1] =	wrdreg $0xFFFFFFFF  }
0xae: {  	[dreg:$0x0] =	wrdreg $0x60  }
0xaf: {  	[dreg:$0x2] =	wrdreg s18  }
0xb0: {  	[dreg:$0x3] =	wrdreg s24  }
0xb1: {  	[dreg:$0x4] =	wrdreg s2  }
0xb2: {  	[dreg:$0x5] =	wrdreg $0xA4000  }
0xb3: {  	[dreg:$0x6] =	wrdreg $0x9  }
0xb4: {  	_ =	task.clear_ibuf [dreg:s8], $0x7FFFF;
	_ =	strace $0x90000046  }
0xb5: {  	s29 =	simm.s32 $0x9;
	_ =	strace $0x80000048  }
0xb6: {  	_ =	swait.ge [sflag:s29], $0x1  }
0xb7: {  	[sflag:s29] =	ssyncadd.s32 $0xFFFFFFFF  }
0xb8: {  	_ =	strace $0x90000048  }
0xb9: {  	_ =	sfence  }
0xba: {  	s30 =	sld [smem:$0x0];
	_ =	sdelay $0x2  }
0xbb: {  	s31 =	sshll.u32 s1, $0xD;
	s1 =	sshrl.u32 s1, $0x2  }
0xbc: {  	s3 =	sand.u32 $0x4000, s31;
	s1 =	sadd.s32 s1, s30  }
0xbd: {  	s0 =	sor.u32 s3, s0;
	s1 =	sshll.u32 s1, $0x11  }
0xbe: {  	s0 =	sor.u32 s1, s0  }
0xbf: {  	s0 =	sadd.s32 $0x8F2B, s0  }
0xc0: {  	[sflag:s0] =	ssyncadd.remote.s32 $0x1  }
0xc1: {  	_ =	sfence.sel $0xFFFF  }
0xc2: {  	[dreg:$0x0] =	wrdreg $0xFFFFFFFF;
	(pc) =	sbr.abs _section_cstart, $3  }
0xc3: {  	[dreg:$0x1] =	wrdreg $0xFFFFFFFF  }
0xc4: {  	_ =	task.clear_ibuf [dreg:s8], $0x2FFFF;
	_ =	strace $0x9FFFFFFF  }
0xc5: {  	(tm) =	ssettm $0x7FFFFFFF  }
tec
execute0_lowered:
.L_overlay_start_1:
0x0: {  	(tag) =	ssettag $0x1  }
0x1: {  	s0 =	rddreg [dreg:$0x0]  }
0x2: {  	s2 =	rddreg [dreg:$0x1]  }
0x3: {  	s1 =	rddreg [dreg:$0x2]  }
0x4: {  	s3 =	rddreg [dreg:$0x3]  }
0x5: {  	s4 =	simm.s32 $0x0;
	s5 =	srdreg.scid;
	s15 =	stileid.u32  }
0x6: {  	s28 =	simm.s32 $0x1;
	s29 =	simm.s32 $0x5;
	s30 =	simm.s32 $0x50  }
0x7: {  	s31 =	simm.s32 $0x0;
	[smem:$0x7FF] =	sst s4;
	s7 =	smul.u32 $0x4E000, s15  }
0x8: {  	s6 =	sand.u32 $0x1, s5;
	s5 =	sadd.s32 $0x1800, s2;
	s10 =	smul.u32 $0x13800, s15  }
0x9: {  	s2 =	sadd.s32 $0x11200, s2;
	s16 =	sshll.u32 s15, $0x6;
	s17 =	smul.u32 $0x271000, s15  }
0xa: {  	s18 =	sadd.s32 $0x138000, s3;
	p0 =	sne.s32 s15, $0xF;
	_ =	strace $0x80000047  }
0xb: {  	s8 =	smul.u32 $0x138800, s6;
	s9 =	ssub.s32 $0x2, s6;
	s25 =	sor.u32 $0x1C11, s16  }
0xc: {  	[dreg:$0x8] =	wrdreg s18;
	s11 =	sshrl.u32 s9, $0x1;
	s7 =	sshrl.u32 s7, $0x2  }
0xd: {  	[dreg:$0x7] =	wrdreg s25;
	s9 =	ssub.s32 s9, s11;
	s7 =	sadd.s32 s7, s3  }
0xe: {  	s14 =	sadd.s32 s10, s8;
	s8 =	sshrl.u32 s8, $0x3;
	s11 =	sshll.u32 s6, $0xA  }
0xf: {  	s6 =	simm.s32 $0x6;
	[dreg:$0x5] =	wrdreg s7;
	s10 =	sshrl.u32 s14, $0x3  }
0x10: {  	s7 =	smul.u32 $0x7D00, s15;
	s19 =	sadd.s32 $0x27000, s8;
	s18 =	sadd.s32 s0, s8  }
0x11: {  	s26 =	smax.u32 s9, $0x1;
	s8 =	simm.s32 $0x9;
	s9 =	simm.s32 $0xB  }
0x12: {  	s12 =	sadd.s32 s0, s10;
	s14 =	sadd.s32 s0, s19;
	s23 =	sadd.s32 s2, s10  }
0x13: {  	s24 =	sadd.s32 s2, s19;
	[dreg:$0x10] =	wrdreg s26;
	s26 =	simm.s32 $0x11  }
0x14: {  	s0 =	simm.s32 $0x5400;
	s2 =	simm.s32 $0x2;
	[dreg:$0x6] =	wrdreg s12  }
0x15: {  	s19 =	simm.s32 $0xA;
	s13 =	sshrl.u32 s7, $0x3;
	[dreg:$0x9] =	wrdreg s14  }
0x16: {  	s12 =	sor.u32 s11, s17;
	s14 =	smul.u32 $0x2710, s15;
	[dreg:$0xe] =	wrdreg s23  }
0x17: {  	[dreg:$0xf] =	wrdreg s24;
	s23 =	simm.s32 $0x800;
	s24 =	simm.s32 $0x400  }
0x18: {  	s15 =	simm.s32 $0x7C00;
	s17 =	simm.s32 $0x7;
	s20 =	sadd.s32 $0x5000, s12  }
0x19: {  	s16 =	sadd.s32 s5, s13;
	s12 =	sshrl.u32 s12, $0x3;
	s13 =	sshrl.u32 s20, $0x3  }
0x1a: {  	s12 =	sadd.s32 s1, s12;
	[dreg:$0xa] =	wrdreg s16;
	s21 =	sadd.s32 $0x20, s16  }
0x1b: {  	s16 =	simm.s32 $0x3;
	s20 =	simm.s32 $0xC;
	[dreg:$0xb] =	wrdreg s12  }
0x1c: {  	[dreg:$0xc] =	wrdreg s21;
	s22 =	sadd.s32 s1, s13;
	s21 =	simm.s32 $0xD  }
0x1d: {  	s13 =	simm.s32 $0x4;
	[dreg:$0xd] =	wrdreg s22;
	s22 =	simm.s32 $0x8  }
.LBB2_1:
0x1e: {  	[dreg:$0x11] =	wrdreg s31  }
0x1f: {  	s10 =	rddreg [dreg:$0x5]  }
0x20: {  	s31 =	rddreg [dreg:$0x6];
	s12 =	sshrl.u32 s10, $0x3  }
0x21: {  	[dreg:$0x12] =	wrdreg s12  }
0x22: {  	[spmem:s12], [sflag:s25] =	dma.local [hbm:s31], $0x2700  }
0x23: {  	_ =	swait.ge [sflag:s26], $0x2700  }
0x24: {  	s10 =	rddreg [dreg:$0x8]  }
0x25: {  	[sflag:s26] =	ssyncset.done $0x0;
	s12 =	sshrl.u32 @!p0 s10, $0x3;
	s10 =	rddreg [dreg:$0x9]  }
0x26: {  	[sflag:s26] =	ssyncadd.s32 $0xFFFFD900;
	[dreg:$0x13] =	wrdreg s12  }
0x27: {  	[spmem:s12], [sflag:s25] =	dma.local @!p0 [hbm:s10], $0x100  }
0x28: {  	s10 =	simm.s32 @!p0 $0x11  }
0x29: {  	_ =	swait.ge @!p0 [sflag:s10], $0x100  }
0x2a: {  	[sflag:s10] =	ssyncset.done @!p0 $0x0  }
0x2b: {  	[sflag:s10] =	ssyncadd.s32 @!p0 $0xFFFFFF00  }
0x2c: {  	[bflag:$0x0] =	sbarrier.arrive $0xFFFF  }
0x2d: {  	s26 =	rddreg [dreg:$0xa]  }
0x2e: {  	[tilespmem:s4], [sflag:$0x1] =	stream.linear.gather [hbm4b:s26+s4], $0x100, $0x38;
	[tilespmem:$0x1DC80] =	vst v63  }
0x2f: {  	s31 =	rddreg [dreg:$0xb]  }
0x30: {  	[tilespmem:s24], [sflag:$0x5] =	stream.strided.gather [hbm4b:s31+s24], $0x2800, s23, s24, $0x38;
	[tilespmem:$0x1DC80] =	vst v63  }
0x31: {  	s25 =	simm.s32 $0x100;
	s12 =	rddreg [dreg:$0xc]  }
0x32: {  	[tilespmem:s25], [sflag:$0x2] =	stream.linear.gather [hbm4b:s12+s4], $0x100, $0x38;
	[tilespmem:$0x1DC80] =	vst v63  }
0x33: {  	s26 =	rddreg [dreg:$0xd];
	s31 =	simm.s32 $0x2C00  }
0x34: {  	[tilespmem:s31], [sflag:$0x6] =	stream.strided.gather [hbm4b:s26+s24], $0x2800, s23, s24, $0x38;
	[tilespmem:$0x1DC80] =	vst v63  }
0x35: {  	_ =	swait.ge [sflag:s28], $0x100  }
0x36: {  	[sflag:s28] =	ssyncset.done $0x0  }
0x37: {  	[sflag:s28] =	ssyncadd.s32 $0xFFFFFF00  }
0x38: {  	_ =	swait.ge [sflag:s29], $0x2800  }
0x39: {  	[sflag:s29] =	ssyncset.done $0x0  }
0x3a: {  	s25 =	simm.s32 $0x0;
	[sflag:s29] =	ssyncadd.s32 $0xFFFFD800  }
0x3b: {  	[tilespmem:s24], [sflag:$0x9] =	stream.indirect.gather.add.f32 [hbm:s18], $0x80, s4, s30, $0xb8;
	[tilespmem:$0x1DC80] =	vst v63  }
.LBB2_2:
0x3c: {  	s10 =	sshll.u32 s25, $0x2;
	p1 =	seq.s32 s25, $0x0  }
0x3d: {  	s12 =	sor.u32 $0x2, s10;
	s26 =	simm.s32 @!p1 $0xF  }
0x3e: {  	s31 =	sshll.u32 s12, $0x8;
	_ =	swait.ge @!p1 [sflag:s26], $0x2800;
	s12 =	smul.u32 $0x50, s12  }
0x3f: {  	s31 =	sadd.s32 s7, s31;
	[sflag:s26] =	ssyncset.done @!p1 $0x0  }
0x40: {  	s31 =	sshrl.u32 s31, $0x3;
	[sflag:s26] =	ssyncadd.s32 @!p1 $0xFFFFD800;
	s12 =	sadd.s32 s14, s12  }
0x41: {  	s26 =	sadd.s32 s5, s31;
	s31 =	simm.s32 $0x200;
	s12 =	sshll.u32 s12, $0x8  }
0x42: {  	[tilespmem:s31], [sflag:$0x3] =	stream.linear.gather [hbm4b:s26+s4], $0x100, $0x38;
	[tilespmem:$0x1DC80] =	vst v63  }
0x43: {  	s12 =	sor.u32 s11, s12  }
0x44: {  	s12 =	sshrl.u32 s12, $0x3  }
0x45: {  	s12 =	sadd.s32 s1, s12  }
0x46: {  	[tilespmem:s0], [sflag:$0x7] =	stream.strided.gather [hbm4b:s12+s24], $0x2800, s23, s24, $0x38;
	[tilespmem:$0x1DC80] =	vst v63  }
0x47: {  	_ =	swait.ge [sflag:s2], $0x100  }
0x48: {  	[sflag:s2] =	ssyncset.done $0x0  }
0x49: {  	[sflag:s2] =	ssyncadd.s32 $0xFFFFFF00  }
0x4a: {  	_ =	swait.ge [sflag:s6], $0x2800  }
0x4b: {  	[sflag:s6] =	ssyncset.done $0x0  }
0x4c: {  	s26 =	simm.s32 $0x2C00;
	s12 =	simm.s32 $0x100;
	[sflag:s6] =	ssyncadd.s32 $0xFFFFD800  }
0x4d: {  	[tilespmem:s26], [sflag:$0xA] =	stream.indirect.gather.add.f32 [hbm:s18], $0x80, s12, s30, $0xb8;
	[tilespmem:$0x1DC80] =	vst v63  }
0x4e: {  	_ =	swait.ge [sflag:s8], $0x2800  }
0x4f: {  	[sflag:s8] =	ssyncset.done $0x0  }
0x50: {  	s31 =	simm.s32 $0x600;
	[sflag:s8] =	ssyncadd.s32 $0xFFFFD800  }
0x51: {  	v0 =	vld [tilespmem:s31+$0xFFFFFE10]  }
0x52: {  	v6 =	vld [tilespmem:s31+$0x1F0]  }
0x53: {  	v5 =	vld [tilespmem:s31+$0xFFFFFE60]  }
0x54: {  	v1 =	vld [tilespmem:s31+$0xFFFFFE20]  }
0x55: {  	v7 =	vld [tilespmem:s31+$0xFFFFFF00]  }
0x56: {  	v2 =	vld [tilespmem:s31+$0xFFFFFE30];
	v0 =	vmax.f32 v0, $0.0e+00  }
0x57: {  	v3 =	vld [tilespmem:s31+$0xFFFFFE40];
	v6 =	vmax.f32 v6, $0.0e+00;
	[tilespmem:s31+$0xFFFFFE10] =	vst v0  }
0x58: {  	v4 =	vld [tilespmem:s31+$0xFFFFFE50];
	v5 =	vmax.f32 v5, $0.0e+00;
	[tilespmem:s31+$0x1F0] =	vst v6  }
0x59: {  	v0 =	vmax.f32 v1, $0.0e+00;
	v1 =	vld [tilespmem:s31+$0xFFFFFE70];
	[tilespmem:s31+$0xFFFFFE60] =	vst v5  }
0x5a: {  	v5 =	vmax.f32 v7, $0.0e+00;
	v7 =	vld [tilespmem:s31+$0xFFFFFF50];
	[tilespmem:s31+$0xFFFFFE20] =	vst v0  }
0x5b: {  	v8 =	vld [tilespmem:s31+$0xFFFFFF10];
	v0 =	vmax.f32 v2, $0.0e+00;
	[tilespmem:s31+$0xFFFFFF00] =	vst v5  }
0x5c: {  	v2 =	vld [tilespmem:s31+$0xFFFFFE80];
	[tilespmem:s31+$0xFFFFFE30] =	vst v0;
	v0 =	vmax.f32 v3, $0.0e+00  }
0x5d: {  	v55 =	vld [tilespmem:s31+$0xFFFFFF60];
	[tilespmem:s31+$0xFFFFFE40] =	vst v0;
	v0 =	vmax.f32 v4, $0.0e+00  }
0x5e: {  	v9 =	vld [tilespmem:s31+$0xFFFFFF20];
	[tilespmem:s31+$0xFFFFFE50] =	vst v0;
	v1 =	vmax.f32 v1, $0.0e+00  }
0x5f: {  	v3 =	vld [tilespmem:s31+$0xFFFFFE90];
	v7 =	vmax.f32 v7, $0.0e+00;
	[tilespmem:s31+$0xFFFFFE70] =	vst v1  }
0x60: {  	v56 =	vld [tilespmem:s31+$0xFFFFFF70];
	v1 =	vmax.f32 v8, $0.0e+00;
	[tilespmem:s31+$0xFFFFFF50] =	vst v7  }
0x61: {  	v58 =	vld [tilespmem:s31+$0x70];
	v2 =	vmax.f32 v2, $0.0e+00;
	[tilespmem:s31+$0xFFFFFF10] =	vst v1  }
0x62: {  	v10 =	vld [tilespmem:s31+$0xFFFFFF30];
	v8 =	vmax.f32 v55, $0.0e+00;
	[tilespmem:s31+$0xFFFFFE80] =	vst v2  }
0x63: {  	v4 =	vld [tilespmem:s31+$0xFFFFFEA0];
	v2 =	vmax.f32 v9, $0.0e+00;
	[tilespmem:s31+$0xFFFFFF60] =	vst v8  }
0x64: {  	v57 =	vld [tilespmem:s31+$0xFFFFFF80];
	v3 =	vmax.f32 v3, $0.0e+00;
	[tilespmem:s31+$0xFFFFFF20] =	vst v2  }
0x65: {  	v59 =	vld [tilespmem:s31+$0x80];
	v9 =	vmax.f32 v56, $0.0e+00;
	[tilespmem:s31+$0xFFFFFE90] =	vst v3  }
0x66: {  	v0 =	vld [tilespmem:s31+$0xFFFFFEB0];
	v8 =	vmax.f32 v58, $0.0e+00;
	[tilespmem:s31+$0xFFFFFF70] =	vst v9  }
0x67: {  	v60 =	vld [tilespmem:s31+$0x90];
	v3 =	vmax.f32 v10, $0.0e+00;
	[tilespmem:s31+$0x70] =	vst v8  }
0x68: {  	v5 =	vld [tilespmem:s31+$0xFFFFFEC0];
	v4 =	vmax.f32 v4, $0.0e+00;
	[tilespmem:s31+$0xFFFFFF30] =	vst v3  }
0x69: {  	v1 =	vld [tilespmem:s31+$0xFFFFFED0];
	v10 =	vmax.f32 v57, $0.0e+00;
	[tilespmem:s31+$0xFFFFFEA0] =	vst v4  }
0x6a: {  	v2 =	vld [tilespmem:s31+$0xFFFFFEE0];
	v9 =	vmax.f32 v59, $0.0e+00;
	[tilespmem:s31+$0xFFFFFF80] =	vst v10  }
0x6b: {  	v3 =	vld [tilespmem:s31+$0xFFFFFEF0];
	v0 =	vmax.f32 v0, $0.0e+00;
	[tilespmem:s31+$0x80] =	vst v9  }
0x6c: {  	v4 =	vld [tilespmem:s31+$0xFFFFFF90];
	v10 =	vmax.f32 v60, $0.0e+00;
	[tilespmem:s31+$0xFFFFFEB0] =	vst v0  }
0x6d: {  	v6 =	vld [tilespmem:s31+$0xFFFFFF40];
	v0 =	vmax.f32 v5, $0.0e+00;
	[tilespmem:s31+$0x90] =	vst v10  }
0x6e: {  	v5 =	vld [tilespmem:s31+$0x0];
	[tilespmem:s31+$0xFFFFFEC0] =	vst v0;
	v0 =	vmax.f32 v1, $0.0e+00  }
0x6f: {  	v1 =	vld [tilespmem:s31+$0x10];
	[tilespmem:s31+$0xFFFFFED0] =	vst v0;
	v0 =	vmax.f32 v2, $0.0e+00  }
0x70: {  	v2 =	vld [tilespmem:s31+$0x20];
	[tilespmem:s31+$0xFFFFFEE0] =	vst v0;
	v0 =	vmax.f32 v3, $0.0e+00  }
0x71: {  	v3 =	vld [tilespmem:s31+$0x30];
	v4 =	vmax.f32 v4, $0.0e+00;
	[tilespmem:s31+$0xFFFFFEF0] =	vst v0  }
0x72: {  	v0 =	vmax.f32 v6, $0.0e+00;
	v6 =	vld [tilespmem:s31+$0x40];
	[tilespmem:s31+$0xFFFFFF90] =	vst v4  }
0x73: {  	[tilespmem:s31+$0xFFFFFF40] =	vst v0;
	v0 =	vmax.f32 v5, $0.0e+00;
	v5 =	vld [tilespmem:s31+$0x50]  }
0x74: {  	[tilespmem:s31+$0x0] =	vst v0;
	v0 =	vld [tilespmem:s31+$0xFFFFFFA0];
	v1 =	vmax.f32 v1, $0.0e+00  }
0x75: {  	[tilespmem:s31+$0x10] =	vst v1;
	v1 =	vld [tilespmem:s31+$0xFFFFFFB0];
	v2 =	vmax.f32 v2, $0.0e+00  }
0x76: {  	[tilespmem:s31+$0x20] =	vst v2;
	v2 =	vld [tilespmem:s31+$0xFFFFFFC0];
	v3 =	vmax.f32 v3, $0.0e+00  }
0x77: {  	[tilespmem:s31+$0x30] =	vst v3;
	v3 =	vld [tilespmem:s31+$0xFFFFFFD0];
	v6 =	vmax.f32 v6, $0.0e+00  }
0x78: {  	[tilespmem:s31+$0x40] =	vst v6;
	v6 =	vld [tilespmem:s31+$0xFFFFFFE0];
	v4 =	vmax.f32 v5, $0.0e+00  }
0x79: {  	v5 =	vld [tilespmem:s31+$0xA0];
	v0 =	vmax.f32 v0, $0.0e+00;
	[tilespmem:s31+$0x50] =	vst v4  }
0x7a: {  	v4 =	vld [tilespmem:s31+$0xFFFFFFF0];
	[tilespmem:s31+$0xFFFFFFA0] =	vst v0;
	v0 =	vmax.f32 v1, $0.0e+00  }
0x7b: {  	v7 =	vld [tilespmem:s31+$0x60];
	[tilespmem:s31+$0xFFFFFFB0] =	vst v0;
	v0 =	vmax.f32 v2, $0.0e+00  }
0x7c: {  	v1 =	vld [tilespmem:s31+$0xB0];
	[tilespmem:s31+$0xFFFFFFC0] =	vst v0;
	v0 =	vmax.f32 v3, $0.0e+00  }
0x7d: {  	v2 =	vld [tilespmem:s31+$0x100];
	[tilespmem:s31+$0xFFFFFFD0] =	vst v0;
	v0 =	vmax.f32 v6, $0.0e+00  }
0x7e: {  	v3 =	vld [tilespmem:s31+$0x110];
	v5 =	vmax.f32 v5, $0.0e+00;
	[tilespmem:s31+$0xFFFFFFE0] =	vst v0  }
0x7f: {  	v6 =	vld [tilespmem:s31+$0x120];
	v0 =	vmax.f32 v4, $0.0e+00;
	[tilespmem:s31+$0xA0] =	vst v5  }
0x80: {  	v4 =	vld [tilespmem:s31+$0x130];
	[tilespmem:s31+$0xFFFFFFF0] =	vst v0;
	v0 =	vmax.f32 v7, $0.0e+00  }
0x81: {  	v7 =	vld [tilespmem:s31+$0x140];
	v1 =	vmax.f32 v1, $0.0e+00;
	[tilespmem:s31+$0x60] =	vst v0  }
0x82: {  	v0 =	vmax.f32 v2, $0.0e+00;
	v2 =	vld [tilespmem:s31+$0x150];
	[tilespmem:s31+$0xB0] =	vst v1  }
0x83: {  	v62 =	vld [tilespmem:s31+$0x170];
	[tilespmem:s31+$0x100] =	vst v0;
	v3 =	vmax.f32 v3, $0.0e+00  }
0x84: {  	v0 =	vld [tilespmem:s31+$0xC0];
	[tilespmem:s31+$0x110] =	vst v3;
	v6 =	vmax.f32 v6, $0.0e+00  }
0x85: {  	v61 =	vld [tilespmem:s31+$0x160];
	[tilespmem:s31+$0x120] =	vst v6;
	v4 =	vmax.f32 v4, $0.0e+00  }
0x86: {  	v3 =	vld [tilespmem:s31+$0xD0];
	[tilespmem:s31+$0x130] =	vst v4;
	v5 =	vmax.f32 v7, $0.0e+00  }
0x87: {  	v63 =	vld [tilespmem:s31+$0x180];
	[tilespmem:s31+$0x140] =	vst v5;
	v1 =	vmax.f32 v2, $0.0e+00  }
0x88: {  	v6 =	vld [tilespmem:s31+$0xE0];
	v2 =	vmax.f32 v62, $0.0e+00;
	[tilespmem:s31+$0x150] =	vst v1  }
0x89: {  	v4 =	vld [tilespmem:s31+$0xF0];
	v0 =	vmax.f32 v0, $0.0e+00;
	[tilespmem:s31+$0x170] =	vst v2  }
0x8a: {  	v7 =	vld [tilespmem:s31+$0x190];
	v1 =	vmax.f32 v61, $0.0e+00;
	[tilespmem:s31+$0xC0] =	vst v0  }
0x8b: {  	v5 =	vld [tilespmem:s31+$0x1A0];
	[tilespmem:s31+$0x160] =	vst v1;
	v1 =	vmax.f32 v3, $0.0e+00  }
0x8c: {  	v0 =	vld [tilespmem:s31+$0x1B0];
	v3 =	vmax.f32 v63, $0.0e+00;
	[tilespmem:s31+$0xD0] =	vst v1  }
0x8d: {  	v1 =	vld [tilespmem:s31+$0x1C0];
	v2 =	vmax.f32 v6, $0.0e+00;
	[tilespmem:s31+$0x180] =	vst v3  }
0x8e: {  	[tilespmem:s31+$0xE0] =	vst v2;
	v2 =	vld [tilespmem:s31+$0x1D0];
	v4 =	vmax.f32 v4, $0.0e+00  }
0x8f: {  	v3 =	vld [tilespmem:s31+$0x1E0];
	v6 =	vmax.f32 v7, $0.0e+00;
	[tilespmem:s31+$0xF0] =	vst v4  }
0x90: {  	s12 =	simm.s32 $0x0;
	s26 =	simm.s32 $0xA00;
	v4 =	vld [tilespmem:s31+$0xFFFFFE00];
	[tilespmem:s31+$0x190] =	vst v6;
	v5 =	vmax.f32 v5, $0.0e+00  }
.LBB2_3:
0x91: {  	v6 =	vld [tilespmem:s26+$0x1F0];
	s12 =	sadd.s32 $0x8, s12;
	[tilespmem:s31+$0x1A0] =	vst v5;
	v0 =	vmax.f32 v0, $0.0e+00  }
0x92: {  	v5 =	vld [tilespmem:s26+$0xFFFFFE10];
	p2 =	slt.u32 s12, $0x48;
	[tilespmem:s31+$0x1B0] =	vst v0;
	v0 =	vmax.f32 v1, $0.0e+00  }
0x93: {  	v1 =	vld [tilespmem:s26+$0xFFFFFE20];
	[tilespmem:s31+$0x1C0] =	vst v0;
	v0 =	vmax.f32 v2, $0.0e+00  }
0x94: {  	v2 =	vld [tilespmem:s26+$0xFFFFFE30];
	[tilespmem:s31+$0x1D0] =	vst v0;
	v0 =	vmax.f32 v3, $0.0e+00  }
0x95: {  	v3 =	vld [tilespmem:s26+$0xFFFFFE40];
	v4 =	vmax.f32 v4, $0.0e+00;
	[tilespmem:s31+$0x1E0] =	vst v0  }
0x96: {  	v0 =	vld [tilespmem:s26+$0xFFFFFE50];
	v6 =	vmax.f32 v6, $0.0e+00;
	[tilespmem:s31+$0xFFFFFE00] =	vst v4;
	s31 =	smov.u32 s26  }
0x97: {  	v4 =	vmax.f32 v5, $0.0e+00;
	v5 =	vld [tilespmem:s26+$0xFFFFFE60];
	[tilespmem:s26+$0x1F0] =	vst v6  }
0x98: {  	[tilespmem:s26+$0xFFFFFE10] =	vst v4;
	v1 =	vmax.f32 v1, $0.0e+00;
	v4 =	vld [tilespmem:s26+$0xFFFFFE70]  }
0x99: {  	[tilespmem:s26+$0xFFFFFE20] =	vst v1;
	v1 =	vmax.f32 v2, $0.0e+00;
	v2 =	vld [tilespmem:s26+$0xFFFFFE80]  }
0x9a: {  	[tilespmem:s26+$0xFFFFFE30] =	vst v1;
	v1 =	vmax.f32 v3, $0.0e+00;
	v3 =	vld [tilespmem:s26+$0xFFFFFE90]  }
0x9b: {  	[tilespmem:s26+$0xFFFFFE40] =	vst v1;
	v0 =	vmax.f32 v0, $0.0e+00;
	v1 =	vld [tilespmem:s26+$0xFFFFFEA0]  }
0x9c: {  	[tilespmem:s26+$0xFFFFFE50] =	vst v0;
	v0 =	vmax.f32 v5, $0.0e+00;
	v5 =	vld [tilespmem:s26+$0xFFFFFEB0]  }
0x9d: {  	[tilespmem:s26+$0xFFFFFE60] =	vst v0;
	v0 =	vmax.f32 v4, $0.0e+00;
	v4 =	vld [tilespmem:s26+$0xFFFFFEC0]  }
0x9e: {  	[tilespmem:s26+$0xFFFFFE70] =	vst v0;
	v0 =	vmax.f32 v2, $0.0e+00;
	v2 =	vld [tilespmem:s26+$0xFFFFFED0]  }
0x9f: {  	[tilespmem:s26+$0xFFFFFE80] =	vst v0;
	v0 =	vmax.f32 v3, $0.0e+00;
	v3 =	vld [tilespmem:s26+$0xFFFFFEE0]  }
0xa0: {  	[tilespmem:s26+$0xFFFFFE90] =	vst v0;
	v0 =	vmax.f32 v1, $0.0e+00;
	v1 =	vld [tilespmem:s26+$0xFFFFFEF0]  }
0xa1: {  	[tilespmem:s26+$0xFFFFFEA0] =	vst v0;
	v0 =	vmax.f32 v5, $0.0e+00;
	v5 =	vld [tilespmem:s26+$0xFFFFFF00]  }
0xa2: {  	[tilespmem:s26+$0xFFFFFEB0] =	vst v0;
	v0 =	vmax.f32 v4, $0.0e+00;
	v4 =	vld [tilespmem:s26+$0xFFFFFF10]  }
0xa3: {  	[tilespmem:s26+$0xFFFFFEC0] =	vst v0;
	v0 =	vmax.f32 v2, $0.0e+00;
	v2 =	vld [tilespmem:s26+$0xFFFFFF20]  }
0xa4: {  	[tilespmem:s26+$0xFFFFFED0] =	vst v0;
	v0 =	vmax.f32 v3, $0.0e+00;
	v3 =	vld [tilespmem:s26+$0xFFFFFF30]  }
0xa5: {  	[tilespmem:s26+$0xFFFFFEE0] =	vst v0;
	v0 =	vmax.f32 v1, $0.0e+00;
	v1 =	vld [tilespmem:s26+$0xFFFFFF40]  }
0xa6: {  	[tilespmem:s26+$0xFFFFFEF0] =	vst v0;
	v0 =	vmax.f32 v5, $0.0e+00;
	v5 =	vld [tilespmem:s26+$0xFFFFFF50]  }
0xa7: {  	[tilespmem:s26+$0xFFFFFF00] =	vst v0;
	v0 =	vmax.f32 v4, $0.0e+00;
	v4 =	vld [tilespmem:s26+$0xFFFFFF60]  }
0xa8: {  	[tilespmem:s26+$0xFFFFFF10] =	vst v0;
	v0 =	vmax.f32 v2, $0.0e+00;
	v2 =	vld [tilespmem:s26+$0xFFFFFF70]  }
0xa9: {  	[tilespmem:s26+$0xFFFFFF20] =	vst v0;
	v0 =	vmax.f32 v3, $0.0e+00;
	v3 =	vld [tilespmem:s26+$0xFFFFFF80]  }
0xaa: {  	[tilespmem:s26+$0xFFFFFF30] =	vst v0;
	v0 =	vmax.f32 v1, $0.0e+00;
	v1 =	vld [tilespmem:s26+$0xFFFFFF90]  }
0xab: {  	[tilespmem:s26+$0xFFFFFF40] =	vst v0;
	v0 =	vmax.f32 v5, $0.0e+00;
	v5 =	vld [tilespmem:s26+$0xFFFFFFA0]  }
0xac: {  	[tilespmem:s26+$0xFFFFFF50] =	vst v0;
	v0 =	vmax.f32 v4, $0.0e+00;
	v4 =	vld [tilespmem:s26+$0xFFFFFFB0]  }
0xad: {  	[tilespmem:s26+$0xFFFFFF60] =	vst v0;
	v0 =	vmax.f32 v2, $0.0e+00;
	v2 =	vld [tilespmem:s26+$0xFFFFFFC0]  }
0xae: {  	[tilespmem:s26+$0xFFFFFF70] =	vst v0;
	v0 =	vmax.f32 v3, $0.0e+00;
	v3 =	vld [tilespmem:s26+$0xFFFFFFD0]  }
0xaf: {  	[tilespmem:s26+$0xFFFFFF80] =	vst v0;
	v0 =	vmax.f32 v1, $0.0e+00;
	v1 =	vld [tilespmem:s26+$0xFFFFFFE0]  }
0xb0: {  	[tilespmem:s26+$0xFFFFFF90] =	vst v0;
	v0 =	vmax.f32 v5, $0.0e+00;
	v5 =	vld [tilespmem:s26+$0xFFFFFFF0]  }
0xb1: {  	[tilespmem:s26+$0xFFFFFFA0] =	vst v0;
	v0 =	vmax.f32 v4, $0.0e+00;
	v4 =	vld [tilespmem:s26+$0x0]  }
0xb2: {  	[tilespmem:s26+$0xFFFFFFB0] =	vst v0;
	v0 =	vmax.f32 v2, $0.0e+00;
	v2 =	vld [tilespmem:s26+$0x10]  }
0xb3: {  	[tilespmem:s26+$0xFFFFFFC0] =	vst v0;
	v0 =	vmax.f32 v3, $0.0e+00;
	v3 =	vld [tilespmem:s26+$0x20]  }
0xb4: {  	[tilespmem:s26+$0xFFFFFFD0] =	vst v0;
	v0 =	vmax.f32 v1, $0.0e+00;
	v1 =	vld [tilespmem:s26+$0x30]  }
0xb5: {  	[tilespmem:s26+$0xFFFFFFE0] =	vst v0;
	v0 =	vmax.f32 v5, $0.0e+00;
	v5 =	vld [tilespmem:s26+$0x40]  }
0xb6: {  	[tilespmem:s26+$0xFFFFFFF0] =	vst v0;
	v0 =	vmax.f32 v4, $0.0e+00;
	v4 =	vld [tilespmem:s26+$0x50]  }
0xb7: {  	[tilespmem:s26+$0x0] =	vst v0;
	v0 =	vmax.f32 v2, $0.0e+00;
	v2 =	vld [tilespmem:s26+$0x60]  }
0xb8: {  	[tilespmem:s26+$0x10] =	vst v0;
	v0 =	vmax.f32 v3, $0.0e+00;
	v3 =	vld [tilespmem:s26+$0x70]  }
0xb9: {  	[tilespmem:s26+$0x20] =	vst v0;
	v0 =	vmax.f32 v1, $0.0e+00;
	v1 =	vld [tilespmem:s26+$0x80]  }
0xba: {  	[tilespmem:s26+$0x30] =	vst v0;
	v0 =	vmax.f32 v5, $0.0e+00;
	v5 =	vld [tilespmem:s26+$0x90]  }
0xbb: {  	[tilespmem:s26+$0x40] =	vst v0;
	v0 =	vmax.f32 v4, $0.0e+00;
	v4 =	vld [tilespmem:s26+$0xA0]  }
0xbc: {  	[tilespmem:s26+$0x50] =	vst v0;
	v0 =	vmax.f32 v2, $0.0e+00;
	v2 =	vld [tilespmem:s26+$0xB0]  }
0xbd: {  	[tilespmem:s26+$0x60] =	vst v0;
	v0 =	vmax.f32 v3, $0.0e+00;
	v3 =	vld [tilespmem:s26+$0xC0]  }
0xbe: {  	[tilespmem:s26+$0x70] =	vst v0;
	v0 =	vmax.f32 v1, $0.0e+00;
	v1 =	vld [tilespmem:s26+$0xD0]  }
0xbf: {  	[tilespmem:s26+$0x80] =	vst v0;
	v0 =	vmax.f32 v5, $0.0e+00;
	v5 =	vld [tilespmem:s26+$0xE0]  }
0xc0: {  	[tilespmem:s26+$0x90] =	vst v0;
	v0 =	vmax.f32 v4, $0.0e+00;
	v4 =	vld [tilespmem:s26+$0xF0]  }
0xc1: {  	[tilespmem:s26+$0xA0] =	vst v0;
	v0 =	vmax.f32 v2, $0.0e+00;
	v2 =	vld [tilespmem:s26+$0x100]  }
0xc2: {  	[tilespmem:s26+$0xB0] =	vst v0;
	v0 =	vmax.f32 v3, $0.0e+00;
	v3 =	vld [tilespmem:s26+$0x110]  }
0xc3: {  	[tilespmem:s26+$0xC0] =	vst v0;
	v0 =	vmax.f32 v1, $0.0e+00;
	v1 =	vld [tilespmem:s26+$0x120]  }
0xc4: {  	[tilespmem:s26+$0xD0] =	vst v0;
	v0 =	vmax.f32 v5, $0.0e+00;
	v5 =	vld [tilespmem:s26+$0x130]  }
0xc5: {  	[tilespmem:s26+$0xE0] =	vst v0;
	v0 =	vmax.f32 v4, $0.0e+00;
	v4 =	vld [tilespmem:s26+$0x140]  }
0xc6: {  	[tilespmem:s26+$0xF0] =	vst v0;
	v0 =	vmax.f32 v2, $0.0e+00;
	v2 =	vld [tilespmem:s26+$0x150]  }
0xc7: {  	[tilespmem:s26+$0x100] =	vst v0;
	v0 =	vmax.f32 v3, $0.0e+00;
	v3 =	vld [tilespmem:s26+$0x160]  }
0xc8: {  	[tilespmem:s26+$0x110] =	vst v0;
	v0 =	vmax.f32 v1, $0.0e+00;
	v1 =	vld [tilespmem:s26+$0x170]  }
0xc9: {  	[tilespmem:s26+$0x120] =	vst v0;
	v0 =	vmax.f32 v5, $0.0e+00;
	v5 =	vld [tilespmem:s26+$0x180]  }
0xca: {  	[tilespmem:s26+$0x130] =	vst v0;
	v0 =	vmax.f32 v4, $0.0e+00;
	v4 =	vld [tilespmem:s26+$0x190]  }
0xcb: {  	[tilespmem:s26+$0x140] =	vst v0;
	v0 =	vmax.f32 v2, $0.0e+00;
	v6 =	vld [tilespmem:s26+$0x1A0]  }
.Ltmp0:
0xcc: {  	[tilespmem:s26+$0x150] =	vst v0;
	v2 =	vmax.f32 v3, $0.0e+00;
	v0 =	vld [tilespmem:s26+$0x1B0];
	(pc) =	sbr.rel @p2 .LBB2_3-.Ltmp0, $4  }
0xcd: {  	[tilespmem:s26+$0x160] =	vst v2;
	v2 =	vmax.f32 v1, $0.0e+00;
	v1 =	vld [tilespmem:s26+$0x1C0]  }
0xce: {  	[tilespmem:s26+$0x170] =	vst v2;
	v3 =	vmax.f32 v5, $0.0e+00;
	v2 =	vld [tilespmem:s26+$0x1D0]  }
0xcf: {  	[tilespmem:s26+$0x180] =	vst v3;
	v5 =	vmax.f32 v4, $0.0e+00;
	v3 =	vld [tilespmem:s26+$0x1E0]  }
0xd0: {  	s26 =	sadd.s32 $0x400, s26;
	v4 =	vld [tilespmem:s31+$0xFFFFFE00];
	[tilespmem:s31+$0x190] =	vst v5;
	v5 =	vmax.f32 v6, $0.0e+00  }
0xd1: {  	[tilespmem:s31+$0x1A0] =	vst v5;
	v0 =	vmax.f32 v0, $0.0e+00  }
0xd2: {  	[tilespmem:s31+$0x1B0] =	vst v0;
	v0 =	vmax.f32 v1, $0.0e+00  }
0xd3: {  	[tilespmem:s31+$0x1C0] =	vst v0;
	v0 =	vmax.f32 v2, $0.0e+00  }
0xd4: {  	[tilespmem:s31+$0x1D0] =	vst v0;
	v0 =	vmax.f32 v3, $0.0e+00  }
0xd5: {  	v1 =	vmax.f32 v4, $0.0e+00;
	[tilespmem:s31+$0x1E0] =	vst v0  }
0xd6: {  	s12 =	simm.s32 $0x80;
	[tilespmem:s31+$0xFFFFFE00] =	vst v1  }
0xd7: {  	[spmem:s3] =	stream.indirect.scatter.add.f32 [tilespmem:s24], [sflag:$0xD], $0x80, s12, s30, $0xb8;
	[tilespmem:$0x1DC80] =	vst v63  }
0xd8: {  	s26 =	simm.s32 @!p1 $0x10;
	s12 =	sor.u32 $0x3, s10  }
0xd9: {  	s31 =	sshll.u32 s12, $0x8;
	_ =	swait.ge @!p1 [sflag:s26], $0x2800;
	s12 =	smul.u32 $0x50, s12  }
0xda: {  	s31 =	sadd.s32 s7, s31;
	[sflag:s26] =	ssyncset.done @!p1 $0x0  }
0xdb: {  	s31 =	sshrl.u32 s31, $0x3;
	[sflag:s26] =	ssyncadd.s32 @!p1 $0xFFFFD800;
	s12 =	sadd.s32 s14, s12  }
0xdc: {  	s26 =	sadd.s32 s5, s31;
	s31 =	simm.s32 $0x300;
	s12 =	sshll.u32 s12, $0x8  }
0xdd: {  	[tilespmem:s31], [sflag:$0x4] =	stream.linear.gather [hbm4b:s26+s4], $0x100, $0x38;
	[tilespmem:$0x1DC80] =	vst v63  }
0xde: {  	s12 =	sor.u32 s11, s12  }
0xdf: {  	s12 =	sshrl.u32 s12, $0x3  }
0xe0: {  	s12 =	sadd.s32 s1, s12  }
0xe1: {  	[tilespmem:s15], [sflag:$0x8] =	stream.strided.gather [hbm4b:s12+s24], $0x2800, s23, s24, $0x38;
	[tilespmem:$0x1DC80] =	vst v63  }
0xe2: {  	_ =	swait.ge [sflag:s16], $0x100  }
0xe3: {  	[sflag:s16] =	ssyncset.done $0x0  }
0xe4: {  	[sflag:s16] =	ssyncadd.s32 $0xFFFFFF00  }
0xe5: {  	_ =	swait.ge [sflag:s17], $0x2800  }
0xe6: {  	[sflag:s17] =	ssyncset.done $0x0  }
0xe7: {  	s26 =	simm.s32 $0x200;
	[sflag:s17] =	ssyncadd.s32 $0xFFFFD800  }
0xe8: {  	[tilespmem:s0], [sflag:$0xB] =	stream.indirect.gather.add.f32 [hbm:s18], $0x80, s26, s30, $0xb8;
	[tilespmem:$0x1DC80] =	vst v63  }
0xe9: {  	_ =	swait.ge [sflag:s19], $0x2800  }
0xea: {  	[sflag:s19] =	ssyncset.done $0x0  }
0xeb: {  	s31 =	simm.s32 $0x2E00;
	[sflag:s19] =	ssyncadd.s32 $0xFFFFD800  }
0xec: {  	v0 =	vld [tilespmem:s31+$0xFFFFFE10]  }
0xed: {  	v6 =	vld [tilespmem:s31+$0x1F0]  }
0xee: {  	v5 =	vld [tilespmem:s31+$0xFFFFFE60]  }
0xef: {  	v1 =	vld [tilespmem:s31+$0xFFFFFE20]  }
0xf0: {  	v7 =	vld [tilespmem:s31+$0xFFFFFF00]  }
0xf1: {  	v2 =	vld [tilespmem:s31+$0xFFFFFE30];
	v0 =	vmax.f32 v0, $0.0e+00  }
0xf2: {  	v3 =	vld [tilespmem:s31+$0xFFFFFE40];
	v6 =	vmax.f32 v6, $0.0e+00;
	[tilespmem:s31+$0xFFFFFE10] =	vst v0  }
0xf3: {  	v4 =	vld [tilespmem:s31+$0xFFFFFE50];
	v5 =	vmax.f32 v5, $0.0e+00;
	[tilespmem:s31+$0x1F0] =	vst v6  }
0xf4: {  	v0 =	vmax.f32 v1, $0.0e+00;
	v1 =	vld [tilespmem:s31+$0xFFFFFE70];
	[tilespmem:s31+$0xFFFFFE60] =	vst v5  }
0xf5: {  	v5 =	vmax.f32 v7, $0.0e+00;
	v7 =	vld [tilespmem:s31+$0xFFFFFF50];
	[tilespmem:s31+$0xFFFFFE20] =	vst v0  }
0xf6: {  	v8 =	vld [tilespmem:s31+$0xFFFFFF10];
	v0 =	vmax.f32 v2, $0.0e+00;
	[tilespmem:s31+$0xFFFFFF00] =	vst v5  }
0xf7: {  	v2 =	vld [tilespmem:s31+$0xFFFFFE80];
	[tilespmem:s31+$0xFFFFFE30] =	vst v0;
	v0 =	vmax.f32 v3, $0.0e+00  }
0xf8: {  	v55 =	vld [tilespmem:s31+$0xFFFFFF60];
	[tilespmem:s31+$0xFFFFFE40] =	vst v0;
	v0 =	vmax.f32 v4, $0.0e+00  }
0xf9: {  	v9 =	vld [tilespmem:s31+$0xFFFFFF20];
	[tilespmem:s31+$0xFFFFFE50] =	vst v0;
	v1 =	vmax.f32 v1, $0.0e+00  }
0xfa: {  	v3 =	vld [tilespmem:s31+$0xFFFFFE90];
	v7 =	vmax.f32 v7, $0.0e+00;
	[tilespmem:s31+$0xFFFFFE70] =	vst v1  }
0xfb: {  	v56 =	vld [tilespmem:s31+$0xFFFFFF70];
	v1 =	vmax.f32 v8, $0.0e+00;
	[tilespmem:s31+$0xFFFFFF50] =	vst v7  }
0xfc: {  	v58 =	vld [tilespmem:s31+$0x70];
	v2 =	vmax.f32 v2, $0.0e+00;
	[tilespmem:s31+$0xFFFFFF10] =	vst v1  }
0xfd: {  	v10 =	vld [tilespmem:s31+$0xFFFFFF30];
	v8 =	vmax.f32 v55, $0.0e+00;
	[tilespmem:s31+$0xFFFFFE80] =	vst v2  }
0xfe: {  	v4 =	vld [tilespmem:s31+$0xFFFFFEA0];
	v2 =	vmax.f32 v9, $0.0e+00;
	[tilespmem:s31+$0xFFFFFF60] =	vst v8  }
0xff: {  	v57 =	vld [tilespmem:s31+$0xFFFFFF80];
	v3 =	vmax.f32 v3, $0.0e+00;
	[tilespmem:s31+$0xFFFFFF20] =	vst v2  }
0x100: {  	v59 =	vld [tilespmem:s31+$0x80];
	v9 =	vmax.f32 v56, $0.0e+00;
	[tilespmem:s31+$0xFFFFFE90] =	vst v3  }
0x101: {  	v0 =	vld [tilespmem:s31+$0xFFFFFEB0];
	v8 =	vmax.f32 v58, $0.0e+00;
	[tilespmem:s31+$0xFFFFFF70] =	vst v9  }
0x102: {  	v60 =	vld [tilespmem:s31+$0x90];
	v3 =	vmax.f32 v10, $0.0e+00;
	[tilespmem:s31+$0x70] =	vst v8  }
0x103: {  	v5 =	vld [tilespmem:s31+$0xFFFFFEC0];
	v4 =	vmax.f32 v4, $0.0e+00;
	[tilespmem:s31+$0xFFFFFF30] =	vst v3  }
0x104: {  	v1 =	vld [tilespmem:s31+$0xFFFFFED0];
	v10 =	vmax.f32 v57, $0.0e+00;
	[tilespmem:s31+$0xFFFFFEA0] =	vst v4  }
0x105: {  	v2 =	vld [tilespmem:s31+$0xFFFFFEE0];
	v9 =	vmax.f32 v59, $0.0e+00;
	[tilespmem:s31+$0xFFFFFF80] =	vst v10  }
0x106: {  	v3 =	vld [tilespmem:s31+$0xFFFFFEF0];
	v0 =	vmax.f32 v0, $0.0e+00;
	[tilespmem:s31+$0x80] =	vst v9  }
0x107: {  	v4 =	vld [tilespmem:s31+$0xFFFFFF90];
	v10 =	vmax.f32 v60, $0.0e+00;
	[tilespmem:s31+$0xFFFFFEB0] =	vst v0  }
0x108: {  	v6 =	vld [tilespmem:s31+$0xFFFFFF40];
	v0 =	vmax.f32 v5, $0.0e+00;
	[tilespmem:s31+$0x90] =	vst v10  }
0x109: {  	v5 =	vld [tilespmem:s31+$0x0];
	[tilespmem:s31+$0xFFFFFEC0] =	vst v0;
	v0 =	vmax.f32 v1, $0.0e+00  }
0x10a: {  	v1 =	vld [tilespmem:s31+$0x10];
	[tilespmem:s31+$0xFFFFFED0] =	vst v0;
	v0 =	vmax.f32 v2, $0.0e+00  }
0x10b: {  	v2 =	vld [tilespmem:s31+$0x20];
	[tilespmem:s31+$0xFFFFFEE0] =	vst v0;
	v0 =	vmax.f32 v3, $0.0e+00  }
0x10c: {  	v3 =	vld [tilespmem:s31+$0x30];
	v4 =	vmax.f32 v4, $0.0e+00;
	[tilespmem:s31+$0xFFFFFEF0] =	vst v0  }
0x10d: {  	v0 =	vmax.f32 v6, $0.0e+00;
	v6 =	vld [tilespmem:s31+$0x40];
	[tilespmem:s31+$0xFFFFFF90] =	vst v4  }
0x10e: {  	[tilespmem:s31+$0xFFFFFF40] =	vst v0;
	v0 =	vmax.f32 v5, $0.0e+00;
	v5 =	vld [tilespmem:s31+$0x50]  }
0x10f: {  	[tilespmem:s31+$0x0] =	vst v0;
	v0 =	vld [tilespmem:s31+$0xFFFFFFA0];
	v1 =	vmax.f32 v1, $0.0e+00  }
0x110: {  	[tilespmem:s31+$0x10] =	vst v1;
	v1 =	vld [tilespmem:s31+$0xFFFFFFB0];
	v2 =	vmax.f32 v2, $0.0e+00  }
0x111: {  	[tilespmem:s31+$0x20] =	vst v2;
	v2 =	vld [tilespmem:s31+$0xFFFFFFC0];
	v3 =	vmax.f32 v3, $0.0e+00  }
0x112: {  	[tilespmem:s31+$0x30] =	vst v3;
	v3 =	vld [tilespmem:s31+$0xFFFFFFD0];
	v6 =	vmax.f32 v6, $0.0e+00  }
0x113: {  	[tilespmem:s31+$0x40] =	vst v6;
	v6 =	vld [tilespmem:s31+$0xFFFFFFE0];
	v4 =	vmax.f32 v5, $0.0e+00  }
0x114: {  	v5 =	vld [tilespmem:s31+$0xA0];
	v0 =	vmax.f32 v0, $0.0e+00;
	[tilespmem:s31+$0x50] =	vst v4  }
0x115: {  	v4 =	vld [tilespmem:s31+$0xFFFFFFF0];
	[tilespmem:s31+$0xFFFFFFA0] =	vst v0;
	v0 =	vmax.f32 v1, $0.0e+00  }
0x116: {  	v7 =	vld [tilespmem:s31+$0x60];
	[tilespmem:s31+$0xFFFFFFB0] =	vst v0;
	v0 =	vmax.f32 v2, $0.0e+00  }
0x117: {  	v1 =	vld [tilespmem:s31+$0xB0];
	[tilespmem:s31+$0xFFFFFFC0] =	vst v0;
	v0 =	vmax.f32 v3, $0.0e+00  }
0x118: {  	v2 =	vld [tilespmem:s31+$0x100];
	[tilespmem:s31+$0xFFFFFFD0] =	vst v0;
	v0 =	vmax.f32 v6, $0.0e+00  }
0x119: {  	v3 =	vld [tilespmem:s31+$0x110];
	v5 =	vmax.f32 v5, $0.0e+00;
	[tilespmem:s31+$0xFFFFFFE0] =	vst v0  }
0x11a: {  	v6 =	vld [tilespmem:s31+$0x120];
	v0 =	vmax.f32 v4, $0.0e+00;
	[tilespmem:s31+$0xA0] =	vst v5  }
0x11b: {  	v4 =	vld [tilespmem:s31+$0x130];
	[tilespmem:s31+$0xFFFFFFF0] =	vst v0;
	v0 =	vmax.f32 v7, $0.0e+00  }
0x11c: {  	v7 =	vld [tilespmem:s31+$0x140];
	v1 =	vmax.f32 v1, $0.0e+00;
	[tilespmem:s31+$0x60] =	vst v0  }
0x11d: {  	v0 =	vmax.f32 v2, $0.0e+00;
	v2 =	vld [tilespmem:s31+$0x150];
	[tilespmem:s31+$0xB0] =	vst v1  }
0x11e: {  	v62 =	vld [tilespmem:s31+$0x170];
	[tilespmem:s31+$0x100] =	vst v0;
	v3 =	vmax.f32 v3, $0.0e+00  }
0x11f: {  	v0 =	vld [tilespmem:s31+$0xC0];
	[tilespmem:s31+$0x110] =	vst v3;
	v6 =	vmax.f32 v6, $0.0e+00  }
0x120: {  	v61 =	vld [tilespmem:s31+$0x160];
	[tilespmem:s31+$0x120] =	vst v6;
	v4 =	vmax.f32 v4, $0.0e+00  }
0x121: {  	v3 =	vld [tilespmem:s31+$0xD0];
	[tilespmem:s31+$0x130] =	vst v4;
	v5 =	vmax.f32 v7, $0.0e+00  }
0x122: {  	v63 =	vld [tilespmem:s31+$0x180];
	[tilespmem:s31+$0x140] =	vst v5;
	v1 =	vmax.f32 v2, $0.0e+00  }
0x123: {  	v6 =	vld [tilespmem:s31+$0xE0];
	v2 =	vmax.f32 v62, $0.0e+00;
	[tilespmem:s31+$0x150] =	vst v1  }
0x124: {  	v4 =	vld [tilespmem:s31+$0xF0];
	v0 =	vmax.f32 v0, $0.0e+00;
	[tilespmem:s31+$0x170] =	vst v2  }
0x125: {  	v7 =	vld [tilespmem:s31+$0x190];
	v1 =	vmax.f32 v61, $0.0e+00;
	[tilespmem:s31+$0xC0] =	vst v0  }
0x126: {  	v5 =	vld [tilespmem:s31+$0x1A0];
	[tilespmem:s31+$0x160] =	vst v1;
	v1 =	vmax.f32 v3, $0.0e+00  }
0x127: {  	v0 =	vld [tilespmem:s31+$0x1B0];
	v3 =	vmax.f32 v63, $0.0e+00;
	[tilespmem:s31+$0xD0] =	vst v1  }
0x128: {  	v1 =	vld [tilespmem:s31+$0x1C0];
	v2 =	vmax.f32 v6, $0.0e+00;
	[tilespmem:s31+$0x180] =	vst v3  }
0x129: {  	[tilespmem:s31+$0xE0] =	vst v2;
	v2 =	vld [tilespmem:s31+$0x1D0];
	v4 =	vmax.f32 v4, $0.0e+00  }
0x12a: {  	v3 =	vld [tilespmem:s31+$0x1E0];
	v6 =	vmax.f32 v7, $0.0e+00;
	[tilespmem:s31+$0xF0] =	vst v4  }
0x12b: {  	s12 =	simm.s32 $0x0;
	s26 =	simm.s32 $0x3200;
	v4 =	vld [tilespmem:s31+$0xFFFFFE00];
	[tilespmem:s31+$0x190] =	vst v6;
	v5 =	vmax.f32 v5, $0.0e+00  }
.LBB2_5:
0x12c: {  	v6 =	vld [tilespmem:s26+$0x1F0];
	s12 =	sadd.s32 $0x8, s12;
	[tilespmem:s31+$0x1A0] =	vst v5;
	v0 =	vmax.f32 v0, $0.0e+00  }
0x12d: {  	v5 =	vld [tilespmem:s26+$0xFFFFFE10];
	p1 =	slt.u32 s12, $0x48;
	[tilespmem:s31+$0x1B0] =	vst v0;
	v0 =	vmax.f32 v1, $0.0e+00  }
0x12e: {  	v1 =	vld [tilespmem:s26+$0xFFFFFE20];
	[tilespmem:s31+$0x1C0] =	vst v0;
	v0 =	vmax.f32 v2, $0.0e+00  }
0x12f: {  	v2 =	vld [tilespmem:s26+$0xFFFFFE30];
	[tilespmem:s31+$0x1D0] =	vst v0;
	v0 =	vmax.f32 v3, $0.0e+00  }
0x130: {  	v3 =	vld [tilespmem:s26+$0xFFFFFE40];
	v4 =	vmax.f32 v4, $0.0e+00;
	[tilespmem:s31+$0x1E0] =	vst v0  }
0x131: {  	v0 =	vld [tilespmem:s26+$0xFFFFFE50];
	v6 =	vmax.f32 v6, $0.0e+00;
	[tilespmem:s31+$0xFFFFFE00] =	vst v4;
	s31 =	smov.u32 s26  }
0x132: {  	v4 =	vmax.f32 v5, $0.0e+00;
	v5 =	vld [tilespmem:s26+$0xFFFFFE60];
	[tilespmem:s26+$0x1F0] =	vst v6  }
0x133: {  	[tilespmem:s26+$0xFFFFFE10] =	vst v4;
	v1 =	vmax.f32 v1, $0.0e+00;
	v4 =	vld [tilespmem:s26+$0xFFFFFE70]  }
0x134: {  	[tilespmem:s26+$0xFFFFFE20] =	vst v1;
	v1 =	vmax.f32 v2, $0.0e+00;
	v2 =	vld [tilespmem:s26+$0xFFFFFE80]  }
0x135: {  	[tilespmem:s26+$0xFFFFFE30] =	vst v1;
	v1 =	vmax.f32 v3, $0.0e+00;
	v3 =	vld [tilespmem:s26+$0xFFFFFE90]  }
0x136: {  	[tilespmem:s26+$0xFFFFFE40] =	vst v1;
	v0 =	vmax.f32 v0, $0.0e+00;
	v1 =	vld [tilespmem:s26+$0xFFFFFEA0]  }
0x137: {  	[tilespmem:s26+$0xFFFFFE50] =	vst v0;
	v0 =	vmax.f32 v5, $0.0e+00;
	v5 =	vld [tilespmem:s26+$0xFFFFFEB0]  }
0x138: {  	[tilespmem:s26+$0xFFFFFE60] =	vst v0;
	v0 =	vmax.f32 v4, $0.0e+00;
	v4 =	vld [tilespmem:s26+$0xFFFFFEC0]  }
0x139: {  	[tilespmem:s26+$0xFFFFFE70] =	vst v0;
	v0 =	vmax.f32 v2, $0.0e+00;
	v2 =	vld [tilespmem:s26+$0xFFFFFED0]  }
0x13a: {  	[tilespmem:s26+$0xFFFFFE80] =	vst v0;
	v0 =	vmax.f32 v3, $0.0e+00;
	v3 =	vld [tilespmem:s26+$0xFFFFFEE0]  }
0x13b: {  	[tilespmem:s26+$0xFFFFFE90] =	vst v0;
	v0 =	vmax.f32 v1, $0.0e+00;
	v1 =	vld [tilespmem:s26+$0xFFFFFEF0]  }
0x13c: {  	[tilespmem:s26+$0xFFFFFEA0] =	vst v0;
	v0 =	vmax.f32 v5, $0.0e+00;
	v5 =	vld [tilespmem:s26+$0xFFFFFF00]  }
0x13d: {  	[tilespmem:s26+$0xFFFFFEB0] =	vst v0;
	v0 =	vmax.f32 v4, $0.0e+00;
	v4 =	vld [tilespmem:s26+$0xFFFFFF10]  }
0x13e: {  	[tilespmem:s26+$0xFFFFFEC0] =	vst v0;
	v0 =	vmax.f32 v2, $0.0e+00;
	v2 =	vld [tilespmem:s26+$0xFFFFFF20]  }
0x13f: {  	[tilespmem:s26+$0xFFFFFED0] =	vst v0;
	v0 =	vmax.f32 v3, $0.0e+00;
	v3 =	vld [tilespmem:s26+$0xFFFFFF30]  }
0x140: {  	[tilespmem:s26+$0xFFFFFEE0] =	vst v0;
	v0 =	vmax.f32 v1, $0.0e+00;
	v1 =	vld [tilespmem:s26+$0xFFFFFF40]  }
0x141: {  	[tilespmem:s26+$0xFFFFFEF0] =	vst v0;
	v0 =	vmax.f32 v5, $0.0e+00;
	v5 =	vld [tilespmem:s26+$0xFFFFFF50]  }
0x142: {  	[tilespmem:s26+$0xFFFFFF00] =	vst v0;
	v0 =	vmax.f32 v4, $0.0e+00;
	v4 =	vld [tilespmem:s26+$0xFFFFFF60]  }
0x143: {  	[tilespmem:s26+$0xFFFFFF10] =	vst v0;
	v0 =	vmax.f32 v2, $0.0e+00;
	v2 =	vld [tilespmem:s26+$0xFFFFFF70]  }
0x144: {  	[tilespmem:s26+$0xFFFFFF20] =	vst v0;
	v0 =	vmax.f32 v3, $0.0e+00;
	v3 =	vld [tilespmem:s26+$0xFFFFFF80]  }
0x145: {  	[tilespmem:s26+$0xFFFFFF30] =	vst v0;
	v0 =	vmax.f32 v1, $0.0e+00;
	v1 =	vld [tilespmem:s26+$0xFFFFFF90]  }
0x146: {  	[tilespmem:s26+$0xFFFFFF40] =	vst v0;
	v0 =	vmax.f32 v5, $0.0e+00;
	v5 =	vld [tilespmem:s26+$0xFFFFFFA0]  }
0x147: {  	[tilespmem:s26+$0xFFFFFF50] =	vst v0;
	v0 =	vmax.f32 v4, $0.0e+00;
	v4 =	vld [tilespmem:s26+$0xFFFFFFB0]  }
0x148: {  	[tilespmem:s26+$0xFFFFFF60] =	vst v0;
	v0 =	vmax.f32 v2, $0.0e+00;
	v2 =	vld [tilespmem:s26+$0xFFFFFFC0]  }
0x149: {  	[tilespmem:s26+$0xFFFFFF70] =	vst v0;
	v0 =	vmax.f32 v3, $0.0e+00;
	v3 =	vld [tilespmem:s26+$0xFFFFFFD0]  }
0x14a: {  	[tilespmem:s26+$0xFFFFFF80] =	vst v0;
	v0 =	vmax.f32 v1, $0.0e+00;
	v1 =	vld [tilespmem:s26+$0xFFFFFFE0]  }
0x14b: {  	[tilespmem:s26+$0xFFFFFF90] =	vst v0;
	v0 =	vmax.f32 v5, $0.0e+00;
	v5 =	vld [tilespmem:s26+$0xFFFFFFF0]  }
0x14c: {  	[tilespmem:s26+$0xFFFFFFA0] =	vst v0;
	v0 =	vmax.f32 v4, $0.0e+00;
	v4 =	vld [tilespmem:s26+$0x0]  }
0x14d: {  	[tilespmem:s26+$0xFFFFFFB0] =	vst v0;
	v0 =	vmax.f32 v2, $0.0e+00;
	v2 =	vld [tilespmem:s26+$0x10]  }
0x14e: {  	[tilespmem:s26+$0xFFFFFFC0] =	vst v0;
	v0 =	vmax.f32 v3, $0.0e+00;
	v3 =	vld [tilespmem:s26+$0x20]  }
0x14f: {  	[tilespmem:s26+$0xFFFFFFD0] =	vst v0;
	v0 =	vmax.f32 v1, $0.0e+00;
	v1 =	vld [tilespmem:s26+$0x30]  }
0x150: {  	[tilespmem:s26+$0xFFFFFFE0] =	vst v0;
	v0 =	vmax.f32 v5, $0.0e+00;
	v5 =	vld [tilespmem:s26+$0x40]  }
0x151: {  	[tilespmem:s26+$0xFFFFFFF0] =	vst v0;
	v0 =	vmax.f32 v4, $0.0e+00;
	v4 =	vld [tilespmem:s26+$0x50]  }
0x152: {  	[tilespmem:s26+$0x0] =	vst v0;
	v0 =	vmax.f32 v2, $0.0e+00;
	v2 =	vld [tilespmem:s26+$0x60]  }
0x153: {  	[tilespmem:s26+$0x10] =	vst v0;
	v0 =	vmax.f32 v3, $0.0e+00;
	v3 =	vld [tilespmem:s26+$0x70]  }
0x154: {  	[tilespmem:s26+$0x20] =	vst v0;
	v0 =	vmax.f32 v1, $0.0e+00;
	v1 =	vld [tilespmem:s26+$0x80]  }
0x155: {  	[tilespmem:s26+$0x30] =	vst v0;
	v0 =	vmax.f32 v5, $0.0e+00;
	v5 =	vld [tilespmem:s26+$0x90]  }
0x156: {  	[tilespmem:s26+$0x40] =	vst v0;
	v0 =	vmax.f32 v4, $0.0e+00;
	v4 =	vld [tilespmem:s26+$0xA0]  }
0x157: {  	[tilespmem:s26+$0x50] =	vst v0;
	v0 =	vmax.f32 v2, $0.0e+00;
	v2 =	vld [tilespmem:s26+$0xB0]  }
0x158: {  	[tilespmem:s26+$0x60] =	vst v0;
	v0 =	vmax.f32 v3, $0.0e+00;
	v3 =	vld [tilespmem:s26+$0xC0]  }
0x159: {  	[tilespmem:s26+$0x70] =	vst v0;
	v0 =	vmax.f32 v1, $0.0e+00;
	v1 =	vld [tilespmem:s26+$0xD0]  }
0x15a: {  	[tilespmem:s26+$0x80] =	vst v0;
	v0 =	vmax.f32 v5, $0.0e+00;
	v5 =	vld [tilespmem:s26+$0xE0]  }
0x15b: {  	[tilespmem:s26+$0x90] =	vst v0;
	v0 =	vmax.f32 v4, $0.0e+00;
	v4 =	vld [tilespmem:s26+$0xF0]  }
0x15c: {  	[tilespmem:s26+$0xA0] =	vst v0;
	v0 =	vmax.f32 v2, $0.0e+00;
	v2 =	vld [tilespmem:s26+$0x100]  }
0x15d: {  	[tilespmem:s26+$0xB0] =	vst v0;
	v0 =	vmax.f32 v3, $0.0e+00;
	v3 =	vld [tilespmem:s26+$0x110]  }
0x15e: {  	[tilespmem:s26+$0xC0] =	vst v0;
	v0 =	vmax.f32 v1, $0.0e+00;
	v1 =	vld [tilespmem:s26+$0x120]  }
0x15f: {  	[tilespmem:s26+$0xD0] =	vst v0;
	v0 =	vmax.f32 v5, $0.0e+00;
	v5 =	vld [tilespmem:s26+$0x130]  }
0x160: {  	[tilespmem:s26+$0xE0] =	vst v0;
	v0 =	vmax.f32 v4, $0.0e+00;
	v4 =	vld [tilespmem:s26+$0x140]  }
0x161: {  	[tilespmem:s26+$0xF0] =	vst v0;
	v0 =	vmax.f32 v2, $0.0e+00;
	v2 =	vld [tilespmem:s26+$0x150]  }
0x162: {  	[tilespmem:s26+$0x100] =	vst v0;
	v0 =	vmax.f32 v3, $0.0e+00;
	v3 =	vld [tilespmem:s26+$0x160]  }
0x163: {  	[tilespmem:s26+$0x110] =	vst v0;
	v0 =	vmax.f32 v1, $0.0e+00;
	v1 =	vld [tilespmem:s26+$0x170]  }
0x164: {  	[tilespmem:s26+$0x120] =	vst v0;
	v0 =	vmax.f32 v5, $0.0e+00;
	v5 =	vld [tilespmem:s26+$0x180]  }
0x165: {  	[tilespmem:s26+$0x130] =	vst v0;
	v0 =	vmax.f32 v4, $0.0e+00;
	v4 =	vld [tilespmem:s26+$0x190]  }
0x166: {  	[tilespmem:s26+$0x140] =	vst v0;
	v0 =	vmax.f32 v2, $0.0e+00;
	v6 =	vld [tilespmem:s26+$0x1A0]  }
.Ltmp1:
0x167: {  	[tilespmem:s26+$0x150] =	vst v0;
	v2 =	vmax.f32 v3, $0.0e+00;
	v0 =	vld [tilespmem:s26+$0x1B0];
	(pc) =	sbr.rel @p1 .LBB2_5-.Ltmp1, $4  }
0x168: {  	[tilespmem:s26+$0x160] =	vst v2;
	v2 =	vmax.f32 v1, $0.0e+00;
	v1 =	vld [tilespmem:s26+$0x1C0]  }
0x169: {  	[tilespmem:s26+$0x170] =	vst v2;
	v3 =	vmax.f32 v5, $0.0e+00;
	v2 =	vld [tilespmem:s26+$0x1D0]  }
0x16a: {  	[tilespmem:s26+$0x180] =	vst v3;
	v5 =	vmax.f32 v4, $0.0e+00;
	v3 =	vld [tilespmem:s26+$0x1E0]  }
0x16b: {  	s26 =	sadd.s32 $0x400, s26;
	v4 =	vld [tilespmem:s31+$0xFFFFFE00];
	[tilespmem:s31+$0x190] =	vst v5;
	v5 =	vmax.f32 v6, $0.0e+00  }
0x16c: {  	[tilespmem:s31+$0x1A0] =	vst v5;
	v0 =	vmax.f32 v0, $0.0e+00  }
0x16d: {  	[tilespmem:s31+$0x1B0] =	vst v0;
	v0 =	vmax.f32 v1, $0.0e+00  }
0x16e: {  	[tilespmem:s31+$0x1C0] =	vst v0;
	v0 =	vmax.f32 v2, $0.0e+00  }
0x16f: {  	[tilespmem:s31+$0x1D0] =	vst v0;
	v0 =	vmax.f32 v3, $0.0e+00  }
0x170: {  	v1 =	vmax.f32 v4, $0.0e+00;
	[tilespmem:s31+$0x1E0] =	vst v0  }
0x171: {  	s12 =	simm.s32 $0x2C00;
	s26 =	simm.s32 $0x180;
	[tilespmem:s31+$0xFFFFFE00] =	vst v1  }
0x172: {  	[spmem:s3] =	stream.indirect.scatter.add.f32 [tilespmem:s12], [sflag:$0xE], $0x80, s26, s30, $0xb8;
	[tilespmem:$0x1DC80] =	vst v63  }
0x173: {  	s12 =	sadd.s32 $0x4, s10  }
0x174: {  	s26 =	sshll.u32 s12, $0x8;
	s12 =	smul.u32 $0x50, s12  }
0x175: {  	_ =	swait.ge [sflag:s21], $0x2800;
	s26 =	sadd.s32 s7, s26  }
0x176: {  	[sflag:s21] =	ssyncset.done $0x0;
	s26 =	sshrl.u32 s26, $0x3;
	s12 =	sadd.s32 s14, s12  }
0x177: {  	[sflag:s21] =	ssyncadd.s32 $0xFFFFD800;
	s26 =	sadd.s32 s5, s26;
	s12 =	sshll.u32 s12, $0x8  }
0x178: {  	[tilespmem:s4], [sflag:$0x1] =	stream.linear.gather [hbm4b:s26+s4], $0x100, $0x38;
	[tilespmem:$0x1DC80] =	vst v63  }
0x179: {  	s12 =	sor.u32 s11, s12  }
0x17a: {  	s12 =	sshrl.u32 s12, $0x3  }
0x17b: {  	s12 =	sadd.s32 s1, s12  }
0x17c: {  	[tilespmem:s24], [sflag:$0x5] =	stream.strided.gather [hbm4b:s12+s24], $0x2800, s23, s24, $0x38;
	[tilespmem:$0x1DC80] =	vst v63  }
0x17d: {  	_ =	swait.ge [sflag:s13], $0x100  }
0x17e: {  	[sflag:s13] =	ssyncset.done $0x0  }
0x17f: {  	[sflag:s13] =	ssyncadd.s32 $0xFFFFFF00  }
0x180: {  	_ =	swait.ge [sflag:s22], $0x2800  }
0x181: {  	[sflag:s22] =	ssyncset.done $0x0  }
0x182: {  	s26 =	simm.s32 $0x300;
	[sflag:s22] =	ssyncadd.s32 $0xFFFFD800  }
0x183: {  	[tilespmem:s15], [sflag:$0xC] =	stream.indirect.gather.add.f32 [hbm:s18], $0x80, s26, s30, $0xb8;
	[tilespmem:$0x1DC80] =	vst v63  }
0x184: {  	_ =	swait.ge [sflag:s9], $0x2800  }
0x185: {  	[sflag:s9] =	ssyncset.done $0x0  }
0x186: {  	s31 =	simm.s32 $0x5600;
	[sflag:s9] =	ssyncadd.s32 $0xFFFFD800  }
0x187: {  	v0 =	vld [tilespmem:s31+$0xFFFFFE10]  }
0x188: {  	v6 =	vld [tilespmem:s31+$0x1F0]  }
0x189: {  	v5 =	vld [tilespmem:s31+$0xFFFFFE60]  }
0x18a: {  	v1 =	vld [tilespmem:s31+$0xFFFFFE20]  }
0x18b: {  	v7 =	vld [tilespmem:s31+$0xFFFFFF00]  }
0x18c: {  	v2 =	vld [tilespmem:s31+$0xFFFFFE30];
	v0 =	vmax.f32 v0, $0.0e+00  }
0x18d: {  	v3 =	vld [tilespmem:s31+$0xFFFFFE40];
	v6 =	vmax.f32 v6, $0.0e+00;
	[tilespmem:s31+$0xFFFFFE10] =	vst v0  }
0x18e: {  	v4 =	vld [tilespmem:s31+$0xFFFFFE50];
	v5 =	vmax.f32 v5, $0.0e+00;
	[tilespmem:s31+$0x1F0] =	vst v6  }
0x18f: {  	v0 =	vmax.f32 v1, $0.0e+00;
	v1 =	vld [tilespmem:s31+$0xFFFFFE70];
	[tilespmem:s31+$0xFFFFFE60] =	vst v5  }
0x190: {  	v5 =	vmax.f32 v7, $0.0e+00;
	v7 =	vld [tilespmem:s31+$0xFFFFFF50];
	[tilespmem:s31+$0xFFFFFE20] =	vst v0  }
0x191: {  	v8 =	vld [tilespmem:s31+$0xFFFFFF10];
	v0 =	vmax.f32 v2, $0.0e+00;
	[tilespmem:s31+$0xFFFFFF00] =	vst v5  }
0x192: {  	v2 =	vld [tilespmem:s31+$0xFFFFFE80];
	[tilespmem:s31+$0xFFFFFE30] =	vst v0;
	v0 =	vmax.f32 v3, $0.0e+00  }
0x193: {  	v55 =	vld [tilespmem:s31+$0xFFFFFF60];
	[tilespmem:s31+$0xFFFFFE40] =	vst v0;
	v0 =	vmax.f32 v4, $0.0e+00  }
0x194: {  	v9 =	vld [tilespmem:s31+$0xFFFFFF20];
	[tilespmem:s31+$0xFFFFFE50] =	vst v0;
	v1 =	vmax.f32 v1, $0.0e+00  }
0x195: {  	v3 =	vld [tilespmem:s31+$0xFFFFFE90];
	v7 =	vmax.f32 v7, $0.0e+00;
	[tilespmem:s31+$0xFFFFFE70] =	vst v1  }
0x196: {  	v56 =	vld [tilespmem:s31+$0xFFFFFF70];
	v1 =	vmax.f32 v8, $0.0e+00;
	[tilespmem:s31+$0xFFFFFF50] =	vst v7  }
0x197: {  	v58 =	vld [tilespmem:s31+$0x70];
	v2 =	vmax.f32 v2, $0.0e+00;
	[tilespmem:s31+$0xFFFFFF10] =	vst v1  }
0x198: {  	v10 =	vld [tilespmem:s31+$0xFFFFFF30];
	v8 =	vmax.f32 v55, $0.0e+00;
	[tilespmem:s31+$0xFFFFFE80] =	vst v2  }
0x199: {  	v4 =	vld [tilespmem:s31+$0xFFFFFEA0];
	v2 =	vmax.f32 v9, $0.0e+00;
	[tilespmem:s31+$0xFFFFFF60] =	vst v8  }
0x19a: {  	v57 =	vld [tilespmem:s31+$0xFFFFFF80];
	v3 =	vmax.f32 v3, $0.0e+00;
	[tilespmem:s31+$0xFFFFFF20] =	vst v2  }
0x19b: {  	v59 =	vld [tilespmem:s31+$0x80];
	v9 =	vmax.f32 v56, $0.0e+00;
	[tilespmem:s31+$0xFFFFFE90] =	vst v3  }
0x19c: {  	v0 =	vld [tilespmem:s31+$0xFFFFFEB0];
	v8 =	vmax.f32 v58, $0.0e+00;
	[tilespmem:s31+$0xFFFFFF70] =	vst v9  }
0x19d: {  	v60 =	vld [tilespmem:s31+$0x90];
	v3 =	vmax.f32 v10, $0.0e+00;
	[tilespmem:s31+$0x70] =	vst v8  }
0x19e: {  	v5 =	vld [tilespmem:s31+$0xFFFFFEC0];
	v4 =	vmax.f32 v4, $0.0e+00;
	[tilespmem:s31+$0xFFFFFF30] =	vst v3  }
0x19f: {  	v1 =	vld [tilespmem:s31+$0xFFFFFED0];
	v10 =	vmax.f32 v57, $0.0e+00;
	[tilespmem:s31+$0xFFFFFEA0] =	vst v4  }
0x1a0: {  	v2 =	vld [tilespmem:s31+$0xFFFFFEE0];
	v9 =	vmax.f32 v59, $0.0e+00;
	[tilespmem:s31+$0xFFFFFF80] =	vst v10  }
0x1a1: {  	v3 =	vld [tilespmem:s31+$0xFFFFFEF0];
	v0 =	vmax.f32 v0, $0.0e+00;
	[tilespmem:s31+$0x80] =	vst v9  }
0x1a2: {  	v4 =	vld [tilespmem:s31+$0xFFFFFF90];
	v10 =	vmax.f32 v60, $0.0e+00;
	[tilespmem:s31+$0xFFFFFEB0] =	vst v0  }
0x1a3: {  	v6 =	vld [tilespmem:s31+$0xFFFFFF40];
	v0 =	vmax.f32 v5, $0.0e+00;
	[tilespmem:s31+$0x90] =	vst v10  }
0x1a4: {  	v5 =	vld [tilespmem:s31+$0x0];
	[tilespmem:s31+$0xFFFFFEC0] =	vst v0;
	v0 =	vmax.f32 v1, $0.0e+00  }
0x1a5: {  	v1 =	vld [tilespmem:s31+$0x10];
	[tilespmem:s31+$0xFFFFFED0] =	vst v0;
	v0 =	vmax.f32 v2, $0.0e+00  }
0x1a6: {  	v2 =	vld [tilespmem:s31+$0x20];
	[tilespmem:s31+$0xFFFFFEE0] =	vst v0;
	v0 =	vmax.f32 v3, $0.0e+00  }
0x1a7: {  	v3 =	vld [tilespmem:s31+$0x30];
	v4 =	vmax.f32 v4, $0.0e+00;
	[tilespmem:s31+$0xFFFFFEF0] =	vst v0  }
0x1a8: {  	v0 =	vmax.f32 v6, $0.0e+00;
	v6 =	vld [tilespmem:s31+$0x40];
	[tilespmem:s31+$0xFFFFFF90] =	vst v4  }
0x1a9: {  	[tilespmem:s31+$0xFFFFFF40] =	vst v0;
	v0 =	vmax.f32 v5, $0.0e+00;
	v5 =	vld [tilespmem:s31+$0x50]  }
0x1aa: {  	[tilespmem:s31+$0x0] =	vst v0;
	v0 =	vld [tilespmem:s31+$0xFFFFFFA0];
	v1 =	vmax.f32 v1, $0.0e+00  }
0x1ab: {  	[tilespmem:s31+$0x10] =	vst v1;
	v1 =	vld [tilespmem:s31+$0xFFFFFFB0];
	v2 =	vmax.f32 v2, $0.0e+00  }
0x1ac: {  	[tilespmem:s31+$0x20] =	vst v2;
	v2 =	vld [tilespmem:s31+$0xFFFFFFC0];
	v3 =	vmax.f32 v3, $0.0e+00  }
0x1ad: {  	[tilespmem:s31+$0x30] =	vst v3;
	v3 =	vld [tilespmem:s31+$0xFFFFFFD0];
	v6 =	vmax.f32 v6, $0.0e+00  }
0x1ae: {  	[tilespmem:s31+$0x40] =	vst v6;
	v6 =	vld [tilespmem:s31+$0xFFFFFFE0];
	v4 =	vmax.f32 v5, $0.0e+00  }
0x1af: {  	v5 =	vld [tilespmem:s31+$0xA0];
	v0 =	vmax.f32 v0, $0.0e+00;
	[tilespmem:s31+$0x50] =	vst v4  }
0x1b0: {  	v4 =	vld [tilespmem:s31+$0xFFFFFFF0];
	[tilespmem:s31+$0xFFFFFFA0] =	vst v0;
	v0 =	vmax.f32 v1, $0.0e+00  }
0x1b1: {  	v7 =	vld [tilespmem:s31+$0x60];
	[tilespmem:s31+$0xFFFFFFB0] =	vst v0;
	v0 =	vmax.f32 v2, $0.0e+00  }
0x1b2: {  	v1 =	vld [tilespmem:s31+$0xB0];
	[tilespmem:s31+$0xFFFFFFC0] =	vst v0;
	v0 =	vmax.f32 v3, $0.0e+00  }
0x1b3: {  	v2 =	vld [tilespmem:s31+$0x100];
	[tilespmem:s31+$0xFFFFFFD0] =	vst v0;
	v0 =	vmax.f32 v6, $0.0e+00  }
0x1b4: {  	v3 =	vld [tilespmem:s31+$0x110];
	v5 =	vmax.f32 v5, $0.0e+00;
	[tilespmem:s31+$0xFFFFFFE0] =	vst v0  }
0x1b5: {  	v6 =	vld [tilespmem:s31+$0x120];
	v0 =	vmax.f32 v4, $0.0e+00;
	[tilespmem:s31+$0xA0] =	vst v5  }
0x1b6: {  	v4 =	vld [tilespmem:s31+$0x130];
	[tilespmem:s31+$0xFFFFFFF0] =	vst v0;
	v0 =	vmax.f32 v7, $0.0e+00  }
0x1b7: {  	v7 =	vld [tilespmem:s31+$0x140];
	v1 =	vmax.f32 v1, $0.0e+00;
	[tilespmem:s31+$0x60] =	vst v0  }
0x1b8: {  	v0 =	vmax.f32 v2, $0.0e+00;
	v2 =	vld [tilespmem:s31+$0x150];
	[tilespmem:s31+$0xB0] =	vst v1  }
0x1b9: {  	v62 =	vld [tilespmem:s31+$0x170];
	[tilespmem:s31+$0x100] =	vst v0;
	v3 =	vmax.f32 v3, $0.0e+00  }
0x1ba: {  	v0 =	vld [tilespmem:s31+$0xC0];
	[tilespmem:s31+$0x110] =	vst v3;
	v6 =	vmax.f32 v6, $0.0e+00  }
0x1bb: {  	v61 =	vld [tilespmem:s31+$0x160];
	[tilespmem:s31+$0x120] =	vst v6;
	v4 =	vmax.f32 v4, $0.0e+00  }
0x1bc: {  	v3 =	vld [tilespmem:s31+$0xD0];
	[tilespmem:s31+$0x130] =	vst v4;
	v5 =	vmax.f32 v7, $0.0e+00  }
0x1bd: {  	v63 =	vld [tilespmem:s31+$0x180];
	[tilespmem:s31+$0x140] =	vst v5;
	v1 =	vmax.f32 v2, $0.0e+00  }
0x1be: {  	v6 =	vld [tilespmem:s31+$0xE0];
	v2 =	vmax.f32 v62, $0.0e+00;
	[tilespmem:s31+$0x150] =	vst v1  }
0x1bf: {  	v4 =	vld [tilespmem:s31+$0xF0];
	v0 =	vmax.f32 v0, $0.0e+00;
	[tilespmem:s31+$0x170] =	vst v2  }
0x1c0: {  	v7 =	vld [tilespmem:s31+$0x190];
	v1 =	vmax.f32 v61, $0.0e+00;
	[tilespmem:s31+$0xC0] =	vst v0  }
0x1c1: {  	v5 =	vld [tilespmem:s31+$0x1A0];
	[tilespmem:s31+$0x160] =	vst v1;
	v1 =	vmax.f32 v3, $0.0e+00  }
0x1c2: {  	v0 =	vld [tilespmem:s31+$0x1B0];
	v3 =	vmax.f32 v63, $0.0e+00;
	[tilespmem:s31+$0xD0] =	vst v1  }
0x1c3: {  	v1 =	vld [tilespmem:s31+$0x1C0];
	v2 =	vmax.f32 v6, $0.0e+00;
	[tilespmem:s31+$0x180] =	vst v3  }
0x1c4: {  	[tilespmem:s31+$0xE0] =	vst v2;
	v2 =	vld [tilespmem:s31+$0x1D0];
	v4 =	vmax.f32 v4, $0.0e+00  }
0x1c5: {  	v3 =	vld [tilespmem:s31+$0x1E0];
	v6 =	vmax.f32 v7, $0.0e+00;
	[tilespmem:s31+$0xF0] =	vst v4  }
0x1c6: {  	s12 =	simm.s32 $0x0;
	s26 =	simm.s32 $0x5A00;
	v4 =	vld [tilespmem:s31+$0xFFFFFE00];
	[tilespmem:s31+$0x190] =	vst v6;
	v5 =	vmax.f32 v5, $0.0e+00  }
.LBB2_7:
0x1c7: {  	v6 =	vld [tilespmem:s26+$0x1F0];
	s12 =	sadd.s32 $0x8, s12;
	[tilespmem:s31+$0x1A0] =	vst v5;
	v0 =	vmax.f32 v0, $0.0e+00  }
0x1c8: {  	v5 =	vld [tilespmem:s26+$0xFFFFFE10];
	p1 =	slt.u32 s12, $0x48;
	[tilespmem:s31+$0x1B0] =	vst v0;
	v0 =	vmax.f32 v1, $0.0e+00  }
0x1c9: {  	v1 =	vld [tilespmem:s26+$0xFFFFFE20];
	[tilespmem:s31+$0x1C0] =	vst v0;
	v0 =	vmax.f32 v2, $0.0e+00  }
0x1ca: {  	v2 =	vld [tilespmem:s26+$0xFFFFFE30];
	[tilespmem:s31+$0x1D0] =	vst v0;
	v0 =	vmax.f32 v3, $0.0e+00  }
0x1cb: {  	v3 =	vld [tilespmem:s26+$0xFFFFFE40];
	v4 =	vmax.f32 v4, $0.0e+00;
	[tilespmem:s31+$0x1E0] =	vst v0  }
0x1cc: {  	v0 =	vld [tilespmem:s26+$0xFFFFFE50];
	v6 =	vmax.f32 v6, $0.0e+00;
	[tilespmem:s31+$0xFFFFFE00] =	vst v4;
	s31 =	smov.u32 s26  }
0x1cd: {  	v4 =	vmax.f32 v5, $0.0e+00;
	v5 =	vld [tilespmem:s26+$0xFFFFFE60];
	[tilespmem:s26+$0x1F0] =	vst v6  }
0x1ce: {  	[tilespmem:s26+$0xFFFFFE10] =	vst v4;
	v1 =	vmax.f32 v1, $0.0e+00;
	v4 =	vld [tilespmem:s26+$0xFFFFFE70]  }
0x1cf: {  	[tilespmem:s26+$0xFFFFFE20] =	vst v1;
	v1 =	vmax.f32 v2, $0.0e+00;
	v2 =	vld [tilespmem:s26+$0xFFFFFE80]  }
0x1d0: {  	[tilespmem:s26+$0xFFFFFE30] =	vst v1;
	v1 =	vmax.f32 v3, $0.0e+00;
	v3 =	vld [tilespmem:s26+$0xFFFFFE90]  }
0x1d1: {  	[tilespmem:s26+$0xFFFFFE40] =	vst v1;
	v0 =	vmax.f32 v0, $0.0e+00;
	v1 =	vld [tilespmem:s26+$0xFFFFFEA0]  }
0x1d2: {  	[tilespmem:s26+$0xFFFFFE50] =	vst v0;
	v0 =	vmax.f32 v5, $0.0e+00;
	v5 =	vld [tilespmem:s26+$0xFFFFFEB0]  }
0x1d3: {  	[tilespmem:s26+$0xFFFFFE60] =	vst v0;
	v0 =	vmax.f32 v4, $0.0e+00;
	v4 =	vld [tilespmem:s26+$0xFFFFFEC0]  }
0x1d4: {  	[tilespmem:s26+$0xFFFFFE70] =	vst v0;
	v0 =	vmax.f32 v2, $0.0e+00;
	v2 =	vld [tilespmem:s26+$0xFFFFFED0]  }
0x1d5: {  	[tilespmem:s26+$0xFFFFFE80] =	vst v0;
	v0 =	vmax.f32 v3, $0.0e+00;
	v3 =	vld [tilespmem:s26+$0xFFFFFEE0]  }
0x1d6: {  	[tilespmem:s26+$0xFFFFFE90] =	vst v0;
	v0 =	vmax.f32 v1, $0.0e+00;
	v1 =	vld [tilespmem:s26+$0xFFFFFEF0]  }
0x1d7: {  	[tilespmem:s26+$0xFFFFFEA0] =	vst v0;
	v0 =	vmax.f32 v5, $0.0e+00;
	v5 =	vld [tilespmem:s26+$0xFFFFFF00]  }
0x1d8: {  	[tilespmem:s26+$0xFFFFFEB0] =	vst v0;
	v0 =	vmax.f32 v4, $0.0e+00;
	v4 =	vld [tilespmem:s26+$0xFFFFFF10]  }
0x1d9: {  	[tilespmem:s26+$0xFFFFFEC0] =	vst v0;
	v0 =	vmax.f32 v2, $0.0e+00;
	v2 =	vld [tilespmem:s26+$0xFFFFFF20]  }
0x1da: {  	[tilespmem:s26+$0xFFFFFED0] =	vst v0;
	v0 =	vmax.f32 v3, $0.0e+00;
	v3 =	vld [tilespmem:s26+$0xFFFFFF30]  }
0x1db: {  	[tilespmem:s26+$0xFFFFFEE0] =	vst v0;
	v0 =	vmax.f32 v1, $0.0e+00;
	v1 =	vld [tilespmem:s26+$0xFFFFFF40]  }
0x1dc: {  	[tilespmem:s26+$0xFFFFFEF0] =	vst v0;
	v0 =	vmax.f32 v5, $0.0e+00;
	v5 =	vld [tilespmem:s26+$0xFFFFFF50]  }
0x1dd: {  	[tilespmem:s26+$0xFFFFFF00] =	vst v0;
	v0 =	vmax.f32 v4, $0.0e+00;
	v4 =	vld [tilespmem:s26+$0xFFFFFF60]  }
0x1de: {  	[tilespmem:s26+$0xFFFFFF10] =	vst v0;
	v0 =	vmax.f32 v2, $0.0e+00;
	v2 =	vld [tilespmem:s26+$0xFFFFFF70]  }
0x1df: {  	[tilespmem:s26+$0xFFFFFF20] =	vst v0;
	v0 =	vmax.f32 v3, $0.0e+00;
	v3 =	vld [tilespmem:s26+$0xFFFFFF80]  }
0x1e0: {  	[tilespmem:s26+$0xFFFFFF30] =	vst v0;
	v0 =	vmax.f32 v1, $0.0e+00;
	v1 =	vld [tilespmem:s26+$0xFFFFFF90]  }
0x1e1: {  	[tilespmem:s26+$0xFFFFFF40] =	vst v0;
	v0 =	vmax.f32 v5, $0.0e+00;
	v5 =	vld [tilespmem:s26+$0xFFFFFFA0]  }
0x1e2: {  	[tilespmem:s26+$0xFFFFFF50] =	vst v0;
	v0 =	vmax.f32 v4, $0.0e+00;
	v4 =	vld [tilespmem:s26+$0xFFFFFFB0]  }
0x1e3: {  	[tilespmem:s26+$0xFFFFFF60] =	vst v0;
	v0 =	vmax.f32 v2, $0.0e+00;
	v2 =	vld [tilespmem:s26+$0xFFFFFFC0]  }
0x1e4: {  	[tilespmem:s26+$0xFFFFFF70] =	vst v0;
	v0 =	vmax.f32 v3, $0.0e+00;
	v3 =	vld [tilespmem:s26+$0xFFFFFFD0]  }
0x1e5: {  	[tilespmem:s26+$0xFFFFFF80] =	vst v0;
	v0 =	vmax.f32 v1, $0.0e+00;
	v1 =	vld [tilespmem:s26+$0xFFFFFFE0]  }
0x1e6: {  	[tilespmem:s26+$0xFFFFFF90] =	vst v0;
	v0 =	vmax.f32 v5, $0.0e+00;
	v5 =	vld [tilespmem:s26+$0xFFFFFFF0]  }
0x1e7: {  	[tilespmem:s26+$0xFFFFFFA0] =	vst v0;
	v0 =	vmax.f32 v4, $0.0e+00;
	v4 =	vld [tilespmem:s26+$0x0]  }
0x1e8: {  	[tilespmem:s26+$0xFFFFFFB0] =	vst v0;
	v0 =	vmax.f32 v2, $0.0e+00;
	v2 =	vld [tilespmem:s26+$0x10]  }
0x1e9: {  	[tilespmem:s26+$0xFFFFFFC0] =	vst v0;
	v0 =	vmax.f32 v3, $0.0e+00;
	v3 =	vld [tilespmem:s26+$0x20]  }
0x1ea: {  	[tilespmem:s26+$0xFFFFFFD0] =	vst v0;
	v0 =	vmax.f32 v1, $0.0e+00;
	v1 =	vld [tilespmem:s26+$0x30]  }
0x1eb: {  	[tilespmem:s26+$0xFFFFFFE0] =	vst v0;
	v0 =	vmax.f32 v5, $0.0e+00;
	v5 =	vld [tilespmem:s26+$0x40]  }
0x1ec: {  	[tilespmem:s26+$0xFFFFFFF0] =	vst v0;
	v0 =	vmax.f32 v4, $0.0e+00;
	v4 =	vld [tilespmem:s26+$0x50]  }
0x1ed: {  	[tilespmem:s26+$0x0] =	vst v0;
	v0 =	vmax.f32 v2, $0.0e+00;
	v2 =	vld [tilespmem:s26+$0x60]  }
0x1ee: {  	[tilespmem:s26+$0x10] =	vst v0;
	v0 =	vmax.f32 v3, $0.0e+00;
	v3 =	vld [tilespmem:s26+$0x70]  }
0x1ef: {  	[tilespmem:s26+$0x20] =	vst v0;
	v0 =	vmax.f32 v1, $0.0e+00;
	v1 =	vld [tilespmem:s26+$0x80]  }
0x1f0: {  	[tilespmem:s26+$0x30] =	vst v0;
	v0 =	vmax.f32 v5, $0.0e+00;
	v5 =	vld [tilespmem:s26+$0x90]  }
0x1f1: {  	[tilespmem:s26+$0x40] =	vst v0;
	v0 =	vmax.f32 v4, $0.0e+00;
	v4 =	vld [tilespmem:s26+$0xA0]  }
0x1f2: {  	[tilespmem:s26+$0x50] =	vst v0;
	v0 =	vmax.f32 v2, $0.0e+00;
	v2 =	vld [tilespmem:s26+$0xB0]  }
0x1f3: {  	[tilespmem:s26+$0x60] =	vst v0;
	v0 =	vmax.f32 v3, $0.0e+00;
	v3 =	vld [tilespmem:s26+$0xC0]  }
0x1f4: {  	[tilespmem:s26+$0x70] =	vst v0;
	v0 =	vmax.f32 v1, $0.0e+00;
	v1 =	vld [tilespmem:s26+$0xD0]  }
0x1f5: {  	[tilespmem:s26+$0x80] =	vst v0;
	v0 =	vmax.f32 v5, $0.0e+00;
	v5 =	vld [tilespmem:s26+$0xE0]  }
0x1f6: {  	[tilespmem:s26+$0x90] =	vst v0;
	v0 =	vmax.f32 v4, $0.0e+00;
	v4 =	vld [tilespmem:s26+$0xF0]  }
0x1f7: {  	[tilespmem:s26+$0xA0] =	vst v0;
	v0 =	vmax.f32 v2, $0.0e+00;
	v2 =	vld [tilespmem:s26+$0x100]  }
0x1f8: {  	[tilespmem:s26+$0xB0] =	vst v0;
	v0 =	vmax.f32 v3, $0.0e+00;
	v3 =	vld [tilespmem:s26+$0x110]  }
0x1f9: {  	[tilespmem:s26+$0xC0] =	vst v0;
	v0 =	vmax.f32 v1, $0.0e+00;
	v1 =	vld [tilespmem:s26+$0x120]  }
0x1fa: {  	[tilespmem:s26+$0xD0] =	vst v0;
	v0 =	vmax.f32 v5, $0.0e+00;
	v5 =	vld [tilespmem:s26+$0x130]  }
0x1fb: {  	[tilespmem:s26+$0xE0] =	vst v0;
	v0 =	vmax.f32 v4, $0.0e+00;
	v4 =	vld [tilespmem:s26+$0x140]  }
0x1fc: {  	[tilespmem:s26+$0xF0] =	vst v0;
	v0 =	vmax.f32 v2, $0.0e+00;
	v2 =	vld [tilespmem:s26+$0x150]  }
0x1fd: {  	[tilespmem:s26+$0x100] =	vst v0;
	v0 =	vmax.f32 v3, $0.0e+00;
	v3 =	vld [tilespmem:s26+$0x160]  }
0x1fe: {  	[tilespmem:s26+$0x110] =	vst v0;
	v0 =	vmax.f32 v1, $0.0e+00;
	v1 =	vld [tilespmem:s26+$0x170]  }
0x1ff: {  	[tilespmem:s26+$0x120] =	vst v0;
	v0 =	vmax.f32 v5, $0.0e+00;
	v5 =	vld [tilespmem:s26+$0x180]  }
0x200: {  	[tilespmem:s26+$0x130] =	vst v0;
	v0 =	vmax.f32 v4, $0.0e+00;
	v4 =	vld [tilespmem:s26+$0x190]  }
0x201: {  	[tilespmem:s26+$0x140] =	vst v0;
	v0 =	vmax.f32 v2, $0.0e+00;
	v6 =	vld [tilespmem:s26+$0x1A0]  }
.Ltmp2:
0x202: {  	[tilespmem:s26+$0x150] =	vst v0;
	v2 =	vmax.f32 v3, $0.0e+00;
	v0 =	vld [tilespmem:s26+$0x1B0];
	(pc) =	sbr.rel @p1 .LBB2_7-.Ltmp2, $4  }
0x203: {  	[tilespmem:s26+$0x160] =	vst v2;
	v2 =	vmax.f32 v1, $0.0e+00;
	v1 =	vld [tilespmem:s26+$0x1C0]  }
0x204: {  	[tilespmem:s26+$0x170] =	vst v2;
	v3 =	vmax.f32 v5, $0.0e+00;
	v2 =	vld [tilespmem:s26+$0x1D0]  }
0x205: {  	[tilespmem:s26+$0x180] =	vst v3;
	v5 =	vmax.f32 v4, $0.0e+00;
	v3 =	vld [tilespmem:s26+$0x1E0]  }
0x206: {  	s26 =	sadd.s32 $0x400, s26;
	v4 =	vld [tilespmem:s31+$0xFFFFFE00];
	[tilespmem:s31+$0x190] =	vst v5;
	v5 =	vmax.f32 v6, $0.0e+00  }
0x207: {  	[tilespmem:s31+$0x1A0] =	vst v5;
	v0 =	vmax.f32 v0, $0.0e+00;
	p1 =	seq.s32 s25, $0x1E  }
0x208: {  	[tilespmem:s31+$0x1B0] =	vst v0;
	v0 =	vmax.f32 v1, $0.0e+00;
	s10 =	sadd.s32 @!p1 $0x5, s10  }
0x209: {  	[tilespmem:s31+$0x1C0] =	vst v0;
	v0 =	vmax.f32 v2, $0.0e+00;
	s26 =	sshll.u32 @!p1 s10, $0x8;
	s10 =	smul.u32 @!p1 $0x50, s10  }
0x20a: {  	[tilespmem:s31+$0x1D0] =	vst v0;
	v0 =	vmax.f32 v3, $0.0e+00  }
0x20b: {  	v1 =	vmax.f32 v4, $0.0e+00;
	[tilespmem:s31+$0x1E0] =	vst v0;
	s10 =	sadd.s32 @!p1 s14, s10  }
0x20c: {  	s12 =	simm.s32 $0x280;
	[tilespmem:s31+$0xFFFFFE00] =	vst v1;
	s10 =	sshll.u32 @!p1 s10, $0x8  }
0x20d: {  	[spmem:s3] =	stream.indirect.scatter.add.f32 [tilespmem:s0], [sflag:$0xF], $0x80, s12, s30, $0xb8;
	[tilespmem:$0x1DC80] =	vst v63  }
0x20e: {  	s26 =	sadd.s32 @!p1 s7, s26;
	s12 =	simm.s32 @!p1 $0xE;
	s10 =	sor.u32 @!p1 s11, s10  }
0x20f: {  	s26 =	sshrl.u32 @!p1 s26, $0x3;
	_ =	swait.ge @!p1 [sflag:s12], $0x2800;
	s10 =	sshrl.u32 @!p1 s10, $0x3  }
0x210: {  	s31 =	simm.s32 @!p1 $0x100;
	[sflag:s12] =	ssyncset.done @!p1 $0x0;
	s10 =	sadd.s32 @!p1 s1, s10  }
0x211: {  	[sflag:s12] =	ssyncadd.s32 @!p1 $0xFFFFD800;
	s12 =	sadd.s32 @!p1 s5, s26;
	s26 =	simm.s32 @!p1 $0x0  }
0x212: {  	[tilespmem:s31], [sflag:$0x2] =	stream.linear.gather @!p1 [hbm4b:s12+s26], $0x100, $0x38;
	[tilespmem:$0x1DC80] =	vst v63  }
0x213: {  	s12 =	simm.s32 @!p1 $0x400;
	s26 =	simm.s32 @!p1 $0x800;
	s31 =	simm.s32 @!p1 $0x2C00  }
0x214: {  	[tilespmem:s31], [sflag:$0x6] =	stream.strided.gather @!p1 [hbm4b:s10+s12], $0x2800, s26, s12, $0x38;
	[tilespmem:$0x1DC80] =	vst v63  }
0x215: {  	_ =	swait.ge [sflag:s28], $0x100  }
0x216: {  	[sflag:s28] =	ssyncset.done $0x0  }
0x217: {  	[sflag:s28] =	ssyncadd.s32 $0xFFFFFF00  }
0x218: {  	_ =	swait.ge [sflag:s29], $0x2800  }
0x219: {  	[sflag:s29] =	ssyncset.done $0x0  }
0x21a: {  	[sflag:s29] =	ssyncadd.s32 $0xFFFFD800  }
0x21b: {  	[tilespmem:s24], [sflag:$0x9] =	stream.indirect.gather.add.f32 [hbm:s18], $0x80, s4, s30, $0xb8;
	[tilespmem:$0x1DC80] =	vst v63  }
0x21c: {  	_ =	swait.ge [sflag:s20], $0x2800  }
0x21d: {  	[sflag:s20] =	ssyncset.done $0x0  }
0x21e: {  	s10 =	simm.s32 $0x7E00;
	[sflag:s20] =	ssyncadd.s32 $0xFFFFD800  }
0x21f: {  	v0 =	vld [tilespmem:s10+$0xFFFFFE10]  }
0x220: {  	v6 =	vld [tilespmem:s10+$0x1F0]  }
0x221: {  	v5 =	vld [tilespmem:s10+$0xFFFFFE60]  }
0x222: {  	v1 =	vld [tilespmem:s10+$0xFFFFFE20]  }
0x223: {  	v7 =	vld [tilespmem:s10+$0xFFFFFF00]  }
0x224: {  	v2 =	vld [tilespmem:s10+$0xFFFFFE30];
	v0 =	vmax.f32 v0, $0.0e+00  }
0x225: {  	v3 =	vld [tilespmem:s10+$0xFFFFFE40];
	v6 =	vmax.f32 v6, $0.0e+00;
	[tilespmem:s10+$0xFFFFFE10] =	vst v0  }
0x226: {  	v4 =	vld [tilespmem:s10+$0xFFFFFE50];
	v5 =	vmax.f32 v5, $0.0e+00;
	[tilespmem:s10+$0x1F0] =	vst v6  }
0x227: {  	v0 =	vmax.f32 v1, $0.0e+00;
	v1 =	vld [tilespmem:s10+$0xFFFFFE70];
	[tilespmem:s10+$0xFFFFFE60] =	vst v5  }
0x228: {  	v5 =	vmax.f32 v7, $0.0e+00;
	v7 =	vld [tilespmem:s10+$0xFFFFFF50];
	[tilespmem:s10+$0xFFFFFE20] =	vst v0  }
0x229: {  	v8 =	vld [tilespmem:s10+$0xFFFFFF10];
	v0 =	vmax.f32 v2, $0.0e+00;
	[tilespmem:s10+$0xFFFFFF00] =	vst v5  }
0x22a: {  	v2 =	vld [tilespmem:s10+$0xFFFFFE80];
	[tilespmem:s10+$0xFFFFFE30] =	vst v0;
	v0 =	vmax.f32 v3, $0.0e+00  }
0x22b: {  	v55 =	vld [tilespmem:s10+$0xFFFFFF60];
	[tilespmem:s10+$0xFFFFFE40] =	vst v0;
	v0 =	vmax.f32 v4, $0.0e+00  }
0x22c: {  	v9 =	vld [tilespmem:s10+$0xFFFFFF20];
	[tilespmem:s10+$0xFFFFFE50] =	vst v0;
	v1 =	vmax.f32 v1, $0.0e+00  }
0x22d: {  	v3 =	vld [tilespmem:s10+$0xFFFFFE90];
	v7 =	vmax.f32 v7, $0.0e+00;
	[tilespmem:s10+$0xFFFFFE70] =	vst v1  }
0x22e: {  	v56 =	vld [tilespmem:s10+$0xFFFFFF70];
	v1 =	vmax.f32 v8, $0.0e+00;
	[tilespmem:s10+$0xFFFFFF50] =	vst v7  }
0x22f: {  	v58 =	vld [tilespmem:s10+$0x70];
	v2 =	vmax.f32 v2, $0.0e+00;
	[tilespmem:s10+$0xFFFFFF10] =	vst v1  }
0x230: {  	v10 =	vld [tilespmem:s10+$0xFFFFFF30];
	v8 =	vmax.f32 v55, $0.0e+00;
	[tilespmem:s10+$0xFFFFFE80] =	vst v2  }
0x231: {  	v4 =	vld [tilespmem:s10+$0xFFFFFEA0];
	v2 =	vmax.f32 v9, $0.0e+00;
	[tilespmem:s10+$0xFFFFFF60] =	vst v8  }
0x232: {  	v57 =	vld [tilespmem:s10+$0xFFFFFF80];
	v3 =	vmax.f32 v3, $0.0e+00;
	[tilespmem:s10+$0xFFFFFF20] =	vst v2  }
0x233: {  	v59 =	vld [tilespmem:s10+$0x80];
	v9 =	vmax.f32 v56, $0.0e+00;
	[tilespmem:s10+$0xFFFFFE90] =	vst v3  }
0x234: {  	v0 =	vld [tilespmem:s10+$0xFFFFFEB0];
	v8 =	vmax.f32 v58, $0.0e+00;
	[tilespmem:s10+$0xFFFFFF70] =	vst v9  }
0x235: {  	v60 =	vld [tilespmem:s10+$0x90];
	v3 =	vmax.f32 v10, $0.0e+00;
	[tilespmem:s10+$0x70] =	vst v8  }
0x236: {  	v5 =	vld [tilespmem:s10+$0xFFFFFEC0];
	v4 =	vmax.f32 v4, $0.0e+00;
	[tilespmem:s10+$0xFFFFFF30] =	vst v3  }
0x237: {  	v1 =	vld [tilespmem:s10+$0xFFFFFED0];
	v10 =	vmax.f32 v57, $0.0e+00;
	[tilespmem:s10+$0xFFFFFEA0] =	vst v4  }
0x238: {  	v2 =	vld [tilespmem:s10+$0xFFFFFEE0];
	v9 =	vmax.f32 v59, $0.0e+00;
	[tilespmem:s10+$0xFFFFFF80] =	vst v10  }
0x239: {  	v3 =	vld [tilespmem:s10+$0xFFFFFEF0];
	v0 =	vmax.f32 v0, $0.0e+00;
	[tilespmem:s10+$0x80] =	vst v9  }
0x23a: {  	v4 =	vld [tilespmem:s10+$0xFFFFFF90];
	v10 =	vmax.f32 v60, $0.0e+00;
	[tilespmem:s10+$0xFFFFFEB0] =	vst v0  }
0x23b: {  	v6 =	vld [tilespmem:s10+$0xFFFFFF40];
	v0 =	vmax.f32 v5, $0.0e+00;
	[tilespmem:s10+$0x90] =	vst v10  }
0x23c: {  	v5 =	vld [tilespmem:s10+$0x0];
	[tilespmem:s10+$0xFFFFFEC0] =	vst v0;
	v0 =	vmax.f32 v1, $0.0e+00  }
0x23d: {  	v1 =	vld [tilespmem:s10+$0x10];
	[tilespmem:s10+$0xFFFFFED0] =	vst v0;
	v0 =	vmax.f32 v2, $0.0e+00  }
0x23e: {  	v2 =	vld [tilespmem:s10+$0x20];
	[tilespmem:s10+$0xFFFFFEE0] =	vst v0;
	v0 =	vmax.f32 v3, $0.0e+00  }
0x23f: {  	v3 =	vld [tilespmem:s10+$0x30];
	v4 =	vmax.f32 v4, $0.0e+00;
	[tilespmem:s10+$0xFFFFFEF0] =	vst v0  }
0x240: {  	v0 =	vmax.f32 v6, $0.0e+00;
	v6 =	vld [tilespmem:s10+$0x40];
	[tilespmem:s10+$0xFFFFFF90] =	vst v4  }
0x241: {  	[tilespmem:s10+$0xFFFFFF40] =	vst v0;
	v0 =	vmax.f32 v5, $0.0e+00;
	v5 =	vld [tilespmem:s10+$0x50]  }
0x242: {  	[tilespmem:s10+$0x0] =	vst v0;
	v0 =	vld [tilespmem:s10+$0xFFFFFFA0];
	v1 =	vmax.f32 v1, $0.0e+00  }
0x243: {  	[tilespmem:s10+$0x10] =	vst v1;
	v1 =	vld [tilespmem:s10+$0xFFFFFFB0];
	v2 =	vmax.f32 v2, $0.0e+00  }
0x244: {  	[tilespmem:s10+$0x20] =	vst v2;
	v2 =	vld [tilespmem:s10+$0xFFFFFFC0];
	v3 =	vmax.f32 v3, $0.0e+00  }
0x245: {  	[tilespmem:s10+$0x30] =	vst v3;
	v3 =	vld [tilespmem:s10+$0xFFFFFFD0];
	v6 =	vmax.f32 v6, $0.0e+00  }
0x246: {  	[tilespmem:s10+$0x40] =	vst v6;
	v6 =	vld [tilespmem:s10+$0xFFFFFFE0];
	v4 =	vmax.f32 v5, $0.0e+00  }
0x247: {  	v5 =	vld [tilespmem:s10+$0xA0];
	v0 =	vmax.f32 v0, $0.0e+00;
	[tilespmem:s10+$0x50] =	vst v4  }
0x248: {  	v4 =	vld [tilespmem:s10+$0xFFFFFFF0];
	[tilespmem:s10+$0xFFFFFFA0] =	vst v0;
	v0 =	vmax.f32 v1, $0.0e+00  }
0x249: {  	v7 =	vld [tilespmem:s10+$0x60];
	[tilespmem:s10+$0xFFFFFFB0] =	vst v0;
	v0 =	vmax.f32 v2, $0.0e+00  }
0x24a: {  	v1 =	vld [tilespmem:s10+$0xB0];
	[tilespmem:s10+$0xFFFFFFC0] =	vst v0;
	v0 =	vmax.f32 v3, $0.0e+00  }
0x24b: {  	v2 =	vld [tilespmem:s10+$0x100];
	[tilespmem:s10+$0xFFFFFFD0] =	vst v0;
	v0 =	vmax.f32 v6, $0.0e+00  }
0x24c: {  	v3 =	vld [tilespmem:s10+$0x110];
	v5 =	vmax.f32 v5, $0.0e+00;
	[tilespmem:s10+$0xFFFFFFE0] =	vst v0  }
0x24d: {  	v6 =	vld [tilespmem:s10+$0x120];
	v0 =	vmax.f32 v4, $0.0e+00;
	[tilespmem:s10+$0xA0] =	vst v5  }
0x24e: {  	v4 =	vld [tilespmem:s10+$0x130];
	[tilespmem:s10+$0xFFFFFFF0] =	vst v0;
	v0 =	vmax.f32 v7, $0.0e+00  }
0x24f: {  	v7 =	vld [tilespmem:s10+$0x140];
	v1 =	vmax.f32 v1, $0.0e+00;
	[tilespmem:s10+$0x60] =	vst v0  }
0x250: {  	v0 =	vmax.f32 v2, $0.0e+00;
	v2 =	vld [tilespmem:s10+$0x150];
	[tilespmem:s10+$0xB0] =	vst v1  }
0x251: {  	v62 =	vld [tilespmem:s10+$0x170];
	[tilespmem:s10+$0x100] =	vst v0;
	v3 =	vmax.f32 v3, $0.0e+00  }
0x252: {  	v0 =	vld [tilespmem:s10+$0xC0];
	[tilespmem:s10+$0x110] =	vst v3;
	v6 =	vmax.f32 v6, $0.0e+00  }
0x253: {  	v61 =	vld [tilespmem:s10+$0x160];
	[tilespmem:s10+$0x120] =	vst v6;
	v4 =	vmax.f32 v4, $0.0e+00  }
0x254: {  	v3 =	vld [tilespmem:s10+$0xD0];
	[tilespmem:s10+$0x130] =	vst v4;
	v5 =	vmax.f32 v7, $0.0e+00  }
0x255: {  	v63 =	vld [tilespmem:s10+$0x180];
	[tilespmem:s10+$0x140] =	vst v5;
	v1 =	vmax.f32 v2, $0.0e+00  }
0x256: {  	v6 =	vld [tilespmem:s10+$0xE0];
	v2 =	vmax.f32 v62, $0.0e+00;
	[tilespmem:s10+$0x150] =	vst v1  }
0x257: {  	v4 =	vld [tilespmem:s10+$0xF0];
	v0 =	vmax.f32 v0, $0.0e+00;
	[tilespmem:s10+$0x170] =	vst v2  }
0x258: {  	v7 =	vld [tilespmem:s10+$0x190];
	v1 =	vmax.f32 v61, $0.0e+00;
	[tilespmem:s10+$0xC0] =	vst v0  }
0x259: {  	v5 =	vld [tilespmem:s10+$0x1A0];
	[tilespmem:s10+$0x160] =	vst v1;
	v1 =	vmax.f32 v3, $0.0e+00  }
0x25a: {  	v0 =	vld [tilespmem:s10+$0x1B0];
	v3 =	vmax.f32 v63, $0.0e+00;
	[tilespmem:s10+$0xD0] =	vst v1  }
0x25b: {  	v1 =	vld [tilespmem:s10+$0x1C0];
	v2 =	vmax.f32 v6, $0.0e+00;
	[tilespmem:s10+$0x180] =	vst v3  }
0x25c: {  	[tilespmem:s10+$0xE0] =	vst v2;
	v2 =	vld [tilespmem:s10+$0x1D0];
	v4 =	vmax.f32 v4, $0.0e+00  }
0x25d: {  	v3 =	vld [tilespmem:s10+$0x1E0];
	v6 =	vmax.f32 v7, $0.0e+00;
	[tilespmem:s10+$0xF0] =	vst v4  }
0x25e: {  	s12 =	simm.s32 $0x0;
	s26 =	simm.s32 $0x8200;
	v4 =	vld [tilespmem:s10+$0xFFFFFE00];
	[tilespmem:s10+$0x190] =	vst v6;
	v5 =	vmax.f32 v5, $0.0e+00  }
.LBB2_9:
0x25f: {  	v6 =	vld [tilespmem:s26+$0x1F0];
	s12 =	sadd.s32 $0x8, s12;
	[tilespmem:s10+$0x1A0] =	vst v5;
	v0 =	vmax.f32 v0, $0.0e+00  }
0x260: {  	v5 =	vld [tilespmem:s26+$0xFFFFFE10];
	p1 =	slt.u32 s12, $0x48;
	[tilespmem:s10+$0x1B0] =	vst v0;
	v0 =	vmax.f32 v1, $0.0e+00  }
0x261: {  	v1 =	vld [tilespmem:s26+$0xFFFFFE20];
	[tilespmem:s10+$0x1C0] =	vst v0;
	v0 =	vmax.f32 v2, $0.0e+00  }
0x262: {  	v2 =	vld [tilespmem:s26+$0xFFFFFE30];
	[tilespmem:s10+$0x1D0] =	vst v0;
	v0 =	vmax.f32 v3, $0.0e+00  }
0x263: {  	v3 =	vld [tilespmem:s26+$0xFFFFFE40];
	v4 =	vmax.f32 v4, $0.0e+00;
	[tilespmem:s10+$0x1E0] =	vst v0  }
0x264: {  	v0 =	vld [tilespmem:s26+$0xFFFFFE50];
	v6 =	vmax.f32 v6, $0.0e+00;
	[tilespmem:s10+$0xFFFFFE00] =	vst v4;
	s10 =	smov.u32 s26  }
0x265: {  	v4 =	vmax.f32 v5, $0.0e+00;
	v5 =	vld [tilespmem:s26+$0xFFFFFE60];
	[tilespmem:s26+$0x1F0] =	vst v6  }
0x266: {  	[tilespmem:s26+$0xFFFFFE10] =	vst v4;
	v1 =	vmax.f32 v1, $0.0e+00;
	v4 =	vld [tilespmem:s26+$0xFFFFFE70]  }
0x267: {  	[tilespmem:s26+$0xFFFFFE20] =	vst v1;
	v1 =	vmax.f32 v2, $0.0e+00;
	v2 =	vld [tilespmem:s26+$0xFFFFFE80]  }
0x268: {  	[tilespmem:s26+$0xFFFFFE30] =	vst v1;
	v1 =	vmax.f32 v3, $0.0e+00;
	v3 =	vld [tilespmem:s26+$0xFFFFFE90]  }
0x269: {  	[tilespmem:s26+$0xFFFFFE40] =	vst v1;
	v0 =	vmax.f32 v0, $0.0e+00;
	v1 =	vld [tilespmem:s26+$0xFFFFFEA0]  }
0x26a: {  	[tilespmem:s26+$0xFFFFFE50] =	vst v0;
	v0 =	vmax.f32 v5, $0.0e+00;
	v5 =	vld [tilespmem:s26+$0xFFFFFEB0]  }
0x26b: {  	[tilespmem:s26+$0xFFFFFE60] =	vst v0;
	v0 =	vmax.f32 v4, $0.0e+00;
	v4 =	vld [tilespmem:s26+$0xFFFFFEC0]  }
0x26c: {  	[tilespmem:s26+$0xFFFFFE70] =	vst v0;
	v0 =	vmax.f32 v2, $0.0e+00;
	v2 =	vld [tilespmem:s26+$0xFFFFFED0]  }
0x26d: {  	[tilespmem:s26+$0xFFFFFE80] =	vst v0;
	v0 =	vmax.f32 v3, $0.0e+00;
	v3 =	vld [tilespmem:s26+$0xFFFFFEE0]  }
0x26e: {  	[tilespmem:s26+$0xFFFFFE90] =	vst v0;
	v0 =	vmax.f32 v1, $0.0e+00;
	v1 =	vld [tilespmem:s26+$0xFFFFFEF0]  }
0x26f: {  	[tilespmem:s26+$0xFFFFFEA0] =	vst v0;
	v0 =	vmax.f32 v5, $0.0e+00;
	v5 =	vld [tilespmem:s26+$0xFFFFFF00]  }
0x270: {  	[tilespmem:s26+$0xFFFFFEB0] =	vst v0;
	v0 =	vmax.f32 v4, $0.0e+00;
	v4 =	vld [tilespmem:s26+$0xFFFFFF10]  }
0x271: {  	[tilespmem:s26+$0xFFFFFEC0] =	vst v0;
	v0 =	vmax.f32 v2, $0.0e+00;
	v2 =	vld [tilespmem:s26+$0xFFFFFF20]  }
0x272: {  	[tilespmem:s26+$0xFFFFFED0] =	vst v0;
	v0 =	vmax.f32 v3, $0.0e+00;
	v3 =	vld [tilespmem:s26+$0xFFFFFF30]  }
0x273: {  	[tilespmem:s26+$0xFFFFFEE0] =	vst v0;
	v0 =	vmax.f32 v1, $0.0e+00;
	v1 =	vld [tilespmem:s26+$0xFFFFFF40]  }
0x274: {  	[tilespmem:s26+$0xFFFFFEF0] =	vst v0;
	v0 =	vmax.f32 v5, $0.0e+00;
	v5 =	vld [tilespmem:s26+$0xFFFFFF50]  }
0x275: {  	[tilespmem:s26+$0xFFFFFF00] =	vst v0;
	v0 =	vmax.f32 v4, $0.0e+00;
	v4 =	vld [tilespmem:s26+$0xFFFFFF60]  }
0x276: {  	[tilespmem:s26+$0xFFFFFF10] =	vst v0;
	v0 =	vmax.f32 v2, $0.0e+00;
	v2 =	vld [tilespmem:s26+$0xFFFFFF70]  }
0x277: {  	[tilespmem:s26+$0xFFFFFF20] =	vst v0;
	v0 =	vmax.f32 v3, $0.0e+00;
	v3 =	vld [tilespmem:s26+$0xFFFFFF80]  }
0x278: {  	[tilespmem:s26+$0xFFFFFF30] =	vst v0;
	v0 =	vmax.f32 v1, $0.0e+00;
	v1 =	vld [tilespmem:s26+$0xFFFFFF90]  }
0x279: {  	[tilespmem:s26+$0xFFFFFF40] =	vst v0;
	v0 =	vmax.f32 v5, $0.0e+00;
	v5 =	vld [tilespmem:s26+$0xFFFFFFA0]  }
0x27a: {  	[tilespmem:s26+$0xFFFFFF50] =	vst v0;
	v0 =	vmax.f32 v4, $0.0e+00;
	v4 =	vld [tilespmem:s26+$0xFFFFFFB0]  }
0x27b: {  	[tilespmem:s26+$0xFFFFFF60] =	vst v0;
	v0 =	vmax.f32 v2, $0.0e+00;
	v2 =	vld [tilespmem:s26+$0xFFFFFFC0]  }
0x27c: {  	[tilespmem:s26+$0xFFFFFF70] =	vst v0;
	v0 =	vmax.f32 v3, $0.0e+00;
	v3 =	vld [tilespmem:s26+$0xFFFFFFD0]  }
0x27d: {  	[tilespmem:s26+$0xFFFFFF80] =	vst v0;
	v0 =	vmax.f32 v1, $0.0e+00;
	v1 =	vld [tilespmem:s26+$0xFFFFFFE0]  }
0x27e: {  	[tilespmem:s26+$0xFFFFFF90] =	vst v0;
	v0 =	vmax.f32 v5, $0.0e+00;
	v5 =	vld [tilespmem:s26+$0xFFFFFFF0]  }
0x27f: {  	[tilespmem:s26+$0xFFFFFFA0] =	vst v0;
	v0 =	vmax.f32 v4, $0.0e+00;
	v4 =	vld [tilespmem:s26+$0x0]  }
0x280: {  	[tilespmem:s26+$0xFFFFFFB0] =	vst v0;
	v0 =	vmax.f32 v2, $0.0e+00;
	v2 =	vld [tilespmem:s26+$0x10]  }
0x281: {  	[tilespmem:s26+$0xFFFFFFC0] =	vst v0;
	v0 =	vmax.f32 v3, $0.0e+00;
	v3 =	vld [tilespmem:s26+$0x20]  }
0x282: {  	[tilespmem:s26+$0xFFFFFFD0] =	vst v0;
	v0 =	vmax.f32 v1, $0.0e+00;
	v1 =	vld [tilespmem:s26+$0x30]  }
0x283: {  	[tilespmem:s26+$0xFFFFFFE0] =	vst v0;
	v0 =	vmax.f32 v5, $0.0e+00;
	v5 =	vld [tilespmem:s26+$0x40]  }
0x284: {  	[tilespmem:s26+$0xFFFFFFF0] =	vst v0;
	v0 =	vmax.f32 v4, $0.0e+00;
	v4 =	vld [tilespmem:s26+$0x50]  }
0x285: {  	[tilespmem:s26+$0x0] =	vst v0;
	v0 =	vmax.f32 v2, $0.0e+00;
	v2 =	vld [tilespmem:s26+$0x60]  }
0x286: {  	[tilespmem:s26+$0x10] =	vst v0;
	v0 =	vmax.f32 v3, $0.0e+00;
	v3 =	vld [tilespmem:s26+$0x70]  }
0x287: {  	[tilespmem:s26+$0x20] =	vst v0;
	v0 =	vmax.f32 v1, $0.0e+00;
	v1 =	vld [tilespmem:s26+$0x80]  }
0x288: {  	[tilespmem:s26+$0x30] =	vst v0;
	v0 =	vmax.f32 v5, $0.0e+00;
	v5 =	vld [tilespmem:s26+$0x90]  }
0x289: {  	[tilespmem:s26+$0x40] =	vst v0;
	v0 =	vmax.f32 v4, $0.0e+00;
	v4 =	vld [tilespmem:s26+$0xA0]  }
0x28a: {  	[tilespmem:s26+$0x50] =	vst v0;
	v0 =	vmax.f32 v2, $0.0e+00;
	v2 =	vld [tilespmem:s26+$0xB0]  }
0x28b: {  	[tilespmem:s26+$0x60] =	vst v0;
	v0 =	vmax.f32 v3, $0.0e+00;
	v3 =	vld [tilespmem:s26+$0xC0]  }
0x28c: {  	[tilespmem:s26+$0x70] =	vst v0;
	v0 =	vmax.f32 v1, $0.0e+00;
	v1 =	vld [tilespmem:s26+$0xD0]  }
0x28d: {  	[tilespmem:s26+$0x80] =	vst v0;
	v0 =	vmax.f32 v5, $0.0e+00;
	v5 =	vld [tilespmem:s26+$0xE0]  }
0x28e: {  	[tilespmem:s26+$0x90] =	vst v0;
	v0 =	vmax.f32 v4, $0.0e+00;
	v4 =	vld [tilespmem:s26+$0xF0]  }
0x28f: {  	[tilespmem:s26+$0xA0] =	vst v0;
	v0 =	vmax.f32 v2, $0.0e+00;
	v2 =	vld [tilespmem:s26+$0x100]  }
0x290: {  	[tilespmem:s26+$0xB0] =	vst v0;
	v0 =	vmax.f32 v3, $0.0e+00;
	v3 =	vld [tilespmem:s26+$0x110]  }
0x291: {  	[tilespmem:s26+$0xC0] =	vst v0;
	v0 =	vmax.f32 v1, $0.0e+00;
	v1 =	vld [tilespmem:s26+$0x120]  }
0x292: {  	[tilespmem:s26+$0xD0] =	vst v0;
	v0 =	vmax.f32 v5, $0.0e+00;
	v5 =	vld [tilespmem:s26+$0x130]  }
0x293: {  	[tilespmem:s26+$0xE0] =	vst v0;
	v0 =	vmax.f32 v4, $0.0e+00;
	v4 =	vld [tilespmem:s26+$0x140]  }
0x294: {  	[tilespmem:s26+$0xF0] =	vst v0;
	v0 =	vmax.f32 v2, $0.0e+00;
	v2 =	vld [tilespmem:s26+$0x150]  }
0x295: {  	[tilespmem:s26+$0x100] =	vst v0;
	v0 =	vmax.f32 v3, $0.0e+00;
	v3 =	vld [tilespmem:s26+$0x160]  }
0x296: {  	[tilespmem:s26+$0x110] =	vst v0;
	v0 =	vmax.f32 v1, $0.0e+00;
	v1 =	vld [tilespmem:s26+$0x170]  }
0x297: {  	[tilespmem:s26+$0x120] =	vst v0;
	v0 =	vmax.f32 v5, $0.0e+00;
	v5 =	vld [tilespmem:s26+$0x180]  }
0x298: {  	[tilespmem:s26+$0x130] =	vst v0;
	v0 =	vmax.f32 v4, $0.0e+00;
	v4 =	vld [tilespmem:s26+$0x190]  }
0x299: {  	[tilespmem:s26+$0x140] =	vst v0;
	v0 =	vmax.f32 v2, $0.0e+00;
	v6 =	vld [tilespmem:s26+$0x1A0]  }
.Ltmp3:
0x29a: {  	[tilespmem:s26+$0x150] =	vst v0;
	v2 =	vmax.f32 v3, $0.0e+00;
	v0 =	vld [tilespmem:s26+$0x1B0];
	(pc) =	sbr.rel @p1 .LBB2_9-.Ltmp3, $4  }
0x29b: {  	[tilespmem:s26+$0x160] =	vst v2;
	v2 =	vmax.f32 v1, $0.0e+00;
	v1 =	vld [tilespmem:s26+$0x1C0]  }
0x29c: {  	[tilespmem:s26+$0x170] =	vst v2;
	v3 =	vmax.f32 v5, $0.0e+00;
	v2 =	vld [tilespmem:s26+$0x1D0]  }
0x29d: {  	[tilespmem:s26+$0x180] =	vst v3;
	v5 =	vmax.f32 v4, $0.0e+00;
	v3 =	vld [tilespmem:s26+$0x1E0]  }
0x29e: {  	s26 =	sadd.s32 $0x400, s26;
	v4 =	vld [tilespmem:s10+$0xFFFFFE00];
	[tilespmem:s10+$0x190] =	vst v5;
	v5 =	vmax.f32 v6, $0.0e+00  }
0x29f: {  	[tilespmem:s10+$0x1A0] =	vst v5;
	v0 =	vmax.f32 v0, $0.0e+00;
	s25 =	sadd.s32 $0x1, s25  }
0x2a0: {  	[tilespmem:s10+$0x1B0] =	vst v0;
	v60 =	vmax.f32 v1, $0.0e+00;
	p1 =	sne.s32 s25, $0x1F  }
.Ltmp4:
0x2a1: {  	[tilespmem:s10+$0x1C0] =	vst v60;
	v61 =	vmax.f32 v2, $0.0e+00;
	(pc) =	sbr.rel @p1 .LBB2_2-.Ltmp4, $4  }
0x2a2: {  	[tilespmem:s10+$0x1D0] =	vst v61;
	v62 =	vmax.f32 v3, $0.0e+00  }
0x2a3: {  	v63 =	vmax.f32 v4, $0.0e+00;
	[tilespmem:s10+$0x1E0] =	vst v62  }
0x2a4: {  	s31 =	simm.s32 $0x380;
	[tilespmem:s10+$0xFFFFFE00] =	vst v63  }
0x2a5: {  	[spmem:s3] =	stream.indirect.scatter.add.f32 [tilespmem:s15], [sflag:$0x10], $0x80, s31, s30, $0xb8;
	[tilespmem:$0x1DC80] =	vst v63  }
0x2a6: {  	_ =	swait.ge [sflag:s8], $0x2800  }
0x2a7: {  	[sflag:s8] =	ssyncset.done $0x0  }
0x2a8: {  	s10 =	simm.s32 $0x600;
	[sflag:s8] =	ssyncadd.s32 $0xFFFFD800  }
0x2a9: {  	v0 =	vld [tilespmem:s10+$0xFFFFFE10]  }
0x2aa: {  	v6 =	vld [tilespmem:s10+$0x1F0]  }
0x2ab: {  	v5 =	vld [tilespmem:s10+$0xFFFFFE60]  }
0x2ac: {  	v1 =	vld [tilespmem:s10+$0xFFFFFE20]  }
0x2ad: {  	v7 =	vld [tilespmem:s10+$0xFFFFFF00]  }
0x2ae: {  	v2 =	vld [tilespmem:s10+$0xFFFFFE30];
	v0 =	vmax.f32 v0, $0.0e+00  }
0x2af: {  	v3 =	vld [tilespmem:s10+$0xFFFFFE40];
	v6 =	vmax.f32 v6, $0.0e+00;
	[tilespmem:s10+$0xFFFFFE10] =	vst v0  }
0x2b0: {  	v4 =	vld [tilespmem:s10+$0xFFFFFE50];
	v5 =	vmax.f32 v5, $0.0e+00;
	[tilespmem:s10+$0x1F0] =	vst v6  }
0x2b1: {  	v0 =	vmax.f32 v1, $0.0e+00;
	v1 =	vld [tilespmem:s10+$0xFFFFFE70];
	[tilespmem:s10+$0xFFFFFE60] =	vst v5  }
0x2b2: {  	v5 =	vmax.f32 v7, $0.0e+00;
	v7 =	vld [tilespmem:s10+$0xFFFFFF50];
	[tilespmem:s10+$0xFFFFFE20] =	vst v0  }
0x2b3: {  	v8 =	vld [tilespmem:s10+$0xFFFFFF10];
	v0 =	vmax.f32 v2, $0.0e+00;
	[tilespmem:s10+$0xFFFFFF00] =	vst v5  }
0x2b4: {  	v2 =	vld [tilespmem:s10+$0xFFFFFE80];
	[tilespmem:s10+$0xFFFFFE30] =	vst v0;
	v0 =	vmax.f32 v3, $0.0e+00  }
0x2b5: {  	v55 =	vld [tilespmem:s10+$0xFFFFFF60];
	[tilespmem:s10+$0xFFFFFE40] =	vst v0;
	v0 =	vmax.f32 v4, $0.0e+00  }
0x2b6: {  	v9 =	vld [tilespmem:s10+$0xFFFFFF20];
	[tilespmem:s10+$0xFFFFFE50] =	vst v0;
	v1 =	vmax.f32 v1, $0.0e+00  }
0x2b7: {  	v3 =	vld [tilespmem:s10+$0xFFFFFE90];
	v7 =	vmax.f32 v7, $0.0e+00;
	[tilespmem:s10+$0xFFFFFE70] =	vst v1  }
0x2b8: {  	v56 =	vld [tilespmem:s10+$0xFFFFFF70];
	v1 =	vmax.f32 v8, $0.0e+00;
	[tilespmem:s10+$0xFFFFFF50] =	vst v7  }
0x2b9: {  	v58 =	vld [tilespmem:s10+$0x70];
	v2 =	vmax.f32 v2, $0.0e+00;
	[tilespmem:s10+$0xFFFFFF10] =	vst v1  }
0x2ba: {  	v10 =	vld [tilespmem:s10+$0xFFFFFF30];
	v8 =	vmax.f32 v55, $0.0e+00;
	[tilespmem:s10+$0xFFFFFE80] =	vst v2  }
0x2bb: {  	v4 =	vld [tilespmem:s10+$0xFFFFFEA0];
	v2 =	vmax.f32 v9, $0.0e+00;
	[tilespmem:s10+$0xFFFFFF60] =	vst v8  }
0x2bc: {  	v57 =	vld [tilespmem:s10+$0xFFFFFF80];
	v3 =	vmax.f32 v3, $0.0e+00;
	[tilespmem:s10+$0xFFFFFF20] =	vst v2  }
0x2bd: {  	v59 =	vld [tilespmem:s10+$0x80];
	v9 =	vmax.f32 v56, $0.0e+00;
	[tilespmem:s10+$0xFFFFFE90] =	vst v3  }
0x2be: {  	v0 =	vld [tilespmem:s10+$0xFFFFFEB0];
	v8 =	vmax.f32 v58, $0.0e+00;
	[tilespmem:s10+$0xFFFFFF70] =	vst v9  }
0x2bf: {  	v60 =	vld [tilespmem:s10+$0x90];
	v3 =	vmax.f32 v10, $0.0e+00;
	[tilespmem:s10+$0x70] =	vst v8  }
0x2c0: {  	v5 =	vld [tilespmem:s10+$0xFFFFFEC0];
	v4 =	vmax.f32 v4, $0.0e+00;
	[tilespmem:s10+$0xFFFFFF30] =	vst v3  }
0x2c1: {  	v1 =	vld [tilespmem:s10+$0xFFFFFED0];
	v10 =	vmax.f32 v57, $0.0e+00;
	[tilespmem:s10+$0xFFFFFEA0] =	vst v4  }
0x2c2: {  	v2 =	vld [tilespmem:s10+$0xFFFFFEE0];
	v9 =	vmax.f32 v59, $0.0e+00;
	[tilespmem:s10+$0xFFFFFF80] =	vst v10  }
0x2c3: {  	v3 =	vld [tilespmem:s10+$0xFFFFFEF0];
	v0 =	vmax.f32 v0, $0.0e+00;
	[tilespmem:s10+$0x80] =	vst v9  }
0x2c4: {  	v4 =	vld [tilespmem:s10+$0xFFFFFF90];
	v10 =	vmax.f32 v60, $0.0e+00;
	[tilespmem:s10+$0xFFFFFEB0] =	vst v0  }
0x2c5: {  	v6 =	vld [tilespmem:s10+$0xFFFFFF40];
	v0 =	vmax.f32 v5, $0.0e+00;
	[tilespmem:s10+$0x90] =	vst v10  }
0x2c6: {  	v5 =	vld [tilespmem:s10+$0x0];
	[tilespmem:s10+$0xFFFFFEC0] =	vst v0;
	v0 =	vmax.f32 v1, $0.0e+00  }
0x2c7: {  	v1 =	vld [tilespmem:s10+$0x10];
	[tilespmem:s10+$0xFFFFFED0] =	vst v0;
	v0 =	vmax.f32 v2, $0.0e+00  }
0x2c8: {  	v2 =	vld [tilespmem:s10+$0x20];
	[tilespmem:s10+$0xFFFFFEE0] =	vst v0;
	v0 =	vmax.f32 v3, $0.0e+00  }
0x2c9: {  	v3 =	vld [tilespmem:s10+$0x30];
	v4 =	vmax.f32 v4, $0.0e+00;
	[tilespmem:s10+$0xFFFFFEF0] =	vst v0  }
0x2ca: {  	v0 =	vmax.f32 v6, $0.0e+00;
	v6 =	vld [tilespmem:s10+$0x40];
	[tilespmem:s10+$0xFFFFFF90] =	vst v4  }
0x2cb: {  	[tilespmem:s10+$0xFFFFFF40] =	vst v0;
	v0 =	vmax.f32 v5, $0.0e+00;
	v5 =	vld [tilespmem:s10+$0x50]  }
0x2cc: {  	[tilespmem:s10+$0x0] =	vst v0;
	v0 =	vld [tilespmem:s10+$0xFFFFFFA0];
	v1 =	vmax.f32 v1, $0.0e+00  }
0x2cd: {  	[tilespmem:s10+$0x10] =	vst v1;
	v1 =	vld [tilespmem:s10+$0xFFFFFFB0];
	v2 =	vmax.f32 v2, $0.0e+00  }
0x2ce: {  	[tilespmem:s10+$0x20] =	vst v2;
	v2 =	vld [tilespmem:s10+$0xFFFFFFC0];
	v3 =	vmax.f32 v3, $0.0e+00  }
0x2cf: {  	[tilespmem:s10+$0x30] =	vst v3;
	v3 =	vld [tilespmem:s10+$0xFFFFFFD0];
	v6 =	vmax.f32 v6, $0.0e+00  }
0x2d0: {  	[tilespmem:s10+$0x40] =	vst v6;
	v6 =	vld [tilespmem:s10+$0xFFFFFFE0];
	v4 =	vmax.f32 v5, $0.0e+00  }
0x2d1: {  	v5 =	vld [tilespmem:s10+$0xA0];
	v0 =	vmax.f32 v0, $0.0e+00;
	[tilespmem:s10+$0x50] =	vst v4  }
0x2d2: {  	v4 =	vld [tilespmem:s10+$0xFFFFFFF0];
	[tilespmem:s10+$0xFFFFFFA0] =	vst v0;
	v0 =	vmax.f32 v1, $0.0e+00  }
0x2d3: {  	v7 =	vld [tilespmem:s10+$0x60];
	[tilespmem:s10+$0xFFFFFFB0] =	vst v0;
	v0 =	vmax.f32 v2, $0.0e+00  }
0x2d4: {  	v1 =	vld [tilespmem:s10+$0xB0];
	[tilespmem:s10+$0xFFFFFFC0] =	vst v0;
	v0 =	vmax.f32 v3, $0.0e+00  }
0x2d5: {  	v2 =	vld [tilespmem:s10+$0x100];
	[tilespmem:s10+$0xFFFFFFD0] =	vst v0;
	v0 =	vmax.f32 v6, $0.0e+00  }
0x2d6: {  	v3 =	vld [tilespmem:s10+$0x110];
	v5 =	vmax.f32 v5, $0.0e+00;
	[tilespmem:s10+$0xFFFFFFE0] =	vst v0  }
0x2d7: {  	v6 =	vld [tilespmem:s10+$0x120];
	v0 =	vmax.f32 v4, $0.0e+00;
	[tilespmem:s10+$0xA0] =	vst v5  }
0x2d8: {  	v4 =	vld [tilespmem:s10+$0x130];
	[tilespmem:s10+$0xFFFFFFF0] =	vst v0;
	v0 =	vmax.f32 v7, $0.0e+00  }
0x2d9: {  	v7 =	vld [tilespmem:s10+$0x140];
	v1 =	vmax.f32 v1, $0.0e+00;
	[tilespmem:s10+$0x60] =	vst v0  }
0x2da: {  	v0 =	vmax.f32 v2, $0.0e+00;
	v2 =	vld [tilespmem:s10+$0x150];
	[tilespmem:s10+$0xB0] =	vst v1  }
0x2db: {  	v62 =	vld [tilespmem:s10+$0x170];
	[tilespmem:s10+$0x100] =	vst v0;
	v3 =	vmax.f32 v3, $0.0e+00  }
0x2dc: {  	v0 =	vld [tilespmem:s10+$0xC0];
	[tilespmem:s10+$0x110] =	vst v3;
	v6 =	vmax.f32 v6, $0.0e+00  }
0x2dd: {  	v61 =	vld [tilespmem:s10+$0x160];
	[tilespmem:s10+$0x120] =	vst v6;
	v4 =	vmax.f32 v4, $0.0e+00  }
0x2de: {  	v3 =	vld [tilespmem:s10+$0xD0];
	[tilespmem:s10+$0x130] =	vst v4;
	v5 =	vmax.f32 v7, $0.0e+00  }
0x2df: {  	v63 =	vld [tilespmem:s10+$0x180];
	[tilespmem:s10+$0x140] =	vst v5;
	v1 =	vmax.f32 v2, $0.0e+00  }
0x2e0: {  	v6 =	vld [tilespmem:s10+$0xE0];
	v2 =	vmax.f32 v62, $0.0e+00;
	[tilespmem:s10+$0x150] =	vst v1  }
0x2e1: {  	v4 =	vld [tilespmem:s10+$0xF0];
	v0 =	vmax.f32 v0, $0.0e+00;
	[tilespmem:s10+$0x170] =	vst v2  }
0x2e2: {  	v7 =	vld [tilespmem:s10+$0x190];
	v1 =	vmax.f32 v61, $0.0e+00;
	[tilespmem:s10+$0xC0] =	vst v0  }
0x2e3: {  	v5 =	vld [tilespmem:s10+$0x1A0];
	[tilespmem:s10+$0x160] =	vst v1;
	v1 =	vmax.f32 v3, $0.0e+00  }
0x2e4: {  	v0 =	vld [tilespmem:s10+$0x1B0];
	v3 =	vmax.f32 v63, $0.0e+00;
	[tilespmem:s10+$0xD0] =	vst v1  }
0x2e5: {  	v1 =	vld [tilespmem:s10+$0x1C0];
	v2 =	vmax.f32 v6, $0.0e+00;
	[tilespmem:s10+$0x180] =	vst v3  }
0x2e6: {  	[tilespmem:s10+$0xE0] =	vst v2;
	v2 =	vld [tilespmem:s10+$0x1D0];
	v4 =	vmax.f32 v4, $0.0e+00  }
0x2e7: {  	v3 =	vld [tilespmem:s10+$0x1E0];
	v6 =	vmax.f32 v7, $0.0e+00;
	[tilespmem:s10+$0xF0] =	vst v4  }
0x2e8: {  	s12 =	simm.s32 $0x0;
	s25 =	simm.s32 $0xA00;
	v4 =	vld [tilespmem:s10+$0xFFFFFE00];
	[tilespmem:s10+$0x190] =	vst v6;
	v5 =	vmax.f32 v5, $0.0e+00  }
.LBB2_12:
0x2e9: {  	v6 =	vld [tilespmem:s25+$0x1F0];
	s12 =	sadd.s32 $0x8, s12;
	[tilespmem:s10+$0x1A0] =	vst v5;
	v0 =	vmax.f32 v0, $0.0e+00  }
0x2ea: {  	v5 =	vld [tilespmem:s25+$0xFFFFFE10];
	p1 =	slt.u32 s12, $0x48;
	[tilespmem:s10+$0x1B0] =	vst v0;
	v0 =	vmax.f32 v1, $0.0e+00  }
0x2eb: {  	v1 =	vld [tilespmem:s25+$0xFFFFFE20];
	[tilespmem:s10+$0x1C0] =	vst v0;
	v0 =	vmax.f32 v2, $0.0e+00  }
0x2ec: {  	v2 =	vld [tilespmem:s25+$0xFFFFFE30];
	[tilespmem:s10+$0x1D0] =	vst v0;
	v0 =	vmax.f32 v3, $0.0e+00  }
0x2ed: {  	v3 =	vld [tilespmem:s25+$0xFFFFFE40];
	v4 =	vmax.f32 v4, $0.0e+00;
	[tilespmem:s10+$0x1E0] =	vst v0  }
0x2ee: {  	v0 =	vld [tilespmem:s25+$0xFFFFFE50];
	v6 =	vmax.f32 v6, $0.0e+00;
	[tilespmem:s10+$0xFFFFFE00] =	vst v4;
	s10 =	smov.u32 s25  }
0x2ef: {  	v4 =	vmax.f32 v5, $0.0e+00;
	v5 =	vld [tilespmem:s25+$0xFFFFFE60];
	[tilespmem:s25+$0x1F0] =	vst v6  }
0x2f0: {  	[tilespmem:s25+$0xFFFFFE10] =	vst v4;
	v1 =	vmax.f32 v1, $0.0e+00;
	v4 =	vld [tilespmem:s25+$0xFFFFFE70]  }
0x2f1: {  	[tilespmem:s25+$0xFFFFFE20] =	vst v1;
	v1 =	vmax.f32 v2, $0.0e+00;
	v2 =	vld [tilespmem:s25+$0xFFFFFE80]  }
0x2f2: {  	[tilespmem:s25+$0xFFFFFE30] =	vst v1;
	v1 =	vmax.f32 v3, $0.0e+00;
	v3 =	vld [tilespmem:s25+$0xFFFFFE90]  }
0x2f3: {  	[tilespmem:s25+$0xFFFFFE40] =	vst v1;
	v0 =	vmax.f32 v0, $0.0e+00;
	v1 =	vld [tilespmem:s25+$0xFFFFFEA0]  }
0x2f4: {  	[tilespmem:s25+$0xFFFFFE50] =	vst v0;
	v0 =	vmax.f32 v5, $0.0e+00;
	v5 =	vld [tilespmem:s25+$0xFFFFFEB0]  }
0x2f5: {  	[tilespmem:s25+$0xFFFFFE60] =	vst v0;
	v0 =	vmax.f32 v4, $0.0e+00;
	v4 =	vld [tilespmem:s25+$0xFFFFFEC0]  }
0x2f6: {  	[tilespmem:s25+$0xFFFFFE70] =	vst v0;
	v0 =	vmax.f32 v2, $0.0e+00;
	v2 =	vld [tilespmem:s25+$0xFFFFFED0]  }
0x2f7: {  	[tilespmem:s25+$0xFFFFFE80] =	vst v0;
	v0 =	vmax.f32 v3, $0.0e+00;
	v3 =	vld [tilespmem:s25+$0xFFFFFEE0]  }
0x2f8: {  	[tilespmem:s25+$0xFFFFFE90] =	vst v0;
	v0 =	vmax.f32 v1, $0.0e+00;
	v1 =	vld [tilespmem:s25+$0xFFFFFEF0]  }
0x2f9: {  	[tilespmem:s25+$0xFFFFFEA0] =	vst v0;
	v0 =	vmax.f32 v5, $0.0e+00;
	v5 =	vld [tilespmem:s25+$0xFFFFFF00]  }
0x2fa: {  	[tilespmem:s25+$0xFFFFFEB0] =	vst v0;
	v0 =	vmax.f32 v4, $0.0e+00;
	v4 =	vld [tilespmem:s25+$0xFFFFFF10]  }
0x2fb: {  	[tilespmem:s25+$0xFFFFFEC0] =	vst v0;
	v0 =	vmax.f32 v2, $0.0e+00;
	v2 =	vld [tilespmem:s25+$0xFFFFFF20]  }
0x2fc: {  	[tilespmem:s25+$0xFFFFFED0] =	vst v0;
	v0 =	vmax.f32 v3, $0.0e+00;
	v3 =	vld [tilespmem:s25+$0xFFFFFF30]  }
0x2fd: {  	[tilespmem:s25+$0xFFFFFEE0] =	vst v0;
	v0 =	vmax.f32 v1, $0.0e+00;
	v1 =	vld [tilespmem:s25+$0xFFFFFF40]  }
0x2fe: {  	[tilespmem:s25+$0xFFFFFEF0] =	vst v0;
	v0 =	vmax.f32 v5, $0.0e+00;
	v5 =	vld [tilespmem:s25+$0xFFFFFF50]  }
0x2ff: {  	[tilespmem:s25+$0xFFFFFF00] =	vst v0;
	v0 =	vmax.f32 v4, $0.0e+00;
	v4 =	vld [tilespmem:s25+$0xFFFFFF60]  }
0x300: {  	[tilespmem:s25+$0xFFFFFF10] =	vst v0;
	v0 =	vmax.f32 v2, $0.0e+00;
	v2 =	vld [tilespmem:s25+$0xFFFFFF70]  }
0x301: {  	[tilespmem:s25+$0xFFFFFF20] =	vst v0;
	v0 =	vmax.f32 v3, $0.0e+00;
	v3 =	vld [tilespmem:s25+$0xFFFFFF80]  }
0x302: {  	[tilespmem:s25+$0xFFFFFF30] =	vst v0;
	v0 =	vmax.f32 v1, $0.0e+00;
	v1 =	vld [tilespmem:s25+$0xFFFFFF90]  }
0x303: {  	[tilespmem:s25+$0xFFFFFF40] =	vst v0;
	v0 =	vmax.f32 v5, $0.0e+00;
	v5 =	vld [tilespmem:s25+$0xFFFFFFA0]  }
0x304: {  	[tilespmem:s25+$0xFFFFFF50] =	vst v0;
	v0 =	vmax.f32 v4, $0.0e+00;
	v4 =	vld [tilespmem:s25+$0xFFFFFFB0]  }
0x305: {  	[tilespmem:s25+$0xFFFFFF60] =	vst v0;
	v0 =	vmax.f32 v2, $0.0e+00;
	v2 =	vld [tilespmem:s25+$0xFFFFFFC0]  }
0x306: {  	[tilespmem:s25+$0xFFFFFF70] =	vst v0;
	v0 =	vmax.f32 v3, $0.0e+00;
	v3 =	vld [tilespmem:s25+$0xFFFFFFD0]  }
0x307: {  	[tilespmem:s25+$0xFFFFFF80] =	vst v0;
	v0 =	vmax.f32 v1, $0.0e+00;
	v1 =	vld [tilespmem:s25+$0xFFFFFFE0]  }
0x308: {  	[tilespmem:s25+$0xFFFFFF90] =	vst v0;
	v0 =	vmax.f32 v5, $0.0e+00;
	v5 =	vld [tilespmem:s25+$0xFFFFFFF0]  }
0x309: {  	[tilespmem:s25+$0xFFFFFFA0] =	vst v0;
	v0 =	vmax.f32 v4, $0.0e+00;
	v4 =	vld [tilespmem:s25+$0x0]  }
0x30a: {  	[tilespmem:s25+$0xFFFFFFB0] =	vst v0;
	v0 =	vmax.f32 v2, $0.0e+00;
	v2 =	vld [tilespmem:s25+$0x10]  }
0x30b: {  	[tilespmem:s25+$0xFFFFFFC0] =	vst v0;
	v0 =	vmax.f32 v3, $0.0e+00;
	v3 =	vld [tilespmem:s25+$0x20]  }
0x30c: {  	[tilespmem:s25+$0xFFFFFFD0] =	vst v0;
	v0 =	vmax.f32 v1, $0.0e+00;
	v1 =	vld [tilespmem:s25+$0x30]  }
0x30d: {  	[tilespmem:s25+$0xFFFFFFE0] =	vst v0;
	v0 =	vmax.f32 v5, $0.0e+00;
	v5 =	vld [tilespmem:s25+$0x40]  }
0x30e: {  	[tilespmem:s25+$0xFFFFFFF0] =	vst v0;
	v0 =	vmax.f32 v4, $0.0e+00;
	v4 =	vld [tilespmem:s25+$0x50]  }
0x30f: {  	[tilespmem:s25+$0x0] =	vst v0;
	v0 =	vmax.f32 v2, $0.0e+00;
	v2 =	vld [tilespmem:s25+$0x60]  }
0x310: {  	[tilespmem:s25+$0x10] =	vst v0;
	v0 =	vmax.f32 v3, $0.0e+00;
	v3 =	vld [tilespmem:s25+$0x70]  }
0x311: {  	[tilespmem:s25+$0x20] =	vst v0;
	v0 =	vmax.f32 v1, $0.0e+00;
	v1 =	vld [tilespmem:s25+$0x80]  }
0x312: {  	[tilespmem:s25+$0x30] =	vst v0;
	v0 =	vmax.f32 v5, $0.0e+00;
	v5 =	vld [tilespmem:s25+$0x90]  }
0x313: {  	[tilespmem:s25+$0x40] =	vst v0;
	v0 =	vmax.f32 v4, $0.0e+00;
	v4 =	vld [tilespmem:s25+$0xA0]  }
0x314: {  	[tilespmem:s25+$0x50] =	vst v0;
	v0 =	vmax.f32 v2, $0.0e+00;
	v2 =	vld [tilespmem:s25+$0xB0]  }
0x315: {  	[tilespmem:s25+$0x60] =	vst v0;
	v0 =	vmax.f32 v3, $0.0e+00;
	v3 =	vld [tilespmem:s25+$0xC0]  }
0x316: {  	[tilespmem:s25+$0x70] =	vst v0;
	v0 =	vmax.f32 v1, $0.0e+00;
	v1 =	vld [tilespmem:s25+$0xD0]  }
0x317: {  	[tilespmem:s25+$0x80] =	vst v0;
	v0 =	vmax.f32 v5, $0.0e+00;
	v5 =	vld [tilespmem:s25+$0xE0]  }
0x318: {  	[tilespmem:s25+$0x90] =	vst v0;
	v0 =	vmax.f32 v4, $0.0e+00;
	v4 =	vld [tilespmem:s25+$0xF0]  }
0x319: {  	[tilespmem:s25+$0xA0] =	vst v0;
	v0 =	vmax.f32 v2, $0.0e+00;
	v2 =	vld [tilespmem:s25+$0x100]  }
0x31a: {  	[tilespmem:s25+$0xB0] =	vst v0;
	v0 =	vmax.f32 v3, $0.0e+00;
	v3 =	vld [tilespmem:s25+$0x110]  }
0x31b: {  	[tilespmem:s25+$0xC0] =	vst v0;
	v0 =	vmax.f32 v1, $0.0e+00;
	v1 =	vld [tilespmem:s25+$0x120]  }
0x31c: {  	[tilespmem:s25+$0xD0] =	vst v0;
	v0 =	vmax.f32 v5, $0.0e+00;
	v5 =	vld [tilespmem:s25+$0x130]  }
0x31d: {  	[tilespmem:s25+$0xE0] =	vst v0;
	v0 =	vmax.f32 v4, $0.0e+00;
	v4 =	vld [tilespmem:s25+$0x140]  }
0x31e: {  	[tilespmem:s25+$0xF0] =	vst v0;
	v0 =	vmax.f32 v2, $0.0e+00;
	v2 =	vld [tilespmem:s25+$0x150]  }
0x31f: {  	[tilespmem:s25+$0x100] =	vst v0;
	v0 =	vmax.f32 v3, $0.0e+00;
	v3 =	vld [tilespmem:s25+$0x160]  }
0x320: {  	[tilespmem:s25+$0x110] =	vst v0;
	v0 =	vmax.f32 v1, $0.0e+00;
	v1 =	vld [tilespmem:s25+$0x170]  }
0x321: {  	[tilespmem:s25+$0x120] =	vst v0;
	v0 =	vmax.f32 v5, $0.0e+00;
	v5 =	vld [tilespmem:s25+$0x180]  }
0x322: {  	[tilespmem:s25+$0x130] =	vst v0;
	v0 =	vmax.f32 v4, $0.0e+00;
	v4 =	vld [tilespmem:s25+$0x190]  }
0x323: {  	[tilespmem:s25+$0x140] =	vst v0;
	v0 =	vmax.f32 v2, $0.0e+00;
	v6 =	vld [tilespmem:s25+$0x1A0]  }
.Ltmp5:
0x324: {  	[tilespmem:s25+$0x150] =	vst v0;
	v2 =	vmax.f32 v3, $0.0e+00;
	v0 =	vld [tilespmem:s25+$0x1B0];
	(pc) =	sbr.rel @p1 .LBB2_12-.Ltmp5, $4  }
0x325: {  	[tilespmem:s25+$0x160] =	vst v2;
	v2 =	vmax.f32 v1, $0.0e+00;
	v1 =	vld [tilespmem:s25+$0x1C0]  }
0x326: {  	[tilespmem:s25+$0x170] =	vst v2;
	v3 =	vmax.f32 v5, $0.0e+00;
	v2 =	vld [tilespmem:s25+$0x1D0]  }
0x327: {  	[tilespmem:s25+$0x180] =	vst v3;
	v5 =	vmax.f32 v4, $0.0e+00;
	v3 =	vld [tilespmem:s25+$0x1E0]  }
0x328: {  	s25 =	sadd.s32 $0x400, s25;
	v4 =	vld [tilespmem:s10+$0xFFFFFE00];
	[tilespmem:s10+$0x190] =	vst v5;
	v5 =	vmax.f32 v6, $0.0e+00  }
0x329: {  	[tilespmem:s10+$0x1A0] =	vst v5;
	v0 =	vmax.f32 v0, $0.0e+00  }
0x32a: {  	[tilespmem:s10+$0x1B0] =	vst v0;
	v60 =	vmax.f32 v1, $0.0e+00  }
0x32b: {  	[tilespmem:s10+$0x1C0] =	vst v60;
	v61 =	vmax.f32 v2, $0.0e+00  }
0x32c: {  	[tilespmem:s10+$0x1D0] =	vst v61;
	v62 =	vmax.f32 v3, $0.0e+00  }
0x32d: {  	v63 =	vmax.f32 v4, $0.0e+00;
	[tilespmem:s10+$0x1E0] =	vst v62  }
0x32e: {  	s25 =	simm.s32 $0x80;
	s26 =	simm.s32 $0xE;
	[tilespmem:s10+$0xFFFFFE00] =	vst v63  }
0x32f: {  	[spmem:s3] =	stream.indirect.scatter.add.f32 [tilespmem:s24], [sflag:$0xD], $0x80, s25, s30, $0xb8;
	[tilespmem:$0x1DC80] =	vst v63  }
0x330: {  	_ =	swait.ge [sflag:s26], $0x2800  }
0x331: {  	[sflag:s26] =	ssyncset.done $0x0  }
0x332: {  	s12 =	simm.s32 $0xF;
	[sflag:s26] =	ssyncadd.s32 $0xFFFFD800  }
0x333: {  	_ =	swait.ge [sflag:s12], $0x2800  }
0x334: {  	[sflag:s12] =	ssyncset.done $0x0  }
0x335: {  	s25 =	simm.s32 $0x10;
	[sflag:s12] =	ssyncadd.s32 $0xFFFFD800  }
0x336: {  	_ =	swait.ge [sflag:s25], $0x2800  }
0x337: {  	[sflag:s25] =	ssyncset.done $0x0  }
0x338: {  	[sflag:s25] =	ssyncadd.s32 $0xFFFFD800  }
0x339: {  	_ =	swait.ge [sflag:s21], $0x2800  }
0x33a: {  	[sflag:s21] =	ssyncset.done $0x0  }
0x33b: {  	[sflag:s21] =	ssyncadd.s32 $0xFFFFD800  }
0x33c: {  	[bflag:$0x0] =	sbarrier.arrive $0xFFFF  }
0x33d: {  	s25 =	rddreg [dreg:$0x7]  }
0x33e: {  	s26 =	rddreg [dreg:$0xe]  }
0x33f: {  	s12 =	rddreg [dreg:$0x12]  }
0x340: {  	[hbm:s26], [sflag:s25] =	dma.local [spmem:s12], $0x2700  }
0x341: {  	s26 =	simm.s32 $0x11  }
0x342: {  	_ =	swait.ge [sflag:s26], $0x2700  }
0x343: {  	[sflag:s26] =	ssyncset.done $0x0;
	s10 =	rddreg [dreg:$0xf]  }
0x344: {  	s12 =	rddreg [dreg:$0x13];
	[sflag:s26] =	ssyncadd.s32 $0xFFFFD900  }
0x345: {  	[hbm:s10], [sflag:s25] =	dma.local @!p0 [spmem:s12], $0x100  }
0x346: {  	s10 =	simm.s32 @!p0 $0x11  }
0x347: {  	_ =	swait.ge @!p0 [sflag:s10], $0x100  }
0x348: {  	s31 =	rddreg [dreg:$0x11]  }
0x349: {  	s12 =	rddreg [dreg:$0x10];
	s31 =	sadd.s32 $0x1, s31  }
0x34a: {  	p1 =	sne.s32 s31, s12  }
.Ltmp6:
0x34b: {  	_ = 	snop;
	(pc) =	sbr.rel @p1 .LBB2_1-.Ltmp6, $3  }
0x34c: {  	_ =	sdelay $0x1  }
0x34d: {  	[sflag:s10] =	ssyncset.done @!p0 $0x0  }
0x34e: {  	[sflag:s10] =	ssyncadd.s32 @!p0 $0xFFFFFF00  }
0x34f: {  	_ =	sfence.sel $0x180000  }
0x350: {  	[bflag:$0x0] =	sbarrier.arrive $0xFFFF  }
0x351: {  	_ =	strace $0x90000047  }
0x352: {  	s0 =	stileid.u32;
	[bflag:$0x2] =	sbarrier.arrive $0xFFFF  }
0x353: {  	p0 =	sne.s32 s0, $0x0;
	s0 =	rddreg [dreg:$0x4]  }
0x354: {  	s0 =	sadd.s32 @!p0 $0x100000, s0  }
0x355: {  	[sflag:s0] =	ssyncadd.tile.s32 @!p0 $0x1;
	_ =	shalt  }
.Lfunc_end2:
_tile_overlayer_lowered:
.L_overlay_start_2:
0x356: {  	(tag) =	ssettag $0x2  }
0x357: {  	s0 =	rddreg [dreg:$0x0];
	s2 =	stileid.u32  }
0x358: {  	s1 =	rddreg [dreg:$0x1];
	p0 =	sne.s32 s2, $0x0  }
0x359: {  	s3 =	rddreg [dreg:$0x2];
	[bflag:$0x3] =	sbarrier.arrive $0xFFFF;
	s2 =	simm.s32 @!p0 $0x1C11  }
0x35a: {  	[timem:s3], [sflag:s2] =	dma.local @!p0 [hbm:s0], s1  }
0x35b: {  	s0 =	simm.s32 @!p0 $0x11  }
0x35c: {  	_ =	swait.ge @!p0 [sflag:s0], s1  }
0x35d: {  	s1 =	ssub.s32 @!p0 $0x0, s1;
	[sflag:s0] =	ssyncset.done @!p0 $0x0  }
0x35e: {  	[sflag:s0] =	ssyncadd.s32 @!p0 s1  }
0x35f: {  	[bflag:$0x3] =	sbarrier.arrive $0xFFFF  }
0x360: {  	_ =	shalt  }

</sc_bundles>
